<compile_context>
chip_gen: v7x
topology: tpu7x:2x2x1
jax: 0.10.2.dev20260603
libtpu: 0.0.44.dev20260713+nightly
codegen_flags: <defaults>
</compile_context>

<pallas_src>
import functools

import jax
import jax.numpy as jnp
from jax import lax
from jax.experimental import pallas as pl
from jax.experimental.pallas import tpu as pltpu
from jax.experimental.pallas import tpu_sc as plsc

S = 224
B = 4
NV = 6
N = 32768
NJOBS = B * NV
NC, NS = 2, 16
C = 2048
NG = C // 16
NCH = N // C
HC = NCH // 2
FBW = S * S
FBP = FBW + 512
DUMMY_PK = (FBW + 32) | (3 << 16) | (3 << 18)


def _splat_body(pts_ref, tbl_ref, out_ref,
                xa, ya, za, xb, yb, zb, pkc, ftc, fb0, fb1, cvec, tmp16,
                sema, semb):
    wid = lax.axis_index("s") * NC + lax.axis_index("c")

    @pl.when(wid < NJOBS)
    def _job():
        b = wid // NV
        v = wid - b * NV

        pltpu.sync_copy(tbl_ref.at[pl.ds(v * 128, 128)], cvec)
        ca = cvec[pl.ds(0, 16)]
        sa = cvec[pl.ds(16, 16)]
        ce = cvec[pl.ds(32, 16)]
        se = cvec[pl.ds(48, 16)]
        dmin = cvec[pl.ds(64, 16)]
        dmax = cvec[pl.ds(80, 16)]

        zerov = jnp.zeros((16,), jnp.float32)

        bufs_a = (xa, ya, za)
        bufs_b = (xb, yb, zb)

        def _issue(ch, bufs, sem):
            base_in = b * 3 * N + ch * C
            for j, d in enumerate(bufs):
                pltpu.async_copy(pts_ref.at[pl.ds(base_in + j * N, C)], d, sem)

        def _wait(ch, bufs, sem):
            base_in = b * 3 * N + ch * C
            for j, d in enumerate(bufs):
                pltpu.make_async_copy(
                    pts_ref.at[pl.ds(base_in + j * N, C)], d, sem).wait()

        _issue(0, bufs_a, sema)
        _issue(1, bufs_b, semb)

        def _zrow(r, _):
            for q in range(4):
                fb0[pl.ds(r * 64 + q * 16, 16)] = zerov
                fb1[pl.ds(r * 64 + q * 16, 16)] = zerov
            return 0
        lax.fori_loop(0, FBW // 64, _zrow, 0)

        def _mm_chunk(bufs, mn, mx):
            x_ref, y_ref, z_ref = bufs

            def _grp(g, c2):
                mn2, mx2 = c2
                sl = pl.ds(g * 16, 16)
                x = x_ref[sl]
                y = y_ref[sl]
                z = z_ref[sl]
                z_rot = x * sa + z * ca
                zf = y * se + z_rot * ce
                return jnp.minimum(mn2, zf), jnp.maximum(mx2, zf)

            return lax.fori_loop(0, NG, _grp, (mn, mx))

        inf = jnp.float32(jnp.inf)

        def _mm_pair(cp, carry):
            mn, mx = carry

            @pl.when(cp > 0)
            def _():
                _issue(2 * cp + 1, bufs_b, semb)

            _wait(2 * cp, bufs_a, sema)
            mn, mx = _mm_chunk(bufs_a, mn, mx)

            @pl.when(cp < HC - 1)
            def _():
                _issue(2 * cp + 2, bufs_a, sema)

            _wait(2 * cp + 1, bufs_b, semb)
            return _mm_chunk(bufs_b, mn, mx)

        mn, mx = lax.fori_loop(
            0, HC, _mm_pair,
            (jnp.full((16,), inf, jnp.float32), jnp.full((16,), -inf, jnp.float32)))

        lane = lax.iota(jnp.int32, 16)

        def _lane_all(vec, op):
            cur = vec
            for k in (1, 2, 4, 8):
                tmp16[...] = cur
                cur = op(cur, plsc.load_gather(tmp16, [lane ^ k]))
            return cur

        zmin = _lane_all(mn, jnp.minimum)
        zmax = _lane_all(mx, jnp.maximum)
        den = zmax - zmin + 1e-6

        nine = lane < 9
        uvec = jnp.where(nine, lane % 3, 3)
        wvec = jnp.where(nine, lane // 3, 0)
        rvec = uvec + wvec * S

        def _splat_chunk(bufs):
            x_ref, y_ref, z_ref = bufs

            def _grp(g, cnt):
                sl = pl.ds(g * 16, 16)
                x = x_ref[sl]
                y = y_ref[sl]
                z = z_ref[sl]
                x_rot = x * ca - z * sa
                z_rot = x * sa + z * ca
                y_rot = y * ce - z_rot * se
                zf = y * se + z_rot * ce
                ft = 0.3 + 0.7 * ((zf - zmin) / den)

                def _pf(base, d):
                    return ((base + d) + 1.0) * 0.5 * (S - 1)
                fxl = _pf(x_rot, dmin)
                fxh = _pf(x_rot, dmax)
                fyl = _pf(y_rot, dmin)
                fyh = _pf(y_rot, dmax)
                keep = (fxh > -1.0) & (fxl < 224.0) & (fyh > -1.0) & (fyl < 224.0)

                def _cl(f):
                    return jnp.minimum(jnp.maximum(f, 0.0), 223.0).astype(jnp.int32)
                lo_x = _cl(fxl)
                hi_x = _cl(fxh)
                lo_y = _cl(fyl)
                hi_y = _cl(fyh)
                pk = ((lo_y * S + lo_x)
                      | ((hi_x - lo_x) << 16)
                      | ((hi_y - lo_y) << 18))
                plsc.store_compressed(pkc.at[pl.ds(cnt, 16)], pk, mask=keep)
                plsc.store_compressed(ftc.at[pl.ds(cnt, 16)], ft, mask=keep)
                inc = plsc.all_reduce_population_count(keep)
                return cnt + lax.squeeze(lax.slice(inc, (0,), (1,)), (0,))

            cnt = lax.fori_loop(0, NG, _grp, 0)
            pkc[pl.ds(cnt, 16)] = jnp.full((16,), DUMMY_PK, jnp.int32)

            def _rmw(g, _):
                base = g * 16
                pkv = pkc[pl.ds(base, 16)]
                ftv = ftc[pl.ds(base, 16)]
                for i in range(16):
                    iv = jnp.full((16,), i, jnp.int32)
                    pk = jnp.take_along_axis(pkv, iv, axis=0)
                    ft = jnp.take_along_axis(ftv, iv, axis=0)
                    ok = (uvec <= ((pk >> 16) & 3)) & (wvec <= (pk >> 18))
                    idxf = (pk & 0xFFFF) + rvec
                    f = fb0 if i % 2 == 0 else fb1
                    cur = plsc.load_gather(f, [idxf], mask=ok)
                    plsc.store_scatter(f, [idxf], jnp.maximum(cur, ft), mask=ok)
                return 0

            lax.fori_loop(0, (cnt + 15) // 16, _rmw, 0)

        _issue(0, bufs_a, sema)

        def _sp_pair(cp, _):
            _issue(2 * cp + 1, bufs_b, semb)
            _wait(2 * cp, bufs_a, sema)
            _splat_chunk(bufs_a)

            @pl.when(cp < HC - 1)
            def _():
                _issue(2 * cp + 2, bufs_a, sema)

            _wait(2 * cp + 1, bufs_b, semb)
            _splat_chunk(bufs_b)
            return 0

        lax.fori_loop(0, HC, _sp_pair, 0)

        def _mrow(r, _):
            for q in range(4):
                sl = pl.ds(r * 64 + q * 16, 16)
                fb0[sl] = jnp.maximum(fb0[sl], fb1[sl])
            return 0
        lax.fori_loop(0, FBW // 64, _mrow, 0)

        out_base = (b * NV + v) * FBW
        pltpu.sync_copy(fb0.at[pl.ds(0, FBW)], out_ref.at[pl.ds(out_base, FBW)])


@jax.jit
def kernel(points):
    az = jnp.linspace(0.0, 360.0, NV + 1)[:-1]
    el = jnp.array([0.0, 30.0, -30.0, 0.0, 0.0, 0.0])[:NV]
    azr = az * jnp.pi / 180.0
    elr = el * jnp.pi / 180.0
    offs = jnp.linspace(-2.0 / S, 2.0 / S, 5)
    dmin = jnp.full((NV,), offs[0])
    dmax = jnp.full((NV,), offs[4])
    zero = jnp.zeros((NV,))
    tbl = jnp.stack(
        [jnp.cos(azr), jnp.sin(azr), jnp.cos(elr), jnp.sin(elr),
         dmin, dmax, zero, zero], axis=1)
    tbl16 = jnp.broadcast_to(tbl[:, :, None], (NV, 8, 16))
    tbl_flat = tbl16.astype(jnp.float32).reshape(-1)
    pts_flat = points.transpose(0, 2, 1).reshape(-1)

    mesh = plsc.VectorSubcoreMesh(core_axis_name="c", subcore_axis_name="s")
    run = functools.partial(
        pl.kernel,
        mesh=mesh,
        compiler_params=pltpu.CompilerParams(needs_layout_passes=False),
        out_type=jax.ShapeDtypeStruct((B * NV * FBW,), jnp.float32),
        scratch_types=[
            pltpu.VMEM((C,), jnp.float32),
            pltpu.VMEM((C,), jnp.float32),
            pltpu.VMEM((C,), jnp.float32),
            pltpu.VMEM((C,), jnp.float32),
            pltpu.VMEM((C,), jnp.float32),
            pltpu.VMEM((C,), jnp.float32),
            pltpu.VMEM((C + 16,), jnp.int32),
            pltpu.VMEM((C + 16,), jnp.float32),
            pltpu.VMEM((FBP,), jnp.float32),
            pltpu.VMEM((FBP,), jnp.float32),
            pltpu.VMEM((128,), jnp.float32),
            pltpu.VMEM((16,), jnp.float32),
            pltpu.SemaphoreType.DMA,
            pltpu.SemaphoreType.DMA,
        ],
    )(_splat_body)
    img = run(pts_flat, tbl_flat).reshape(B, NV, 1, S, S)
    return jnp.broadcast_to(img, (B, NV, 3, S, S))

# --- scband reference (transcript-rebuilt; emitter-appended) ---
"""Pipeline reference for scband-point-cloud-renderer-8753143349744 (READ-ONLY COPY).

The authoritative reference and input builder live on the scoring server;
editing this copy changes nothing except your own understanding.
"""

import jax, jax.numpy as jnp
import numpy as np

IMG_SIZE = 224
NUM_VIEWS = 6


def setup_inputs(seed: int = 0) -> dict:
    key = jax.random.key(seed)
    points = jax.random.normal(key, (4, 32768, 3), dtype=jnp.float32)
    return {"points": points}


def _render_view(points, az, el, S):
    B, N, _ = points.shape
    azr = az * jnp.pi / 180.0
    elr = el * jnp.pi / 180.0
    ca, sa = jnp.cos(azr), jnp.sin(azr)
    ce, se = jnp.cos(elr), jnp.sin(elr)
    x, y, z = points[..., 0], points[..., 1], points[..., 2]
    x_rot = x * ca - z * sa
    z_rot = x * sa + z * ca
    y_rot = y * ce - z_rot * se
    z_final = y * se + z_rot * ce
    points_2d = jnp.stack([x_rot, y_rot], axis=-1)
    zmin = jnp.min(z_final, axis=1, keepdims=True)
    zmax = jnp.max(z_final, axis=1, keepdims=True)
    z_norm = (z_final - zmin) / (zmax - zmin + 1e-6)
    point_features = jnp.broadcast_to((0.3 + 0.7 * z_norm)[..., None], (B, N, 3))
    kernel_size = 5
    offset = jnp.linspace(-2.0 / S, 2.0 / S, kernel_size)
    dy, dx = jnp.meshgrid(offset, offset, indexing='ij')
    kernel_offsets = jnp.stack([dx, dy], axis=-1).reshape(-1, 2)
    K = kernel_size * kernel_size
    expanded_coords = (points_2d[:, :, None, :] + kernel_offsets[None, None, :, :]).reshape(B, N * K, 2)
    expanded_features = jnp.broadcast_to(point_features[:, :, None, :], (B, N, K, 3)).reshape(B, N * K, 3).transpose(0, 2, 1)
    px = ((expanded_coords[..., 0] + 1.0) * 0.5 * (S - 1)).astype(jnp.int32)
    py = ((expanded_coords[..., 1] + 1.0) * 0.5 * (S - 1)).astype(jnp.int32)
    valid = (px >= 0) & (px < S) & (py >= 0) & (py < S)
    # route invalid splats to a dummy column that is discarded (equivalent to torch's valid-mask scatter)
    idx = jnp.where(valid, py * S + px, S * S)

    def _scatter_one(idx_b, feat_b):
        flat = jnp.zeros((3, S * S + 1), dtype=points.dtype)
        flat = flat.at[:, idx_b].max(feat_b)
        return flat[:, :S * S].reshape(3, S, S)

    return jax.vmap(_scatter_one)(idx, expanded_features)


def reference(points):
    S = IMG_SIZE
    azimuth_angles = jnp.linspace(0.0, 360.0, NUM_VIEWS + 1)[:-1]
    elevation_angles = jnp.array([0.0, 30.0, -30.0, 0.0, 0.0, 0.0])[:NUM_VIEWS]
    views = []
    for i in range(NUM_VIEWS):
        views.append(_render_view(points, azimuth_angles[i], elevation_angles[i], S))
    return jnp.stack(views, axis=1)

if __name__ == "__main__":
    import jax
    _d = setup_inputs()
    print(jax.jit(kernel)(*tuple(_d.values())))

</pallas_src>

<mosaic_0001>
#map = affine_map<(d0, d1) -> (0)>
module attributes {stable_mosaic.version = 14 : i64} {
  func.func @_splat_body(%arg0: i32, %arg1: i32, %arg2: memref<393216xf32, #tpu.memory_space<hbm>>, %arg3: memref<768xf32, #tpu.memory_space<hbm>>, %arg4: memref<1204224xf32, #tpu.memory_space<hbm>>, %arg5: memref<2048xf32, #tpu.memory_space<vmem>>, %arg6: memref<2048xf32, #tpu.memory_space<vmem>>, %arg7: memref<2048xf32, #tpu.memory_space<vmem>>, %arg8: memref<2048xf32, #tpu.memory_space<vmem>>, %arg9: memref<2048xf32, #tpu.memory_space<vmem>>, %arg10: memref<2048xf32, #tpu.memory_space<vmem>>, %arg11: memref<2064xi32, #tpu.memory_space<vmem>>, %arg12: memref<2064xf32, #tpu.memory_space<vmem>>, %arg13: memref<50688xf32, #tpu.memory_space<vmem>>, %arg14: memref<50688xf32, #tpu.memory_space<vmem>>, %arg15: memref<128xf32, #tpu.memory_space<vmem>>, %arg16: memref<16xf32, #tpu.memory_space<vmem>>, %arg17: memref<!tpu.dma_semaphore, #tpu.memory_space<semaphore_mem>>, %arg18: memref<!tpu.dma_semaphore, #tpu.memory_space<semaphore_mem>>) attributes {dimension_semantics = [#tpu.dimension_semantics<core_parallel>, #tpu.dimension_semantics<subcore_parallel>], iteration_bounds = array<i64: 2, 16>, scalar_prefetch = 0 : i64, scratch_operands = 14 : i64, tpu.core_type = #tpu.core_type<sc_vector_subcore>, window_params = [{transform_indices = #map}, {transform_indices = #map}, {transform_indices = #map}]} {
    %mul3A = arith.constant 2 : i32
    %mul3A_0 = arith.muli %arg1, %mul3A : i32
    %add3A = arith.addi %mul3A_0, %arg0 : i32
    %lt3A = arith.constant 24 : i32
    %lt3A_1 = arith.cmpi slt, %add3A, %lt3A : i32
    %convert_element_type3A = arith.extui %lt3A_1 : i1 to i32
    %cond3A = arith.constant 0 : i32
    %cond3A_2 = arith.cmpi ne, %convert_element_type3A, %cond3A : i32
    scf.if %cond3A_2 {
      %jit3A = arith.constant 6 : i32
      %div3A = arith.divsi %add3A, %jit3A : i32
      %sign3A = arith.constant 0 : i32
      %sign3A_3 = arith.cmpi sgt, %add3A, %sign3A : i32
      %sign3A_4 = arith.extui %sign3A_3 : i1 to i32
      %sign3A_5 = arith.constant 0 : i32
      %sign3A_6 = arith.cmpi slt, %add3A, %sign3A_5 : i32
      %sign3A_7 = arith.extui %sign3A_6 : i1 to i32
      %sign3A_8 = arith.subi %sign3A_4, %sign3A_7 : i32
      %sign3A_9 = arith.constant 0 : i32
      %sign3A_10 = arith.cmpi sgt, %jit3A, %sign3A_9 : i32
      %sign3A_11 = arith.extui %sign3A_10 : i1 to i32
      %sign3A_12 = arith.constant 0 : i32
      %sign3A_13 = arith.cmpi slt, %jit3A, %sign3A_12 : i32
      %sign3A_14 = arith.extui %sign3A_13 : i1 to i32
      %sign3A_15 = arith.subi %sign3A_11, %sign3A_14 : i32
      %ne3A = arith.cmpi ne, %sign3A_8, %sign3A_15 : i32
      %rem3A = arith.remsi %add3A, %jit3A : i32
      %ne3A_16 = arith.constant 0 : i32
      %ne3A_17 = arith.cmpi ne, %rem3A, %ne3A_16 : i32
      %and3A = arith.andi %ne3A, %ne3A_17 : i1
      %sub3A = arith.constant 1 : i32
      %sub3A_18 = arith.subi %div3A, %sub3A : i32
      %select_n3A = arith.select %and3A, %sub3A_18, %div3A : i32
      %mul3A_19 = arith.constant 6 : i32
      %mul3A_20 = arith.muli %select_n3A, %mul3A_19 : i32
      %sub3A_21 = arith.subi %add3A, %mul3A_20 : i32
      %mul3A_22 = arith.constant 128 : i32
      %mul3A_23 = arith.muli %sub3A_21, %mul3A_22 : i32
      "tpu.region"() ({
        %run_scoped3A = tpu.sem_alloc : memref<!tpu.dma_semaphore, #tpu.memory_space<semaphore_mem>>
        %dma_start3A_245 = tpu.memref_slice %arg3[%mul3A_23] : memref<768xf32, #tpu.memory_space<hbm>> -> memref<128xf32, #tpu.memory_space<hbm>>
        %dma_start3A_246 = tpu.memref_slice %arg3[%mul3A_23] : memref<768xf32, #tpu.memory_space<hbm>> -> memref<128xf32, #tpu.memory_space<hbm>>
        tpu.enqueue_dma source(%dma_start3A_246 : memref<128xf32, #tpu.memory_space<hbm>>) target(%arg15 : memref<128xf32, #tpu.memory_space<vmem>>) target_semaphore(%run_scoped3A : memref<!tpu.dma_semaphore, #tpu.memory_space<semaphore_mem>>)
        %dma_wait3A = tpu.memref_slice %arg3[%mul3A_23] : memref<768xf32, #tpu.memory_space<hbm>> -> memref<128xf32, #tpu.memory_space<hbm>>
        %dma_wait3A_247 = tpu.memref_slice %arg3[%mul3A_23] : memref<768xf32, #tpu.memory_space<hbm>> -> memref<128xf32, #tpu.memory_space<hbm>>
        tpu.wait_dma2 semaphore(%run_scoped3A : memref<!tpu.dma_semaphore, #tpu.memory_space<semaphore_mem>>) src(%dma_wait3A_247 : memref<128xf32, #tpu.memory_space<hbm>>) dst(%arg15 : memref<128xf32, #tpu.memory_space<vmem>>)
        tpu.yield
      }) : () -> ()
      %get3A = arith.constant 0 : index
      %get3A_24 = tpu.vector_load %arg15[%get3A] {strides = array<i32>} : memref<128xf32, #tpu.memory_space<vmem>>, vector<16xf32>,
      %get3A_25 = arith.constant 16 : index
      %get3A_26 = tpu.vector_load %arg15[%get3A_25] {strides = array<i32>} : memref<128xf32, #tpu.memory_space<vmem>>, vector<16xf32>,
      %get3A_27 = arith.constant 32 : index
      %get3A_28 = tpu.vector_load %arg15[%get3A_27] {strides = array<i32>} : memref<128xf32, #tpu.memory_space<vmem>>, vector<16xf32>,
      %get3A_29 = arith.constant 48 : index
      %get3A_30 = tpu.vector_load %arg15[%get3A_29] {strides = array<i32>} : memref<128xf32, #tpu.memory_space<vmem>>, vector<16xf32>,
      %get3A_31 = arith.constant 64 : index
      %get3A_32 = tpu.vector_load %arg15[%get3A_31] {strides = array<i32>} : memref<128xf32, #tpu.memory_space<vmem>>, vector<16xf32>,
      %get3A_33 = arith.constant 80 : index
      %get3A_34 = tpu.vector_load %arg15[%get3A_33] {strides = array<i32>} : memref<128xf32, #tpu.memory_space<vmem>>, vector<16xf32>,
      %broadcast_in_dim3A = arith.constant 0.000000e+00 : f32
      %broadcast_in_dim3A_35 = vector.broadcast %broadcast_in_dim3A : f32 to vector<16xf32>
      %mul3A_36 = arith.constant 3 : i32
      %mul3A_37 = arith.muli %select_n3A, %mul3A_36 : i32
      %mul3A_38 = arith.constant 32768 : i32
      %mul3A_39 = arith.muli %mul3A_37, %mul3A_38 : i32
      %add3A_40 = arith.constant 0 : i32
      %add3A_41 = arith.addi %mul3A_39, %add3A_40 : i32
      %add3A_42 = arith.constant 0 : i32
      %add3A_43 = arith.addi %add3A_41, %add3A_42 : i32
      %dma_start3A = tpu.memref_slice %arg2[%add3A_43] : memref<393216xf32, #tpu.memory_space<hbm>> -> memref<2048xf32, #tpu.memory_space<hbm>>
      %dma_start3A_44 = tpu.memref_slice %arg2[%add3A_43] : memref<393216xf32, #tpu.memory_space<hbm>> -> memref<2048xf32, #tpu.memory_space<hbm>>
      tpu.enqueue_dma source(%dma_start3A_44 : memref<2048xf32, #tpu.memory_space<hbm>>) target(%arg5 : memref<2048xf32, #tpu.memory_space<vmem>>) target_semaphore(%arg17 : memref<!tpu.dma_semaphore, #tpu.memory_space<semaphore_mem>>)
      %add3A_45 = arith.constant 32768 : i32
      %add3A_46 = arith.addi %add3A_41, %add3A_45 : i32
      %dma_start3A_47 = tpu.memref_slice %arg2[%add3A_46] : memref<393216xf32, #tpu.memory_space<hbm>> -> memref<2048xf32, #tpu.memory_space<hbm>>
      %dma_start3A_48 = tpu.memref_slice %arg2[%add3A_46] : memref<393216xf32, #tpu.memory_space<hbm>> -> memref<2048xf32, #tpu.memory_space<hbm>>
      tpu.enqueue_dma source(%dma_start3A_48 : memref<2048xf32, #tpu.memory_space<hbm>>) target(%arg6 : memref<2048xf32, #tpu.memory_space<vmem>>) target_semaphore(%arg17 : memref<!tpu.dma_semaphore, #tpu.memory_space<semaphore_mem>>)
      %add3A_49 = arith.constant 65536 : i32
      %add3A_50 = arith.addi %add3A_41, %add3A_49 : i32
      %dma_start3A_51 = tpu.memref_slice %arg2[%add3A_50] : memref<393216xf32, #tpu.memory_space<hbm>> -> memref<2048xf32, #tpu.memory_space<hbm>>
      %dma_start3A_52 = tpu.memref_slice %arg2[%add3A_50] : memref<393216xf32, #tpu.memory_space<hbm>> -> memref<2048xf32, #tpu.memory_space<hbm>>
      tpu.enqueue_dma source(%dma_start3A_52 : memref<2048xf32, #tpu.memory_space<hbm>>) target(%arg7 : memref<2048xf32, #tpu.memory_space<vmem>>) target_semaphore(%arg17 : memref<!tpu.dma_semaphore, #tpu.memory_space<semaphore_mem>>)
      %mul3A_53 = arith.constant 3 : i32
      %mul3A_54 = arith.muli %select_n3A, %mul3A_53 : i32
      %mul3A_55 = arith.constant 32768 : i32
      %mul3A_56 = arith.muli %mul3A_54, %mul3A_55 : i32
      %add3A_57 = arith.constant 2048 : i32
      %add3A_58 = arith.addi %mul3A_56, %add3A_57 : i32
      %add3A_59 = arith.constant 0 : i32
      %add3A_60 = arith.addi %add3A_58, %add3A_59 : i32
      %dma_start3A_61 = tpu.memref_slice %arg2[%add3A_60] : memref<393216xf32, #tpu.memory_space<hbm>> -> memref<2048xf32, #tpu.memory_space<hbm>>
      %dma_start3A_62 = tpu.memref_slice %arg2[%add3A_60] : memref<393216xf32, #tpu.memory_space<hbm>> -> memref<2048xf32, #tpu.memory_space<hbm>>
      tpu.enqueue_dma source(%dma_start3A_62 : memref<2048xf32, #tpu.memory_space<hbm>>) target(%arg8 : memref<2048xf32, #tpu.memory_space<vmem>>) target_semaphore(%arg18 : memref<!tpu.dma_semaphore, #tpu.memory_space<semaphore_mem>>)
      %add3A_63 = arith.constant 32768 : i32
      %add3A_64 = arith.addi %add3A_58, %add3A_63 : i32
      %dma_start3A_65 = tpu.memref_slice %arg2[%add3A_64] : memref<393216xf32, #tpu.memory_space<hbm>> -> memref<2048xf32, #tpu.memory_space<hbm>>
      %dma_start3A_66 = tpu.memref_slice %arg2[%add3A_64] : memref<393216xf32, #tpu.memory_space<hbm>> -> memref<2048xf32, #tpu.memory_space<hbm>>
      tpu.enqueue_dma source(%dma_start3A_66 : memref<2048xf32, #tpu.memory_space<hbm>>) target(%arg9 : memref<2048xf32, #tpu.memory_space<vmem>>) target_semaphore(%arg18 : memref<!tpu.dma_semaphore, #tpu.memory_space<semaphore_mem>>)
      %add3A_67 = arith.constant 65536 : i32
      %add3A_68 = arith.addi %add3A_58, %add3A_67 : i32
      %dma_start3A_69 = tpu.memref_slice %arg2[%add3A_68] : memref<393216xf32, #tpu.memory_space<hbm>> -> memref<2048xf32, #tpu.memory_space<hbm>>
      %dma_start3A_70 = tpu.memref_slice %arg2[%add3A_68] : memref<393216xf32, #tpu.memory_space<hbm>> -> memref<2048xf32, #tpu.memory_space<hbm>>
      tpu.enqueue_dma source(%dma_start3A_70 : memref<2048xf32, #tpu.memory_space<hbm>>) target(%arg10 : memref<2048xf32, #tpu.memory_space<vmem>>) target_semaphore(%arg18 : memref<!tpu.dma_semaphore, #tpu.memory_space<semaphore_mem>>)
      %scan3A = arith.constant 0 : i32
      %scan3A_71 = arith.constant 0 : i32
      %scan3A_72 = arith.constant 784 : i32
      %scan3A_73 = arith.addi %scan3A_71, %scan3A_72 : i32
      %scan3A_74 = arith.constant 1 : i32
      %scan3A_75 = scf.for %scan3A_245 = %scan3A_71 to %scan3A_73 step %scan3A_74 iter_args(%scan3A_246 = %scan3A) -> (i32)  : i32 {
        %mul3A_247 = arith.constant 64 : i32
        %mul3A_248 = arith.muli %scan3A_245, %mul3A_247 : i32
        %add3A_249 = arith.constant 0 : i32
        %add3A_250 = arith.addi %mul3A_248, %add3A_249 : i32
        %swap3A_251 = arith.index_cast %add3A_250 : i32 to index
        %swap3A_252 = tpu.vector_load %arg13[%swap3A_251] {strides = array<i32>} : memref<50688xf32, #tpu.memory_space<vmem>>, vector<16xf32>,
        tpu.vector_store %arg13[%swap3A_251], %broadcast_in_dim3A_35 {strides = array<i32>} : memref<50688xf32, #tpu.memory_space<vmem>>, vector<16xf32>,
        %mul3A_253 = arith.constant 64 : i32
        %mul3A_254 = arith.muli %scan3A_245, %mul3A_253 : i32
        %add3A_255 = arith.constant 0 : i32
        %add3A_256 = arith.addi %mul3A_254, %add3A_255 : i32
        %swap3A_257 = arith.index_cast %add3A_256 : i32 to index
        %swap3A_258 = tpu.vector_load %arg14[%swap3A_257] {strides = array<i32>} : memref<50688xf32, #tpu.memory_space<vmem>>, vector<16xf32>,
        tpu.vector_store %arg14[%swap3A_257], %broadcast_in_dim3A_35 {strides = array<i32>} : memref<50688xf32, #tpu.memory_space<vmem>>, vector<16xf32>,
        %mul3A_259 = arith.constant 64 : i32
        %mul3A_260 = arith.muli %scan3A_245, %mul3A_259 : i32
        %add3A_261 = arith.constant 16 : i32
        %add3A_262 = arith.addi %mul3A_260, %add3A_261 : i32
        %swap3A_263 = arith.index_cast %add3A_262 : i32 to index
        %swap3A_264 = tpu.vector_load %arg13[%swap3A_263] {strides = array<i32>} : memref<50688xf32, #tpu.memory_space<vmem>>, vector<16xf32>,
        tpu.vector_store %arg13[%swap3A_263], %broadcast_in_dim3A_35 {strides = array<i32>} : memref<50688xf32, #tpu.memory_space<vmem>>, vector<16xf32>,
        %mul3A_265 = arith.constant 64 : i32
        %mul3A_266 = arith.muli %scan3A_245, %mul3A_265 : i32
        %add3A_267 = arith.constant 16 : i32
        %add3A_268 = arith.addi %mul3A_266, %add3A_267 : i32
        %swap3A_269 = arith.index_cast %add3A_268 : i32 to index
        %swap3A_270 = tpu.vector_load %arg14[%swap3A_269] {strides = array<i32>} : memref<50688xf32, #tpu.memory_space<vmem>>, vector<16xf32>,
        tpu.vector_store %arg14[%swap3A_269], %broadcast_in_dim3A_35 {strides = array<i32>} : memref<50688xf32, #tpu.memory_space<vmem>>, vector<16xf32>,
        %mul3A_271 = arith.constant 64 : i32
        %mul3A_272 = arith.muli %scan3A_245, %mul3A_271 : i32
        %add3A_273 = arith.constant 32 : i32
        %add3A_274 = arith.addi %mul3A_272, %add3A_273 : i32
        %swap3A_275 = arith.index_cast %add3A_274 : i32 to index
        %swap3A_276 = tpu.vector_load %arg13[%swap3A_275] {strides = array<i32>} : memref<50688xf32, #tpu.memory_space<vmem>>, vector<16xf32>,
        tpu.vector_store %arg13[%swap3A_275], %broadcast_in_dim3A_35 {strides = array<i32>} : memref<50688xf32, #tpu.memory_space<vmem>>, vector<16xf32>,
        %mul3A_277 = arith.constant 64 : i32
        %mul3A_278 = arith.muli %scan3A_245, %mul3A_277 : i32
        %add3A_279 = arith.constant 32 : i32
        %add3A_280 = arith.addi %mul3A_278, %add3A_279 : i32
        %swap3A_281 = arith.index_cast %add3A_280 : i32 to index
        %swap3A_282 = tpu.vector_load %arg14[%swap3A_281] {strides = array<i32>} : memref<50688xf32, #tpu.memory_space<vmem>>, vector<16xf32>,
        tpu.vector_store %arg14[%swap3A_281], %broadcast_in_dim3A_35 {strides = array<i32>} : memref<50688xf32, #tpu.memory_space<vmem>>, vector<16xf32>,
        %mul3A_283 = arith.constant 64 : i32
        %mul3A_284 = arith.muli %scan3A_245, %mul3A_283 : i32
        %add3A_285 = arith.constant 48 : i32
        %add3A_286 = arith.addi %mul3A_284, %add3A_285 : i32
        %swap3A_287 = arith.index_cast %add3A_286 : i32 to index
        %swap3A_288 = tpu.vector_load %arg13[%swap3A_287] {strides = array<i32>} : memref<50688xf32, #tpu.memory_space<vmem>>, vector<16xf32>,
        tpu.vector_store %arg13[%swap3A_287], %broadcast_in_dim3A_35 {strides = array<i32>} : memref<50688xf32, #tpu.memory_space<vmem>>, vector<16xf32>,
        %mul3A_289 = arith.constant 64 : i32
        %mul3A_290 = arith.muli %scan3A_245, %mul3A_289 : i32
        %add3A_291 = arith.constant 48 : i32
        %add3A_292 = arith.addi %mul3A_290, %add3A_291 : i32
        %swap3A_293 = arith.index_cast %add3A_292 : i32 to index
        %swap3A_294 = tpu.vector_load %arg14[%swap3A_293] {strides = array<i32>} : memref<50688xf32, #tpu.memory_space<vmem>>, vector<16xf32>,
        tpu.vector_store %arg14[%swap3A_293], %broadcast_in_dim3A_35 {strides = array<i32>} : memref<50688xf32, #tpu.memory_space<vmem>>, vector<16xf32>,
        %scan3A_295 = arith.constant 0 : i32
        scf.yield %scan3A_295 : i32
      }
      %scan3A_76 = arith.constant 784 : i32
      %broadcast_in_dim3A_77 = arith.constant 0x7F800000 : f32
      %broadcast_in_dim3A_78 = vector.broadcast %broadcast_in_dim3A_77 : f32 to vector<16xf32>
      %neg3A = arith.constant 0.000000e+00 : f32
      %neg3A_79 = arith.constant 0x7F800000 : f32
      %neg3A_80 = arith.subf %neg3A, %neg3A_79 : f32
      %broadcast_in_dim3A_81 = vector.broadcast %neg3A_80 : f32 to vector<16xf32>
      %scan3A_82 = arith.constant 0 : i32
      %scan3A_83 = arith.constant 8 : i32
      %scan3A_84 = arith.addi %scan3A_82, %scan3A_83 : i32
      %scan3A_85 = arith.constant 1 : i32
      %scan3A_86:2 = scf.for %scan3A_245 = %scan3A_82 to %scan3A_84 step %scan3A_85 iter_args(%scan3A_246 = %broadcast_in_dim3A_78, %scan3A_247 = %broadcast_in_dim3A_81) -> (vector<16xf32>, vector<16xf32>)  : i32 {
        %gt3A = arith.constant 0 : i32
        %gt3A_248 = arith.cmpi sgt, %scan3A_245, %gt3A : i32
        %convert_element_type3A_249 = arith.extui %gt3A_248 : i1 to i32
        %cond3A_250 = arith.constant 0 : i32
        %cond3A_251 = arith.cmpi ne, %convert_element_type3A_249, %cond3A_250 : i32
        scf.if %cond3A_251 {
          %mul3A_312 = arith.constant 2 : i32
          %mul3A_313 = arith.muli %mul3A_312, %scan3A_245 : i32
          %add3A_314 = arith.constant 1 : i32
          %add3A_315 = arith.addi %mul3A_313, %add3A_314 : i32
          %mul3A_316 = arith.constant 3 : i32
          %mul3A_317 = arith.muli %select_n3A, %mul3A_316 : i32
          %mul3A_318 = arith.constant 32768 : i32
          %mul3A_319 = arith.muli %mul3A_317, %mul3A_318 : i32
          %mul3A_320 = arith.constant 2048 : i32
          %mul3A_321 = arith.muli %add3A_315, %mul3A_320 : i32
          %add3A_322 = arith.addi %mul3A_319, %mul3A_321 : i32
          %add3A_323 = arith.constant 0 : i32
          %add3A_324 = arith.addi %add3A_322, %add3A_323 : i32
          %dma_start3A_325 = tpu.memref_slice %arg2[%add3A_324] : memref<393216xf32, #tpu.memory_space<hbm>> -> memref<2048xf32, #tpu.memory_space<hbm>>
          %dma_start3A_326 = tpu.memref_slice %arg2[%add3A_324] : memref<393216xf32, #tpu.memory_space<hbm>> -> memref<2048xf32, #tpu.memory_space<hbm>>
          tpu.enqueue_dma source(%dma_start3A_326 : memref<2048xf32, #tpu.memory_space<hbm>>) target(%arg8 : memref<2048xf32, #tpu.memory_space<vmem>>) target_semaphore(%arg18 : memref<!tpu.dma_semaphore, #tpu.memory_space<semaphore_mem>>)
          %add3A_327 = arith.constant 32768 : i32
          %add3A_328 = arith.addi %add3A_322, %add3A_327 : i32
          %dma_start3A_329 = tpu.memref_slice %arg2[%add3A_328] : memref<393216xf32, #tpu.memory_space<hbm>> -> memref<2048xf32, #tpu.memory_space<hbm>>
          %dma_start3A_330 = tpu.memref_slice %arg2[%add3A_328] : memref<393216xf32, #tpu.memory_space<hbm>> -> memref<2048xf32, #tpu.memory_space<hbm>>
          tpu.enqueue_dma source(%dma_start3A_330 : memref<2048xf32, #tpu.memory_space<hbm>>) target(%arg9 : memref<2048xf32, #tpu.memory_space<vmem>>) target_semaphore(%arg18 : memref<!tpu.dma_semaphore, #tpu.memory_space<semaphore_mem>>)
          %add3A_331 = arith.constant 65536 : i32
          %add3A_332 = arith.addi %add3A_322, %add3A_331 : i32
          %dma_start3A_333 = tpu.memref_slice %arg2[%add3A_332] : memref<393216xf32, #tpu.memory_space<hbm>> -> memref<2048xf32, #tpu.memory_space<hbm>>
          %dma_start3A_334 = tpu.memref_slice %arg2[%add3A_332] : memref<393216xf32, #tpu.memory_space<hbm>> -> memref<2048xf32, #tpu.memory_space<hbm>>
          tpu.enqueue_dma source(%dma_start3A_334 : memref<2048xf32, #tpu.memory_space<hbm>>) target(%arg10 : memref<2048xf32, #tpu.memory_space<vmem>>) target_semaphore(%arg18 : memref<!tpu.dma_semaphore, #tpu.memory_space<semaphore_mem>>)
        } else {
        }
        %mul3A_252 = arith.constant 2 : i32
        %mul3A_253 = arith.muli %mul3A_252, %scan3A_245 : i32
        %mul3A_254 = arith.constant 3 : i32
        %mul3A_255 = arith.muli %select_n3A, %mul3A_254 : i32
        %mul3A_256 = arith.constant 32768 : i32
        %mul3A_257 = arith.muli %mul3A_255, %mul3A_256 : i32
        %mul3A_258 = arith.constant 2048 : i32
        %mul3A_259 = arith.muli %mul3A_253, %mul3A_258 : i32
        %add3A_260 = arith.addi %mul3A_257, %mul3A_259 : i32
        %add3A_261 = arith.constant 0 : i32
        %add3A_262 = arith.addi %add3A_260, %add3A_261 : i32
        %dma_wait3A = tpu.memref_slice %arg2[%add3A_262] : memref<393216xf32, #tpu.memory_space<hbm>> -> memref<2048xf32, #tpu.memory_space<hbm>>
        %dma_wait3A_263 = tpu.memref_slice %arg2[%add3A_262] : memref<393216xf32, #tpu.memory_space<hbm>> -> memref<2048xf32, #tpu.memory_space<hbm>>
        tpu.wait_dma2 semaphore(%arg17 : memref<!tpu.dma_semaphore, #tpu.memory_space<semaphore_mem>>) src(%dma_wait3A_263 : memref<2048xf32, #tpu.memory_space<hbm>>) dst(%arg5 : memref<2048xf32, #tpu.memory_space<vmem>>)
        %add3A_264 = arith.constant 32768 : i32
        %add3A_265 = arith.addi %add3A_260, %add3A_264 : i32
        %dma_wait3A_266 = tpu.memref_slice %arg2[%add3A_265] : memref<393216xf32, #tpu.memory_space<hbm>> -> memref<2048xf32, #tpu.memory_space<hbm>>
        %dma_wait3A_267 = tpu.memref_slice %arg2[%add3A_265] : memref<393216xf32, #tpu.memory_space<hbm>> -> memref<2048xf32, #tpu.memory_space<hbm>>
        tpu.wait_dma2 semaphore(%arg17 : memref<!tpu.dma_semaphore, #tpu.memory_space<semaphore_mem>>) src(%dma_wait3A_267 : memref<2048xf32, #tpu.memory_space<hbm>>) dst(%arg6 : memref<2048xf32, #tpu.memory_space<vmem>>)
        %add3A_268 = arith.constant 65536 : i32
        %add3A_269 = arith.addi %add3A_260, %add3A_268 : i32
        %dma_wait3A_270 = tpu.memref_slice %arg2[%add3A_269] : memref<393216xf32, #tpu.memory_space<hbm>> -> memref<2048xf32, #tpu.memory_space<hbm>>
        %dma_wait3A_271 = tpu.memref_slice %arg2[%add3A_269] : memref<393216xf32, #tpu.memory_space<hbm>> -> memref<2048xf32, #tpu.memory_space<hbm>>
        tpu.wait_dma2 semaphore(%arg17 : memref<!tpu.dma_semaphore, #tpu.memory_space<semaphore_mem>>) src(%dma_wait3A_271 : memref<2048xf32, #tpu.memory_space<hbm>>) dst(%arg7 : memref<2048xf32, #tpu.memory_space<vmem>>)
        %scan3A_272 = arith.constant 0 : i32
        %scan3A_273 = arith.constant 128 : i32
        %scan3A_274 = arith.addi %scan3A_272, %scan3A_273 : i32
        %scan3A_275 = arith.constant 1 : i32
        %scan3A_276:2 = scf.for %scan3A_312 = %scan3A_272 to %scan3A_274 step %scan3A_275 iter_args(%scan3A_313 = %scan3A_246, %scan3A_314 = %scan3A_247) -> (vector<16xf32>, vector<16xf32>)  : i32 {
          %mul3A_315 = arith.constant 16 : i32
          %mul3A_316 = arith.muli %scan3A_312, %mul3A_315 : i32
          %get3A_317 = arith.index_cast %mul3A_316 : i32 to index
          %get3A_318 = tpu.vector_load %arg5[%get3A_317] {strides = array<i32>} : memref<2048xf32, #tpu.memory_space<vmem>>, vector<16xf32>,
          %get3A_319 = arith.index_cast %mul3A_316 : i32 to index
          %get3A_320 = tpu.vector_load %arg6[%get3A_319] {strides = array<i32>} : memref<2048xf32, #tpu.memory_space<vmem>>, vector<16xf32>,
          %get3A_321 = arith.index_cast %mul3A_316 : i32 to index
          %get3A_322 = tpu.vector_load %arg7[%get3A_321] {strides = array<i32>} : memref<2048xf32, #tpu.memory_space<vmem>>, vector<16xf32>,
          %mul3A_323 = arith.mulf %get3A_318, %get3A_26 : vector<16xf32>
          %mul3A_324 = arith.mulf %get3A_322, %get3A_24 : vector<16xf32>
          %add3A_325 = arith.addf %mul3A_323, %mul3A_324 : vector<16xf32>
          %mul3A_326 = arith.mulf %get3A_320, %get3A_30 : vector<16xf32>
          %mul3A_327 = arith.mulf %add3A_325, %get3A_28 : vector<16xf32>
          %add3A_328 = arith.addf %mul3A_326, %mul3A_327 : vector<16xf32>
          %min3A_329 = arith.minimumf %scan3A_313, %add3A_328 : vector<16xf32>
          %max3A_330 = arith.maximumf %scan3A_314, %add3A_328 : vector<16xf32>
          scf.yield %min3A_329, %max3A_330 : vector<16xf32>, vector<16xf32>
        }
        %scan3A_277 = arith.constant 128 : i32
        %lt3A_278 = arith.constant 7 : i32
        %lt3A_279 = arith.cmpi slt, %scan3A_245, %lt3A_278 : i32
        %convert_element_type3A_280 = arith.extui %lt3A_279 : i1 to i32
        %cond3A_281 = arith.constant 0 : i32
        %cond3A_282 = arith.cmpi ne, %convert_element_type3A_280, %cond3A_281 : i32
        scf.if %cond3A_282 {
          %mul3A_312 = arith.constant 2 : i32
          %mul3A_313 = arith.muli %mul3A_312, %scan3A_245 : i32
          %add3A_314 = arith.constant 2 : i32
          %add3A_315 = arith.addi %mul3A_313, %add3A_314 : i32
          %mul3A_316 = arith.constant 3 : i32
          %mul3A_317 = arith.muli %select_n3A, %mul3A_316 : i32
          %mul3A_318 = arith.constant 32768 : i32
          %mul3A_319 = arith.muli %mul3A_317, %mul3A_318 : i32
          %mul3A_320 = arith.constant 2048 : i32
          %mul3A_321 = arith.muli %add3A_315, %mul3A_320 : i32
          %add3A_322 = arith.addi %mul3A_319, %mul3A_321 : i32
          %add3A_323 = arith.constant 0 : i32
          %add3A_324 = arith.addi %add3A_322, %add3A_323 : i32
          %dma_start3A_325 = tpu.memref_slice %arg2[%add3A_324] : memref<393216xf32, #tpu.memory_space<hbm>> -> memref<2048xf32, #tpu.memory_space<hbm>>
          %dma_start3A_326 = tpu.memref_slice %arg2[%add3A_324] : memref<393216xf32, #tpu.memory_space<hbm>> -> memref<2048xf32, #tpu.memory_space<hbm>>
          tpu.enqueue_dma source(%dma_start3A_326 : memref<2048xf32, #tpu.memory_space<hbm>>) target(%arg5 : memref<2048xf32, #tpu.memory_space<vmem>>) target_semaphore(%arg17 : memref<!tpu.dma_semaphore, #tpu.memory_space<semaphore_mem>>)
          %add3A_327 = arith.constant 32768 : i32
          %add3A_328 = arith.addi %add3A_322, %add3A_327 : i32
          %dma_start3A_329 = tpu.memref_slice %arg2[%add3A_328] : memref<393216xf32, #tpu.memory_space<hbm>> -> memref<2048xf32, #tpu.memory_space<hbm>>
          %dma_start3A_330 = tpu.memref_slice %arg2[%add3A_328] : memref<393216xf32, #tpu.memory_space<hbm>> -> memref<2048xf32, #tpu.memory_space<hbm>>
          tpu.enqueue_dma source(%dma_start3A_330 : memref<2048xf32, #tpu.memory_space<hbm>>) target(%arg6 : memref<2048xf32, #tpu.memory_space<vmem>>) target_semaphore(%arg17 : memref<!tpu.dma_semaphore, #tpu.memory_space<semaphore_mem>>)
          %add3A_331 = arith.constant 65536 : i32
          %add3A_332 = arith.addi %add3A_322, %add3A_331 : i32
          %dma_start3A_333 = tpu.memref_slice %arg2[%add3A_332] : memref<393216xf32, #tpu.memory_space<hbm>> -> memref<2048xf32, #tpu.memory_space<hbm>>
          %dma_start3A_334 = tpu.memref_slice %arg2[%add3A_332] : memref<393216xf32, #tpu.memory_space<hbm>> -> memref<2048xf32, #tpu.memory_space<hbm>>
          tpu.enqueue_dma source(%dma_start3A_334 : memref<2048xf32, #tpu.memory_space<hbm>>) target(%arg7 : memref<2048xf32, #tpu.memory_space<vmem>>) target_semaphore(%arg17 : memref<!tpu.dma_semaphore, #tpu.memory_space<semaphore_mem>>)
        } else {
        }
        %mul3A_283 = arith.constant 2 : i32
        %mul3A_284 = arith.muli %mul3A_283, %scan3A_245 : i32
        %add3A_285 = arith.constant 1 : i32
        %add3A_286 = arith.addi %mul3A_284, %add3A_285 : i32
        %mul3A_287 = arith.constant 3 : i32
        %mul3A_288 = arith.muli %select_n3A, %mul3A_287 : i32
        %mul3A_289 = arith.constant 32768 : i32
        %mul3A_290 = arith.muli %mul3A_288, %mul3A_289 : i32
        %mul3A_291 = arith.constant 2048 : i32
        %mul3A_292 = arith.muli %add3A_286, %mul3A_291 : i32
        %add3A_293 = arith.addi %mul3A_290, %mul3A_292 : i32
        %add3A_294 = arith.constant 0 : i32
        %add3A_295 = arith.addi %add3A_293, %add3A_294 : i32
        %dma_wait3A_296 = tpu.memref_slice %arg2[%add3A_295] : memref<393216xf32, #tpu.memory_space<hbm>> -> memref<2048xf32, #tpu.memory_space<hbm>>
        %dma_wait3A_297 = tpu.memref_slice %arg2[%add3A_295] : memref<393216xf32, #tpu.memory_space<hbm>> -> memref<2048xf32, #tpu.memory_space<hbm>>
        tpu.wait_dma2 semaphore(%arg18 : memref<!tpu.dma_semaphore, #tpu.memory_space<semaphore_mem>>) src(%dma_wait3A_297 : memref<2048xf32, #tpu.memory_space<hbm>>) dst(%arg8 : memref<2048xf32, #tpu.memory_space<vmem>>)
        %add3A_298 = arith.constant 32768 : i32
        %add3A_299 = arith.addi %add3A_293, %add3A_298 : i32
        %dma_wait3A_300 = tpu.memref_slice %arg2[%add3A_299] : memref<393216xf32, #tpu.memory_space<hbm>> -> memref<2048xf32, #tpu.memory_space<hbm>>
        %dma_wait3A_301 = tpu.memref_slice %arg2[%add3A_299] : memref<393216xf32, #tpu.memory_space<hbm>> -> memref<2048xf32, #tpu.memory_space<hbm>>
        tpu.wait_dma2 semaphore(%arg18 : memref<!tpu.dma_semaphore, #tpu.memory_space<semaphore_mem>>) src(%dma_wait3A_301 : memref<2048xf32, #tpu.memory_space<hbm>>) dst(%arg9 : memref<2048xf32, #tpu.memory_space<vmem>>)
        %add3A_302 = arith.constant 65536 : i32
        %add3A_303 = arith.addi %add3A_293, %add3A_302 : i32
        %dma_wait3A_304 = tpu.memref_slice %arg2[%add3A_303] : memref<393216xf32, #tpu.memory_space<hbm>> -> memref<2048xf32, #tpu.memory_space<hbm>>
        %dma_wait3A_305 = tpu.memref_slice %arg2[%add3A_303] : memref<393216xf32, #tpu.memory_space<hbm>> -> memref<2048xf32, #tpu.memory_space<hbm>>
        tpu.wait_dma2 semaphore(%arg18 : memref<!tpu.dma_semaphore, #tpu.memory_space<semaphore_mem>>) src(%dma_wait3A_305 : memref<2048xf32, #tpu.memory_space<hbm>>) dst(%arg10 : memref<2048xf32, #tpu.memory_space<vmem>>)
        %scan3A_306 = arith.constant 0 : i32
        %scan3A_307 = arith.constant 128 : i32
        %scan3A_308 = arith.addi %scan3A_306, %scan3A_307 : i32
        %scan3A_309 = arith.constant 1 : i32
        %scan3A_310:2 = scf.for %scan3A_312 = %scan3A_306 to %scan3A_308 step %scan3A_309 iter_args(%scan3A_313 = %scan3A_276#0, %scan3A_314 = %scan3A_276#1) -> (vector<16xf32>, vector<16xf32>)  : i32 {
          %mul3A_315 = arith.constant 16 : i32
          %mul3A_316 = arith.muli %scan3A_312, %mul3A_315 : i32
          %get3A_317 = arith.index_cast %mul3A_316 : i32 to index
          %get3A_318 = tpu.vector_load %arg8[%get3A_317] {strides = array<i32>} : memref<2048xf32, #tpu.memory_space<vmem>>, vector<16xf32>,
          %get3A_319 = arith.index_cast %mul3A_316 : i32 to index
          %get3A_320 = tpu.vector_load %arg9[%get3A_319] {strides = array<i32>} : memref<2048xf32, #tpu.memory_space<vmem>>, vector<16xf32>,
          %get3A_321 = arith.index_cast %mul3A_316 : i32 to index
          %get3A_322 = tpu.vector_load %arg10[%get3A_321] {strides = array<i32>} : memref<2048xf32, #tpu.memory_space<vmem>>, vector<16xf32>,
          %mul3A_323 = arith.mulf %get3A_318, %get3A_26 : vector<16xf32>
          %mul3A_324 = arith.mulf %get3A_322, %get3A_24 : vector<16xf32>
          %add3A_325 = arith.addf %mul3A_323, %mul3A_324 : vector<16xf32>
          %mul3A_326 = arith.mulf %get3A_320, %get3A_30 : vector<16xf32>
          %mul3A_327 = arith.mulf %add3A_325, %get3A_28 : vector<16xf32>
          %add3A_328 = arith.addf %mul3A_326, %mul3A_327 : vector<16xf32>
          %min3A_329 = arith.minimumf %scan3A_313, %add3A_328 : vector<16xf32>
          %max3A_330 = arith.maximumf %scan3A_314, %add3A_328 : vector<16xf32>
          scf.yield %min3A_329, %max3A_330 : vector<16xf32>, vector<16xf32>
        }
        %scan3A_311 = arith.constant 128 : i32
        scf.yield %scan3A_310#0, %scan3A_310#1 : vector<16xf32>, vector<16xf32>
      }
      %scan3A_87 = arith.constant 8 : i32
      %iota3A = tpu.iota {dimensions = array<i32: 0>} : vector<16xi32>
      %swap3A = arith.constant 0 : index
      %swap3A_88 = tpu.vector_load %arg16[%swap3A] {strides = array<i32>} : memref<16xf32, #tpu.memory_space<vmem>>, vector<16xf32>,
      tpu.vector_store %arg16[%swap3A], %scan3A_86#0 {strides = array<i32>} : memref<16xf32, #tpu.memory_space<vmem>>, vector<16xf32>,
      %xor3A = arith.constant 1 : i32
      %xor3A_89 = vector.broadcast %xor3A : i32 to vector<16xi32>
      %xor3A_90 = arith.xori %iota3A, %xor3A_89 : vector<16xi32>
      %gather3A = tpu.vector_load_idx %arg16[%xor3A_90] : memref<16xf32, #tpu.memory_space<vmem>>[vector<16xi32>], vector<16xf32>,
      %min3A = arith.minimumf %scan3A_86#0, %gather3A : vector<16xf32>
      %swap3A_91 = arith.constant 0 : index
      %swap3A_92 = tpu.vector_load %arg16[%swap3A_91] {strides = array<i32>} : memref<16xf32, #tpu.memory_space<vmem>>, vector<16xf32>,
      tpu.vector_store %arg16[%swap3A_91], %min3A {strides = array<i32>} : memref<16xf32, #tpu.memory_space<vmem>>, vector<16xf32>,
      %xor3A_93 = arith.constant 2 : i32
      %xor3A_94 = vector.broadcast %xor3A_93 : i32 to vector<16xi32>
      %xor3A_95 = arith.xori %iota3A, %xor3A_94 : vector<16xi32>
      %gather3A_96 = tpu.vector_load_idx %arg16[%xor3A_95] : memref<16xf32, #tpu.memory_space<vmem>>[vector<16xi32>], vector<16xf32>,
      %min3A_97 = arith.minimumf %min3A, %gather3A_96 : vector<16xf32>
      %swap3A_98 = arith.constant 0 : index
      %swap3A_99 = tpu.vector_load %arg16[%swap3A_98] {strides = array<i32>} : memref<16xf32, #tpu.memory_space<vmem>>, vector<16xf32>,
      tpu.vector_store %arg16[%swap3A_98], %min3A_97 {strides = array<i32>} : memref<16xf32, #tpu.memory_space<vmem>>, vector<16xf32>,
      %xor3A_100 = arith.constant 4 : i32
      %xor3A_101 = vector.broadcast %xor3A_100 : i32 to vector<16xi32>
      %xor3A_102 = arith.xori %iota3A, %xor3A_101 : vector<16xi32>
      %gather3A_103 = tpu.vector_load_idx %arg16[%xor3A_102] : memref<16xf32, #tpu.memory_space<vmem>>[vector<16xi32>], vector<16xf32>,
      %min3A_104 = arith.minimumf %min3A_97, %gather3A_103 : vector<16xf32>
      %swap3A_105 = arith.constant 0 : index
      %swap3A_106 = tpu.vector_load %arg16[%swap3A_105] {strides = array<i32>} : memref<16xf32, #tpu.memory_space<vmem>>, vector<16xf32>,
      tpu.vector_store %arg16[%swap3A_105], %min3A_104 {strides = array<i32>} : memref<16xf32, #tpu.memory_space<vmem>>, vector<16xf32>,
      %xor3A_107 = arith.constant 8 : i32
      %xor3A_108 = vector.broadcast %xor3A_107 : i32 to vector<16xi32>
      %xor3A_109 = arith.xori %iota3A, %xor3A_108 : vector<16xi32>
      %gather3A_110 = tpu.vector_load_idx %arg16[%xor3A_109] : memref<16xf32, #tpu.memory_space<vmem>>[vector<16xi32>], vector<16xf32>,
      %min3A_111 = arith.minimumf %min3A_104, %gather3A_110 : vector<16xf32>
      %swap3A_112 = arith.constant 0 : index
      %swap3A_113 = tpu.vector_load %arg16[%swap3A_112] {strides = array<i32>} : memref<16xf32, #tpu.memory_space<vmem>>, vector<16xf32>,
      tpu.vector_store %arg16[%swap3A_112], %scan3A_86#1 {strides = array<i32>} : memref<16xf32, #tpu.memory_space<vmem>>, vector<16xf32>,
      %xor3A_114 = arith.constant 1 : i32
      %xor3A_115 = vector.broadcast %xor3A_114 : i32 to vector<16xi32>
      %xor3A_116 = arith.xori %iota3A, %xor3A_115 : vector<16xi32>
      %gather3A_117 = tpu.vector_load_idx %arg16[%xor3A_116] : memref<16xf32, #tpu.memory_space<vmem>>[vector<16xi32>], vector<16xf32>,
      %max3A = arith.maximumf %scan3A_86#1, %gather3A_117 : vector<16xf32>
      %swap3A_118 = arith.constant 0 : index
      %swap3A_119 = tpu.vector_load %arg16[%swap3A_118] {strides = array<i32>} : memref<16xf32, #tpu.memory_space<vmem>>, vector<16xf32>,
      tpu.vector_store %arg16[%swap3A_118], %max3A {strides = array<i32>} : memref<16xf32, #tpu.memory_space<vmem>>, vector<16xf32>,
      %xor3A_120 = arith.constant 2 : i32
      %xor3A_121 = vector.broadcast %xor3A_120 : i32 to vector<16xi32>
      %xor3A_122 = arith.xori %iota3A, %xor3A_121 : vector<16xi32>
      %gather3A_123 = tpu.vector_load_idx %arg16[%xor3A_122] : memref<16xf32, #tpu.memory_space<vmem>>[vector<16xi32>], vector<16xf32>,
      %max3A_124 = arith.maximumf %max3A, %gather3A_123 : vector<16xf32>
      %swap3A_125 = arith.constant 0 : index
      %swap3A_126 = tpu.vector_load %arg16[%swap3A_125] {strides = array<i32>} : memref<16xf32, #tpu.memory_space<vmem>>, vector<16xf32>,
      tpu.vector_store %arg16[%swap3A_125], %max3A_124 {strides = array<i32>} : memref<16xf32, #tpu.memory_space<vmem>>, vector<16xf32>,
      %xor3A_127 = arith.constant 4 : i32
      %xor3A_128 = vector.broadcast %xor3A_127 : i32 to vector<16xi32>
      %xor3A_129 = arith.xori %iota3A, %xor3A_128 : vector<16xi32>
      %gather3A_130 = tpu.vector_load_idx %arg16[%xor3A_129] : memref<16xf32, #tpu.memory_space<vmem>>[vector<16xi32>], vector<16xf32>,
      %max3A_131 = arith.maximumf %max3A_124, %gather3A_130 : vector<16xf32>
      %swap3A_132 = arith.constant 0 : index
      %swap3A_133 = tpu.vector_load %arg16[%swap3A_132] {strides = array<i32>} : memref<16xf32, #tpu.memory_space<vmem>>, vector<16xf32>,
      tpu.vector_store %arg16[%swap3A_132], %max3A_131 {strides = array<i32>} : memref<16xf32, #tpu.memory_space<vmem>>, vector<16xf32>,
      %xor3A_134 = arith.constant 8 : i32
      %xor3A_135 = vector.broadcast %xor3A_134 : i32 to vector<16xi32>
      %xor3A_136 = arith.xori %iota3A, %xor3A_135 : vector<16xi32>
      %gather3A_137 = tpu.vector_load_idx %arg16[%xor3A_136] : memref<16xf32, #tpu.memory_space<vmem>>[vector<16xi32>], vector<16xf32>,
      %max3A_138 = arith.maximumf %max3A_131, %gather3A_137 : vector<16xf32>
      %sub3A_139 = arith.subf %max3A_138, %min3A_111 : vector<16xf32>
      %add3A_140 = arith.constant 9.99999997E-7 : f32
      %add3A_141 = vector.broadcast %add3A_140 : f32 to vector<16xf32>
      %add3A_142 = arith.addf %sub3A_139, %add3A_141 : vector<16xf32>
      %lt3A_143 = arith.constant 9 : i32
      %lt3A_144 = vector.broadcast %lt3A_143 : i32 to vector<16xi32>
      %lt3A_145 = arith.cmpi slt, %iota3A, %lt3A_144 : vector<16xi32>
      %jit3A_146 = arith.constant 3 : i32
      %eq3A = arith.constant 0 : i32
      %eq3A_147 = arith.cmpi eq, %jit3A_146, %eq3A : i32
      %jit3A_148 = arith.constant 1 : i32
      %select_n3A_149 = arith.select %eq3A_147, %jit3A_148, %jit3A_146 : i32
      %rem3A_150 = vector.broadcast %select_n3A_149 : i32 to vector<16xi32>
      %rem3A_151 = arith.remsi %iota3A, %rem3A_150 : vector<16xi32>
      %ne3A_152 = arith.constant 0 : i32
      %ne3A_153 = vector.broadcast %ne3A_152 : i32 to vector<16xi32>
      %ne3A_154 = arith.cmpi ne, %rem3A_151, %ne3A_153 : vector<16xi32>
      %lt3A_155 = arith.constant 0 : i32
      %lt3A_156 = vector.broadcast %lt3A_155 : i32 to vector<16xi32>
      %lt3A_157 = arith.cmpi slt, %rem3A_151, %lt3A_156 : vector<16xi32>
      %lt3A_158 = arith.constant 0 : i32
      %lt3A_159 = arith.cmpi slt, %select_n3A_149, %lt3A_158 : i32
      %ne3A_160 = vector.broadcast %lt3A_159 : i1 to vector<16xi1>
      %ne3A_161 = vector.broadcast %ne3A_160 : vector<16xi1> to vector<16xi1>
      %ne3A_162 = arith.xori %lt3A_157, %ne3A_161 : vector<16xi1>
      %and3A_163 = arith.andi %ne3A_162, %ne3A_154 : vector<16xi1>
      %add3A_164 = vector.broadcast %select_n3A_149 : i32 to vector<16xi32>
      %add3A_165 = arith.addi %rem3A_151, %add3A_164 : vector<16xi32>
      %select_n3A_166 = arith.select %and3A_163, %add3A_165, %rem3A_151 : vector<16xi1>, vector<16xi32>
      %jit3A_167 = arith.constant 3 : i32
      %broadcast_in_dim3A_168 = vector.broadcast %jit3A_167 : i32 to vector<16xi32>
      %select_n3A_169 = arith.select %lt3A_145, %select_n3A_166, %broadcast_in_dim3A_168 : vector<16xi1>, vector<16xi32>
      %jit3A_170 = arith.constant 3 : i32
      %div3A_171 = vector.broadcast %jit3A_170 : i32 to vector<16xi32>
      %div3A_172 = arith.divsi %iota3A, %div3A_171 : vector<16xi32>
      %sign3A_173 = arith.constant 0 : i32
      %sign3A_174 = vector.broadcast %sign3A_173 : i32 to vector<16xi32>
      %sign3A_175 = arith.cmpi sgt, %iota3A, %sign3A_174 : vector<16xi32>
      %sign3A_176 = arith.extui %sign3A_175 : vector<16xi1> to vector<16xi32>
      %sign3A_177 = arith.constant 0 : i32
      %sign3A_178 = vector.broadcast %sign3A_177 : i32 to vector<16xi32>
      %sign3A_179 = arith.cmpi slt, %iota3A, %sign3A_178 : vector<16xi32>
      %sign3A_180 = arith.extui %sign3A_179 : vector<16xi1> to vector<16xi32>
      %sign3A_181 = arith.subi %sign3A_176, %sign3A_180 : vector<16xi32>
      %sign3A_182 = arith.constant 0 : i32
      %sign3A_183 = arith.cmpi sgt, %jit3A_170, %sign3A_182 : i32
      %sign3A_184 = arith.extui %sign3A_183 : i1 to i32
      %sign3A_185 = arith.constant 0 : i32
      %sign3A_186 = arith.cmpi slt, %jit3A_170, %sign3A_185 : i32
      %sign3A_187 = arith.extui %sign3A_186 : i1 to i32
      %sign3A_188 = arith.subi %sign3A_184, %sign3A_187 : i32
      %ne3A_189 = vector.broadcast %sign3A_188 : i32 to vector<16xi32>
      %ne3A_190 = arith.cmpi ne, %sign3A_181, %ne3A_189 : vector<16xi32>
      %rem3A_191 = vector.broadcast %jit3A_170 : i32 to vector<16xi32>
      %rem3A_192 = arith.remsi %iota3A, %rem3A_191 : vector<16xi32>
      %ne3A_193 = arith.constant 0 : i32
      %ne3A_194 = vector.broadcast %ne3A_193 : i32 to vector<16xi32>
      %ne3A_195 = arith.cmpi ne, %rem3A_192, %ne3A_194 : vector<16xi32>
      %and3A_196 = arith.andi %ne3A_190, %ne3A_195 : vector<16xi1>
      %sub3A_197 = arith.constant 1 : i32
      %sub3A_198 = vector.broadcast %sub3A_197 : i32 to vector<16xi32>
      %sub3A_199 = arith.subi %div3A_172, %sub3A_198 : vector<16xi32>
      %select_n3A_200 = arith.select %and3A_196, %sub3A_199, %div3A_172 : vector<16xi1>, vector<16xi32>
      %jit3A_201 = arith.constant 0 : i32
      %broadcast_in_dim3A_202 = vector.broadcast %jit3A_201 : i32 to vector<16xi32>
      %select_n3A_203 = arith.select %lt3A_145, %select_n3A_200, %broadcast_in_dim3A_202 : vector<16xi1>, vector<16xi32>
      %mul3A_204 = arith.constant 224 : i32
      %mul3A_205 = vector.broadcast %mul3A_204 : i32 to vector<16xi32>
      %mul3A_206 = arith.muli %select_n3A_203, %mul3A_205 : vector<16xi32>
      %add3A_207 = arith.addi %select_n3A_169, %mul3A_206 : vector<16xi32>
      %mul3A_208 = arith.constant 3 : i32
      %mul3A_209 = arith.muli %select_n3A, %mul3A_208 : i32
      %mul3A_210 = arith.constant 32768 : i32
      %mul3A_211 = arith.muli %mul3A_209, %mul3A_210 : i32
      %add3A_212 = arith.constant 0 : i32
      %add3A_213 = arith.addi %mul3A_211, %add3A_212 : i32
      %add3A_214 = arith.constant 0 : i32
      %add3A_215 = arith.addi %add3A_213, %add3A_214 : i32
      %dma_start3A_216 = tpu.memref_slice %arg2[%add3A_215] : memref<393216xf32, #tpu.memory_space<hbm>> -> memref<2048xf32, #tpu.memory_space<hbm>>
      %dma_start3A_217 = tpu.memref_slice %arg2[%add3A_215] : memref<393216xf32, #tpu.memory_space<hbm>> -> memref<2048xf32, #tpu.memory_space<hbm>>
      tpu.enqueue_dma source(%dma_start3A_217 : memref<2048xf32, #tpu.memory_space<hbm>>) target(%arg5 : memref<2048xf32, #tpu.memory_space<vmem>>) target_semaphore(%arg17 : memref<!tpu.dma_semaphore, #tpu.memory_space<semaphore_mem>>)
      %add3A_218 = arith.constant 32768 : i32
      %add3A_219 = arith.addi %add3A_213, %add3A_218 : i32
      %dma_start3A_220 = tpu.memref_slice %arg2[%add3A_219] : memref<393216xf32, #tpu.memory_space<hbm>> -> memref<2048xf32, #tpu.memory_space<hbm>>
      %dma_start3A_221 = tpu.memref_slice %arg2[%add3A_219] : memref<393216xf32, #tpu.memory_space<hbm>> -> memref<2048xf32, #tpu.memory_space<hbm>>
      tpu.enqueue_dma source(%dma_start3A_221 : memref<2048xf32, #tpu.memory_space<hbm>>) target(%arg6 : memref<2048xf32, #tpu.memory_space<vmem>>) target_semaphore(%arg17 : memref<!tpu.dma_semaphore, #tpu.memory_space<semaphore_mem>>)
      %add3A_222 = arith.constant 65536 : i32
      %add3A_223 = arith.addi %add3A_213, %add3A_222 : i32
      %dma_start3A_224 = tpu.memref_slice %arg2[%add3A_223] : memref<393216xf32, #tpu.memory_space<hbm>> -> memref<2048xf32, #tpu.memory_space<hbm>>
      %dma_start3A_225 = tpu.memref_slice %arg2[%add3A_223] : memref<393216xf32, #tpu.memory_space<hbm>> -> memref<2048xf32, #tpu.memory_space<hbm>>
      tpu.enqueue_dma source(%dma_start3A_225 : memref<2048xf32, #tpu.memory_space<hbm>>) target(%arg7 : memref<2048xf32, #tpu.memory_space<vmem>>) target_semaphore(%arg17 : memref<!tpu.dma_semaphore, #tpu.memory_space<semaphore_mem>>)
      %scan3A_226 = arith.constant 0 : i32
      %scan3A_227 = arith.constant 0 : i32
      %scan3A_228 = arith.constant 8 : i32
      %scan3A_229 = arith.addi %scan3A_227, %scan3A_228 : i32
      %scan3A_230 = arith.constant 1 : i32
      %scan3A_231 = scf.for %scan3A_245 = %scan3A_227 to %scan3A_229 step %scan3A_230 iter_args(%scan3A_246 = %scan3A_226) -> (i32)  : i32 {
        %mul3A_247 = arith.constant 2 : i32
        %mul3A_248 = arith.muli %mul3A_247, %scan3A_245 : i32
        %add3A_249 = arith.constant 1 : i32
        %add3A_250 = arith.addi %mul3A_248, %add3A_249 : i32
        %mul3A_251 = arith.constant 3 : i32
        %mul3A_252 = arith.muli %select_n3A, %mul3A_251 : i32
        %mul3A_253 = arith.constant 32768 : i32
        %mul3A_254 = arith.muli %mul3A_252, %mul3A_253 : i32
        %mul3A_255 = arith.constant 2048 : i32
        %mul3A_256 = arith.muli %add3A_250, %mul3A_255 : i32
        %add3A_257 = arith.addi %mul3A_254, %mul3A_256 : i32
        %add3A_258 = arith.constant 0 : i32
        %add3A_259 = arith.addi %add3A_257, %add3A_258 : i32
        %dma_start3A_260 = tpu.memref_slice %arg2[%add3A_259] : memref<393216xf32, #tpu.memory_space<hbm>> -> memref<2048xf32, #tpu.memory_space<hbm>>
        %dma_start3A_261 = tpu.memref_slice %arg2[%add3A_259] : memref<393216xf32, #tpu.memory_space<hbm>> -> memref<2048xf32, #tpu.memory_space<hbm>>
        tpu.enqueue_dma source(%dma_start3A_261 : memref<2048xf32, #tpu.memory_space<hbm>>) target(%arg8 : memref<2048xf32, #tpu.memory_space<vmem>>) target_semaphore(%arg18 : memref<!tpu.dma_semaphore, #tpu.memory_space<semaphore_mem>>)
        %add3A_262 = arith.constant 32768 : i32
        %add3A_263 = arith.addi %add3A_257, %add3A_262 : i32
        %dma_start3A_264 = tpu.memref_slice %arg2[%add3A_263] : memref<393216xf32, #tpu.memory_space<hbm>> -> memref<2048xf32, #tpu.memory_space<hbm>>
        %dma_start3A_265 = tpu.memref_slice %arg2[%add3A_263] : memref<393216xf32, #tpu.memory_space<hbm>> -> memref<2048xf32, #tpu.memory_space<hbm>>
        tpu.enqueue_dma source(%dma_start3A_265 : memref<2048xf32, #tpu.memory_space<hbm>>) target(%arg9 : memref<2048xf32, #tpu.memory_space<vmem>>) target_semaphore(%arg18 : memref<!tpu.dma_semaphore, #tpu.memory_space<semaphore_mem>>)
        %add3A_266 = arith.constant 65536 : i32
        %add3A_267 = arith.addi %add3A_257, %add3A_266 : i32
        %dma_start3A_268 = tpu.memref_slice %arg2[%add3A_267] : memref<393216xf32, #tpu.memory_space<hbm>> -> memref<2048xf32, #tpu.memory_space<hbm>>
        %dma_start3A_269 = tpu.memref_slice %arg2[%add3A_267] : memref<393216xf32, #tpu.memory_space<hbm>> -> memref<2048xf32, #tpu.memory_space<hbm>>
        tpu.enqueue_dma source(%dma_start3A_269 : memref<2048xf32, #tpu.memory_space<hbm>>) target(%arg10 : memref<2048xf32, #tpu.memory_space<vmem>>) target_semaphore(%arg18 : memref<!tpu.dma_semaphore, #tpu.memory_space<semaphore_mem>>)
        %mul3A_270 = arith.constant 2 : i32
        %mul3A_271 = arith.muli %mul3A_270, %scan3A_245 : i32
        %mul3A_272 = arith.constant 3 : i32
        %mul3A_273 = arith.muli %select_n3A, %mul3A_272 : i32
        %mul3A_274 = arith.constant 32768 : i32
        %mul3A_275 = arith.muli %mul3A_273, %mul3A_274 : i32
        %mul3A_276 = arith.constant 2048 : i32
        %mul3A_277 = arith.muli %mul3A_271, %mul3A_276 : i32
        %add3A_278 = arith.addi %mul3A_275, %mul3A_277 : i32
        %add3A_279 = arith.constant 0 : i32
        %add3A_280 = arith.addi %add3A_278, %add3A_279 : i32
        %dma_wait3A = tpu.memref_slice %arg2[%add3A_280] : memref<393216xf32, #tpu.memory_space<hbm>> -> memref<2048xf32, #tpu.memory_space<hbm>>
        %dma_wait3A_281 = tpu.memref_slice %arg2[%add3A_280] : memref<393216xf32, #tpu.memory_space<hbm>> -> memref<2048xf32, #tpu.memory_space<hbm>>
        tpu.wait_dma2 semaphore(%arg17 : memref<!tpu.dma_semaphore, #tpu.memory_space<semaphore_mem>>) src(%dma_wait3A_281 : memref<2048xf32, #tpu.memory_space<hbm>>) dst(%arg5 : memref<2048xf32, #tpu.memory_space<vmem>>)
        %add3A_282 = arith.constant 32768 : i32
        %add3A_283 = arith.addi %add3A_278, %add3A_282 : i32
        %dma_wait3A_284 = tpu.memref_slice %arg2[%add3A_283] : memref<393216xf32, #tpu.memory_space<hbm>> -> memref<2048xf32, #tpu.memory_space<hbm>>
        %dma_wait3A_285 = tpu.memref_slice %arg2[%add3A_283] : memref<393216xf32, #tpu.memory_space<hbm>> -> memref<2048xf32, #tpu.memory_space<hbm>>
        tpu.wait_dma2 semaphore(%arg17 : memref<!tpu.dma_semaphore, #tpu.memory_space<semaphore_mem>>) src(%dma_wait3A_285 : memref<2048xf32, #tpu.memory_space<hbm>>) dst(%arg6 : memref<2048xf32, #tpu.memory_space<vmem>>)
        %add3A_286 = arith.constant 65536 : i32
        %add3A_287 = arith.addi %add3A_278, %add3A_286 : i32
        %dma_wait3A_288 = tpu.memref_slice %arg2[%add3A_287] : memref<393216xf32, #tpu.memory_space<hbm>> -> memref<2048xf32, #tpu.memory_space<hbm>>
        %dma_wait3A_289 = tpu.memref_slice %arg2[%add3A_287] : memref<393216xf32, #tpu.memory_space<hbm>> -> memref<2048xf32, #tpu.memory_space<hbm>>
        tpu.wait_dma2 semaphore(%arg17 : memref<!tpu.dma_semaphore, #tpu.memory_space<semaphore_mem>>) src(%dma_wait3A_289 : memref<2048xf32, #tpu.memory_space<hbm>>) dst(%arg7 : memref<2048xf32, #tpu.memory_space<vmem>>)
        %scan3A_290 = arith.constant 0 : i32
        %scan3A_291 = arith.constant 0 : i32
        %scan3A_292 = arith.constant 128 : i32
        %scan3A_293 = arith.addi %scan3A_291, %scan3A_292 : i32
        %scan3A_294 = arith.constant 1 : i32
        %scan3A_295 = scf.for %scan3A_416 = %scan3A_291 to %scan3A_293 step %scan3A_294 iter_args(%scan3A_417 = %scan3A_290) -> (i32)  : i32 {
          %mul3A_418 = arith.constant 16 : i32
          %mul3A_419 = arith.muli %scan3A_416, %mul3A_418 : i32
          %get3A_420 = arith.index_cast %mul3A_419 : i32 to index
          %get3A_421 = tpu.vector_load %arg5[%get3A_420] {strides = array<i32>} : memref<2048xf32, #tpu.memory_space<vmem>>, vector<16xf32>,
          %get3A_422 = arith.index_cast %mul3A_419 : i32 to index
          %get3A_423 = tpu.vector_load %arg6[%get3A_422] {strides = array<i32>} : memref<2048xf32, #tpu.memory_space<vmem>>, vector<16xf32>,
          %get3A_424 = arith.index_cast %mul3A_419 : i32 to index
          %get3A_425 = tpu.vector_load %arg7[%get3A_424] {strides = array<i32>} : memref<2048xf32, #tpu.memory_space<vmem>>, vector<16xf32>,
          %mul3A_426 = arith.mulf %get3A_421, %get3A_24 : vector<16xf32>
          %mul3A_427 = arith.mulf %get3A_425, %get3A_26 : vector<16xf32>
          %sub3A_428 = arith.subf %mul3A_426, %mul3A_427 : vector<16xf32>
          %mul3A_429 = arith.mulf %get3A_421, %get3A_26 : vector<16xf32>
          %mul3A_430 = arith.mulf %get3A_425, %get3A_24 : vector<16xf32>
          %add3A_431 = arith.addf %mul3A_429, %mul3A_430 : vector<16xf32>
          %mul3A_432 = arith.mulf %get3A_423, %get3A_28 : vector<16xf32>
          %mul3A_433 = arith.mulf %add3A_431, %get3A_30 : vector<16xf32>
          %sub3A_434 = arith.subf %mul3A_432, %mul3A_433 : vector<16xf32>
          %mul3A_435 = arith.mulf %get3A_423, %get3A_30 : vector<16xf32>
          %mul3A_436 = arith.mulf %add3A_431, %get3A_28 : vector<16xf32>
          %add3A_437 = arith.addf %mul3A_435, %mul3A_436 : vector<16xf32>
          %sub3A_438 = arith.subf %add3A_437, %min3A_111 : vector<16xf32>
          %div3A_439 = arith.divf %sub3A_438, %add3A_142 : vector<16xf32>
          %mul3A_440 = arith.constant 0.699999988 : f32
          %mul3A_441 = vector.broadcast %mul3A_440 : f32 to vector<16xf32>
          %mul3A_442 = arith.mulf %mul3A_441, %div3A_439 : vector<16xf32>
          %add3A_443 = arith.constant 3.000000e-01 : f32
          %add3A_444 = vector.broadcast %add3A_443 : f32 to vector<16xf32>
          %add3A_445 = arith.addf %add3A_444, %mul3A_442 : vector<16xf32>
          %add3A_446 = arith.addf %sub3A_428, %get3A_32 : vector<16xf32>
          %add3A_447 = arith.constant 1.000000e+00 : f32
          %add3A_448 = vector.broadcast %add3A_447 : f32 to vector<16xf32>
          %add3A_449 = arith.addf %add3A_446, %add3A_448 : vector<16xf32>
          %mul3A_450 = arith.constant 5.000000e-01 : f32
          %mul3A_451 = vector.broadcast %mul3A_450 : f32 to vector<16xf32>
          %mul3A_452 = arith.mulf %add3A_449, %mul3A_451 : vector<16xf32>
          %mul3A_453 = arith.constant 2.230000e+02 : f32
          %mul3A_454 = vector.broadcast %mul3A_453 : f32 to vector<16xf32>
          %mul3A_455 = arith.mulf %mul3A_452, %mul3A_454 : vector<16xf32>
          %add3A_456 = arith.addf %sub3A_428, %get3A_34 : vector<16xf32>
          %add3A_457 = arith.constant 1.000000e+00 : f32
          %add3A_458 = vector.broadcast %add3A_457 : f32 to vector<16xf32>
          %add3A_459 = arith.addf %add3A_456, %add3A_458 : vector<16xf32>
          %mul3A_460 = arith.constant 5.000000e-01 : f32
          %mul3A_461 = vector.broadcast %mul3A_460 : f32 to vector<16xf32>
          %mul3A_462 = arith.mulf %add3A_459, %mul3A_461 : vector<16xf32>
          %mul3A_463 = arith.constant 2.230000e+02 : f32
          %mul3A_464 = vector.broadcast %mul3A_463 : f32 to vector<16xf32>
          %mul3A_465 = arith.mulf %mul3A_462, %mul3A_464 : vector<16xf32>
          %add3A_466 = arith.addf %sub3A_434, %get3A_32 : vector<16xf32>
          %add3A_467 = arith.constant 1.000000e+00 : f32
          %add3A_468 = vector.broadcast %add3A_467 : f32 to vector<16xf32>
          %add3A_469 = arith.addf %add3A_466, %add3A_468 : vector<16xf32>
          %mul3A_470 = arith.constant 5.000000e-01 : f32
          %mul3A_471 = vector.broadcast %mul3A_470 : f32 to vector<16xf32>
          %mul3A_472 = arith.mulf %add3A_469, %mul3A_471 : vector<16xf32>
          %mul3A_473 = arith.constant 2.230000e+02 : f32
          %mul3A_474 = vector.broadcast %mul3A_473 : f32 to vector<16xf32>
          %mul3A_475 = arith.mulf %mul3A_472, %mul3A_474 : vector<16xf32>
          %add3A_476 = arith.addf %sub3A_434, %get3A_34 : vector<16xf32>
          %add3A_477 = arith.constant 1.000000e+00 : f32
          %add3A_478 = vector.broadcast %add3A_477 : f32 to vector<16xf32>
          %add3A_479 = arith.addf %add3A_476, %add3A_478 : vector<16xf32>
          %mul3A_480 = arith.constant 5.000000e-01 : f32
          %mul3A_481 = vector.broadcast %mul3A_480 : f32 to vector<16xf32>
          %mul3A_482 = arith.mulf %add3A_479, %mul3A_481 : vector<16xf32>
          %mul3A_483 = arith.constant 2.230000e+02 : f32
          %mul3A_484 = vector.broadcast %mul3A_483 : f32 to vector<16xf32>
          %mul3A_485 = arith.mulf %mul3A_482, %mul3A_484 : vector<16xf32>
          %gt3A = arith.constant -1.000000e+00 : f32
          %gt3A_486 = vector.broadcast %gt3A : f32 to vector<16xf32>
          %gt3A_487 = arith.cmpf ogt, %mul3A_465, %gt3A_486 : vector<16xf32>
          %lt3A_488 = arith.constant 2.240000e+02 : f32
          %lt3A_489 = vector.broadcast %lt3A_488 : f32 to vector<16xf32>
          %lt3A_490 = arith.cmpf olt, %mul3A_455, %lt3A_489 : vector<16xf32>
          %and3A_491 = arith.andi %gt3A_487, %lt3A_490 : vector<16xi1>
          %gt3A_492 = arith.constant -1.000000e+00 : f32
          %gt3A_493 = vector.broadcast %gt3A_492 : f32 to vector<16xf32>
          %gt3A_494 = arith.cmpf ogt, %mul3A_485, %gt3A_493 : vector<16xf32>
          %and3A_495 = arith.andi %and3A_491, %gt3A_494 : vector<16xi1>
          %lt3A_496 = arith.constant 2.240000e+02 : f32
          %lt3A_497 = vector.broadcast %lt3A_496 : f32 to vector<16xf32>
          %lt3A_498 = arith.cmpf olt, %mul3A_475, %lt3A_497 : vector<16xf32>
          %and3A_499 = arith.andi %and3A_495, %lt3A_498 : vector<16xi1>
          %max3A_500 = arith.constant 0.000000e+00 : f32
          %max3A_501 = vector.broadcast %max3A_500 : f32 to vector<16xf32>
          %max3A_502 = arith.maximumf %mul3A_455, %max3A_501 : vector<16xf32>
          %min3A_503 = arith.constant 2.230000e+02 : f32
          %min3A_504 = vector.broadcast %min3A_503 : f32 to vector<16xf32>
          %min3A_505 = arith.minimumf %max3A_502, %min3A_504 : vector<16xf32>
          %convert_element_type3A_506 = arith.fptosi %min3A_505 : vector<16xf32> to vector<16xi32>
          %max3A_507 = arith.constant 0.000000e+00 : f32
          %max3A_508 = vector.broadcast %max3A_507 : f32 to vector<16xf32>
          %max3A_509 = arith.maximumf %mul3A_465, %max3A_508 : vector<16xf32>
          %min3A_510 = arith.constant 2.230000e+02 : f32
          %min3A_511 = vector.broadcast %min3A_510 : f32 to vector<16xf32>
          %min3A_512 = arith.minimumf %max3A_509, %min3A_511 : vector<16xf32>
          %convert_element_type3A_513 = arith.fptosi %min3A_512 : vector<16xf32> to vector<16xi32>
          %max3A_514 = arith.constant 0.000000e+00 : f32
          %max3A_515 = vector.broadcast %max3A_514 : f32 to vector<16xf32>
          %max3A_516 = arith.maximumf %mul3A_475, %max3A_515 : vector<16xf32>
          %min3A_517 = arith.constant 2.230000e+02 : f32
          %min3A_518 = vector.broadcast %min3A_517 : f32 to vector<16xf32>
          %min3A_519 = arith.minimumf %max3A_516, %min3A_518 : vector<16xf32>
          %convert_element_type3A_520 = arith.fptosi %min3A_519 : vector<16xf32> to vector<16xi32>
          %max3A_521 = arith.constant 0.000000e+00 : f32
          %max3A_522 = vector.broadcast %max3A_521 : f32 to vector<16xf32>
          %max3A_523 = arith.maximumf %mul3A_485, %max3A_522 : vector<16xf32>
          %min3A_524 = arith.constant 2.230000e+02 : f32
          %min3A_525 = vector.broadcast %min3A_524 : f32 to vector<16xf32>
          %min3A_526 = arith.minimumf %max3A_523, %min3A_525 : vector<16xf32>
          %convert_element_type3A_527 = arith.fptosi %min3A_526 : vector<16xf32> to vector<16xi32>
          %mul3A_528 = arith.constant 224 : i32
          %mul3A_529 = vector.broadcast %mul3A_528 : i32 to vector<16xi32>
          %mul3A_530 = arith.muli %convert_element_type3A_520, %mul3A_529 : vector<16xi32>
          %add3A_531 = arith.addi %mul3A_530, %convert_element_type3A_506 : vector<16xi32>
          %sub3A_532 = arith.subi %convert_element_type3A_513, %convert_element_type3A_506 : vector<16xi32>
          %shift_left3A = arith.constant 16 : i32
          %shift_left3A_533 = vector.broadcast %shift_left3A : i32 to vector<16xi32>
          %shift_left3A_534 = arith.shli %sub3A_532, %shift_left3A_533 : vector<16xi32>
          %or3A = arith.ori %add3A_531, %shift_left3A_534 : vector<16xi32>
          %sub3A_535 = arith.subi %convert_element_type3A_527, %convert_element_type3A_520 : vector<16xi32>
          %shift_left3A_536 = arith.constant 18 : i32
          %shift_left3A_537 = vector.broadcast %shift_left3A_536 : i32 to vector<16xi32>
          %shift_left3A_538 = arith.shli %sub3A_535, %shift_left3A_537 : vector<16xi32>
          %or3A_539 = arith.ori %or3A, %shift_left3A_538 : vector<16xi32>
          %swap3A_540 = arith.index_cast %scan3A_417 : i32 to index
          %swap3A_541 = tpu.vector_load %arg11[%swap3A_540] masked %and3A_499 {strides = array<i32>} : memref<2064xi32, #tpu.memory_space<vmem>>, vector<16xi32>, vector<16xi1>
          tpu.vector_store %arg11[%swap3A_540], %or3A_539 masked %and3A_499 {strides = array<i32>} : memref<2064xi32, #tpu.memory_space<vmem>>, vector<16xi32>, vector<16xi1>
          %swap3A_542 = arith.index_cast %scan3A_417 : i32 to index
          %swap3A_543 = tpu.vector_load %arg12[%swap3A_542] masked %and3A_499 {strides = array<i32>} : memref<2064xf32, #tpu.memory_space<vmem>>, vector<16xf32>, vector<16xi1>
          tpu.vector_store %arg12[%swap3A_542], %add3A_445 masked %and3A_499 {strides = array<i32>} : memref<2064xf32, #tpu.memory_space<vmem>>, vector<16xf32>, vector<16xi1>
          %all_reduce_population_count3A = tpu.all_reduce %and3A_499 {dim = 0 : i64, kind = #tpu.reduction_kind<sum>} : vector<16xi1> -> vector<16xi32>
          %slice3A = vector.extract_strided_slice %all_reduce_population_count3A {offsets = [0], sizes = [1], strides = [1]} : vector<16xi32> to vector<1xi32>
          %squeeze3A = vector.extract %slice3A[0] : i32 from vector<1xi32>
          %add3A_544 = arith.addi %scan3A_417, %squeeze3A : i32
          scf.yield %add3A_544 : i32
        }
        %scan3A_296 = arith.constant 128 : i32
        %broadcast_in_dim3A_297 = arith.constant 1033248 : i32
        %broadcast_in_dim3A_298 = vector.broadcast %broadcast_in_dim3A_297 : i32 to vector<16xi32>
        %swap3A_299 = arith.index_cast %scan3A_295 : i32 to index
        %swap3A_300 = tpu.vector_load %arg11[%swap3A_299] {strides = array<i32>} : memref<2064xi32, #tpu.memory_space<vmem>>, vector<16xi32>,
        tpu.vector_store %arg11[%swap3A_299], %broadcast_in_dim3A_298 {strides = array<i32>} : memref<2064xi32, #tpu.memory_space<vmem>>, vector<16xi32>,
        %add3A_301 = arith.constant 15 : i32
        %add3A_302 = arith.addi %scan3A_295, %add3A_301 : i32
        %jit3A_303 = arith.constant 16 : i32
        %div3A_304 = arith.divsi %add3A_302, %jit3A_303 : i32
        %sign3A_305 = arith.constant 0 : i32
        %sign3A_306 = arith.cmpi sgt, %add3A_302, %sign3A_305 : i32
        %sign3A_307 = arith.extui %sign3A_306 : i1 to i32
        %sign3A_308 = arith.constant 0 : i32
        %sign3A_309 = arith.cmpi slt, %add3A_302, %sign3A_308 : i32
        %sign3A_310 = arith.extui %sign3A_309 : i1 to i32
        %sign3A_311 = arith.subi %sign3A_307, %sign3A_310 : i32
        %sign3A_312 = arith.constant 0 : i32
        %sign3A_313 = arith.cmpi sgt, %jit3A_303, %sign3A_312 : i32
        %sign3A_314 = arith.extui %sign3A_313 : i1 to i32
        %sign3A_315 = arith.constant 0 : i32
        %sign3A_316 = arith.cmpi slt, %jit3A_303, %sign3A_315 : i32
        %sign3A_317 = arith.extui %sign3A_316 : i1 to i32
        %sign3A_318 = arith.subi %sign3A_314, %sign3A_317 : i32
        %ne3A_319 = arith.cmpi ne, %sign3A_311, %sign3A_318 : i32
        %rem3A_320 = arith.remsi %add3A_302, %jit3A_303 : i32
        %ne3A_321 = arith.constant 0 : i32
        %ne3A_322 = arith.cmpi ne, %rem3A_320, %ne3A_321 : i32
        %and3A_323 = arith.andi %ne3A_319, %ne3A_322 : i1
        %sub3A_324 = arith.constant 1 : i32
        %sub3A_325 = arith.subi %div3A_304, %sub3A_324 : i32
        %select_n3A_326 = arith.select %and3A_323, %sub3A_325, %div3A_304 : i32
        %while3A = arith.constant 0 : i32
        %while3A_327 = arith.constant 0 : i32
        %while3A_328 = arith.subi %select_n3A_326, %while3A : i32
        %while3A_329 = arith.addi %while3A, %while3A_328 : i32
        %while3A_330 = arith.constant 1 : i32
        %while3A_331 = arith.divsi %while3A_328, %while3A_330 : i32
        %while3A_332 = arith.muli %while3A_331, %while3A_330 : i32
        %while3A_333 = arith.addi %while3A, %while3A_332 : i32
        %while3A_334 = arith.constant 1 : i32
        %while3A_335 = scf.for %while3A_416 = %while3A to %while3A_333 step %while3A_334 iter_args(%while3A_417 = %while3A_327) -> (i32)  : i32 {
          %mul3A_418 = arith.constant 16 : i32
          %mul3A_419 = arith.muli %while3A_416, %mul3A_418 : i32
          %get3A_420 = arith.index_cast %mul3A_419 : i32 to index
          %get3A_421 = tpu.vector_load %arg11[%get3A_420] {strides = array<i32>} : memref<2064xi32, #tpu.memory_space<vmem>>, vector<16xi32>,
          %get3A_422 = arith.index_cast %mul3A_419 : i32 to index
          %get3A_423 = tpu.vector_load %arg12[%get3A_422] {strides = array<i32>} : memref<2064xf32, #tpu.memory_space<vmem>>, vector<16xf32>,
          %broadcast_in_dim3A_424 = arith.constant 0 : i32
          %broadcast_in_dim3A_425 = vector.broadcast %broadcast_in_dim3A_424 : i32 to vector<16xi32>
          %lt3A_426 = arith.constant 0 : i32
          %lt3A_427 = vector.broadcast %lt3A_426 : i32 to vector<16xi32>
          %lt3A_428 = arith.cmpi slt, %broadcast_in_dim3A_425, %lt3A_427 : vector<16xi32>
          %add3A_429 = arith.constant 16 : i32
          %add3A_430 = vector.broadcast %add3A_429 : i32 to vector<16xi32>
          %add3A_431 = arith.addi %broadcast_in_dim3A_425, %add3A_430 : vector<16xi32>
          %select_n3A_432 = arith.select %lt3A_428, %add3A_431, %broadcast_in_dim3A_425 : vector<16xi1>, vector<16xi32>
          %reshape3A = vector.shape_cast %select_n3A_432 : vector<16xi32> to vector<16x1xi32>
          %gather3A_433 = vector.shape_cast %reshape3A : vector<16x1xi32> to vector<16xi32>
          %gather3A_434 = tpu.dynamic_gather %get3A_421[%gather3A_433] in [0] : vector<16xi32>, vector<16xi32> -> vector<16xi32>
          %lt3A_435 = arith.constant 0 : i32
          %lt3A_436 = vector.broadcast %lt3A_435 : i32 to vector<16xi32>
          %lt3A_437 = arith.cmpi slt, %broadcast_in_dim3A_425, %lt3A_436 : vector<16xi32>
          %add3A_438 = arith.constant 16 : i32
          %add3A_439 = vector.broadcast %add3A_438 : i32 to vector<16xi32>
          %add3A_440 = arith.addi %broadcast_in_dim3A_425, %add3A_439 : vector<16xi32>
          %select_n3A_441 = arith.select %lt3A_437, %add3A_440, %broadcast_in_dim3A_425 : vector<16xi1>, vector<16xi32>
          %reshape3A_442 = vector.shape_cast %select_n3A_441 : vector<16xi32> to vector<16x1xi32>
          %gather3A_443 = vector.shape_cast %reshape3A_442 : vector<16x1xi32> to vector<16xi32>
          %gather3A_444 = tpu.dynamic_gather %get3A_423[%gather3A_443] in [0] : vector<16xf32>, vector<16xi32> -> vector<16xf32>
          %shift_right_arithmetic3A = arith.constant 16 : i32
          %shift_right_arithmetic3A_445 = vector.broadcast %shift_right_arithmetic3A : i32 to vector<16xi32>
          %shift_right_arithmetic3A_446 = arith.shrsi %gather3A_434, %shift_right_arithmetic3A_445 : vector<16xi32>
          %and3A_447 = arith.constant 3 : i32
          %and3A_448 = vector.broadcast %and3A_447 : i32 to vector<16xi32>
          %and3A_449 = arith.andi %shift_right_arithmetic3A_446, %and3A_448 : vector<16xi32>
          %le3A = arith.cmpi sle, %select_n3A_169, %and3A_449 : vector<16xi32>
          %shift_right_arithmetic3A_450 = arith.constant 18 : i32
          %shift_right_arithmetic3A_451 = vector.broadcast %shift_right_arithmetic3A_450 : i32 to vector<16xi32>
          %shift_right_arithmetic3A_452 = arith.shrsi %gather3A_434, %shift_right_arithmetic3A_451 : vector<16xi32>
          %le3A_453 = arith.cmpi sle, %select_n3A_203, %shift_right_arithmetic3A_452 : vector<16xi32>
          %and3A_454 = arith.andi %le3A, %le3A_453 : vector<16xi1>
          %and3A_455 = arith.constant 65535 : i32
          %and3A_456 = vector.broadcast %and3A_455 : i32 to vector<16xi32>
          %and3A_457 = arith.andi %gather3A_434, %and3A_456 : vector<16xi32>
          %add3A_458 = arith.addi %and3A_457, %add3A_207 : vector<16xi32>
          %gather3A_459 = tpu.vector_load_idx %arg13[%add3A_458] masked %and3A_454 : memref<50688xf32, #tpu.memory_space<vmem>>[vector<16xi32>], vector<16xf32>, vector<16xi1>
          %max3A_460 = arith.maximumf %gather3A_459, %gather3A_444 : vector<16xf32>
          tpu.vector_store_idx %arg13[%add3A_458], %max3A_460 masked %and3A_454 : memref<50688xf32, #tpu.memory_space<vmem>>[vector<16xi32>], vector<16xf32>, vector<16xi1>
          %broadcast_in_dim3A_461 = arith.constant 1 : i32
          %broadcast_in_dim3A_462 = vector.broadcast %broadcast_in_dim3A_461 : i32 to vector<16xi32>
          %lt3A_463 = arith.constant 0 : i32
          %lt3A_464 = vector.broadcast %lt3A_463 : i32 to vector<16xi32>
          %lt3A_465 = arith.cmpi slt, %broadcast_in_dim3A_462, %lt3A_464 : vector<16xi32>
          %add3A_466 = arith.constant 16 : i32
          %add3A_467 = vector.broadcast %add3A_466 : i32 to vector<16xi32>
          %add3A_468 = arith.addi %broadcast_in_dim3A_462, %add3A_467 : vector<16xi32>
          %select_n3A_469 = arith.select %lt3A_465, %add3A_468, %broadcast_in_dim3A_462 : vector<16xi1>, vector<16xi32>
          %reshape3A_470 = vector.shape_cast %select_n3A_469 : vector<16xi32> to vector<16x1xi32>
          %gather3A_471 = vector.shape_cast %reshape3A_470 : vector<16x1xi32> to vector<16xi32>
          %gather3A_472 = tpu.dynamic_gather %get3A_421[%gather3A_471] in [0] : vector<16xi32>, vector<16xi32> -> vector<16xi32>
          %lt3A_473 = arith.constant 0 : i32
          %lt3A_474 = vector.broadcast %lt3A_473 : i32 to vector<16xi32>
          %lt3A_475 = arith.cmpi slt, %broadcast_in_dim3A_462, %lt3A_474 : vector<16xi32>
          %add3A_476 = arith.constant 16 : i32
          %add3A_477 = vector.broadcast %add3A_476 : i32 to vector<16xi32>
          %add3A_478 = arith.addi %broadcast_in_dim3A_462, %add3A_477 : vector<16xi32>
          %select_n3A_479 = arith.select %lt3A_475, %add3A_478, %broadcast_in_dim3A_462 : vector<16xi1>, vector<16xi32>
          %reshape3A_480 = vector.shape_cast %select_n3A_479 : vector<16xi32> to vector<16x1xi32>
          %gather3A_481 = vector.shape_cast %reshape3A_480 : vector<16x1xi32> to vector<16xi32>
          %gather3A_482 = tpu.dynamic_gather %get3A_423[%gather3A_481] in [0] : vector<16xf32>, vector<16xi32> -> vector<16xf32>
          %shift_right_arithmetic3A_483 = arith.constant 16 : i32
          %shift_right_arithmetic3A_484 = vector.broadcast %shift_right_arithmetic3A_483 : i32 to vector<16xi32>
          %shift_right_arithmetic3A_485 = arith.shrsi %gather3A_472, %shift_right_arithmetic3A_484 : vector<16xi32>
          %and3A_486 = arith.constant 3 : i32
          %and3A_487 = vector.broadcast %and3A_486 : i32 to vector<16xi32>
          %and3A_488 = arith.andi %shift_right_arithmetic3A_485, %and3A_487 : vector<16xi32>
          %le3A_489 = arith.cmpi sle, %select_n3A_169, %and3A_488 : vector<16xi32>
          %shift_right_arithmetic3A_490 = arith.constant 18 : i32
          %shift_right_arithmetic3A_491 = vector.broadcast %shift_right_arithmetic3A_490 : i32 to vector<16xi32>
          %shift_right_arithmetic3A_492 = arith.shrsi %gather3A_472, %shift_right_arithmetic3A_491 : vector<16xi32>
          %le3A_493 = arith.cmpi sle, %select_n3A_203, %shift_right_arithmetic3A_492 : vector<16xi32>
          %and3A_494 = arith.andi %le3A_489, %le3A_493 : vector<16xi1>
          %and3A_495 = arith.constant 65535 : i32
          %and3A_496 = vector.broadcast %and3A_495 : i32 to vector<16xi32>
          %and3A_497 = arith.andi %gather3A_472, %and3A_496 : vector<16xi32>
          %add3A_498 = arith.addi %and3A_497, %add3A_207 : vector<16xi32>
          %gather3A_499 = tpu.vector_load_idx %arg14[%add3A_498] masked %and3A_494 : memref<50688xf32, #tpu.memory_space<vmem>>[vector<16xi32>], vector<16xf32>, vector<16xi1>
          %max3A_500 = arith.maximumf %gather3A_499, %gather3A_482 : vector<16xf32>
          tpu.vector_store_idx %arg14[%add3A_498], %max3A_500 masked %and3A_494 : memref<50688xf32, #tpu.memory_space<vmem>>[vector<16xi32>], vector<16xf32>, vector<16xi1>
          %broadcast_in_dim3A_501 = arith.constant 2 : i32
          %broadcast_in_dim3A_502 = vector.broadcast %broadcast_in_dim3A_501 : i32 to vector<16xi32>
          %lt3A_503 = arith.constant 0 : i32
          %lt3A_504 = vector.broadcast %lt3A_503 : i32 to vector<16xi32>
          %lt3A_505 = arith.cmpi slt, %broadcast_in_dim3A_502, %lt3A_504 : vector<16xi32>
          %add3A_506 = arith.constant 16 : i32
          %add3A_507 = vector.broadcast %add3A_506 : i32 to vector<16xi32>
          %add3A_508 = arith.addi %broadcast_in_dim3A_502, %add3A_507 : vector<16xi32>
          %select_n3A_509 = arith.select %lt3A_505, %add3A_508, %broadcast_in_dim3A_502 : vector<16xi1>, vector<16xi32>
          %reshape3A_510 = vector.shape_cast %select_n3A_509 : vector<16xi32> to vector<16x1xi32>
          %gather3A_511 = vector.shape_cast %reshape3A_510 : vector<16x1xi32> to vector<16xi32>
          %gather3A_512 = tpu.dynamic_gather %get3A_421[%gather3A_511] in [0] : vector<16xi32>, vector<16xi32> -> vector<16xi32>
          %lt3A_513 = arith.constant 0 : i32
          %lt3A_514 = vector.broadcast %lt3A_513 : i32 to vector<16xi32>
          %lt3A_515 = arith.cmpi slt, %broadcast_in_dim3A_502, %lt3A_514 : vector<16xi32>
          %add3A_516 = arith.constant 16 : i32
          %add3A_517 = vector.broadcast %add3A_516 : i32 to vector<16xi32>
          %add3A_518 = arith.addi %broadcast_in_dim3A_502, %add3A_517 : vector<16xi32>
          %select_n3A_519 = arith.select %lt3A_515, %add3A_518, %broadcast_in_dim3A_502 : vector<16xi1>, vector<16xi32>
          %reshape3A_520 = vector.shape_cast %select_n3A_519 : vector<16xi32> to vector<16x1xi32>
          %gather3A_521 = vector.shape_cast %reshape3A_520 : vector<16x1xi32> to vector<16xi32>
          %gather3A_522 = tpu.dynamic_gather %get3A_423[%gather3A_521] in [0] : vector<16xf32>, vector<16xi32> -> vector<16xf32>
          %shift_right_arithmetic3A_523 = arith.constant 16 : i32
          %shift_right_arithmetic3A_524 = vector.broadcast %shift_right_arithmetic3A_523 : i32 to vector<16xi32>
          %shift_right_arithmetic3A_525 = arith.shrsi %gather3A_512, %shift_right_arithmetic3A_524 : vector<16xi32>
          %and3A_526 = arith.constant 3 : i32
          %and3A_527 = vector.broadcast %and3A_526 : i32 to vector<16xi32>
          %and3A_528 = arith.andi %shift_right_arithmetic3A_525, %and3A_527 : vector<16xi32>
          %le3A_529 = arith.cmpi sle, %select_n3A_169, %and3A_528 : vector<16xi32>
          %shift_right_arithmetic3A_530 = arith.constant 18 : i32
          %shift_right_arithmetic3A_531 = vector.broadcast %shift_right_arithmetic3A_530 : i32 to vector<16xi32>
          %shift_right_arithmetic3A_532 = arith.shrsi %gather3A_512, %shift_right_arithmetic3A_531 : vector<16xi32>
          %le3A_533 = arith.cmpi sle, %select_n3A_203, %shift_right_arithmetic3A_532 : vector<16xi32>
          %and3A_534 = arith.andi %le3A_529, %le3A_533 : vector<16xi1>
          %and3A_535 = arith.constant 65535 : i32
          %and3A_536 = vector.broadcast %and3A_535 : i32 to vector<16xi32>
          %and3A_537 = arith.andi %gather3A_512, %and3A_536 : vector<16xi32>
          %add3A_538 = arith.addi %and3A_537, %add3A_207 : vector<16xi32>
          %gather3A_539 = tpu.vector_load_idx %arg13[%add3A_538] masked %and3A_534 : memref<50688xf32, #tpu.memory_space<vmem>>[vector<16xi32>], vector<16xf32>, vector<16xi1>
          %max3A_540 = arith.maximumf %gather3A_539, %gather3A_522 : vector<16xf32>
          tpu.vector_store_idx %arg13[%add3A_538], %max3A_540 masked %and3A_534 : memref<50688xf32, #tpu.memory_space<vmem>>[vector<16xi32>], vector<16xf32>, vector<16xi1>
          %broadcast_in_dim3A_541 = arith.constant 3 : i32
          %broadcast_in_dim3A_542 = vector.broadcast %broadcast_in_dim3A_541 : i32 to vector<16xi32>
          %lt3A_543 = arith.constant 0 : i32
          %lt3A_544 = vector.broadcast %lt3A_543 : i32 to vector<16xi32>
          %lt3A_545 = arith.cmpi slt, %broadcast_in_dim3A_542, %lt3A_544 : vector<16xi32>
          %add3A_546 = arith.constant 16 : i32
          %add3A_547 = vector.broadcast %add3A_546 : i32 to vector<16xi32>
          %add3A_548 = arith.addi %broadcast_in_dim3A_542, %add3A_547 : vector<16xi32>
          %select_n3A_549 = arith.select %lt3A_545, %add3A_548, %broadcast_in_dim3A_542 : vector<16xi1>, vector<16xi32>
          %reshape3A_550 = vector.shape_cast %select_n3A_549 : vector<16xi32> to vector<16x1xi32>
          %gather3A_551 = vector.shape_cast %reshape3A_550 : vector<16x1xi32> to vector<16xi32>
          %gather3A_552 = tpu.dynamic_gather %get3A_421[%gather3A_551] in [0] : vector<16xi32>, vector<16xi32> -> vector<16xi32>
          %lt3A_553 = arith.constant 0 : i32
          %lt3A_554 = vector.broadcast %lt3A_553 : i32 to vector<16xi32>
          %lt3A_555 = arith.cmpi slt, %broadcast_in_dim3A_542, %lt3A_554 : vector<16xi32>
          %add3A_556 = arith.constant 16 : i32
          %add3A_557 = vector.broadcast %add3A_556 : i32 to vector<16xi32>
          %add3A_558 = arith.addi %broadcast_in_dim3A_542, %add3A_557 : vector<16xi32>
          %select_n3A_559 = arith.select %lt3A_555, %add3A_558, %broadcast_in_dim3A_542 : vector<16xi1>, vector<16xi32>
          %reshape3A_560 = vector.shape_cast %select_n3A_559 : vector<16xi32> to vector<16x1xi32>
          %gather3A_561 = vector.shape_cast %reshape3A_560 : vector<16x1xi32> to vector<16xi32>
          %gather3A_562 = tpu.dynamic_gather %get3A_423[%gather3A_561] in [0] : vector<16xf32>, vector<16xi32> -> vector<16xf32>
          %shift_right_arithmetic3A_563 = arith.constant 16 : i32
          %shift_right_arithmetic3A_564 = vector.broadcast %shift_right_arithmetic3A_563 : i32 to vector<16xi32>
          %shift_right_arithmetic3A_565 = arith.shrsi %gather3A_552, %shift_right_arithmetic3A_564 : vector<16xi32>
          %and3A_566 = arith.constant 3 : i32
          %and3A_567 = vector.broadcast %and3A_566 : i32 to vector<16xi32>
          %and3A_568 = arith.andi %shift_right_arithmetic3A_565, %and3A_567 : vector<16xi32>
          %le3A_569 = arith.cmpi sle, %select_n3A_169, %and3A_568 : vector<16xi32>
          %shift_right_arithmetic3A_570 = arith.constant 18 : i32
          %shift_right_arithmetic3A_571 = vector.broadcast %shift_right_arithmetic3A_570 : i32 to vector<16xi32>
          %shift_right_arithmetic3A_572 = arith.shrsi %gather3A_552, %shift_right_arithmetic3A_571 : vector<16xi32>
          %le3A_573 = arith.cmpi sle, %select_n3A_203, %shift_right_arithmetic3A_572 : vector<16xi32>
          %and3A_574 = arith.andi %le3A_569, %le3A_573 : vector<16xi1>
          %and3A_575 = arith.constant 65535 : i32
          %and3A_576 = vector.broadcast %and3A_575 : i32 to vector<16xi32>
          %and3A_577 = arith.andi %gather3A_552, %and3A_576 : vector<16xi32>
          %add3A_578 = arith.addi %and3A_577, %add3A_207 : vector<16xi32>
          %gather3A_579 = tpu.vector_load_idx %arg14[%add3A_578] masked %and3A_574 : memref<50688xf32, #tpu.memory_space<vmem>>[vector<16xi32>], vector<16xf32>, vector<16xi1>
          %max3A_580 = arith.maximumf %gather3A_579, %gather3A_562 : vector<16xf32>
          tpu.vector_store_idx %arg14[%add3A_578], %max3A_580 masked %and3A_574 : memref<50688xf32, #tpu.memory_space<vmem>>[vector<16xi32>], vector<16xf32>, vector<16xi1>
          %broadcast_in_dim3A_581 = arith.constant 4 : i32
          %broadcast_in_dim3A_582 = vector.broadcast %broadcast_in_dim3A_581 : i32 to vector<16xi32>
          %lt3A_583 = arith.constant 0 : i32
          %lt3A_584 = vector.broadcast %lt3A_583 : i32 to vector<16xi32>
          %lt3A_585 = arith.cmpi slt, %broadcast_in_dim3A_582, %lt3A_584 : vector<16xi32>
          %add3A_586 = arith.constant 16 : i32
          %add3A_587 = vector.broadcast %add3A_586 : i32 to vector<16xi32>
          %add3A_588 = arith.addi %broadcast_in_dim3A_582, %add3A_587 : vector<16xi32>
          %select_n3A_589 = arith.select %lt3A_585, %add3A_588, %broadcast_in_dim3A_582 : vector<16xi1>, vector<16xi32>
          %reshape3A_590 = vector.shape_cast %select_n3A_589 : vector<16xi32> to vector<16x1xi32>
          %gather3A_591 = vector.shape_cast %reshape3A_590 : vector<16x1xi32> to vector<16xi32>
          %gather3A_592 = tpu.dynamic_gather %get3A_421[%gather3A_591] in [0] : vector<16xi32>, vector<16xi32> -> vector<16xi32>
          %lt3A_593 = arith.constant 0 : i32
          %lt3A_594 = vector.broadcast %lt3A_593 : i32 to vector<16xi32>
          %lt3A_595 = arith.cmpi slt, %broadcast_in_dim3A_582, %lt3A_594 : vector<16xi32>
          %add3A_596 = arith.constant 16 : i32
          %add3A_597 = vector.broadcast %add3A_596 : i32 to vector<16xi32>
          %add3A_598 = arith.addi %broadcast_in_dim3A_582, %add3A_597 : vector<16xi32>
          %select_n3A_599 = arith.select %lt3A_595, %add3A_598, %broadcast_in_dim3A_582 : vector<16xi1>, vector<16xi32>
          %reshape3A_600 = vector.shape_cast %select_n3A_599 : vector<16xi32> to vector<16x1xi32>
          %gather3A_601 = vector.shape_cast %reshape3A_600 : vector<16x1xi32> to vector<16xi32>
          %gather3A_602 = tpu.dynamic_gather %get3A_423[%gather3A_601] in [0] : vector<16xf32>, vector<16xi32> -> vector<16xf32>
          %shift_right_arithmetic3A_603 = arith.constant 16 : i32
          %shift_right_arithmetic3A_604 = vector.broadcast %shift_right_arithmetic3A_603 : i32 to vector<16xi32>
          %shift_right_arithmetic3A_605 = arith.shrsi %gather3A_592, %shift_right_arithmetic3A_604 : vector<16xi32>
          %and3A_606 = arith.constant 3 : i32
          %and3A_607 = vector.broadcast %and3A_606 : i32 to vector<16xi32>
          %and3A_608 = arith.andi %shift_right_arithmetic3A_605, %and3A_607 : vector<16xi32>
          %le3A_609 = arith.cmpi sle, %select_n3A_169, %and3A_608 : vector<16xi32>
          %shift_right_arithmetic3A_610 = arith.constant 18 : i32
          %shift_right_arithmetic3A_611 = vector.broadcast %shift_right_arithmetic3A_610 : i32 to vector<16xi32>
          %shift_right_arithmetic3A_612 = arith.shrsi %gather3A_592, %shift_right_arithmetic3A_611 : vector<16xi32>
          %le3A_613 = arith.cmpi sle, %select_n3A_203, %shift_right_arithmetic3A_612 : vector<16xi32>
          %and3A_614 = arith.andi %le3A_609, %le3A_613 : vector<16xi1>
          %and3A_615 = arith.constant 65535 : i32
          %and3A_616 = vector.broadcast %and3A_615 : i32 to vector<16xi32>
          %and3A_617 = arith.andi %gather3A_592, %and3A_616 : vector<16xi32>
          %add3A_618 = arith.addi %and3A_617, %add3A_207 : vector<16xi32>
          %gather3A_619 = tpu.vector_load_idx %arg13[%add3A_618] masked %and3A_614 : memref<50688xf32, #tpu.memory_space<vmem>>[vector<16xi32>], vector<16xf32>, vector<16xi1>
          %max3A_620 = arith.maximumf %gather3A_619, %gather3A_602 : vector<16xf32>
          tpu.vector_store_idx %arg13[%add3A_618], %max3A_620 masked %and3A_614 : memref<50688xf32, #tpu.memory_space<vmem>>[vector<16xi32>], vector<16xf32>, vector<16xi1>
          %broadcast_in_dim3A_621 = arith.constant 5 : i32
          %broadcast_in_dim3A_622 = vector.broadcast %broadcast_in_dim3A_621 : i32 to vector<16xi32>
          %lt3A_623 = arith.constant 0 : i32
          %lt3A_624 = vector.broadcast %lt3A_623 : i32 to vector<16xi32>
          %lt3A_625 = arith.cmpi slt, %broadcast_in_dim3A_622, %lt3A_624 : vector<16xi32>
          %add3A_626 = arith.constant 16 : i32
          %add3A_627 = vector.broadcast %add3A_626 : i32 to vector<16xi32>
          %add3A_628 = arith.addi %broadcast_in_dim3A_622, %add3A_627 : vector<16xi32>
          %select_n3A_629 = arith.select %lt3A_625, %add3A_628, %broadcast_in_dim3A_622 : vector<16xi1>, vector<16xi32>
          %reshape3A_630 = vector.shape_cast %select_n3A_629 : vector<16xi32> to vector<16x1xi32>
          %gather3A_631 = vector.shape_cast %reshape3A_630 : vector<16x1xi32> to vector<16xi32>
          %gather3A_632 = tpu.dynamic_gather %get3A_421[%gather3A_631] in [0] : vector<16xi32>, vector<16xi32> -> vector<16xi32>
          %lt3A_633 = arith.constant 0 : i32
          %lt3A_634 = vector.broadcast %lt3A_633 : i32 to vector<16xi32>
          %lt3A_635 = arith.cmpi slt, %broadcast_in_dim3A_622, %lt3A_634 : vector<16xi32>
          %add3A_636 = arith.constant 16 : i32
          %add3A_637 = vector.broadcast %add3A_636 : i32 to vector<16xi32>
          %add3A_638 = arith.addi %broadcast_in_dim3A_622, %add3A_637 : vector<16xi32>
          %select_n3A_639 = arith.select %lt3A_635, %add3A_638, %broadcast_in_dim3A_622 : vector<16xi1>, vector<16xi32>
          %reshape3A_640 = vector.shape_cast %select_n3A_639 : vector<16xi32> to vector<16x1xi32>
          %gather3A_641 = vector.shape_cast %reshape3A_640 : vector<16x1xi32> to vector<16xi32>
          %gather3A_642 = tpu.dynamic_gather %get3A_423[%gather3A_641] in [0] : vector<16xf32>, vector<16xi32> -> vector<16xf32>
          %shift_right_arithmetic3A_643 = arith.constant 16 : i32
          %shift_right_arithmetic3A_644 = vector.broadcast %shift_right_arithmetic3A_643 : i32 to vector<16xi32>
          %shift_right_arithmetic3A_645 = arith.shrsi %gather3A_632, %shift_right_arithmetic3A_644 : vector<16xi32>
          %and3A_646 = arith.constant 3 : i32
          %and3A_647 = vector.broadcast %and3A_646 : i32 to vector<16xi32>
          %and3A_648 = arith.andi %shift_right_arithmetic3A_645, %and3A_647 : vector<16xi32>
          %le3A_649 = arith.cmpi sle, %select_n3A_169, %and3A_648 : vector<16xi32>
          %shift_right_arithmetic3A_650 = arith.constant 18 : i32
          %shift_right_arithmetic3A_651 = vector.broadcast %shift_right_arithmetic3A_650 : i32 to vector<16xi32>
          %shift_right_arithmetic3A_652 = arith.shrsi %gather3A_632, %shift_right_arithmetic3A_651 : vector<16xi32>
          %le3A_653 = arith.cmpi sle, %select_n3A_203, %shift_right_arithmetic3A_652 : vector<16xi32>
          %and3A_654 = arith.andi %le3A_649, %le3A_653 : vector<16xi1>
          %and3A_655 = arith.constant 65535 : i32
          %and3A_656 = vector.broadcast %and3A_655 : i32 to vector<16xi32>
          %and3A_657 = arith.andi %gather3A_632, %and3A_656 : vector<16xi32>
          %add3A_658 = arith.addi %and3A_657, %add3A_207 : vector<16xi32>
          %gather3A_659 = tpu.vector_load_idx %arg14[%add3A_658] masked %and3A_654 : memref<50688xf32, #tpu.memory_space<vmem>>[vector<16xi32>], vector<16xf32>, vector<16xi1>
          %max3A_660 = arith.maximumf %gather3A_659, %gather3A_642 : vector<16xf32>
          tpu.vector_store_idx %arg14[%add3A_658], %max3A_660 masked %and3A_654 : memref<50688xf32, #tpu.memory_space<vmem>>[vector<16xi32>], vector<16xf32>, vector<16xi1>
          %broadcast_in_dim3A_661 = arith.constant 6 : i32
          %broadcast_in_dim3A_662 = vector.broadcast %broadcast_in_dim3A_661 : i32 to vector<16xi32>
          %lt3A_663 = arith.constant 0 : i32
          %lt3A_664 = vector.broadcast %lt3A_663 : i32 to vector<16xi32>
          %lt3A_665 = arith.cmpi slt, %broadcast_in_dim3A_662, %lt3A_664 : vector<16xi32>
          %add3A_666 = arith.constant 16 : i32
          %add3A_667 = vector.broadcast %add3A_666 : i32 to vector<16xi32>
          %add3A_668 = arith.addi %broadcast_in_dim3A_662, %add3A_667 : vector<16xi32>
          %select_n3A_669 = arith.select %lt3A_665, %add3A_668, %broadcast_in_dim3A_662 : vector<16xi1>, vector<16xi32>
          %reshape3A_670 = vector.shape_cast %select_n3A_669 : vector<16xi32> to vector<16x1xi32>
          %gather3A_671 = vector.shape_cast %reshape3A_670 : vector<16x1xi32> to vector<16xi32>
          %gather3A_672 = tpu.dynamic_gather %get3A_421[%gather3A_671] in [0] : vector<16xi32>, vector<16xi32> -> vector<16xi32>
          %lt3A_673 = arith.constant 0 : i32
          %lt3A_674 = vector.broadcast %lt3A_673 : i32 to vector<16xi32>
          %lt3A_675 = arith.cmpi slt, %broadcast_in_dim3A_662, %lt3A_674 : vector<16xi32>
          %add3A_676 = arith.constant 16 : i32
          %add3A_677 = vector.broadcast %add3A_676 : i32 to vector<16xi32>
          %add3A_678 = arith.addi %broadcast_in_dim3A_662, %add3A_677 : vector<16xi32>
          %select_n3A_679 = arith.select %lt3A_675, %add3A_678, %broadcast_in_dim3A_662 : vector<16xi1>, vector<16xi32>
          %reshape3A_680 = vector.shape_cast %select_n3A_679 : vector<16xi32> to vector<16x1xi32>
          %gather3A_681 = vector.shape_cast %reshape3A_680 : vector<16x1xi32> to vector<16xi32>
          %gather3A_682 = tpu.dynamic_gather %get3A_423[%gather3A_681] in [0] : vector<16xf32>, vector<16xi32> -> vector<16xf32>
          %shift_right_arithmetic3A_683 = arith.constant 16 : i32
          %shift_right_arithmetic3A_684 = vector.broadcast %shift_right_arithmetic3A_683 : i32 to vector<16xi32>
          %shift_right_arithmetic3A_685 = arith.shrsi %gather3A_672, %shift_right_arithmetic3A_684 : vector<16xi32>
          %and3A_686 = arith.constant 3 : i32
          %and3A_687 = vector.broadcast %and3A_686 : i32 to vector<16xi32>
          %and3A_688 = arith.andi %shift_right_arithmetic3A_685, %and3A_687 : vector<16xi32>
          %le3A_689 = arith.cmpi sle, %select_n3A_169, %and3A_688 : vector<16xi32>
          %shift_right_arithmetic3A_690 = arith.constant 18 : i32
          %shift_right_arithmetic3A_691 = vector.broadcast %shift_right_arithmetic3A_690 : i32 to vector<16xi32>
          %shift_right_arithmetic3A_692 = arith.shrsi %gather3A_672, %shift_right_arithmetic3A_691 : vector<16xi32>
          %le3A_693 = arith.cmpi sle, %select_n3A_203, %shift_right_arithmetic3A_692 : vector<16xi32>
          %and3A_694 = arith.andi %le3A_689, %le3A_693 : vector<16xi1>
          %and3A_695 = arith.constant 65535 : i32
          %and3A_696 = vector.broadcast %and3A_695 : i32 to vector<16xi32>
          %and3A_697 = arith.andi %gather3A_672, %and3A_696 : vector<16xi32>
          %add3A_698 = arith.addi %and3A_697, %add3A_207 : vector<16xi32>
          %gather3A_699 = tpu.vector_load_idx %arg13[%add3A_698] masked %and3A_694 : memref<50688xf32, #tpu.memory_space<vmem>>[vector<16xi32>], vector<16xf32>, vector<16xi1>
          %max3A_700 = arith.maximumf %gather3A_699, %gather3A_682 : vector<16xf32>
          tpu.vector_store_idx %arg13[%add3A_698], %max3A_700 masked %and3A_694 : memref<50688xf32, #tpu.memory_space<vmem>>[vector<16xi32>], vector<16xf32>, vector<16xi1>
          %broadcast_in_dim3A_701 = arith.constant 7 : i32
          %broadcast_in_dim3A_702 = vector.broadcast %broadcast_in_dim3A_701 : i32 to vector<16xi32>
          %lt3A_703 = arith.constant 0 : i32
          %lt3A_704 = vector.broadcast %lt3A_703 : i32 to vector<16xi32>
          %lt3A_705 = arith.cmpi slt, %broadcast_in_dim3A_702, %lt3A_704 : vector<16xi32>
          %add3A_706 = arith.constant 16 : i32
          %add3A_707 = vector.broadcast %add3A_706 : i32 to vector<16xi32>
          %add3A_708 = arith.addi %broadcast_in_dim3A_702, %add3A_707 : vector<16xi32>
          %select_n3A_709 = arith.select %lt3A_705, %add3A_708, %broadcast_in_dim3A_702 : vector<16xi1>, vector<16xi32>
          %reshape3A_710 = vector.shape_cast %select_n3A_709 : vector<16xi32> to vector<16x1xi32>
          %gather3A_711 = vector.shape_cast %reshape3A_710 : vector<16x1xi32> to vector<16xi32>
          %gather3A_712 = tpu.dynamic_gather %get3A_421[%gather3A_711] in [0] : vector<16xi32>, vector<16xi32> -> vector<16xi32>
          %lt3A_713 = arith.constant 0 : i32
          %lt3A_714 = vector.broadcast %lt3A_713 : i32 to vector<16xi32>
          %lt3A_715 = arith.cmpi slt, %broadcast_in_dim3A_702, %lt3A_714 : vector<16xi32>
          %add3A_716 = arith.constant 16 : i32
          %add3A_717 = vector.broadcast %add3A_716 : i32 to vector<16xi32>
          %add3A_718 = arith.addi %broadcast_in_dim3A_702, %add3A_717 : vector<16xi32>
          %select_n3A_719 = arith.select %lt3A_715, %add3A_718, %broadcast_in_dim3A_702 : vector<16xi1>, vector<16xi32>
          %reshape3A_720 = vector.shape_cast %select_n3A_719 : vector<16xi32> to vector<16x1xi32>
          %gather3A_721 = vector.shape_cast %reshape3A_720 : vector<16x1xi32> to vector<16xi32>
          %gather3A_722 = tpu.dynamic_gather %get3A_423[%gather3A_721] in [0] : vector<16xf32>, vector<16xi32> -> vector<16xf32>
          %shift_right_arithmetic3A_723 = arith.constant 16 : i32
          %shift_right_arithmetic3A_724 = vector.broadcast %shift_right_arithmetic3A_723 : i32 to vector<16xi32>
          %shift_right_arithmetic3A_725 = arith.shrsi %gather3A_712, %shift_right_arithmetic3A_724 : vector<16xi32>
          %and3A_726 = arith.constant 3 : i32
          %and3A_727 = vector.broadcast %and3A_726 : i32 to vector<16xi32>
          %and3A_728 = arith.andi %shift_right_arithmetic3A_725, %and3A_727 : vector<16xi32>
          %le3A_729 = arith.cmpi sle, %select_n3A_169, %and3A_728 : vector<16xi32>
          %shift_right_arithmetic3A_730 = arith.constant 18 : i32
          %shift_right_arithmetic3A_731 = vector.broadcast %shift_right_arithmetic3A_730 : i32 to vector<16xi32>
          %shift_right_arithmetic3A_732 = arith.shrsi %gather3A_712, %shift_right_arithmetic3A_731 : vector<16xi32>
          %le3A_733 = arith.cmpi sle, %select_n3A_203, %shift_right_arithmetic3A_732 : vector<16xi32>
          %and3A_734 = arith.andi %le3A_729, %le3A_733 : vector<16xi1>
          %and3A_735 = arith.constant 65535 : i32
          %and3A_736 = vector.broadcast %and3A_735 : i32 to vector<16xi32>
          %and3A_737 = arith.andi %gather3A_712, %and3A_736 : vector<16xi32>
          %add3A_738 = arith.addi %and3A_737, %add3A_207 : vector<16xi32>
          %gather3A_739 = tpu.vector_load_idx %arg14[%add3A_738] masked %and3A_734 : memref<50688xf32, #tpu.memory_space<vmem>>[vector<16xi32>], vector<16xf32>, vector<16xi1>
          %max3A_740 = arith.maximumf %gather3A_739, %gather3A_722 : vector<16xf32>
          tpu.vector_store_idx %arg14[%add3A_738], %max3A_740 masked %and3A_734 : memref<50688xf32, #tpu.memory_space<vmem>>[vector<16xi32>], vector<16xf32>, vector<16xi1>
          %broadcast_in_dim3A_741 = arith.constant 8 : i32
          %broadcast_in_dim3A_742 = vector.broadcast %broadcast_in_dim3A_741 : i32 to vector<16xi32>
          %lt3A_743 = arith.constant 0 : i32
          %lt3A_744 = vector.broadcast %lt3A_743 : i32 to vector<16xi32>
          %lt3A_745 = arith.cmpi slt, %broadcast_in_dim3A_742, %lt3A_744 : vector<16xi32>
          %add3A_746 = arith.constant 16 : i32
          %add3A_747 = vector.broadcast %add3A_746 : i32 to vector<16xi32>
          %add3A_748 = arith.addi %broadcast_in_dim3A_742, %add3A_747 : vector<16xi32>
          %select_n3A_749 = arith.select %lt3A_745, %add3A_748, %broadcast_in_dim3A_742 : vector<16xi1>, vector<16xi32>
          %reshape3A_750 = vector.shape_cast %select_n3A_749 : vector<16xi32> to vector<16x1xi32>
          %gather3A_751 = vector.shape_cast %reshape3A_750 : vector<16x1xi32> to vector<16xi32>
          %gather3A_752 = tpu.dynamic_gather %get3A_421[%gather3A_751] in [0] : vector<16xi32>, vector<16xi32> -> vector<16xi32>
          %lt3A_753 = arith.constant 0 : i32
          %lt3A_754 = vector.broadcast %lt3A_753 : i32 to vector<16xi32>
          %lt3A_755 = arith.cmpi slt, %broadcast_in_dim3A_742, %lt3A_754 : vector<16xi32>
          %add3A_756 = arith.constant 16 : i32
          %add3A_757 = vector.broadcast %add3A_756 : i32 to vector<16xi32>
          %add3A_758 = arith.addi %broadcast_in_dim3A_742, %add3A_757 : vector<16xi32>
          %select_n3A_759 = arith.select %lt3A_755, %add3A_758, %broadcast_in_dim3A_742 : vector<16xi1>, vector<16xi32>
          %reshape3A_760 = vector.shape_cast %select_n3A_759 : vector<16xi32> to vector<16x1xi32>
          %gather3A_761 = vector.shape_cast %reshape3A_760 : vector<16x1xi32> to vector<16xi32>
          %gather3A_762 = tpu.dynamic_gather %get3A_423[%gather3A_761] in [0] : vector<16xf32>, vector<16xi32> -> vector<16xf32>
          %shift_right_arithmetic3A_763 = arith.constant 16 : i32
          %shift_right_arithmetic3A_764 = vector.broadcast %shift_right_arithmetic3A_763 : i32 to vector<16xi32>
          %shift_right_arithmetic3A_765 = arith.shrsi %gather3A_752, %shift_right_arithmetic3A_764 : vector<16xi32>
          %and3A_766 = arith.constant 3 : i32
          %and3A_767 = vector.broadcast %and3A_766 : i32 to vector<16xi32>
          %and3A_768 = arith.andi %shift_right_arithmetic3A_765, %and3A_767 : vector<16xi32>
          %le3A_769 = arith.cmpi sle, %select_n3A_169, %and3A_768 : vector<16xi32>
          %shift_right_arithmetic3A_770 = arith.constant 18 : i32
          %shift_right_arithmetic3A_771 = vector.broadcast %shift_right_arithmetic3A_770 : i32 to vector<16xi32>
          %shift_right_arithmetic3A_772 = arith.shrsi %gather3A_752, %shift_right_arithmetic3A_771 : vector<16xi32>
          %le3A_773 = arith.cmpi sle, %select_n3A_203, %shift_right_arithmetic3A_772 : vector<16xi32>
          %and3A_774 = arith.andi %le3A_769, %le3A_773 : vector<16xi1>
          %and3A_775 = arith.constant 65535 : i32
          %and3A_776 = vector.broadcast %and3A_775 : i32 to vector<16xi32>
          %and3A_777 = arith.andi %gather3A_752, %and3A_776 : vector<16xi32>
          %add3A_778 = arith.addi %and3A_777, %add3A_207 : vector<16xi32>
          %gather3A_779 = tpu.vector_load_idx %arg13[%add3A_778] masked %and3A_774 : memref<50688xf32, #tpu.memory_space<vmem>>[vector<16xi32>], vector<16xf32>, vector<16xi1>
          %max3A_780 = arith.maximumf %gather3A_779, %gather3A_762 : vector<16xf32>
          tpu.vector_store_idx %arg13[%add3A_778], %max3A_780 masked %and3A_774 : memref<50688xf32, #tpu.memory_space<vmem>>[vector<16xi32>], vector<16xf32>, vector<16xi1>
          %broadcast_in_dim3A_781 = arith.constant 9 : i32
          %broadcast_in_dim3A_782 = vector.broadcast %broadcast_in_dim3A_781 : i32 to vector<16xi32>
          %lt3A_783 = arith.constant 0 : i32
          %lt3A_784 = vector.broadcast %lt3A_783 : i32 to vector<16xi32>
          %lt3A_785 = arith.cmpi slt, %broadcast_in_dim3A_782, %lt3A_784 : vector<16xi32>
          %add3A_786 = arith.constant 16 : i32
          %add3A_787 = vector.broadcast %add3A_786 : i32 to vector<16xi32>
          %add3A_788 = arith.addi %broadcast_in_dim3A_782, %add3A_787 : vector<16xi32>
          %select_n3A_789 = arith.select %lt3A_785, %add3A_788, %broadcast_in_dim3A_782 : vector<16xi1>, vector<16xi32>
          %reshape3A_790 = vector.shape_cast %select_n3A_789 : vector<16xi32> to vector<16x1xi32>
          %gather3A_791 = vector.shape_cast %reshape3A_790 : vector<16x1xi32> to vector<16xi32>
          %gather3A_792 = tpu.dynamic_gather %get3A_421[%gather3A_791] in [0] : vector<16xi32>, vector<16xi32> -> vector<16xi32>
          %lt3A_793 = arith.constant 0 : i32
          %lt3A_794 = vector.broadcast %lt3A_793 : i32 to vector<16xi32>
          %lt3A_795 = arith.cmpi slt, %broadcast_in_dim3A_782, %lt3A_794 : vector<16xi32>
          %add3A_796 = arith.constant 16 : i32
          %add3A_797 = vector.broadcast %add3A_796 : i32 to vector<16xi32>
          %add3A_798 = arith.addi %broadcast_in_dim3A_782, %add3A_797 : vector<16xi32>
          %select_n3A_799 = arith.select %lt3A_795, %add3A_798, %broadcast_in_dim3A_782 : vector<16xi1>, vector<16xi32>
          %reshape3A_800 = vector.shape_cast %select_n3A_799 : vector<16xi32> to vector<16x1xi32>
          %gather3A_801 = vector.shape_cast %reshape3A_800 : vector<16x1xi32> to vector<16xi32>
          %gather3A_802 = tpu.dynamic_gather %get3A_423[%gather3A_801] in [0] : vector<16xf32>, vector<16xi32> -> vector<16xf32>
          %shift_right_arithmetic3A_803 = arith.constant 16 : i32
          %shift_right_arithmetic3A_804 = vector.broadcast %shift_right_arithmetic3A_803 : i32 to vector<16xi32>
          %shift_right_arithmetic3A_805 = arith.shrsi %gather3A_792, %shift_right_arithmetic3A_804 : vector<16xi32>
          %and3A_806 = arith.constant 3 : i32
          %and3A_807 = vector.broadcast %and3A_806 : i32 to vector<16xi32>
          %and3A_808 = arith.andi %shift_right_arithmetic3A_805, %and3A_807 : vector<16xi32>
          %le3A_809 = arith.cmpi sle, %select_n3A_169, %and3A_808 : vector<16xi32>
          %shift_right_arithmetic3A_810 = arith.constant 18 : i32
          %shift_right_arithmetic3A_811 = vector.broadcast %shift_right_arithmetic3A_810 : i32 to vector<16xi32>
          %shift_right_arithmetic3A_812 = arith.shrsi %gather3A_792, %shift_right_arithmetic3A_811 : vector<16xi32>
          %le3A_813 = arith.cmpi sle, %select_n3A_203, %shift_right_arithmetic3A_812 : vector<16xi32>
          %and3A_814 = arith.andi %le3A_809, %le3A_813 : vector<16xi1>
          %and3A_815 = arith.constant 65535 : i32
          %and3A_816 = vector.broadcast %and3A_815 : i32 to vector<16xi32>
          %and3A_817 = arith.andi %gather3A_792, %and3A_816 : vector<16xi32>
          %add3A_818 = arith.addi %and3A_817, %add3A_207 : vector<16xi32>
          %gather3A_819 = tpu.vector_load_idx %arg14[%add3A_818] masked %and3A_814 : memref<50688xf32, #tpu.memory_space<vmem>>[vector<16xi32>], vector<16xf32>, vector<16xi1>
          %max3A_820 = arith.maximumf %gather3A_819, %gather3A_802 : vector<16xf32>
          tpu.vector_store_idx %arg14[%add3A_818], %max3A_820 masked %and3A_814 : memref<50688xf32, #tpu.memory_space<vmem>>[vector<16xi32>], vector<16xf32>, vector<16xi1>
          %broadcast_in_dim3A_821 = arith.constant 10 : i32
          %broadcast_in_dim3A_822 = vector.broadcast %broadcast_in_dim3A_821 : i32 to vector<16xi32>
          %lt3A_823 = arith.constant 0 : i32
          %lt3A_824 = vector.broadcast %lt3A_823 : i32 to vector<16xi32>
          %lt3A_825 = arith.cmpi slt, %broadcast_in_dim3A_822, %lt3A_824 : vector<16xi32>
          %add3A_826 = arith.constant 16 : i32
          %add3A_827 = vector.broadcast %add3A_826 : i32 to vector<16xi32>
          %add3A_828 = arith.addi %broadcast_in_dim3A_822, %add3A_827 : vector<16xi32>
          %select_n3A_829 = arith.select %lt3A_825, %add3A_828, %broadcast_in_dim3A_822 : vector<16xi1>, vector<16xi32>
          %reshape3A_830 = vector.shape_cast %select_n3A_829 : vector<16xi32> to vector<16x1xi32>
          %gather3A_831 = vector.shape_cast %reshape3A_830 : vector<16x1xi32> to vector<16xi32>
          %gather3A_832 = tpu.dynamic_gather %get3A_421[%gather3A_831] in [0] : vector<16xi32>, vector<16xi32> -> vector<16xi32>
          %lt3A_833 = arith.constant 0 : i32
          %lt3A_834 = vector.broadcast %lt3A_833 : i32 to vector<16xi32>
          %lt3A_835 = arith.cmpi slt, %broadcast_in_dim3A_822, %lt3A_834 : vector<16xi32>
          %add3A_836 = arith.constant 16 : i32
          %add3A_837 = vector.broadcast %add3A_836 : i32 to vector<16xi32>
          %add3A_838 = arith.addi %broadcast_in_dim3A_822, %add3A_837 : vector<16xi32>
          %select_n3A_839 = arith.select %lt3A_835, %add3A_838, %broadcast_in_dim3A_822 : vector<16xi1>, vector<16xi32>
          %reshape3A_840 = vector.shape_cast %select_n3A_839 : vector<16xi32> to vector<16x1xi32>
          %gather3A_841 = vector.shape_cast %reshape3A_840 : vector<16x1xi32> to vector<16xi32>
          %gather3A_842 = tpu.dynamic_gather %get3A_423[%gather3A_841] in [0] : vector<16xf32>, vector<16xi32> -> vector<16xf32>
          %shift_right_arithmetic3A_843 = arith.constant 16 : i32
          %shift_right_arithmetic3A_844 = vector.broadcast %shift_right_arithmetic3A_843 : i32 to vector<16xi32>
          %shift_right_arithmetic3A_845 = arith.shrsi %gather3A_832, %shift_right_arithmetic3A_844 : vector<16xi32>
          %and3A_846 = arith.constant 3 : i32
          %and3A_847 = vector.broadcast %and3A_846 : i32 to vector<16xi32>
          %and3A_848 = arith.andi %shift_right_arithmetic3A_845, %and3A_847 : vector<16xi32>
          %le3A_849 = arith.cmpi sle, %select_n3A_169, %and3A_848 : vector<16xi32>
          %shift_right_arithmetic3A_850 = arith.constant 18 : i32
          %shift_right_arithmetic3A_851 = vector.broadcast %shift_right_arithmetic3A_850 : i32 to vector<16xi32>
          %shift_right_arithmetic3A_852 = arith.shrsi %gather3A_832, %shift_right_arithmetic3A_851 : vector<16xi32>
          %le3A_853 = arith.cmpi sle, %select_n3A_203, %shift_right_arithmetic3A_852 : vector<16xi32>
          %and3A_854 = arith.andi %le3A_849, %le3A_853 : vector<16xi1>
          %and3A_855 = arith.constant 65535 : i32
          %and3A_856 = vector.broadcast %and3A_855 : i32 to vector<16xi32>
          %and3A_857 = arith.andi %gather3A_832, %and3A_856 : vector<16xi32>
          %add3A_858 = arith.addi %and3A_857, %add3A_207 : vector<16xi32>
          %gather3A_859 = tpu.vector_load_idx %arg13[%add3A_858] masked %and3A_854 : memref<50688xf32, #tpu.memory_space<vmem>>[vector<16xi32>], vector<16xf32>, vector<16xi1>
          %max3A_860 = arith.maximumf %gather3A_859, %gather3A_842 : vector<16xf32>
          tpu.vector_store_idx %arg13[%add3A_858], %max3A_860 masked %and3A_854 : memref<50688xf32, #tpu.memory_space<vmem>>[vector<16xi32>], vector<16xf32>, vector<16xi1>
          %broadcast_in_dim3A_861 = arith.constant 11 : i32
          %broadcast_in_dim3A_862 = vector.broadcast %broadcast_in_dim3A_861 : i32 to vector<16xi32>
          %lt3A_863 = arith.constant 0 : i32
          %lt3A_864 = vector.broadcast %lt3A_863 : i32 to vector<16xi32>
          %lt3A_865 = arith.cmpi slt, %broadcast_in_dim3A_862, %lt3A_864 : vector<16xi32>
          %add3A_866 = arith.constant 16 : i32
          %add3A_867 = vector.broadcast %add3A_866 : i32 to vector<16xi32>
          %add3A_868 = arith.addi %broadcast_in_dim3A_862, %add3A_867 : vector<16xi32>
          %select_n3A_869 = arith.select %lt3A_865, %add3A_868, %broadcast_in_dim3A_862 : vector<16xi1>, vector<16xi32>
          %reshape3A_870 = vector.shape_cast %select_n3A_869 : vector<16xi32> to vector<16x1xi32>
          %gather3A_871 = vector.shape_cast %reshape3A_870 : vector<16x1xi32> to vector<16xi32>
          %gather3A_872 = tpu.dynamic_gather %get3A_421[%gather3A_871] in [0] : vector<16xi32>, vector<16xi32> -> vector<16xi32>
          %lt3A_873 = arith.constant 0 : i32
          %lt3A_874 = vector.broadcast %lt3A_873 : i32 to vector<16xi32>
          %lt3A_875 = arith.cmpi slt, %broadcast_in_dim3A_862, %lt3A_874 : vector<16xi32>
          %add3A_876 = arith.constant 16 : i32
          %add3A_877 = vector.broadcast %add3A_876 : i32 to vector<16xi32>
          %add3A_878 = arith.addi %broadcast_in_dim3A_862, %add3A_877 : vector<16xi32>
          %select_n3A_879 = arith.select %lt3A_875, %add3A_878, %broadcast_in_dim3A_862 : vector<16xi1>, vector<16xi32>
          %reshape3A_880 = vector.shape_cast %select_n3A_879 : vector<16xi32> to vector<16x1xi32>
          %gather3A_881 = vector.shape_cast %reshape3A_880 : vector<16x1xi32> to vector<16xi32>
          %gather3A_882 = tpu.dynamic_gather %get3A_423[%gather3A_881] in [0] : vector<16xf32>, vector<16xi32> -> vector<16xf32>
          %shift_right_arithmetic3A_883 = arith.constant 16 : i32
          %shift_right_arithmetic3A_884 = vector.broadcast %shift_right_arithmetic3A_883 : i32 to vector<16xi32>
          %shift_right_arithmetic3A_885 = arith.shrsi %gather3A_872, %shift_right_arithmetic3A_884 : vector<16xi32>
          %and3A_886 = arith.constant 3 : i32
          %and3A_887 = vector.broadcast %and3A_886 : i32 to vector<16xi32>
          %and3A_888 = arith.andi %shift_right_arithmetic3A_885, %and3A_887 : vector<16xi32>
          %le3A_889 = arith.cmpi sle, %select_n3A_169, %and3A_888 : vector<16xi32>
          %shift_right_arithmetic3A_890 = arith.constant 18 : i32
          %shift_right_arithmetic3A_891 = vector.broadcast %shift_right_arithmetic3A_890 : i32 to vector<16xi32>
          %shift_right_arithmetic3A_892 = arith.shrsi %gather3A_872, %shift_right_arithmetic3A_891 : vector<16xi32>
          %le3A_893 = arith.cmpi sle, %select_n3A_203, %shift_right_arithmetic3A_892 : vector<16xi32>
          %and3A_894 = arith.andi %le3A_889, %le3A_893 : vector<16xi1>
          %and3A_895 = arith.constant 65535 : i32
          %and3A_896 = vector.broadcast %and3A_895 : i32 to vector<16xi32>
          %and3A_897 = arith.andi %gather3A_872, %and3A_896 : vector<16xi32>
          %add3A_898 = arith.addi %and3A_897, %add3A_207 : vector<16xi32>
          %gather3A_899 = tpu.vector_load_idx %arg14[%add3A_898] masked %and3A_894 : memref<50688xf32, #tpu.memory_space<vmem>>[vector<16xi32>], vector<16xf32>, vector<16xi1>
          %max3A_900 = arith.maximumf %gather3A_899, %gather3A_882 : vector<16xf32>
          tpu.vector_store_idx %arg14[%add3A_898], %max3A_900 masked %and3A_894 : memref<50688xf32, #tpu.memory_space<vmem>>[vector<16xi32>], vector<16xf32>, vector<16xi1>
          %broadcast_in_dim3A_901 = arith.constant 12 : i32
          %broadcast_in_dim3A_902 = vector.broadcast %broadcast_in_dim3A_901 : i32 to vector<16xi32>
          %lt3A_903 = arith.constant 0 : i32
          %lt3A_904 = vector.broadcast %lt3A_903 : i32 to vector<16xi32>
          %lt3A_905 = arith.cmpi slt, %broadcast_in_dim3A_902, %lt3A_904 : vector<16xi32>
          %add3A_906 = arith.constant 16 : i32
          %add3A_907 = vector.broadcast %add3A_906 : i32 to vector<16xi32>
          %add3A_908 = arith.addi %broadcast_in_dim3A_902, %add3A_907 : vector<16xi32>
          %select_n3A_909 = arith.select %lt3A_905, %add3A_908, %broadcast_in_dim3A_902 : vector<16xi1>, vector<16xi32>
          %reshape3A_910 = vector.shape_cast %select_n3A_909 : vector<16xi32> to vector<16x1xi32>
          %gather3A_911 = vector.shape_cast %reshape3A_910 : vector<16x1xi32> to vector<16xi32>
          %gather3A_912 = tpu.dynamic_gather %get3A_421[%gather3A_911] in [0] : vector<16xi32>, vector<16xi32> -> vector<16xi32>
          %lt3A_913 = arith.constant 0 : i32
          %lt3A_914 = vector.broadcast %lt3A_913 : i32 to vector<16xi32>
          %lt3A_915 = arith.cmpi slt, %broadcast_in_dim3A_902, %lt3A_914 : vector<16xi32>
          %add3A_916 = arith.constant 16 : i32
          %add3A_917 = vector.broadcast %add3A_916 : i32 to vector<16xi32>
          %add3A_918 = arith.addi %broadcast_in_dim3A_902, %add3A_917 : vector<16xi32>
          %select_n3A_919 = arith.select %lt3A_915, %add3A_918, %broadcast_in_dim3A_902 : vector<16xi1>, vector<16xi32>
          %reshape3A_920 = vector.shape_cast %select_n3A_919 : vector<16xi32> to vector<16x1xi32>
          %gather3A_921 = vector.shape_cast %reshape3A_920 : vector<16x1xi32> to vector<16xi32>
          %gather3A_922 = tpu.dynamic_gather %get3A_423[%gather3A_921] in [0] : vector<16xf32>, vector<16xi32> -> vector<16xf32>
          %shift_right_arithmetic3A_923 = arith.constant 16 : i32
          %shift_right_arithmetic3A_924 = vector.broadcast %shift_right_arithmetic3A_923 : i32 to vector<16xi32>
          %shift_right_arithmetic3A_925 = arith.shrsi %gather3A_912, %shift_right_arithmetic3A_924 : vector<16xi32>
          %and3A_926 = arith.constant 3 : i32
          %and3A_927 = vector.broadcast %and3A_926 : i32 to vector<16xi32>
          %and3A_928 = arith.andi %shift_right_arithmetic3A_925, %and3A_927 : vector<16xi32>
          %le3A_929 = arith.cmpi sle, %select_n3A_169, %and3A_928 : vector<16xi32>
          %shift_right_arithmetic3A_930 = arith.constant 18 : i32
          %shift_right_arithmetic3A_931 = vector.broadcast %shift_right_arithmetic3A_930 : i32 to vector<16xi32>
          %shift_right_arithmetic3A_932 = arith.shrsi %gather3A_912, %shift_right_arithmetic3A_931 : vector<16xi32>
          %le3A_933 = arith.cmpi sle, %select_n3A_203, %shift_right_arithmetic3A_932 : vector<16xi32>
          %and3A_934 = arith.andi %le3A_929, %le3A_933 : vector<16xi1>
          %and3A_935 = arith.constant 65535 : i32
          %and3A_936 = vector.broadcast %and3A_935 : i32 to vector<16xi32>
          %and3A_937 = arith.andi %gather3A_912, %and3A_936 : vector<16xi32>
          %add3A_938 = arith.addi %and3A_937, %add3A_207 : vector<16xi32>
          %gather3A_939 = tpu.vector_load_idx %arg13[%add3A_938] masked %and3A_934 : memref<50688xf32, #tpu.memory_space<vmem>>[vector<16xi32>], vector<16xf32>, vector<16xi1>
          %max3A_940 = arith.maximumf %gather3A_939, %gather3A_922 : vector<16xf32>
          tpu.vector_store_idx %arg13[%add3A_938], %max3A_940 masked %and3A_934 : memref<50688xf32, #tpu.memory_space<vmem>>[vector<16xi32>], vector<16xf32>, vector<16xi1>
          %broadcast_in_dim3A_941 = arith.constant 13 : i32
          %broadcast_in_dim3A_942 = vector.broadcast %broadcast_in_dim3A_941 : i32 to vector<16xi32>
          %lt3A_943 = arith.constant 0 : i32
          %lt3A_944 = vector.broadcast %lt3A_943 : i32 to vector<16xi32>
          %lt3A_945 = arith.cmpi slt, %broadcast_in_dim3A_942, %lt3A_944 : vector<16xi32>
          %add3A_946 = arith.constant 16 : i32
          %add3A_947 = vector.broadcast %add3A_946 : i32 to vector<16xi32>
          %add3A_948 = arith.addi %broadcast_in_dim3A_942, %add3A_947 : vector<16xi32>
          %select_n3A_949 = arith.select %lt3A_945, %add3A_948, %broadcast_in_dim3A_942 : vector<16xi1>, vector<16xi32>
          %reshape3A_950 = vector.shape_cast %select_n3A_949 : vector<16xi32> to vector<16x1xi32>
          %gather3A_951 = vector.shape_cast %reshape3A_950 : vector<16x1xi32> to vector<16xi32>
          %gather3A_952 = tpu.dynamic_gather %get3A_421[%gather3A_951] in [0] : vector<16xi32>, vector<16xi32> -> vector<16xi32>
          %lt3A_953 = arith.constant 0 : i32
          %lt3A_954 = vector.broadcast %lt3A_953 : i32 to vector<16xi32>
          %lt3A_955 = arith.cmpi slt, %broadcast_in_dim3A_942, %lt3A_954 : vector<16xi32>
          %add3A_956 = arith.constant 16 : i32
          %add3A_957 = vector.broadcast %add3A_956 : i32 to vector<16xi32>
          %add3A_958 = arith.addi %broadcast_in_dim3A_942, %add3A_957 : vector<16xi32>
          %select_n3A_959 = arith.select %lt3A_955, %add3A_958, %broadcast_in_dim3A_942 : vector<16xi1>, vector<16xi32>
          %reshape3A_960 = vector.shape_cast %select_n3A_959 : vector<16xi32> to vector<16x1xi32>
          %gather3A_961 = vector.shape_cast %reshape3A_960 : vector<16x1xi32> to vector<16xi32>
          %gather3A_962 = tpu.dynamic_gather %get3A_423[%gather3A_961] in [0] : vector<16xf32>, vector<16xi32> -> vector<16xf32>
          %shift_right_arithmetic3A_963 = arith.constant 16 : i32
          %shift_right_arithmetic3A_964 = vector.broadcast %shift_right_arithmetic3A_963 : i32 to vector<16xi32>
          %shift_right_arithmetic3A_965 = arith.shrsi %gather3A_952, %shift_right_arithmetic3A_964 : vector<16xi32>
          %and3A_966 = arith.constant 3 : i32
          %and3A_967 = vector.broadcast %and3A_966 : i32 to vector<16xi32>
          %and3A_968 = arith.andi %shift_right_arithmetic3A_965, %and3A_967 : vector<16xi32>
          %le3A_969 = arith.cmpi sle, %select_n3A_169, %and3A_968 : vector<16xi32>
          %shift_right_arithmetic3A_970 = arith.constant 18 : i32
          %shift_right_arithmetic3A_971 = vector.broadcast %shift_right_arithmetic3A_970 : i32 to vector<16xi32>
          %shift_right_arithmetic3A_972 = arith.shrsi %gather3A_952, %shift_right_arithmetic3A_971 : vector<16xi32>
          %le3A_973 = arith.cmpi sle, %select_n3A_203, %shift_right_arithmetic3A_972 : vector<16xi32>
          %and3A_974 = arith.andi %le3A_969, %le3A_973 : vector<16xi1>
          %and3A_975 = arith.constant 65535 : i32
          %and3A_976 = vector.broadcast %and3A_975 : i32 to vector<16xi32>
          %and3A_977 = arith.andi %gather3A_952, %and3A_976 : vector<16xi32>
          %add3A_978 = arith.addi %and3A_977, %add3A_207 : vector<16xi32>
          %gather3A_979 = tpu.vector_load_idx %arg14[%add3A_978] masked %and3A_974 : memref<50688xf32, #tpu.memory_space<vmem>>[vector<16xi32>], vector<16xf32>, vector<16xi1>
          %max3A_980 = arith.maximumf %gather3A_979, %gather3A_962 : vector<16xf32>
          tpu.vector_store_idx %arg14[%add3A_978], %max3A_980 masked %and3A_974 : memref<50688xf32, #tpu.memory_space<vmem>>[vector<16xi32>], vector<16xf32>, vector<16xi1>
          %broadcast_in_dim3A_981 = arith.constant 14 : i32
          %broadcast_in_dim3A_982 = vector.broadcast %broadcast_in_dim3A_981 : i32 to vector<16xi32>
          %lt3A_983 = arith.constant 0 : i32
          %lt3A_984 = vector.broadcast %lt3A_983 : i32 to vector<16xi32>
          %lt3A_985 = arith.cmpi slt, %broadcast_in_dim3A_982, %lt3A_984 : vector<16xi32>
          %add3A_986 = arith.constant 16 : i32
          %add3A_987 = vector.broadcast %add3A_986 : i32 to vector<16xi32>
          %add3A_988 = arith.addi %broadcast_in_dim3A_982, %add3A_987 : vector<16xi32>
          %select_n3A_989 = arith.select %lt3A_985, %add3A_988, %broadcast_in_dim3A_982 : vector<16xi1>, vector<16xi32>
          %reshape3A_990 = vector.shape_cast %select_n3A_989 : vector<16xi32> to vector<16x1xi32>
          %gather3A_991 = vector.shape_cast %reshape3A_990 : vector<16x1xi32> to vector<16xi32>
          %gather3A_992 = tpu.dynamic_gather %get3A_421[%gather3A_991] in [0] : vector<16xi32>, vector<16xi32> -> vector<16xi32>
          %lt3A_993 = arith.constant 0 : i32
          %lt3A_994 = vector.broadcast %lt3A_993 : i32 to vector<16xi32>
          %lt3A_995 = arith.cmpi slt, %broadcast_in_dim3A_982, %lt3A_994 : vector<16xi32>
          %add3A_996 = arith.constant 16 : i32
          %add3A_997 = vector.broadcast %add3A_996 : i32 to vector<16xi32>
          %add3A_998 = arith.addi %broadcast_in_dim3A_982, %add3A_997 : vector<16xi32>
          %select_n3A_999 = arith.select %lt3A_995, %add3A_998, %broadcast_in_dim3A_982 : vector<16xi1>, vector<16xi32>
          %reshape3A_1000 = vector.shape_cast %select_n3A_999 : vector<16xi32> to vector<16x1xi32>
          %gather3A_1001 = vector.shape_cast %reshape3A_1000 : vector<16x1xi32> to vector<16xi32>
          %gather3A_1002 = tpu.dynamic_gather %get3A_423[%gather3A_1001] in [0] : vector<16xf32>, vector<16xi32> -> vector<16xf32>
          %shift_right_arithmetic3A_1003 = arith.constant 16 : i32
          %shift_right_arithmetic3A_1004 = vector.broadcast %shift_right_arithmetic3A_1003 : i32 to vector<16xi32>
          %shift_right_arithmetic3A_1005 = arith.shrsi %gather3A_992, %shift_right_arithmetic3A_1004 : vector<16xi32>
          %and3A_1006 = arith.constant 3 : i32
          %and3A_1007 = vector.broadcast %and3A_1006 : i32 to vector<16xi32>
          %and3A_1008 = arith.andi %shift_right_arithmetic3A_1005, %and3A_1007 : vector<16xi32>
          %le3A_1009 = arith.cmpi sle, %select_n3A_169, %and3A_1008 : vector<16xi32>
          %shift_right_arithmetic3A_1010 = arith.constant 18 : i32
          %shift_right_arithmetic3A_1011 = vector.broadcast %shift_right_arithmetic3A_1010 : i32 to vector<16xi32>
          %shift_right_arithmetic3A_1012 = arith.shrsi %gather3A_992, %shift_right_arithmetic3A_1011 : vector<16xi32>
          %le3A_1013 = arith.cmpi sle, %select_n3A_203, %shift_right_arithmetic3A_1012 : vector<16xi32>
          %and3A_1014 = arith.andi %le3A_1009, %le3A_1013 : vector<16xi1>
          %and3A_1015 = arith.constant 65535 : i32
          %and3A_1016 = vector.broadcast %and3A_1015 : i32 to vector<16xi32>
          %and3A_1017 = arith.andi %gather3A_992, %and3A_1016 : vector<16xi32>
          %add3A_1018 = arith.addi %and3A_1017, %add3A_207 : vector<16xi32>
          %gather3A_1019 = tpu.vector_load_idx %arg13[%add3A_1018] masked %and3A_1014 : memref<50688xf32, #tpu.memory_space<vmem>>[vector<16xi32>], vector<16xf32>, vector<16xi1>
          %max3A_1020 = arith.maximumf %gather3A_1019, %gather3A_1002 : vector<16xf32>
          tpu.vector_store_idx %arg13[%add3A_1018], %max3A_1020 masked %and3A_1014 : memref<50688xf32, #tpu.memory_space<vmem>>[vector<16xi32>], vector<16xf32>, vector<16xi1>
          %broadcast_in_dim3A_1021 = arith.constant 15 : i32
          %broadcast_in_dim3A_1022 = vector.broadcast %broadcast_in_dim3A_1021 : i32 to vector<16xi32>
          %lt3A_1023 = arith.constant 0 : i32
          %lt3A_1024 = vector.broadcast %lt3A_1023 : i32 to vector<16xi32>
          %lt3A_1025 = arith.cmpi slt, %broadcast_in_dim3A_1022, %lt3A_1024 : vector<16xi32>
          %add3A_1026 = arith.constant 16 : i32
          %add3A_1027 = vector.broadcast %add3A_1026 : i32 to vector<16xi32>
          %add3A_1028 = arith.addi %broadcast_in_dim3A_1022, %add3A_1027 : vector<16xi32>
          %select_n3A_1029 = arith.select %lt3A_1025, %add3A_1028, %broadcast_in_dim3A_1022 : vector<16xi1>, vector<16xi32>
          %reshape3A_1030 = vector.shape_cast %select_n3A_1029 : vector<16xi32> to vector<16x1xi32>
          %gather3A_1031 = vector.shape_cast %reshape3A_1030 : vector<16x1xi32> to vector<16xi32>
          %gather3A_1032 = tpu.dynamic_gather %get3A_421[%gather3A_1031] in [0] : vector<16xi32>, vector<16xi32> -> vector<16xi32>
          %lt3A_1033 = arith.constant 0 : i32
          %lt3A_1034 = vector.broadcast %lt3A_1033 : i32 to vector<16xi32>
          %lt3A_1035 = arith.cmpi slt, %broadcast_in_dim3A_1022, %lt3A_1034 : vector<16xi32>
          %add3A_1036 = arith.constant 16 : i32
          %add3A_1037 = vector.broadcast %add3A_1036 : i32 to vector<16xi32>
          %add3A_1038 = arith.addi %broadcast_in_dim3A_1022, %add3A_1037 : vector<16xi32>
          %select_n3A_1039 = arith.select %lt3A_1035, %add3A_1038, %broadcast_in_dim3A_1022 : vector<16xi1>, vector<16xi32>
          %reshape3A_1040 = vector.shape_cast %select_n3A_1039 : vector<16xi32> to vector<16x1xi32>
          %gather3A_1041 = vector.shape_cast %reshape3A_1040 : vector<16x1xi32> to vector<16xi32>
          %gather3A_1042 = tpu.dynamic_gather %get3A_423[%gather3A_1041] in [0] : vector<16xf32>, vector<16xi32> -> vector<16xf32>
          %shift_right_arithmetic3A_1043 = arith.constant 16 : i32
          %shift_right_arithmetic3A_1044 = vector.broadcast %shift_right_arithmetic3A_1043 : i32 to vector<16xi32>
          %shift_right_arithmetic3A_1045 = arith.shrsi %gather3A_1032, %shift_right_arithmetic3A_1044 : vector<16xi32>
          %and3A_1046 = arith.constant 3 : i32
          %and3A_1047 = vector.broadcast %and3A_1046 : i32 to vector<16xi32>
          %and3A_1048 = arith.andi %shift_right_arithmetic3A_1045, %and3A_1047 : vector<16xi32>
          %le3A_1049 = arith.cmpi sle, %select_n3A_169, %and3A_1048 : vector<16xi32>
          %shift_right_arithmetic3A_1050 = arith.constant 18 : i32
          %shift_right_arithmetic3A_1051 = vector.broadcast %shift_right_arithmetic3A_1050 : i32 to vector<16xi32>
          %shift_right_arithmetic3A_1052 = arith.shrsi %gather3A_1032, %shift_right_arithmetic3A_1051 : vector<16xi32>
          %le3A_1053 = arith.cmpi sle, %select_n3A_203, %shift_right_arithmetic3A_1052 : vector<16xi32>
          %and3A_1054 = arith.andi %le3A_1049, %le3A_1053 : vector<16xi1>
          %and3A_1055 = arith.constant 65535 : i32
          %and3A_1056 = vector.broadcast %and3A_1055 : i32 to vector<16xi32>
          %and3A_1057 = arith.andi %gather3A_1032, %and3A_1056 : vector<16xi32>
          %add3A_1058 = arith.addi %and3A_1057, %add3A_207 : vector<16xi32>
          %gather3A_1059 = tpu.vector_load_idx %arg14[%add3A_1058] masked %and3A_1054 : memref<50688xf32, #tpu.memory_space<vmem>>[vector<16xi32>], vector<16xf32>, vector<16xi1>
          %max3A_1060 = arith.maximumf %gather3A_1059, %gather3A_1042 : vector<16xf32>
          tpu.vector_store_idx %arg14[%add3A_1058], %max3A_1060 masked %and3A_1054 : memref<50688xf32, #tpu.memory_space<vmem>>[vector<16xi32>], vector<16xf32>, vector<16xi1>
          %while3A_1061 = arith.constant 0 : i32
          scf.yield %while3A_1061 : i32
        }
        %while3A_336 = arith.constant 1 : i32
        %while3A_337 = scf.for %while3A_416 = %while3A_333 to %while3A_329 step %while3A_336 iter_args(%while3A_417 = %while3A_335) -> (i32)  : i32 {
          %mul3A_418 = arith.constant 16 : i32
          %mul3A_419 = arith.muli %while3A_416, %mul3A_418 : i32
          %get3A_420 = arith.index_cast %mul3A_419 : i32 to index
          %get3A_421 = tpu.vector_load %arg11[%get3A_420] {strides = array<i32>} : memref<2064xi32, #tpu.memory_space<vmem>>, vector<16xi32>,
          %get3A_422 = arith.index_cast %mul3A_419 : i32 to index
          %get3A_423 = tpu.vector_load %arg12[%get3A_422] {strides = array<i32>} : memref<2064xf32, #tpu.memory_space<vmem>>, vector<16xf32>,
          %broadcast_in_dim3A_424 = arith.constant 0 : i32
          %broadcast_in_dim3A_425 = vector.broadcast %broadcast_in_dim3A_424 : i32 to vector<16xi32>
          %lt3A_426 = arith.constant 0 : i32
          %lt3A_427 = vector.broadcast %lt3A_426 : i32 to vector<16xi32>
          %lt3A_428 = arith.cmpi slt, %broadcast_in_dim3A_425, %lt3A_427 : vector<16xi32>
          %add3A_429 = arith.constant 16 : i32
          %add3A_430 = vector.broadcast %add3A_429 : i32 to vector<16xi32>
          %add3A_431 = arith.addi %broadcast_in_dim3A_425, %add3A_430 : vector<16xi32>
          %select_n3A_432 = arith.select %lt3A_428, %add3A_431, %broadcast_in_dim3A_425 : vector<16xi1>, vector<16xi32>
          %reshape3A = vector.shape_cast %select_n3A_432 : vector<16xi32> to vector<16x1xi32>
          %gather3A_433 = vector.shape_cast %reshape3A : vector<16x1xi32> to vector<16xi32>
          %gather3A_434 = tpu.dynamic_gather %get3A_421[%gather3A_433] in [0] : vector<16xi32>, vector<16xi32> -> vector<16xi32>
          %lt3A_435 = arith.constant 0 : i32
          %lt3A_436 = vector.broadcast %lt3A_435 : i32 to vector<16xi32>
          %lt3A_437 = arith.cmpi slt, %broadcast_in_dim3A_425, %lt3A_436 : vector<16xi32>
          %add3A_438 = arith.constant 16 : i32
          %add3A_439 = vector.broadcast %add3A_438 : i32 to vector<16xi32>
          %add3A_440 = arith.addi %broadcast_in_dim3A_425, %add3A_439 : vector<16xi32>
          %select_n3A_441 = arith.select %lt3A_437, %add3A_440, %broadcast_in_dim3A_425 : vector<16xi1>, vector<16xi32>
          %reshape3A_442 = vector.shape_cast %select_n3A_441 : vector<16xi32> to vector<16x1xi32>
          %gather3A_443 = vector.shape_cast %reshape3A_442 : vector<16x1xi32> to vector<16xi32>
          %gather3A_444 = tpu.dynamic_gather %get3A_423[%gather3A_443] in [0] : vector<16xf32>, vector<16xi32> -> vector<16xf32>
          %shift_right_arithmetic3A = arith.constant 16 : i32
          %shift_right_arithmetic3A_445 = vector.broadcast %shift_right_arithmetic3A : i32 to vector<16xi32>
          %shift_right_arithmetic3A_446 = arith.shrsi %gather3A_434, %shift_right_arithmetic3A_445 : vector<16xi32>
          %and3A_447 = arith.constant 3 : i32
          %and3A_448 = vector.broadcast %and3A_447 : i32 to vector<16xi32>
          %and3A_449 = arith.andi %shift_right_arithmetic3A_446, %and3A_448 : vector<16xi32>
          %le3A = arith.cmpi sle, %select_n3A_169, %and3A_449 : vector<16xi32>
          %shift_right_arithmetic3A_450 = arith.constant 18 : i32
          %shift_right_arithmetic3A_451 = vector.broadcast %shift_right_arithmetic3A_450 : i32 to vector<16xi32>
          %shift_right_arithmetic3A_452 = arith.shrsi %gather3A_434, %shift_right_arithmetic3A_451 : vector<16xi32>
          %le3A_453 = arith.cmpi sle, %select_n3A_203, %shift_right_arithmetic3A_452 : vector<16xi32>
          %and3A_454 = arith.andi %le3A, %le3A_453 : vector<16xi1>
          %and3A_455 = arith.constant 65535 : i32
          %and3A_456 = vector.broadcast %and3A_455 : i32 to vector<16xi32>
          %and3A_457 = arith.andi %gather3A_434, %and3A_456 : vector<16xi32>
          %add3A_458 = arith.addi %and3A_457, %add3A_207 : vector<16xi32>
          %gather3A_459 = tpu.vector_load_idx %arg13[%add3A_458] masked %and3A_454 : memref<50688xf32, #tpu.memory_space<vmem>>[vector<16xi32>], vector<16xf32>, vector<16xi1>
          %max3A_460 = arith.maximumf %gather3A_459, %gather3A_444 : vector<16xf32>
          tpu.vector_store_idx %arg13[%add3A_458], %max3A_460 masked %and3A_454 : memref<50688xf32, #tpu.memory_space<vmem>>[vector<16xi32>], vector<16xf32>, vector<16xi1>
          %broadcast_in_dim3A_461 = arith.constant 1 : i32
          %broadcast_in_dim3A_462 = vector.broadcast %broadcast_in_dim3A_461 : i32 to vector<16xi32>
          %lt3A_463 = arith.constant 0 : i32
          %lt3A_464 = vector.broadcast %lt3A_463 : i32 to vector<16xi32>
          %lt3A_465 = arith.cmpi slt, %broadcast_in_dim3A_462, %lt3A_464 : vector<16xi32>
          %add3A_466 = arith.constant 16 : i32
          %add3A_467 = vector.broadcast %add3A_466 : i32 to vector<16xi32>
          %add3A_468 = arith.addi %broadcast_in_dim3A_462, %add3A_467 : vector<16xi32>
          %select_n3A_469 = arith.select %lt3A_465, %add3A_468, %broadcast_in_dim3A_462 : vector<16xi1>, vector<16xi32>
          %reshape3A_470 = vector.shape_cast %select_n3A_469 : vector<16xi32> to vector<16x1xi32>
          %gather3A_471 = vector.shape_cast %reshape3A_470 : vector<16x1xi32> to vector<16xi32>
          %gather3A_472 = tpu.dynamic_gather %get3A_421[%gather3A_471] in [0] : vector<16xi32>, vector<16xi32> -> vector<16xi32>
          %lt3A_473 = arith.constant 0 : i32
          %lt3A_474 = vector.broadcast %lt3A_473 : i32 to vector<16xi32>
          %lt3A_475 = arith.cmpi slt, %broadcast_in_dim3A_462, %lt3A_474 : vector<16xi32>
          %add3A_476 = arith.constant 16 : i32
          %add3A_477 = vector.broadcast %add3A_476 : i32 to vector<16xi32>
          %add3A_478 = arith.addi %broadcast_in_dim3A_462, %add3A_477 : vector<16xi32>
          %select_n3A_479 = arith.select %lt3A_475, %add3A_478, %broadcast_in_dim3A_462 : vector<16xi1>, vector<16xi32>
          %reshape3A_480 = vector.shape_cast %select_n3A_479 : vector<16xi32> to vector<16x1xi32>
          %gather3A_481 = vector.shape_cast %reshape3A_480 : vector<16x1xi32> to vector<16xi32>
          %gather3A_482 = tpu.dynamic_gather %get3A_423[%gather3A_481] in [0] : vector<16xf32>, vector<16xi32> -> vector<16xf32>
          %shift_right_arithmetic3A_483 = arith.constant 16 : i32
          %shift_right_arithmetic3A_484 = vector.broadcast %shift_right_arithmetic3A_483 : i32 to vector<16xi32>
          %shift_right_arithmetic3A_485 = arith.shrsi %gather3A_472, %shift_right_arithmetic3A_484 : vector<16xi32>
          %and3A_486 = arith.constant 3 : i32
          %and3A_487 = vector.broadcast %and3A_486 : i32 to vector<16xi32>
          %and3A_488 = arith.andi %shift_right_arithmetic3A_485, %and3A_487 : vector<16xi32>
          %le3A_489 = arith.cmpi sle, %select_n3A_169, %and3A_488 : vector<16xi32>
          %shift_right_arithmetic3A_490 = arith.constant 18 : i32
          %shift_right_arithmetic3A_491 = vector.broadcast %shift_right_arithmetic3A_490 : i32 to vector<16xi32>
          %shift_right_arithmetic3A_492 = arith.shrsi %gather3A_472, %shift_right_arithmetic3A_491 : vector<16xi32>
          %le3A_493 = arith.cmpi sle, %select_n3A_203, %shift_right_arithmetic3A_492 : vector<16xi32>
          %and3A_494 = arith.andi %le3A_489, %le3A_493 : vector<16xi1>
          %and3A_495 = arith.constant 65535 : i32
          %and3A_496 = vector.broadcast %and3A_495 : i32 to vector<16xi32>
          %and3A_497 = arith.andi %gather3A_472, %and3A_496 : vector<16xi32>
          %add3A_498 = arith.addi %and3A_497, %add3A_207 : vector<16xi32>
          %gather3A_499 = tpu.vector_load_idx %arg14[%add3A_498] masked %and3A_494 : memref<50688xf32, #tpu.memory_space<vmem>>[vector<16xi32>], vector<16xf32>, vector<16xi1>
          %max3A_500 = arith.maximumf %gather3A_499, %gather3A_482 : vector<16xf32>
          tpu.vector_store_idx %arg14[%add3A_498], %max3A_500 masked %and3A_494 : memref<50688xf32, #tpu.memory_space<vmem>>[vector<16xi32>], vector<16xf32>, vector<16xi1>
          %broadcast_in_dim3A_501 = arith.constant 2 : i32
          %broadcast_in_dim3A_502 = vector.broadcast %broadcast_in_dim3A_501 : i32 to vector<16xi32>
          %lt3A_503 = arith.constant 0 : i32
          %lt3A_504 = vector.broadcast %lt3A_503 : i32 to vector<16xi32>
          %lt3A_505 = arith.cmpi slt, %broadcast_in_dim3A_502, %lt3A_504 : vector<16xi32>
          %add3A_506 = arith.constant 16 : i32
          %add3A_507 = vector.broadcast %add3A_506 : i32 to vector<16xi32>
          %add3A_508 = arith.addi %broadcast_in_dim3A_502, %add3A_507 : vector<16xi32>
          %select_n3A_509 = arith.select %lt3A_505, %add3A_508, %broadcast_in_dim3A_502 : vector<16xi1>, vector<16xi32>
          %reshape3A_510 = vector.shape_cast %select_n3A_509 : vector<16xi32> to vector<16x1xi32>
          %gather3A_511 = vector.shape_cast %reshape3A_510 : vector<16x1xi32> to vector<16xi32>
          %gather3A_512 = tpu.dynamic_gather %get3A_421[%gather3A_511] in [0] : vector<16xi32>, vector<16xi32> -> vector<16xi32>
          %lt3A_513 = arith.constant 0 : i32
          %lt3A_514 = vector.broadcast %lt3A_513 : i32 to vector<16xi32>
          %lt3A_515 = arith.cmpi slt, %broadcast_in_dim3A_502, %lt3A_514 : vector<16xi32>
          %add3A_516 = arith.constant 16 : i32
          %add3A_517 = vector.broadcast %add3A_516 : i32 to vector<16xi32>
          %add3A_518 = arith.addi %broadcast_in_dim3A_502, %add3A_517 : vector<16xi32>
          %select_n3A_519 = arith.select %lt3A_515, %add3A_518, %broadcast_in_dim3A_502 : vector<16xi1>, vector<16xi32>
          %reshape3A_520 = vector.shape_cast %select_n3A_519 : vector<16xi32> to vector<16x1xi32>
          %gather3A_521 = vector.shape_cast %reshape3A_520 : vector<16x1xi32> to vector<16xi32>
          %gather3A_522 = tpu.dynamic_gather %get3A_423[%gather3A_521] in [0] : vector<16xf32>, vector<16xi32> -> vector<16xf32>
          %shift_right_arithmetic3A_523 = arith.constant 16 : i32
          %shift_right_arithmetic3A_524 = vector.broadcast %shift_right_arithmetic3A_523 : i32 to vector<16xi32>
          %shift_right_arithmetic3A_525 = arith.shrsi %gather3A_512, %shift_right_arithmetic3A_524 : vector<16xi32>
          %and3A_526 = arith.constant 3 : i32
          %and3A_527 = vector.broadcast %and3A_526 : i32 to vector<16xi32>
          %and3A_528 = arith.andi %shift_right_arithmetic3A_525, %and3A_527 : vector<16xi32>
          %le3A_529 = arith.cmpi sle, %select_n3A_169, %and3A_528 : vector<16xi32>
          %shift_right_arithmetic3A_530 = arith.constant 18 : i32
          %shift_right_arithmetic3A_531 = vector.broadcast %shift_right_arithmetic3A_530 : i32 to vector<16xi32>
          %shift_right_arithmetic3A_532 = arith.shrsi %gather3A_512, %shift_right_arithmetic3A_531 : vector<16xi32>
          %le3A_533 = arith.cmpi sle, %select_n3A_203, %shift_right_arithmetic3A_532 : vector<16xi32>
          %and3A_534 = arith.andi %le3A_529, %le3A_533 : vector<16xi1>
          %and3A_535 = arith.constant 65535 : i32
          %and3A_536 = vector.broadcast %and3A_535 : i32 to vector<16xi32>
          %and3A_537 = arith.andi %gather3A_512, %and3A_536 : vector<16xi32>
          %add3A_538 = arith.addi %and3A_537, %add3A_207 : vector<16xi32>
          %gather3A_539 = tpu.vector_load_idx %arg13[%add3A_538] masked %and3A_534 : memref<50688xf32, #tpu.memory_space<vmem>>[vector<16xi32>], vector<16xf32>, vector<16xi1>
          %max3A_540 = arith.maximumf %gather3A_539, %gather3A_522 : vector<16xf32>
          tpu.vector_store_idx %arg13[%add3A_538], %max3A_540 masked %and3A_534 : memref<50688xf32, #tpu.memory_space<vmem>>[vector<16xi32>], vector<16xf32>, vector<16xi1>
          %broadcast_in_dim3A_541 = arith.constant 3 : i32
          %broadcast_in_dim3A_542 = vector.broadcast %broadcast_in_dim3A_541 : i32 to vector<16xi32>
          %lt3A_543 = arith.constant 0 : i32
          %lt3A_544 = vector.broadcast %lt3A_543 : i32 to vector<16xi32>
          %lt3A_545 = arith.cmpi slt, %broadcast_in_dim3A_542, %lt3A_544 : vector<16xi32>
          %add3A_546 = arith.constant 16 : i32
          %add3A_547 = vector.broadcast %add3A_546 : i32 to vector<16xi32>
          %add3A_548 = arith.addi %broadcast_in_dim3A_542, %add3A_547 : vector<16xi32>
          %select_n3A_549 = arith.select %lt3A_545, %add3A_548, %broadcast_in_dim3A_542 : vector<16xi1>, vector<16xi32>
          %reshape3A_550 = vector.shape_cast %select_n3A_549 : vector<16xi32> to vector<16x1xi32>
          %gather3A_551 = vector.shape_cast %reshape3A_550 : vector<16x1xi32> to vector<16xi32>
          %gather3A_552 = tpu.dynamic_gather %get3A_421[%gather3A_551] in [0] : vector<16xi32>, vector<16xi32> -> vector<16xi32>
          %lt3A_553 = arith.constant 0 : i32
          %lt3A_554 = vector.broadcast %lt3A_553 : i32 to vector<16xi32>
          %lt3A_555 = arith.cmpi slt, %broadcast_in_dim3A_542, %lt3A_554 : vector<16xi32>
          %add3A_556 = arith.constant 16 : i32
          %add3A_557 = vector.broadcast %add3A_556 : i32 to vector<16xi32>
          %add3A_558 = arith.addi %broadcast_in_dim3A_542, %add3A_557 : vector<16xi32>
          %select_n3A_559 = arith.select %lt3A_555, %add3A_558, %broadcast_in_dim3A_542 : vector<16xi1>, vector<16xi32>
          %reshape3A_560 = vector.shape_cast %select_n3A_559 : vector<16xi32> to vector<16x1xi32>
          %gather3A_561 = vector.shape_cast %reshape3A_560 : vector<16x1xi32> to vector<16xi32>
          %gather3A_562 = tpu.dynamic_gather %get3A_423[%gather3A_561] in [0] : vector<16xf32>, vector<16xi32> -> vector<16xf32>
          %shift_right_arithmetic3A_563 = arith.constant 16 : i32
          %shift_right_arithmetic3A_564 = vector.broadcast %shift_right_arithmetic3A_563 : i32 to vector<16xi32>
          %shift_right_arithmetic3A_565 = arith.shrsi %gather3A_552, %shift_right_arithmetic3A_564 : vector<16xi32>
          %and3A_566 = arith.constant 3 : i32
          %and3A_567 = vector.broadcast %and3A_566 : i32 to vector<16xi32>
          %and3A_568 = arith.andi %shift_right_arithmetic3A_565, %and3A_567 : vector<16xi32>
          %le3A_569 = arith.cmpi sle, %select_n3A_169, %and3A_568 : vector<16xi32>
          %shift_right_arithmetic3A_570 = arith.constant 18 : i32
          %shift_right_arithmetic3A_571 = vector.broadcast %shift_right_arithmetic3A_570 : i32 to vector<16xi32>
          %shift_right_arithmetic3A_572 = arith.shrsi %gather3A_552, %shift_right_arithmetic3A_571 : vector<16xi32>
          %le3A_573 = arith.cmpi sle, %select_n3A_203, %shift_right_arithmetic3A_572 : vector<16xi32>
          %and3A_574 = arith.andi %le3A_569, %le3A_573 : vector<16xi1>
          %and3A_575 = arith.constant 65535 : i32
          %and3A_576 = vector.broadcast %and3A_575 : i32 to vector<16xi32>
          %and3A_577 = arith.andi %gather3A_552, %and3A_576 : vector<16xi32>
          %add3A_578 = arith.addi %and3A_577, %add3A_207 : vector<16xi32>
          %gather3A_579 = tpu.vector_load_idx %arg14[%add3A_578] masked %and3A_574 : memref<50688xf32, #tpu.memory_space<vmem>>[vector<16xi32>], vector<16xf32>, vector<16xi1>
          %max3A_580 = arith.maximumf %gather3A_579, %gather3A_562 : vector<16xf32>
          tpu.vector_store_idx %arg14[%add3A_578], %max3A_580 masked %and3A_574 : memref<50688xf32, #tpu.memory_space<vmem>>[vector<16xi32>], vector<16xf32>, vector<16xi1>
          %broadcast_in_dim3A_581 = arith.constant 4 : i32
          %broadcast_in_dim3A_582 = vector.broadcast %broadcast_in_dim3A_581 : i32 to vector<16xi32>
          %lt3A_583 = arith.constant 0 : i32
          %lt3A_584 = vector.broadcast %lt3A_583 : i32 to vector<16xi32>
          %lt3A_585 = arith.cmpi slt, %broadcast_in_dim3A_582, %lt3A_584 : vector<16xi32>
          %add3A_586 = arith.constant 16 : i32
          %add3A_587 = vector.broadcast %add3A_586 : i32 to vector<16xi32>
          %add3A_588 = arith.addi %broadcast_in_dim3A_582, %add3A_587 : vector<16xi32>
          %select_n3A_589 = arith.select %lt3A_585, %add3A_588, %broadcast_in_dim3A_582 : vector<16xi1>, vector<16xi32>
          %reshape3A_590 = vector.shape_cast %select_n3A_589 : vector<16xi32> to vector<16x1xi32>
          %gather3A_591 = vector.shape_cast %reshape3A_590 : vector<16x1xi32> to vector<16xi32>
          %gather3A_592 = tpu.dynamic_gather %get3A_421[%gather3A_591] in [0] : vector<16xi32>, vector<16xi32> -> vector<16xi32>
          %lt3A_593 = arith.constant 0 : i32
          %lt3A_594 = vector.broadcast %lt3A_593 : i32 to vector<16xi32>
          %lt3A_595 = arith.cmpi slt, %broadcast_in_dim3A_582, %lt3A_594 : vector<16xi32>
          %add3A_596 = arith.constant 16 : i32
          %add3A_597 = vector.broadcast %add3A_596 : i32 to vector<16xi32>
          %add3A_598 = arith.addi %broadcast_in_dim3A_582, %add3A_597 : vector<16xi32>
          %select_n3A_599 = arith.select %lt3A_595, %add3A_598, %broadcast_in_dim3A_582 : vector<16xi1>, vector<16xi32>
          %reshape3A_600 = vector.shape_cast %select_n3A_599 : vector<16xi32> to vector<16x1xi32>
          %gather3A_601 = vector.shape_cast %reshape3A_600 : vector<16x1xi32> to vector<16xi32>
          %gather3A_602 = tpu.dynamic_gather %get3A_423[%gather3A_601] in [0] : vector<16xf32>, vector<16xi32> -> vector<16xf32>
          %shift_right_arithmetic3A_603 = arith.constant 16 : i32
          %shift_right_arithmetic3A_604 = vector.broadcast %shift_right_arithmetic3A_603 : i32 to vector<16xi32>
          %shift_right_arithmetic3A_605 = arith.shrsi %gather3A_592, %shift_right_arithmetic3A_604 : vector<16xi32>
          %and3A_606 = arith.constant 3 : i32
          %and3A_607 = vector.broadcast %and3A_606 : i32 to vector<16xi32>
          %and3A_608 = arith.andi %shift_right_arithmetic3A_605, %and3A_607 : vector<16xi32>
          %le3A_609 = arith.cmpi sle, %select_n3A_169, %and3A_608 : vector<16xi32>
          %shift_right_arithmetic3A_610 = arith.constant 18 : i32
          %shift_right_arithmetic3A_611 = vector.broadcast %shift_right_arithmetic3A_610 : i32 to vector<16xi32>
          %shift_right_arithmetic3A_612 = arith.shrsi %gather3A_592, %shift_right_arithmetic3A_611 : vector<16xi32>
          %le3A_613 = arith.cmpi sle, %select_n3A_203, %shift_right_arithmetic3A_612 : vector<16xi32>
          %and3A_614 = arith.andi %le3A_609, %le3A_613 : vector<16xi1>
          %and3A_615 = arith.constant 65535 : i32
          %and3A_616 = vector.broadcast %and3A_615 : i32 to vector<16xi32>
          %and3A_617 = arith.andi %gather3A_592, %and3A_616 : vector<16xi32>
          %add3A_618 = arith.addi %and3A_617, %add3A_207 : vector<16xi32>
          %gather3A_619 = tpu.vector_load_idx %arg13[%add3A_618] masked %and3A_614 : memref<50688xf32, #tpu.memory_space<vmem>>[vector<16xi32>], vector<16xf32>, vector<16xi1>
          %max3A_620 = arith.maximumf %gather3A_619, %gather3A_602 : vector<16xf32>
          tpu.vector_store_idx %arg13[%add3A_618], %max3A_620 masked %and3A_614 : memref<50688xf32, #tpu.memory_space<vmem>>[vector<16xi32>], vector<16xf32>, vector<16xi1>
          %broadcast_in_dim3A_621 = arith.constant 5 : i32
          %broadcast_in_dim3A_622 = vector.broadcast %broadcast_in_dim3A_621 : i32 to vector<16xi32>
          %lt3A_623 = arith.constant 0 : i32
          %lt3A_624 = vector.broadcast %lt3A_623 : i32 to vector<16xi32>
          %lt3A_625 = arith.cmpi slt, %broadcast_in_dim3A_622, %lt3A_624 : vector<16xi32>
          %add3A_626 = arith.constant 16 : i32
          %add3A_627 = vector.broadcast %add3A_626 : i32 to vector<16xi32>
          %add3A_628 = arith.addi %broadcast_in_dim3A_622, %add3A_627 : vector<16xi32>
          %select_n3A_629 = arith.select %lt3A_625, %add3A_628, %broadcast_in_dim3A_622 : vector<16xi1>, vector<16xi32>
          %reshape3A_630 = vector.shape_cast %select_n3A_629 : vector<16xi32> to vector<16x1xi32>
          %gather3A_631 = vector.shape_cast %reshape3A_630 : vector<16x1xi32> to vector<16xi32>
          %gather3A_632 = tpu.dynamic_gather %get3A_421[%gather3A_631] in [0] : vector<16xi32>, vector<16xi32> -> vector<16xi32>
          %lt3A_633 = arith.constant 0 : i32
          %lt3A_634 = vector.broadcast %lt3A_633 : i32 to vector<16xi32>
          %lt3A_635 = arith.cmpi slt, %broadcast_in_dim3A_622, %lt3A_634 : vector<16xi32>
          %add3A_636 = arith.constant 16 : i32
          %add3A_637 = vector.broadcast %add3A_636 : i32 to vector<16xi32>
          %add3A_638 = arith.addi %broadcast_in_dim3A_622, %add3A_637 : vector<16xi32>
          %select_n3A_639 = arith.select %lt3A_635, %add3A_638, %broadcast_in_dim3A_622 : vector<16xi1>, vector<16xi32>
          %reshape3A_640 = vector.shape_cast %select_n3A_639 : vector<16xi32> to vector<16x1xi32>
          %gather3A_641 = vector.shape_cast %reshape3A_640 : vector<16x1xi32> to vector<16xi32>
          %gather3A_642 = tpu.dynamic_gather %get3A_423[%gather3A_641] in [0] : vector<16xf32>, vector<16xi32> -> vector<16xf32>
          %shift_right_arithmetic3A_643 = arith.constant 16 : i32
          %shift_right_arithmetic3A_644 = vector.broadcast %shift_right_arithmetic3A_643 : i32 to vector<16xi32>
          %shift_right_arithmetic3A_645 = arith.shrsi %gather3A_632, %shift_right_arithmetic3A_644 : vector<16xi32>
          %and3A_646 = arith.constant 3 : i32
          %and3A_647 = vector.broadcast %and3A_646 : i32 to vector<16xi32>
          %and3A_648 = arith.andi %shift_right_arithmetic3A_645, %and3A_647 : vector<16xi32>
          %le3A_649 = arith.cmpi sle, %select_n3A_169, %and3A_648 : vector<16xi32>
          %shift_right_arithmetic3A_650 = arith.constant 18 : i32
          %shift_right_arithmetic3A_651 = vector.broadcast %shift_right_arithmetic3A_650 : i32 to vector<16xi32>
          %shift_right_arithmetic3A_652 = arith.shrsi %gather3A_632, %shift_right_arithmetic3A_651 : vector<16xi32>
          %le3A_653 = arith.cmpi sle, %select_n3A_203, %shift_right_arithmetic3A_652 : vector<16xi32>
          %and3A_654 = arith.andi %le3A_649, %le3A_653 : vector<16xi1>
          %and3A_655 = arith.constant 65535 : i32
          %and3A_656 = vector.broadcast %and3A_655 : i32 to vector<16xi32>
          %and3A_657 = arith.andi %gather3A_632, %and3A_656 : vector<16xi32>
          %add3A_658 = arith.addi %and3A_657, %add3A_207 : vector<16xi32>
          %gather3A_659 = tpu.vector_load_idx %arg14[%add3A_658] masked %and3A_654 : memref<50688xf32, #tpu.memory_space<vmem>>[vector<16xi32>], vector<16xf32>, vector<16xi1>
          %max3A_660 = arith.maximumf %gather3A_659, %gather3A_642 : vector<16xf32>
          tpu.vector_store_idx %arg14[%add3A_658], %max3A_660 masked %and3A_654 : memref<50688xf32, #tpu.memory_space<vmem>>[vector<16xi32>], vector<16xf32>, vector<16xi1>
          %broadcast_in_dim3A_661 = arith.constant 6 : i32
          %broadcast_in_dim3A_662 = vector.broadcast %broadcast_in_dim3A_661 : i32 to vector<16xi32>
          %lt3A_663 = arith.constant 0 : i32
          %lt3A_664 = vector.broadcast %lt3A_663 : i32 to vector<16xi32>
          %lt3A_665 = arith.cmpi slt, %broadcast_in_dim3A_662, %lt3A_664 : vector<16xi32>
          %add3A_666 = arith.constant 16 : i32
          %add3A_667 = vector.broadcast %add3A_666 : i32 to vector<16xi32>
          %add3A_668 = arith.addi %broadcast_in_dim3A_662, %add3A_667 : vector<16xi32>
          %select_n3A_669 = arith.select %lt3A_665, %add3A_668, %broadcast_in_dim3A_662 : vector<16xi1>, vector<16xi32>
          %reshape3A_670 = vector.shape_cast %select_n3A_669 : vector<16xi32> to vector<16x1xi32>
          %gather3A_671 = vector.shape_cast %reshape3A_670 : vector<16x1xi32> to vector<16xi32>
          %gather3A_672 = tpu.dynamic_gather %get3A_421[%gather3A_671] in [0] : vector<16xi32>, vector<16xi32> -> vector<16xi32>
          %lt3A_673 = arith.constant 0 : i32
          %lt3A_674 = vector.broadcast %lt3A_673 : i32 to vector<16xi32>
          %lt3A_675 = arith.cmpi slt, %broadcast_in_dim3A_662, %lt3A_674 : vector<16xi32>
          %add3A_676 = arith.constant 16 : i32
          %add3A_677 = vector.broadcast %add3A_676 : i32 to vector<16xi32>
          %add3A_678 = arith.addi %broadcast_in_dim3A_662, %add3A_677 : vector<16xi32>
          %select_n3A_679 = arith.select %lt3A_675, %add3A_678, %broadcast_in_dim3A_662 : vector<16xi1>, vector<16xi32>
          %reshape3A_680 = vector.shape_cast %select_n3A_679 : vector<16xi32> to vector<16x1xi32>
          %gather3A_681 = vector.shape_cast %reshape3A_680 : vector<16x1xi32> to vector<16xi32>
          %gather3A_682 = tpu.dynamic_gather %get3A_423[%gather3A_681] in [0] : vector<16xf32>, vector<16xi32> -> vector<16xf32>
          %shift_right_arithmetic3A_683 = arith.constant 16 : i32
          %shift_right_arithmetic3A_684 = vector.broadcast %shift_right_arithmetic3A_683 : i32 to vector<16xi32>
          %shift_right_arithmetic3A_685 = arith.shrsi %gather3A_672, %shift_right_arithmetic3A_684 : vector<16xi32>
          %and3A_686 = arith.constant 3 : i32
          %and3A_687 = vector.broadcast %and3A_686 : i32 to vector<16xi32>
          %and3A_688 = arith.andi %shift_right_arithmetic3A_685, %and3A_687 : vector<16xi32>
          %le3A_689 = arith.cmpi sle, %select_n3A_169, %and3A_688 : vector<16xi32>
          %shift_right_arithmetic3A_690 = arith.constant 18 : i32
          %shift_right_arithmetic3A_691 = vector.broadcast %shift_right_arithmetic3A_690 : i32 to vector<16xi32>
          %shift_right_arithmetic3A_692 = arith.shrsi %gather3A_672, %shift_right_arithmetic3A_691 : vector<16xi32>
          %le3A_693 = arith.cmpi sle, %select_n3A_203, %shift_right_arithmetic3A_692 : vector<16xi32>
          %and3A_694 = arith.andi %le3A_689, %le3A_693 : vector<16xi1>
          %and3A_695 = arith.constant 65535 : i32
          %and3A_696 = vector.broadcast %and3A_695 : i32 to vector<16xi32>
          %and3A_697 = arith.andi %gather3A_672, %and3A_696 : vector<16xi32>
          %add3A_698 = arith.addi %and3A_697, %add3A_207 : vector<16xi32>
          %gather3A_699 = tpu.vector_load_idx %arg13[%add3A_698] masked %and3A_694 : memref<50688xf32, #tpu.memory_space<vmem>>[vector<16xi32>], vector<16xf32>, vector<16xi1>
          %max3A_700 = arith.maximumf %gather3A_699, %gather3A_682 : vector<16xf32>
          tpu.vector_store_idx %arg13[%add3A_698], %max3A_700 masked %and3A_694 : memref<50688xf32, #tpu.memory_space<vmem>>[vector<16xi32>], vector<16xf32>, vector<16xi1>
          %broadcast_in_dim3A_701 = arith.constant 7 : i32
          %broadcast_in_dim3A_702 = vector.broadcast %broadcast_in_dim3A_701 : i32 to vector<16xi32>
          %lt3A_703 = arith.constant 0 : i32
          %lt3A_704 = vector.broadcast %lt3A_703 : i32 to vector<16xi32>
          %lt3A_705 = arith.cmpi slt, %broadcast_in_dim3A_702, %lt3A_704 : vector<16xi32>
          %add3A_706 = arith.constant 16 : i32
          %add3A_707 = vector.broadcast %add3A_706 : i32 to vector<16xi32>
          %add3A_708 = arith.addi %broadcast_in_dim3A_702, %add3A_707 : vector<16xi32>
          %select_n3A_709 = arith.select %lt3A_705, %add3A_708, %broadcast_in_dim3A_702 : vector<16xi1>, vector<16xi32>
          %reshape3A_710 = vector.shape_cast %select_n3A_709 : vector<16xi32> to vector<16x1xi32>
          %gather3A_711 = vector.shape_cast %reshape3A_710 : vector<16x1xi32> to vector<16xi32>
          %gather3A_712 = tpu.dynamic_gather %get3A_421[%gather3A_711] in [0] : vector<16xi32>, vector<16xi32> -> vector<16xi32>
          %lt3A_713 = arith.constant 0 : i32
          %lt3A_714 = vector.broadcast %lt3A_713 : i32 to vector<16xi32>
          %lt3A_715 = arith.cmpi slt, %broadcast_in_dim3A_702, %lt3A_714 : vector<16xi32>
          %add3A_716 = arith.constant 16 : i32
          %add3A_717 = vector.broadcast %add3A_716 : i32 to vector<16xi32>
          %add3A_718 = arith.addi %broadcast_in_dim3A_702, %add3A_717 : vector<16xi32>
          %select_n3A_719 = arith.select %lt3A_715, %add3A_718, %broadcast_in_dim3A_702 : vector<16xi1>, vector<16xi32>
          %reshape3A_720 = vector.shape_cast %select_n3A_719 : vector<16xi32> to vector<16x1xi32>
          %gather3A_721 = vector.shape_cast %reshape3A_720 : vector<16x1xi32> to vector<16xi32>
          %gather3A_722 = tpu.dynamic_gather %get3A_423[%gather3A_721] in [0] : vector<16xf32>, vector<16xi32> -> vector<16xf32>
          %shift_right_arithmetic3A_723 = arith.constant 16 : i32
          %shift_right_arithmetic3A_724 = vector.broadcast %shift_right_arithmetic3A_723 : i32 to vector<16xi32>
          %shift_right_arithmetic3A_725 = arith.shrsi %gather3A_712, %shift_right_arithmetic3A_724 : vector<16xi32>
          %and3A_726 = arith.constant 3 : i32
          %and3A_727 = vector.broadcast %and3A_726 : i32 to vector<16xi32>
          %and3A_728 = arith.andi %shift_right_arithmetic3A_725, %and3A_727 : vector<16xi32>
          %le3A_729 = arith.cmpi sle, %select_n3A_169, %and3A_728 : vector<16xi32>
          %shift_right_arithmetic3A_730 = arith.constant 18 : i32
          %shift_right_arithmetic3A_731 = vector.broadcast %shift_right_arithmetic3A_730 : i32 to vector<16xi32>
          %shift_right_arithmetic3A_732 = arith.shrsi %gather3A_712, %shift_right_arithmetic3A_731 : vector<16xi32>
          %le3A_733 = arith.cmpi sle, %select_n3A_203, %shift_right_arithmetic3A_732 : vector<16xi32>
          %and3A_734 = arith.andi %le3A_729, %le3A_733 : vector<16xi1>
          %and3A_735 = arith.constant 65535 : i32
          %and3A_736 = vector.broadcast %and3A_735 : i32 to vector<16xi32>
          %and3A_737 = arith.andi %gather3A_712, %and3A_736 : vector<16xi32>
          %add3A_738 = arith.addi %and3A_737, %add3A_207 : vector<16xi32>
          %gather3A_739 = tpu.vector_load_idx %arg14[%add3A_738] masked %and3A_734 : memref<50688xf32, #tpu.memory_space<vmem>>[vector<16xi32>], vector<16xf32>, vector<16xi1>
          %max3A_740 = arith.maximumf %gather3A_739, %gather3A_722 : vector<16xf32>
          tpu.vector_store_idx %arg14[%add3A_738], %max3A_740 masked %and3A_734 : memref<50688xf32, #tpu.memory_space<vmem>>[vector<16xi32>], vector<16xf32>, vector<16xi1>
          %broadcast_in_dim3A_741 = arith.constant 8 : i32
          %broadcast_in_dim3A_742 = vector.broadcast %broadcast_in_dim3A_741 : i32 to vector<16xi32>
          %lt3A_743 = arith.constant 0 : i32
          %lt3A_744 = vector.broadcast %lt3A_743 : i32 to vector<16xi32>
          %lt3A_745 = arith.cmpi slt, %broadcast_in_dim3A_742, %lt3A_744 : vector<16xi32>
          %add3A_746 = arith.constant 16 : i32
          %add3A_747 = vector.broadcast %add3A_746 : i32 to vector<16xi32>
          %add3A_748 = arith.addi %broadcast_in_dim3A_742, %add3A_747 : vector<16xi32>
          %select_n3A_749 = arith.select %lt3A_745, %add3A_748, %broadcast_in_dim3A_742 : vector<16xi1>, vector<16xi32>
          %reshape3A_750 = vector.shape_cast %select_n3A_749 : vector<16xi32> to vector<16x1xi32>
          %gather3A_751 = vector.shape_cast %reshape3A_750 : vector<16x1xi32> to vector<16xi32>
          %gather3A_752 = tpu.dynamic_gather %get3A_421[%gather3A_751] in [0] : vector<16xi32>, vector<16xi32> -> vector<16xi32>
          %lt3A_753 = arith.constant 0 : i32
          %lt3A_754 = vector.broadcast %lt3A_753 : i32 to vector<16xi32>
          %lt3A_755 = arith.cmpi slt, %broadcast_in_dim3A_742, %lt3A_754 : vector<16xi32>
          %add3A_756 = arith.constant 16 : i32
          %add3A_757 = vector.broadcast %add3A_756 : i32 to vector<16xi32>
          %add3A_758 = arith.addi %broadcast_in_dim3A_742, %add3A_757 : vector<16xi32>
          %select_n3A_759 = arith.select %lt3A_755, %add3A_758, %broadcast_in_dim3A_742 : vector<16xi1>, vector<16xi32>
          %reshape3A_760 = vector.shape_cast %select_n3A_759 : vector<16xi32> to vector<16x1xi32>
          %gather3A_761 = vector.shape_cast %reshape3A_760 : vector<16x1xi32> to vector<16xi32>
          %gather3A_762 = tpu.dynamic_gather %get3A_423[%gather3A_761] in [0] : vector<16xf32>, vector<16xi32> -> vector<16xf32>
          %shift_right_arithmetic3A_763 = arith.constant 16 : i32
          %shift_right_arithmetic3A_764 = vector.broadcast %shift_right_arithmetic3A_763 : i32 to vector<16xi32>
          %shift_right_arithmetic3A_765 = arith.shrsi %gather3A_752, %shift_right_arithmetic3A_764 : vector<16xi32>
          %and3A_766 = arith.constant 3 : i32
          %and3A_767 = vector.broadcast %and3A_766 : i32 to vector<16xi32>
          %and3A_768 = arith.andi %shift_right_arithmetic3A_765, %and3A_767 : vector<16xi32>
          %le3A_769 = arith.cmpi sle, %select_n3A_169, %and3A_768 : vector<16xi32>
          %shift_right_arithmetic3A_770 = arith.constant 18 : i32
          %shift_right_arithmetic3A_771 = vector.broadcast %shift_right_arithmetic3A_770 : i32 to vector<16xi32>
          %shift_right_arithmetic3A_772 = arith.shrsi %gather3A_752, %shift_right_arithmetic3A_771 : vector<16xi32>
          %le3A_773 = arith.cmpi sle, %select_n3A_203, %shift_right_arithmetic3A_772 : vector<16xi32>
          %and3A_774 = arith.andi %le3A_769, %le3A_773 : vector<16xi1>
          %and3A_775 = arith.constant 65535 : i32
          %and3A_776 = vector.broadcast %and3A_775 : i32 to vector<16xi32>
          %and3A_777 = arith.andi %gather3A_752, %and3A_776 : vector<16xi32>
          %add3A_778 = arith.addi %and3A_777, %add3A_207 : vector<16xi32>
          %gather3A_779 = tpu.vector_load_idx %arg13[%add3A_778] masked %and3A_774 : memref<50688xf32, #tpu.memory_space<vmem>>[vector<16xi32>], vector<16xf32>, vector<16xi1>
          %max3A_780 = arith.maximumf %gather3A_779, %gather3A_762 : vector<16xf32>
          tpu.vector_store_idx %arg13[%add3A_778], %max3A_780 masked %and3A_774 : memref<50688xf32, #tpu.memory_space<vmem>>[vector<16xi32>], vector<16xf32>, vector<16xi1>
          %broadcast_in_dim3A_781 = arith.constant 9 : i32
          %broadcast_in_dim3A_782 = vector.broadcast %broadcast_in_dim3A_781 : i32 to vector<16xi32>
          %lt3A_783 = arith.constant 0 : i32
          %lt3A_784 = vector.broadcast %lt3A_783 : i32 to vector<16xi32>
          %lt3A_785 = arith.cmpi slt, %broadcast_in_dim3A_782, %lt3A_784 : vector<16xi32>
          %add3A_786 = arith.constant 16 : i32
          %add3A_787 = vector.broadcast %add3A_786 : i32 to vector<16xi32>
          %add3A_788 = arith.addi %broadcast_in_dim3A_782, %add3A_787 : vector<16xi32>
          %select_n3A_789 = arith.select %lt3A_785, %add3A_788, %broadcast_in_dim3A_782 : vector<16xi1>, vector<16xi32>
          %reshape3A_790 = vector.shape_cast %select_n3A_789 : vector<16xi32> to vector<16x1xi32>
          %gather3A_791 = vector.shape_cast %reshape3A_790 : vector<16x1xi32> to vector<16xi32>
          %gather3A_792 = tpu.dynamic_gather %get3A_421[%gather3A_791] in [0] : vector<16xi32>, vector<16xi32> -> vector<16xi32>
          %lt3A_793 = arith.constant 0 : i32
          %lt3A_794 = vector.broadcast %lt3A_793 : i32 to vector<16xi32>
          %lt3A_795 = arith.cmpi slt, %broadcast_in_dim3A_782, %lt3A_794 : vector<16xi32>
          %add3A_796 = arith.constant 16 : i32
          %add3A_797 = vector.broadcast %add3A_796 : i32 to vector<16xi32>
          %add3A_798 = arith.addi %broadcast_in_dim3A_782, %add3A_797 : vector<16xi32>
          %select_n3A_799 = arith.select %lt3A_795, %add3A_798, %broadcast_in_dim3A_782 : vector<16xi1>, vector<16xi32>
          %reshape3A_800 = vector.shape_cast %select_n3A_799 : vector<16xi32> to vector<16x1xi32>
          %gather3A_801 = vector.shape_cast %reshape3A_800 : vector<16x1xi32> to vector<16xi32>
          %gather3A_802 = tpu.dynamic_gather %get3A_423[%gather3A_801] in [0] : vector<16xf32>, vector<16xi32> -> vector<16xf32>
          %shift_right_arithmetic3A_803 = arith.constant 16 : i32
          %shift_right_arithmetic3A_804 = vector.broadcast %shift_right_arithmetic3A_803 : i32 to vector<16xi32>
          %shift_right_arithmetic3A_805 = arith.shrsi %gather3A_792, %shift_right_arithmetic3A_804 : vector<16xi32>
          %and3A_806 = arith.constant 3 : i32
          %and3A_807 = vector.broadcast %and3A_806 : i32 to vector<16xi32>
          %and3A_808 = arith.andi %shift_right_arithmetic3A_805, %and3A_807 : vector<16xi32>
          %le3A_809 = arith.cmpi sle, %select_n3A_169, %and3A_808 : vector<16xi32>
          %shift_right_arithmetic3A_810 = arith.constant 18 : i32
          %shift_right_arithmetic3A_811 = vector.broadcast %shift_right_arithmetic3A_810 : i32 to vector<16xi32>
          %shift_right_arithmetic3A_812 = arith.shrsi %gather3A_792, %shift_right_arithmetic3A_811 : vector<16xi32>
          %le3A_813 = arith.cmpi sle, %select_n3A_203, %shift_right_arithmetic3A_812 : vector<16xi32>
          %and3A_814 = arith.andi %le3A_809, %le3A_813 : vector<16xi1>
          %and3A_815 = arith.constant 65535 : i32
          %and3A_816 = vector.broadcast %and3A_815 : i32 to vector<16xi32>
          %and3A_817 = arith.andi %gather3A_792, %and3A_816 : vector<16xi32>
          %add3A_818 = arith.addi %and3A_817, %add3A_207 : vector<16xi32>
          %gather3A_819 = tpu.vector_load_idx %arg14[%add3A_818] masked %and3A_814 : memref<50688xf32, #tpu.memory_space<vmem>>[vector<16xi32>], vector<16xf32>, vector<16xi1>
          %max3A_820 = arith.maximumf %gather3A_819, %gather3A_802 : vector<16xf32>
          tpu.vector_store_idx %arg14[%add3A_818], %max3A_820 masked %and3A_814 : memref<50688xf32, #tpu.memory_space<vmem>>[vector<16xi32>], vector<16xf32>, vector<16xi1>
          %broadcast_in_dim3A_821 = arith.constant 10 : i32
          %broadcast_in_dim3A_822 = vector.broadcast %broadcast_in_dim3A_821 : i32 to vector<16xi32>
          %lt3A_823 = arith.constant 0 : i32
          %lt3A_824 = vector.broadcast %lt3A_823 : i32 to vector<16xi32>
          %lt3A_825 = arith.cmpi slt, %broadcast_in_dim3A_822, %lt3A_824 : vector<16xi32>
          %add3A_826 = arith.constant 16 : i32
          %add3A_827 = vector.broadcast %add3A_826 : i32 to vector<16xi32>
          %add3A_828 = arith.addi %broadcast_in_dim3A_822, %add3A_827 : vector<16xi32>
          %select_n3A_829 = arith.select %lt3A_825, %add3A_828, %broadcast_in_dim3A_822 : vector<16xi1>, vector<16xi32>
          %reshape3A_830 = vector.shape_cast %select_n3A_829 : vector<16xi32> to vector<16x1xi32>
          %gather3A_831 = vector.shape_cast %reshape3A_830 : vector<16x1xi32> to vector<16xi32>
          %gather3A_832 = tpu.dynamic_gather %get3A_421[%gather3A_831] in [0] : vector<16xi32>, vector<16xi32> -> vector<16xi32>
          %lt3A_833 = arith.constant 0 : i32
          %lt3A_834 = vector.broadcast %lt3A_833 : i32 to vector<16xi32>
          %lt3A_835 = arith.cmpi slt, %broadcast_in_dim3A_822, %lt3A_834 : vector<16xi32>
          %add3A_836 = arith.constant 16 : i32
          %add3A_837 = vector.broadcast %add3A_836 : i32 to vector<16xi32>
          %add3A_838 = arith.addi %broadcast_in_dim3A_822, %add3A_837 : vector<16xi32>
          %select_n3A_839 = arith.select %lt3A_835, %add3A_838, %broadcast_in_dim3A_822 : vector<16xi1>, vector<16xi32>
          %reshape3A_840 = vector.shape_cast %select_n3A_839 : vector<16xi32> to vector<16x1xi32>
          %gather3A_841 = vector.shape_cast %reshape3A_840 : vector<16x1xi32> to vector<16xi32>
          %gather3A_842 = tpu.dynamic_gather %get3A_423[%gather3A_841] in [0] : vector<16xf32>, vector<16xi32> -> vector<16xf32>
          %shift_right_arithmetic3A_843 = arith.constant 16 : i32
          %shift_right_arithmetic3A_844 = vector.broadcast %shift_right_arithmetic3A_843 : i32 to vector<16xi32>
          %shift_right_arithmetic3A_845 = arith.shrsi %gather3A_832, %shift_right_arithmetic3A_844 : vector<16xi32>
          %and3A_846 = arith.constant 3 : i32
          %and3A_847 = vector.broadcast %and3A_846 : i32 to vector<16xi32>
          %and3A_848 = arith.andi %shift_right_arithmetic3A_845, %and3A_847 : vector<16xi32>
          %le3A_849 = arith.cmpi sle, %select_n3A_169, %and3A_848 : vector<16xi32>
          %shift_right_arithmetic3A_850 = arith.constant 18 : i32
          %shift_right_arithmetic3A_851 = vector.broadcast %shift_right_arithmetic3A_850 : i32 to vector<16xi32>
          %shift_right_arithmetic3A_852 = arith.shrsi %gather3A_832, %shift_right_arithmetic3A_851 : vector<16xi32>
          %le3A_853 = arith.cmpi sle, %select_n3A_203, %shift_right_arithmetic3A_852 : vector<16xi32>
          %and3A_854 = arith.andi %le3A_849, %le3A_853 : vector<16xi1>
          %and3A_855 = arith.constant 65535 : i32
          %and3A_856 = vector.broadcast %and3A_855 : i32 to vector<16xi32>
          %and3A_857 = arith.andi %gather3A_832, %and3A_856 : vector<16xi32>
          %add3A_858 = arith.addi %and3A_857, %add3A_207 : vector<16xi32>
          %gather3A_859 = tpu.vector_load_idx %arg13[%add3A_858] masked %and3A_854 : memref<50688xf32, #tpu.memory_space<vmem>>[vector<16xi32>], vector<16xf32>, vector<16xi1>
          %max3A_860 = arith.maximumf %gather3A_859, %gather3A_842 : vector<16xf32>
          tpu.vector_store_idx %arg13[%add3A_858], %max3A_860 masked %and3A_854 : memref<50688xf32, #tpu.memory_space<vmem>>[vector<16xi32>], vector<16xf32>, vector<16xi1>
          %broadcast_in_dim3A_861 = arith.constant 11 : i32
          %broadcast_in_dim3A_862 = vector.broadcast %broadcast_in_dim3A_861 : i32 to vector<16xi32>
          %lt3A_863 = arith.constant 0 : i32
          %lt3A_864 = vector.broadcast %lt3A_863 : i32 to vector<16xi32>
          %lt3A_865 = arith.cmpi slt, %broadcast_in_dim3A_862, %lt3A_864 : vector<16xi32>
          %add3A_866 = arith.constant 16 : i32
          %add3A_867 = vector.broadcast %add3A_866 : i32 to vector<16xi32>
          %add3A_868 = arith.addi %broadcast_in_dim3A_862, %add3A_867 : vector<16xi32>
          %select_n3A_869 = arith.select %lt3A_865, %add3A_868, %broadcast_in_dim3A_862 : vector<16xi1>, vector<16xi32>
          %reshape3A_870 = vector.shape_cast %select_n3A_869 : vector<16xi32> to vector<16x1xi32>
          %gather3A_871 = vector.shape_cast %reshape3A_870 : vector<16x1xi32> to vector<16xi32>
          %gather3A_872 = tpu.dynamic_gather %get3A_421[%gather3A_871] in [0] : vector<16xi32>, vector<16xi32> -> vector<16xi32>
          %lt3A_873 = arith.constant 0 : i32
          %lt3A_874 = vector.broadcast %lt3A_873 : i32 to vector<16xi32>
          %lt3A_875 = arith.cmpi slt, %broadcast_in_dim3A_862, %lt3A_874 : vector<16xi32>
          %add3A_876 = arith.constant 16 : i32
          %add3A_877 = vector.broadcast %add3A_876 : i32 to vector<16xi32>
          %add3A_878 = arith.addi %broadcast_in_dim3A_862, %add3A_877 : vector<16xi32>
          %select_n3A_879 = arith.select %lt3A_875, %add3A_878, %broadcast_in_dim3A_862 : vector<16xi1>, vector<16xi32>
          %reshape3A_880 = vector.shape_cast %select_n3A_879 : vector<16xi32> to vector<16x1xi32>
          %gather3A_881 = vector.shape_cast %reshape3A_880 : vector<16x1xi32> to vector<16xi32>
          %gather3A_882 = tpu.dynamic_gather %get3A_423[%gather3A_881] in [0] : vector<16xf32>, vector<16xi32> -> vector<16xf32>
          %shift_right_arithmetic3A_883 = arith.constant 16 : i32
          %shift_right_arithmetic3A_884 = vector.broadcast %shift_right_arithmetic3A_883 : i32 to vector<16xi32>
          %shift_right_arithmetic3A_885 = arith.shrsi %gather3A_872, %shift_right_arithmetic3A_884 : vector<16xi32>
          %and3A_886 = arith.constant 3 : i32
          %and3A_887 = vector.broadcast %and3A_886 : i32 to vector<16xi32>
          %and3A_888 = arith.andi %shift_right_arithmetic3A_885, %and3A_887 : vector<16xi32>
          %le3A_889 = arith.cmpi sle, %select_n3A_169, %and3A_888 : vector<16xi32>
          %shift_right_arithmetic3A_890 = arith.constant 18 : i32
          %shift_right_arithmetic3A_891 = vector.broadcast %shift_right_arithmetic3A_890 : i32 to vector<16xi32>
          %shift_right_arithmetic3A_892 = arith.shrsi %gather3A_872, %shift_right_arithmetic3A_891 : vector<16xi32>
          %le3A_893 = arith.cmpi sle, %select_n3A_203, %shift_right_arithmetic3A_892 : vector<16xi32>
          %and3A_894 = arith.andi %le3A_889, %le3A_893 : vector<16xi1>
          %and3A_895 = arith.constant 65535 : i32
          %and3A_896 = vector.broadcast %and3A_895 : i32 to vector<16xi32>
          %and3A_897 = arith.andi %gather3A_872, %and3A_896 : vector<16xi32>
          %add3A_898 = arith.addi %and3A_897, %add3A_207 : vector<16xi32>
          %gather3A_899 = tpu.vector_load_idx %arg14[%add3A_898] masked %and3A_894 : memref<50688xf32, #tpu.memory_space<vmem>>[vector<16xi32>], vector<16xf32>, vector<16xi1>
          %max3A_900 = arith.maximumf %gather3A_899, %gather3A_882 : vector<16xf32>
          tpu.vector_store_idx %arg14[%add3A_898], %max3A_900 masked %and3A_894 : memref<50688xf32, #tpu.memory_space<vmem>>[vector<16xi32>], vector<16xf32>, vector<16xi1>
          %broadcast_in_dim3A_901 = arith.constant 12 : i32
          %broadcast_in_dim3A_902 = vector.broadcast %broadcast_in_dim3A_901 : i32 to vector<16xi32>
          %lt3A_903 = arith.constant 0 : i32
          %lt3A_904 = vector.broadcast %lt3A_903 : i32 to vector<16xi32>
          %lt3A_905 = arith.cmpi slt, %broadcast_in_dim3A_902, %lt3A_904 : vector<16xi32>
          %add3A_906 = arith.constant 16 : i32
          %add3A_907 = vector.broadcast %add3A_906 : i32 to vector<16xi32>
          %add3A_908 = arith.addi %broadcast_in_dim3A_902, %add3A_907 : vector<16xi32>
          %select_n3A_909 = arith.select %lt3A_905, %add3A_908, %broadcast_in_dim3A_902 : vector<16xi1>, vector<16xi32>
          %reshape3A_910 = vector.shape_cast %select_n3A_909 : vector<16xi32> to vector<16x1xi32>
          %gather3A_911 = vector.shape_cast %reshape3A_910 : vector<16x1xi32> to vector<16xi32>
          %gather3A_912 = tpu.dynamic_gather %get3A_421[%gather3A_911] in [0] : vector<16xi32>, vector<16xi32> -> vector<16xi32>
          %lt3A_913 = arith.constant 0 : i32
          %lt3A_914 = vector.broadcast %lt3A_913 : i32 to vector<16xi32>
          %lt3A_915 = arith.cmpi slt, %broadcast_in_dim3A_902, %lt3A_914 : vector<16xi32>
          %add3A_916 = arith.constant 16 : i32
          %add3A_917 = vector.broadcast %add3A_916 : i32 to vector<16xi32>
          %add3A_918 = arith.addi %broadcast_in_dim3A_902, %add3A_917 : vector<16xi32>
          %select_n3A_919 = arith.select %lt3A_915, %add3A_918, %broadcast_in_dim3A_902 : vector<16xi1>, vector<16xi32>
          %reshape3A_920 = vector.shape_cast %select_n3A_919 : vector<16xi32> to vector<16x1xi32>
          %gather3A_921 = vector.shape_cast %reshape3A_920 : vector<16x1xi32> to vector<16xi32>
          %gather3A_922 = tpu.dynamic_gather %get3A_423[%gather3A_921] in [0] : vector<16xf32>, vector<16xi32> -> vector<16xf32>
          %shift_right_arithmetic3A_923 = arith.constant 16 : i32
          %shift_right_arithmetic3A_924 = vector.broadcast %shift_right_arithmetic3A_923 : i32 to vector<16xi32>
          %shift_right_arithmetic3A_925 = arith.shrsi %gather3A_912, %shift_right_arithmetic3A_924 : vector<16xi32>
          %and3A_926 = arith.constant 3 : i32
          %and3A_927 = vector.broadcast %and3A_926 : i32 to vector<16xi32>
          %and3A_928 = arith.andi %shift_right_arithmetic3A_925, %and3A_927 : vector<16xi32>
          %le3A_929 = arith.cmpi sle, %select_n3A_169, %and3A_928 : vector<16xi32>
          %shift_right_arithmetic3A_930 = arith.constant 18 : i32
          %shift_right_arithmetic3A_931 = vector.broadcast %shift_right_arithmetic3A_930 : i32 to vector<16xi32>
          %shift_right_arithmetic3A_932 = arith.shrsi %gather3A_912, %shift_right_arithmetic3A_931 : vector<16xi32>
          %le3A_933 = arith.cmpi sle, %select_n3A_203, %shift_right_arithmetic3A_932 : vector<16xi32>
          %and3A_934 = arith.andi %le3A_929, %le3A_933 : vector<16xi1>
          %and3A_935 = arith.constant 65535 : i32
          %and3A_936 = vector.broadcast %and3A_935 : i32 to vector<16xi32>
          %and3A_937 = arith.andi %gather3A_912, %and3A_936 : vector<16xi32>
          %add3A_938 = arith.addi %and3A_937, %add3A_207 : vector<16xi32>
          %gather3A_939 = tpu.vector_load_idx %arg13[%add3A_938] masked %and3A_934 : memref<50688xf32, #tpu.memory_space<vmem>>[vector<16xi32>], vector<16xf32>, vector<16xi1>
          %max3A_940 = arith.maximumf %gather3A_939, %gather3A_922 : vector<16xf32>
          tpu.vector_store_idx %arg13[%add3A_938], %max3A_940 masked %and3A_934 : memref<50688xf32, #tpu.memory_space<vmem>>[vector<16xi32>], vector<16xf32>, vector<16xi1>
          %broadcast_in_dim3A_941 = arith.constant 13 : i32
          %broadcast_in_dim3A_942 = vector.broadcast %broadcast_in_dim3A_941 : i32 to vector<16xi32>
          %lt3A_943 = arith.constant 0 : i32
          %lt3A_944 = vector.broadcast %lt3A_943 : i32 to vector<16xi32>
          %lt3A_945 = arith.cmpi slt, %broadcast_in_dim3A_942, %lt3A_944 : vector<16xi32>
          %add3A_946 = arith.constant 16 : i32
          %add3A_947 = vector.broadcast %add3A_946 : i32 to vector<16xi32>
          %add3A_948 = arith.addi %broadcast_in_dim3A_942, %add3A_947 : vector<16xi32>
          %select_n3A_949 = arith.select %lt3A_945, %add3A_948, %broadcast_in_dim3A_942 : vector<16xi1>, vector<16xi32>
          %reshape3A_950 = vector.shape_cast %select_n3A_949 : vector<16xi32> to vector<16x1xi32>
          %gather3A_951 = vector.shape_cast %reshape3A_950 : vector<16x1xi32> to vector<16xi32>
          %gather3A_952 = tpu.dynamic_gather %get3A_421[%gather3A_951] in [0] : vector<16xi32>, vector<16xi32> -> vector<16xi32>
          %lt3A_953 = arith.constant 0 : i32
          %lt3A_954 = vector.broadcast %lt3A_953 : i32 to vector<16xi32>
          %lt3A_955 = arith.cmpi slt, %broadcast_in_dim3A_942, %lt3A_954 : vector<16xi32>
          %add3A_956 = arith.constant 16 : i32
          %add3A_957 = vector.broadcast %add3A_956 : i32 to vector<16xi32>
          %add3A_958 = arith.addi %broadcast_in_dim3A_942, %add3A_957 : vector<16xi32>
          %select_n3A_959 = arith.select %lt3A_955, %add3A_958, %broadcast_in_dim3A_942 : vector<16xi1>, vector<16xi32>
          %reshape3A_960 = vector.shape_cast %select_n3A_959 : vector<16xi32> to vector<16x1xi32>
          %gather3A_961 = vector.shape_cast %reshape3A_960 : vector<16x1xi32> to vector<16xi32>
          %gather3A_962 = tpu.dynamic_gather %get3A_423[%gather3A_961] in [0] : vector<16xf32>, vector<16xi32> -> vector<16xf32>
          %shift_right_arithmetic3A_963 = arith.constant 16 : i32
          %shift_right_arithmetic3A_964 = vector.broadcast %shift_right_arithmetic3A_963 : i32 to vector<16xi32>
          %shift_right_arithmetic3A_965 = arith.shrsi %gather3A_952, %shift_right_arithmetic3A_964 : vector<16xi32>
          %and3A_966 = arith.constant 3 : i32
          %and3A_967 = vector.broadcast %and3A_966 : i32 to vector<16xi32>
          %and3A_968 = arith.andi %shift_right_arithmetic3A_965, %and3A_967 : vector<16xi32>
          %le3A_969 = arith.cmpi sle, %select_n3A_169, %and3A_968 : vector<16xi32>
          %shift_right_arithmetic3A_970 = arith.constant 18 : i32
          %shift_right_arithmetic3A_971 = vector.broadcast %shift_right_arithmetic3A_970 : i32 to vector<16xi32>
          %shift_right_arithmetic3A_972 = arith.shrsi %gather3A_952, %shift_right_arithmetic3A_971 : vector<16xi32>
          %le3A_973 = arith.cmpi sle, %select_n3A_203, %shift_right_arithmetic3A_972 : vector<16xi32>
          %and3A_974 = arith.andi %le3A_969, %le3A_973 : vector<16xi1>
          %and3A_975 = arith.constant 65535 : i32
          %and3A_976 = vector.broadcast %and3A_975 : i32 to vector<16xi32>
          %and3A_977 = arith.andi %gather3A_952, %and3A_976 : vector<16xi32>
          %add3A_978 = arith.addi %and3A_977, %add3A_207 : vector<16xi32>
          %gather3A_979 = tpu.vector_load_idx %arg14[%add3A_978] masked %and3A_974 : memref<50688xf32, #tpu.memory_space<vmem>>[vector<16xi32>], vector<16xf32>, vector<16xi1>
          %max3A_980 = arith.maximumf %gather3A_979, %gather3A_962 : vector<16xf32>
          tpu.vector_store_idx %arg14[%add3A_978], %max3A_980 masked %and3A_974 : memref<50688xf32, #tpu.memory_space<vmem>>[vector<16xi32>], vector<16xf32>, vector<16xi1>
          %broadcast_in_dim3A_981 = arith.constant 14 : i32
          %broadcast_in_dim3A_982 = vector.broadcast %broadcast_in_dim3A_981 : i32 to vector<16xi32>
          %lt3A_983 = arith.constant 0 : i32
          %lt3A_984 = vector.broadcast %lt3A_983 : i32 to vector<16xi32>
          %lt3A_985 = arith.cmpi slt, %broadcast_in_dim3A_982, %lt3A_984 : vector<16xi32>
          %add3A_986 = arith.constant 16 : i32
          %add3A_987 = vector.broadcast %add3A_986 : i32 to vector<16xi32>
          %add3A_988 = arith.addi %broadcast_in_dim3A_982, %add3A_987 : vector<16xi32>
          %select_n3A_989 = arith.select %lt3A_985, %add3A_988, %broadcast_in_dim3A_982 : vector<16xi1>, vector<16xi32>
          %reshape3A_990 = vector.shape_cast %select_n3A_989 : vector<16xi32> to vector<16x1xi32>
          %gather3A_991 = vector.shape_cast %reshape3A_990 : vector<16x1xi32> to vector<16xi32>
          %gather3A_992 = tpu.dynamic_gather %get3A_421[%gather3A_991] in [0] : vector<16xi32>, vector<16xi32> -> vector<16xi32>
          %lt3A_993 = arith.constant 0 : i32
          %lt3A_994 = vector.broadcast %lt3A_993 : i32 to vector<16xi32>
          %lt3A_995 = arith.cmpi slt, %broadcast_in_dim3A_982, %lt3A_994 : vector<16xi32>
          %add3A_996 = arith.constant 16 : i32
          %add3A_997 = vector.broadcast %add3A_996 : i32 to vector<16xi32>
          %add3A_998 = arith.addi %broadcast_in_dim3A_982, %add3A_997 : vector<16xi32>
          %select_n3A_999 = arith.select %lt3A_995, %add3A_998, %broadcast_in_dim3A_982 : vector<16xi1>, vector<16xi32>
          %reshape3A_1000 = vector.shape_cast %select_n3A_999 : vector<16xi32> to vector<16x1xi32>
          %gather3A_1001 = vector.shape_cast %reshape3A_1000 : vector<16x1xi32> to vector<16xi32>
          %gather3A_1002 = tpu.dynamic_gather %get3A_423[%gather3A_1001] in [0] : vector<16xf32>, vector<16xi32> -> vector<16xf32>
          %shift_right_arithmetic3A_1003 = arith.constant 16 : i32
          %shift_right_arithmetic3A_1004 = vector.broadcast %shift_right_arithmetic3A_1003 : i32 to vector<16xi32>
          %shift_right_arithmetic3A_1005 = arith.shrsi %gather3A_992, %shift_right_arithmetic3A_1004 : vector<16xi32>
          %and3A_1006 = arith.constant 3 : i32
          %and3A_1007 = vector.broadcast %and3A_1006 : i32 to vector<16xi32>
          %and3A_1008 = arith.andi %shift_right_arithmetic3A_1005, %and3A_1007 : vector<16xi32>
          %le3A_1009 = arith.cmpi sle, %select_n3A_169, %and3A_1008 : vector<16xi32>
          %shift_right_arithmetic3A_1010 = arith.constant 18 : i32
          %shift_right_arithmetic3A_1011 = vector.broadcast %shift_right_arithmetic3A_1010 : i32 to vector<16xi32>
          %shift_right_arithmetic3A_1012 = arith.shrsi %gather3A_992, %shift_right_arithmetic3A_1011 : vector<16xi32>
          %le3A_1013 = arith.cmpi sle, %select_n3A_203, %shift_right_arithmetic3A_1012 : vector<16xi32>
          %and3A_1014 = arith.andi %le3A_1009, %le3A_1013 : vector<16xi1>
          %and3A_1015 = arith.constant 65535 : i32
          %and3A_1016 = vector.broadcast %and3A_1015 : i32 to vector<16xi32>
          %and3A_1017 = arith.andi %gather3A_992, %and3A_1016 : vector<16xi32>
          %add3A_1018 = arith.addi %and3A_1017, %add3A_207 : vector<16xi32>
          %gather3A_1019 = tpu.vector_load_idx %arg13[%add3A_1018] masked %and3A_1014 : memref<50688xf32, #tpu.memory_space<vmem>>[vector<16xi32>], vector<16xf32>, vector<16xi1>
          %max3A_1020 = arith.maximumf %gather3A_1019, %gather3A_1002 : vector<16xf32>
          tpu.vector_store_idx %arg13[%add3A_1018], %max3A_1020 masked %and3A_1014 : memref<50688xf32, #tpu.memory_space<vmem>>[vector<16xi32>], vector<16xf32>, vector<16xi1>
          %broadcast_in_dim3A_1021 = arith.constant 15 : i32
          %broadcast_in_dim3A_1022 = vector.broadcast %broadcast_in_dim3A_1021 : i32 to vector<16xi32>
          %lt3A_1023 = arith.constant 0 : i32
          %lt3A_1024 = vector.broadcast %lt3A_1023 : i32 to vector<16xi32>
          %lt3A_1025 = arith.cmpi slt, %broadcast_in_dim3A_1022, %lt3A_1024 : vector<16xi32>
          %add3A_1026 = arith.constant 16 : i32
          %add3A_1027 = vector.broadcast %add3A_1026 : i32 to vector<16xi32>
          %add3A_1028 = arith.addi %broadcast_in_dim3A_1022, %add3A_1027 : vector<16xi32>
          %select_n3A_1029 = arith.select %lt3A_1025, %add3A_1028, %broadcast_in_dim3A_1022 : vector<16xi1>, vector<16xi32>
          %reshape3A_1030 = vector.shape_cast %select_n3A_1029 : vector<16xi32> to vector<16x1xi32>
          %gather3A_1031 = vector.shape_cast %reshape3A_1030 : vector<16x1xi32> to vector<16xi32>
          %gather3A_1032 = tpu.dynamic_gather %get3A_421[%gather3A_1031] in [0] : vector<16xi32>, vector<16xi32> -> vector<16xi32>
          %lt3A_1033 = arith.constant 0 : i32
          %lt3A_1034 = vector.broadcast %lt3A_1033 : i32 to vector<16xi32>
          %lt3A_1035 = arith.cmpi slt, %broadcast_in_dim3A_1022, %lt3A_1034 : vector<16xi32>
          %add3A_1036 = arith.constant 16 : i32
          %add3A_1037 = vector.broadcast %add3A_1036 : i32 to vector<16xi32>
          %add3A_1038 = arith.addi %broadcast_in_dim3A_1022, %add3A_1037 : vector<16xi32>
          %select_n3A_1039 = arith.select %lt3A_1035, %add3A_1038, %broadcast_in_dim3A_1022 : vector<16xi1>, vector<16xi32>
          %reshape3A_1040 = vector.shape_cast %select_n3A_1039 : vector<16xi32> to vector<16x1xi32>
          %gather3A_1041 = vector.shape_cast %reshape3A_1040 : vector<16x1xi32> to vector<16xi32>
          %gather3A_1042 = tpu.dynamic_gather %get3A_423[%gather3A_1041] in [0] : vector<16xf32>, vector<16xi32> -> vector<16xf32>
          %shift_right_arithmetic3A_1043 = arith.constant 16 : i32
          %shift_right_arithmetic3A_1044 = vector.broadcast %shift_right_arithmetic3A_1043 : i32 to vector<16xi32>
          %shift_right_arithmetic3A_1045 = arith.shrsi %gather3A_1032, %shift_right_arithmetic3A_1044 : vector<16xi32>
          %and3A_1046 = arith.constant 3 : i32
          %and3A_1047 = vector.broadcast %and3A_1046 : i32 to vector<16xi32>
          %and3A_1048 = arith.andi %shift_right_arithmetic3A_1045, %and3A_1047 : vector<16xi32>
          %le3A_1049 = arith.cmpi sle, %select_n3A_169, %and3A_1048 : vector<16xi32>
          %shift_right_arithmetic3A_1050 = arith.constant 18 : i32
          %shift_right_arithmetic3A_1051 = vector.broadcast %shift_right_arithmetic3A_1050 : i32 to vector<16xi32>
          %shift_right_arithmetic3A_1052 = arith.shrsi %gather3A_1032, %shift_right_arithmetic3A_1051 : vector<16xi32>
          %le3A_1053 = arith.cmpi sle, %select_n3A_203, %shift_right_arithmetic3A_1052 : vector<16xi32>
          %and3A_1054 = arith.andi %le3A_1049, %le3A_1053 : vector<16xi1>
          %and3A_1055 = arith.constant 65535 : i32
          %and3A_1056 = vector.broadcast %and3A_1055 : i32 to vector<16xi32>
          %and3A_1057 = arith.andi %gather3A_1032, %and3A_1056 : vector<16xi32>
          %add3A_1058 = arith.addi %and3A_1057, %add3A_207 : vector<16xi32>
          %gather3A_1059 = tpu.vector_load_idx %arg14[%add3A_1058] masked %and3A_1054 : memref<50688xf32, #tpu.memory_space<vmem>>[vector<16xi32>], vector<16xf32>, vector<16xi1>
          %max3A_1060 = arith.maximumf %gather3A_1059, %gather3A_1042 : vector<16xf32>
          tpu.vector_store_idx %arg14[%add3A_1058], %max3A_1060 masked %and3A_1054 : memref<50688xf32, #tpu.memory_space<vmem>>[vector<16xi32>], vector<16xf32>, vector<16xi1>
          %while3A_1061 = arith.constant 0 : i32
          scf.yield %while3A_1061 : i32
        }
        %lt3A_338 = arith.constant 7 : i32
        %lt3A_339 = arith.cmpi slt, %scan3A_245, %lt3A_338 : i32
        %convert_element_type3A_340 = arith.extui %lt3A_339 : i1 to i32
        %cond3A_341 = arith.constant 0 : i32
        %cond3A_342 = arith.cmpi ne, %convert_element_type3A_340, %cond3A_341 : i32
        scf.if %cond3A_342 {
          %mul3A_416 = arith.constant 2 : i32
          %mul3A_417 = arith.muli %mul3A_416, %scan3A_245 : i32
          %add3A_418 = arith.constant 2 : i32
          %add3A_419 = arith.addi %mul3A_417, %add3A_418 : i32
          %mul3A_420 = arith.constant 3 : i32
          %mul3A_421 = arith.muli %select_n3A, %mul3A_420 : i32
          %mul3A_422 = arith.constant 32768 : i32
          %mul3A_423 = arith.muli %mul3A_421, %mul3A_422 : i32
          %mul3A_424 = arith.constant 2048 : i32
          %mul3A_425 = arith.muli %add3A_419, %mul3A_424 : i32
          %add3A_426 = arith.addi %mul3A_423, %mul3A_425 : i32
          %add3A_427 = arith.constant 0 : i32
          %add3A_428 = arith.addi %add3A_426, %add3A_427 : i32
          %dma_start3A_429 = tpu.memref_slice %arg2[%add3A_428] : memref<393216xf32, #tpu.memory_space<hbm>> -> memref<2048xf32, #tpu.memory_space<hbm>>
          %dma_start3A_430 = tpu.memref_slice %arg2[%add3A_428] : memref<393216xf32, #tpu.memory_space<hbm>> -> memref<2048xf32, #tpu.memory_space<hbm>>
          tpu.enqueue_dma source(%dma_start3A_430 : memref<2048xf32, #tpu.memory_space<hbm>>) target(%arg5 : memref<2048xf32, #tpu.memory_space<vmem>>) target_semaphore(%arg17 : memref<!tpu.dma_semaphore, #tpu.memory_space<semaphore_mem>>)
          %add3A_431 = arith.constant 32768 : i32
          %add3A_432 = arith.addi %add3A_426, %add3A_431 : i32
          %dma_start3A_433 = tpu.memref_slice %arg2[%add3A_432] : memref<393216xf32, #tpu.memory_space<hbm>> -> memref<2048xf32, #tpu.memory_space<hbm>>
          %dma_start3A_434 = tpu.memref_slice %arg2[%add3A_432] : memref<393216xf32, #tpu.memory_space<hbm>> -> memref<2048xf32, #tpu.memory_space<hbm>>
          tpu.enqueue_dma source(%dma_start3A_434 : memref<2048xf32, #tpu.memory_space<hbm>>) target(%arg6 : memref<2048xf32, #tpu.memory_space<vmem>>) target_semaphore(%arg17 : memref<!tpu.dma_semaphore, #tpu.memory_space<semaphore_mem>>)
          %add3A_435 = arith.constant 65536 : i32
          %add3A_436 = arith.addi %add3A_426, %add3A_435 : i32
          %dma_start3A_437 = tpu.memref_slice %arg2[%add3A_436] : memref<393216xf32, #tpu.memory_space<hbm>> -> memref<2048xf32, #tpu.memory_space<hbm>>
          %dma_start3A_438 = tpu.memref_slice %arg2[%add3A_436] : memref<393216xf32, #tpu.memory_space<hbm>> -> memref<2048xf32, #tpu.memory_space<hbm>>
          tpu.enqueue_dma source(%dma_start3A_438 : memref<2048xf32, #tpu.memory_space<hbm>>) target(%arg7 : memref<2048xf32, #tpu.memory_space<vmem>>) target_semaphore(%arg17 : memref<!tpu.dma_semaphore, #tpu.memory_space<semaphore_mem>>)
        } else {
        }
        %mul3A_343 = arith.constant 2 : i32
        %mul3A_344 = arith.muli %mul3A_343, %scan3A_245 : i32
        %add3A_345 = arith.constant 1 : i32
        %add3A_346 = arith.addi %mul3A_344, %add3A_345 : i32
        %mul3A_347 = arith.constant 3 : i32
        %mul3A_348 = arith.muli %select_n3A, %mul3A_347 : i32
        %mul3A_349 = arith.constant 32768 : i32
        %mul3A_350 = arith.muli %mul3A_348, %mul3A_349 : i32
        %mul3A_351 = arith.constant 2048 : i32
        %mul3A_352 = arith.muli %add3A_346, %mul3A_351 : i32
        %add3A_353 = arith.addi %mul3A_350, %mul3A_352 : i32
        %add3A_354 = arith.constant 0 : i32
        %add3A_355 = arith.addi %add3A_353, %add3A_354 : i32
        %dma_wait3A_356 = tpu.memref_slice %arg2[%add3A_355] : memref<393216xf32, #tpu.memory_space<hbm>> -> memref<2048xf32, #tpu.memory_space<hbm>>
        %dma_wait3A_357 = tpu.memref_slice %arg2[%add3A_355] : memref<393216xf32, #tpu.memory_space<hbm>> -> memref<2048xf32, #tpu.memory_space<hbm>>
        tpu.wait_dma2 semaphore(%arg18 : memref<!tpu.dma_semaphore, #tpu.memory_space<semaphore_mem>>) src(%dma_wait3A_357 : memref<2048xf32, #tpu.memory_space<hbm>>) dst(%arg8 : memref<2048xf32, #tpu.memory_space<vmem>>)
        %add3A_358 = arith.constant 32768 : i32
        %add3A_359 = arith.addi %add3A_353, %add3A_358 : i32
        %dma_wait3A_360 = tpu.memref_slice %arg2[%add3A_359] : memref<393216xf32, #tpu.memory_space<hbm>> -> memref<2048xf32, #tpu.memory_space<hbm>>
        %dma_wait3A_361 = tpu.memref_slice %arg2[%add3A_359] : memref<393216xf32, #tpu.memory_space<hbm>> -> memref<2048xf32, #tpu.memory_space<hbm>>
        tpu.wait_dma2 semaphore(%arg18 : memref<!tpu.dma_semaphore, #tpu.memory_space<semaphore_mem>>) src(%dma_wait3A_361 : memref<2048xf32, #tpu.memory_space<hbm>>) dst(%arg9 : memref<2048xf32, #tpu.memory_space<vmem>>)
        %add3A_362 = arith.constant 65536 : i32
        %add3A_363 = arith.addi %add3A_353, %add3A_362 : i32
        %dma_wait3A_364 = tpu.memref_slice %arg2[%add3A_363] : memref<393216xf32, #tpu.memory_space<hbm>> -> memref<2048xf32, #tpu.memory_space<hbm>>
        %dma_wait3A_365 = tpu.memref_slice %arg2[%add3A_363] : memref<393216xf32, #tpu.memory_space<hbm>> -> memref<2048xf32, #tpu.memory_space<hbm>>
        tpu.wait_dma2 semaphore(%arg18 : memref<!tpu.dma_semaphore, #tpu.memory_space<semaphore_mem>>) src(%dma_wait3A_365 : memref<2048xf32, #tpu.memory_space<hbm>>) dst(%arg10 : memref<2048xf32, #tpu.memory_space<vmem>>)
        %scan3A_366 = arith.constant 0 : i32
        %scan3A_367 = arith.constant 0 : i32
        %scan3A_368 = arith.constant 128 : i32
        %scan3A_369 = arith.addi %scan3A_367, %scan3A_368 : i32
        %scan3A_370 = arith.constant 1 : i32
        %scan3A_371 = scf.for %scan3A_416 = %scan3A_367 to %scan3A_369 step %scan3A_370 iter_args(%scan3A_417 = %scan3A_366) -> (i32)  : i32 {
          %mul3A_418 = arith.constant 16 : i32
          %mul3A_419 = arith.muli %scan3A_416, %mul3A_418 : i32
          %get3A_420 = arith.index_cast %mul3A_419 : i32 to index
          %get3A_421 = tpu.vector_load %arg8[%get3A_420] {strides = array<i32>} : memref<2048xf32, #tpu.memory_space<vmem>>, vector<16xf32>,
          %get3A_422 = arith.index_cast %mul3A_419 : i32 to index
          %get3A_423 = tpu.vector_load %arg9[%get3A_422] {strides = array<i32>} : memref<2048xf32, #tpu.memory_space<vmem>>, vector<16xf32>,
          %get3A_424 = arith.index_cast %mul3A_419 : i32 to index
          %get3A_425 = tpu.vector_load %arg10[%get3A_424] {strides = array<i32>} : memref<2048xf32, #tpu.memory_space<vmem>>, vector<16xf32>,
          %mul3A_426 = arith.mulf %get3A_421, %get3A_24 : vector<16xf32>
          %mul3A_427 = arith.mulf %get3A_425, %get3A_26 : vector<16xf32>
          %sub3A_428 = arith.subf %mul3A_426, %mul3A_427 : vector<16xf32>
          %mul3A_429 = arith.mulf %get3A_421, %get3A_26 : vector<16xf32>
          %mul3A_430 = arith.mulf %get3A_425, %get3A_24 : vector<16xf32>
          %add3A_431 = arith.addf %mul3A_429, %mul3A_430 : vector<16xf32>
          %mul3A_432 = arith.mulf %get3A_423, %get3A_28 : vector<16xf32>
          %mul3A_433 = arith.mulf %add3A_431, %get3A_30 : vector<16xf32>
          %sub3A_434 = arith.subf %mul3A_432, %mul3A_433 : vector<16xf32>
          %mul3A_435 = arith.mulf %get3A_423, %get3A_30 : vector<16xf32>
          %mul3A_436 = arith.mulf %add3A_431, %get3A_28 : vector<16xf32>
          %add3A_437 = arith.addf %mul3A_435, %mul3A_436 : vector<16xf32>
          %sub3A_438 = arith.subf %add3A_437, %min3A_111 : vector<16xf32>
          %div3A_439 = arith.divf %sub3A_438, %add3A_142 : vector<16xf32>
          %mul3A_440 = arith.constant 0.699999988 : f32
          %mul3A_441 = vector.broadcast %mul3A_440 : f32 to vector<16xf32>
          %mul3A_442 = arith.mulf %mul3A_441, %div3A_439 : vector<16xf32>
          %add3A_443 = arith.constant 3.000000e-01 : f32
          %add3A_444 = vector.broadcast %add3A_443 : f32 to vector<16xf32>
          %add3A_445 = arith.addf %add3A_444, %mul3A_442 : vector<16xf32>
          %add3A_446 = arith.addf %sub3A_428, %get3A_32 : vector<16xf32>
          %add3A_447 = arith.constant 1.000000e+00 : f32
          %add3A_448 = vector.broadcast %add3A_447 : f32 to vector<16xf32>
          %add3A_449 = arith.addf %add3A_446, %add3A_448 : vector<16xf32>
          %mul3A_450 = arith.constant 5.000000e-01 : f32
          %mul3A_451 = vector.broadcast %mul3A_450 : f32 to vector<16xf32>
          %mul3A_452 = arith.mulf %add3A_449, %mul3A_451 : vector<16xf32>
          %mul3A_453 = arith.constant 2.230000e+02 : f32
          %mul3A_454 = vector.broadcast %mul3A_453 : f32 to vector<16xf32>
          %mul3A_455 = arith.mulf %mul3A_452, %mul3A_454 : vector<16xf32>
          %add3A_456 = arith.addf %sub3A_428, %get3A_34 : vector<16xf32>
          %add3A_457 = arith.constant 1.000000e+00 : f32
          %add3A_458 = vector.broadcast %add3A_457 : f32 to vector<16xf32>
          %add3A_459 = arith.addf %add3A_456, %add3A_458 : vector<16xf32>
          %mul3A_460 = arith.constant 5.000000e-01 : f32
          %mul3A_461 = vector.broadcast %mul3A_460 : f32 to vector<16xf32>
          %mul3A_462 = arith.mulf %add3A_459, %mul3A_461 : vector<16xf32>
          %mul3A_463 = arith.constant 2.230000e+02 : f32
          %mul3A_464 = vector.broadcast %mul3A_463 : f32 to vector<16xf32>
          %mul3A_465 = arith.mulf %mul3A_462, %mul3A_464 : vector<16xf32>
          %add3A_466 = arith.addf %sub3A_434, %get3A_32 : vector<16xf32>
          %add3A_467 = arith.constant 1.000000e+00 : f32
          %add3A_468 = vector.broadcast %add3A_467 : f32 to vector<16xf32>
          %add3A_469 = arith.addf %add3A_466, %add3A_468 : vector<16xf32>
          %mul3A_470 = arith.constant 5.000000e-01 : f32
          %mul3A_471 = vector.broadcast %mul3A_470 : f32 to vector<16xf32>
          %mul3A_472 = arith.mulf %add3A_469, %mul3A_471 : vector<16xf32>
          %mul3A_473 = arith.constant 2.230000e+02 : f32
          %mul3A_474 = vector.broadcast %mul3A_473 : f32 to vector<16xf32>
          %mul3A_475 = arith.mulf %mul3A_472, %mul3A_474 : vector<16xf32>
          %add3A_476 = arith.addf %sub3A_434, %get3A_34 : vector<16xf32>
          %add3A_477 = arith.constant 1.000000e+00 : f32
          %add3A_478 = vector.broadcast %add3A_477 : f32 to vector<16xf32>
          %add3A_479 = arith.addf %add3A_476, %add3A_478 : vector<16xf32>
          %mul3A_480 = arith.constant 5.000000e-01 : f32
          %mul3A_481 = vector.broadcast %mul3A_480 : f32 to vector<16xf32>
          %mul3A_482 = arith.mulf %add3A_479, %mul3A_481 : vector<16xf32>
          %mul3A_483 = arith.constant 2.230000e+02 : f32
          %mul3A_484 = vector.broadcast %mul3A_483 : f32 to vector<16xf32>
          %mul3A_485 = arith.mulf %mul3A_482, %mul3A_484 : vector<16xf32>
          %gt3A = arith.constant -1.000000e+00 : f32
          %gt3A_486 = vector.broadcast %gt3A : f32 to vector<16xf32>
          %gt3A_487 = arith.cmpf ogt, %mul3A_465, %gt3A_486 : vector<16xf32>
          %lt3A_488 = arith.constant 2.240000e+02 : f32
          %lt3A_489 = vector.broadcast %lt3A_488 : f32 to vector<16xf32>
          %lt3A_490 = arith.cmpf olt, %mul3A_455, %lt3A_489 : vector<16xf32>
          %and3A_491 = arith.andi %gt3A_487, %lt3A_490 : vector<16xi1>
          %gt3A_492 = arith.constant -1.000000e+00 : f32
          %gt3A_493 = vector.broadcast %gt3A_492 : f32 to vector<16xf32>
          %gt3A_494 = arith.cmpf ogt, %mul3A_485, %gt3A_493 : vector<16xf32>
          %and3A_495 = arith.andi %and3A_491, %gt3A_494 : vector<16xi1>
          %lt3A_496 = arith.constant 2.240000e+02 : f32
          %lt3A_497 = vector.broadcast %lt3A_496 : f32 to vector<16xf32>
          %lt3A_498 = arith.cmpf olt, %mul3A_475, %lt3A_497 : vector<16xf32>
          %and3A_499 = arith.andi %and3A_495, %lt3A_498 : vector<16xi1>
          %max3A_500 = arith.constant 0.000000e+00 : f32
          %max3A_501 = vector.broadcast %max3A_500 : f32 to vector<16xf32>
          %max3A_502 = arith.maximumf %mul3A_455, %max3A_501 : vector<16xf32>
          %min3A_503 = arith.constant 2.230000e+02 : f32
          %min3A_504 = vector.broadcast %min3A_503 : f32 to vector<16xf32>
          %min3A_505 = arith.minimumf %max3A_502, %min3A_504 : vector<16xf32>
          %convert_element_type3A_506 = arith.fptosi %min3A_505 : vector<16xf32> to vector<16xi32>
          %max3A_507 = arith.constant 0.000000e+00 : f32
          %max3A_508 = vector.broadcast %max3A_507 : f32 to vector<16xf32>
          %max3A_509 = arith.maximumf %mul3A_465, %max3A_508 : vector<16xf32>
          %min3A_510 = arith.constant 2.230000e+02 : f32
          %min3A_511 = vector.broadcast %min3A_510 : f32 to vector<16xf32>
          %min3A_512 = arith.minimumf %max3A_509, %min3A_511 : vector<16xf32>
          %convert_element_type3A_513 = arith.fptosi %min3A_512 : vector<16xf32> to vector<16xi32>
          %max3A_514 = arith.constant 0.000000e+00 : f32
          %max3A_515 = vector.broadcast %max3A_514 : f32 to vector<16xf32>
          %max3A_516 = arith.maximumf %mul3A_475, %max3A_515 : vector<16xf32>
          %min3A_517 = arith.constant 2.230000e+02 : f32
          %min3A_518 = vector.broadcast %min3A_517 : f32 to vector<16xf32>
          %min3A_519 = arith.minimumf %max3A_516, %min3A_518 : vector<16xf32>
          %convert_element_type3A_520 = arith.fptosi %min3A_519 : vector<16xf32> to vector<16xi32>
          %max3A_521 = arith.constant 0.000000e+00 : f32
          %max3A_522 = vector.broadcast %max3A_521 : f32 to vector<16xf32>
          %max3A_523 = arith.maximumf %mul3A_485, %max3A_522 : vector<16xf32>
          %min3A_524 = arith.constant 2.230000e+02 : f32
          %min3A_525 = vector.broadcast %min3A_524 : f32 to vector<16xf32>
          %min3A_526 = arith.minimumf %max3A_523, %min3A_525 : vector<16xf32>
          %convert_element_type3A_527 = arith.fptosi %min3A_526 : vector<16xf32> to vector<16xi32>
          %mul3A_528 = arith.constant 224 : i32
          %mul3A_529 = vector.broadcast %mul3A_528 : i32 to vector<16xi32>
          %mul3A_530 = arith.muli %convert_element_type3A_520, %mul3A_529 : vector<16xi32>
          %add3A_531 = arith.addi %mul3A_530, %convert_element_type3A_506 : vector<16xi32>
          %sub3A_532 = arith.subi %convert_element_type3A_513, %convert_element_type3A_506 : vector<16xi32>
          %shift_left3A = arith.constant 16 : i32
          %shift_left3A_533 = vector.broadcast %shift_left3A : i32 to vector<16xi32>
          %shift_left3A_534 = arith.shli %sub3A_532, %shift_left3A_533 : vector<16xi32>
          %or3A = arith.ori %add3A_531, %shift_left3A_534 : vector<16xi32>
          %sub3A_535 = arith.subi %convert_element_type3A_527, %convert_element_type3A_520 : vector<16xi32>
          %shift_left3A_536 = arith.constant 18 : i32
          %shift_left3A_537 = vector.broadcast %shift_left3A_536 : i32 to vector<16xi32>
          %shift_left3A_538 = arith.shli %sub3A_535, %shift_left3A_537 : vector<16xi32>
          %or3A_539 = arith.ori %or3A, %shift_left3A_538 : vector<16xi32>
          %swap3A_540 = arith.index_cast %scan3A_417 : i32 to index
          %swap3A_541 = tpu.vector_load %arg11[%swap3A_540] masked %and3A_499 {strides = array<i32>} : memref<2064xi32, #tpu.memory_space<vmem>>, vector<16xi32>, vector<16xi1>
          tpu.vector_store %arg11[%swap3A_540], %or3A_539 masked %and3A_499 {strides = array<i32>} : memref<2064xi32, #tpu.memory_space<vmem>>, vector<16xi32>, vector<16xi1>
          %swap3A_542 = arith.index_cast %scan3A_417 : i32 to index
          %swap3A_543 = tpu.vector_load %arg12[%swap3A_542] masked %and3A_499 {strides = array<i32>} : memref<2064xf32, #tpu.memory_space<vmem>>, vector<16xf32>, vector<16xi1>
          tpu.vector_store %arg12[%swap3A_542], %add3A_445 masked %and3A_499 {strides = array<i32>} : memref<2064xf32, #tpu.memory_space<vmem>>, vector<16xf32>, vector<16xi1>
          %all_reduce_population_count3A = tpu.all_reduce %and3A_499 {dim = 0 : i64, kind = #tpu.reduction_kind<sum>} : vector<16xi1> -> vector<16xi32>
          %slice3A = vector.extract_strided_slice %all_reduce_population_count3A {offsets = [0], sizes = [1], strides = [1]} : vector<16xi32> to vector<1xi32>
          %squeeze3A = vector.extract %slice3A[0] : i32 from vector<1xi32>
          %add3A_544 = arith.addi %scan3A_417, %squeeze3A : i32
          scf.yield %add3A_544 : i32
        }
        %scan3A_372 = arith.constant 128 : i32
        %broadcast_in_dim3A_373 = arith.constant 1033248 : i32
        %broadcast_in_dim3A_374 = vector.broadcast %broadcast_in_dim3A_373 : i32 to vector<16xi32>
        %swap3A_375 = arith.index_cast %scan3A_371 : i32 to index
        %swap3A_376 = tpu.vector_load %arg11[%swap3A_375] {strides = array<i32>} : memref<2064xi32, #tpu.memory_space<vmem>>, vector<16xi32>,
        tpu.vector_store %arg11[%swap3A_375], %broadcast_in_dim3A_374 {strides = array<i32>} : memref<2064xi32, #tpu.memory_space<vmem>>, vector<16xi32>,
        %add3A_377 = arith.constant 15 : i32
        %add3A_378 = arith.addi %scan3A_371, %add3A_377 : i32
        %jit3A_379 = arith.constant 16 : i32
        %div3A_380 = arith.divsi %add3A_378, %jit3A_379 : i32
        %sign3A_381 = arith.constant 0 : i32
        %sign3A_382 = arith.cmpi sgt, %add3A_378, %sign3A_381 : i32
        %sign3A_383 = arith.extui %sign3A_382 : i1 to i32
        %sign3A_384 = arith.constant 0 : i32
        %sign3A_385 = arith.cmpi slt, %add3A_378, %sign3A_384 : i32
        %sign3A_386 = arith.extui %sign3A_385 : i1 to i32
        %sign3A_387 = arith.subi %sign3A_383, %sign3A_386 : i32
        %sign3A_388 = arith.constant 0 : i32
        %sign3A_389 = arith.cmpi sgt, %jit3A_379, %sign3A_388 : i32
        %sign3A_390 = arith.extui %sign3A_389 : i1 to i32
        %sign3A_391 = arith.constant 0 : i32
        %sign3A_392 = arith.cmpi slt, %jit3A_379, %sign3A_391 : i32
        %sign3A_393 = arith.extui %sign3A_392 : i1 to i32
        %sign3A_394 = arith.subi %sign3A_390, %sign3A_393 : i32
        %ne3A_395 = arith.cmpi ne, %sign3A_387, %sign3A_394 : i32
        %rem3A_396 = arith.remsi %add3A_378, %jit3A_379 : i32
        %ne3A_397 = arith.constant 0 : i32
        %ne3A_398 = arith.cmpi ne, %rem3A_396, %ne3A_397 : i32
        %and3A_399 = arith.andi %ne3A_395, %ne3A_398 : i1
        %sub3A_400 = arith.constant 1 : i32
        %sub3A_401 = arith.subi %div3A_380, %sub3A_400 : i32
        %select_n3A_402 = arith.select %and3A_399, %sub3A_401, %div3A_380 : i32
        %while3A_403 = arith.constant 0 : i32
        %while3A_404 = arith.constant 0 : i32
        %while3A_405 = arith.subi %select_n3A_402, %while3A_403 : i32
        %while3A_406 = arith.addi %while3A_403, %while3A_405 : i32
        %while3A_407 = arith.constant 1 : i32
        %while3A_408 = arith.divsi %while3A_405, %while3A_407 : i32
        %while3A_409 = arith.muli %while3A_408, %while3A_407 : i32
        %while3A_410 = arith.addi %while3A_403, %while3A_409 : i32
        %while3A_411 = arith.constant 1 : i32
        %while3A_412 = scf.for %while3A_416 = %while3A_403 to %while3A_410 step %while3A_411 iter_args(%while3A_417 = %while3A_404) -> (i32)  : i32 {
          %mul3A_418 = arith.constant 16 : i32
          %mul3A_419 = arith.muli %while3A_416, %mul3A_418 : i32
          %get3A_420 = arith.index_cast %mul3A_419 : i32 to index
          %get3A_421 = tpu.vector_load %arg11[%get3A_420] {strides = array<i32>} : memref<2064xi32, #tpu.memory_space<vmem>>, vector<16xi32>,
          %get3A_422 = arith.index_cast %mul3A_419 : i32 to index
          %get3A_423 = tpu.vector_load %arg12[%get3A_422] {strides = array<i32>} : memref<2064xf32, #tpu.memory_space<vmem>>, vector<16xf32>,
          %broadcast_in_dim3A_424 = arith.constant 0 : i32
          %broadcast_in_dim3A_425 = vector.broadcast %broadcast_in_dim3A_424 : i32 to vector<16xi32>
          %lt3A_426 = arith.constant 0 : i32
          %lt3A_427 = vector.broadcast %lt3A_426 : i32 to vector<16xi32>
          %lt3A_428 = arith.cmpi slt, %broadcast_in_dim3A_425, %lt3A_427 : vector<16xi32>
          %add3A_429 = arith.constant 16 : i32
          %add3A_430 = vector.broadcast %add3A_429 : i32 to vector<16xi32>
          %add3A_431 = arith.addi %broadcast_in_dim3A_425, %add3A_430 : vector<16xi32>
          %select_n3A_432 = arith.select %lt3A_428, %add3A_431, %broadcast_in_dim3A_425 : vector<16xi1>, vector<16xi32>
          %reshape3A = vector.shape_cast %select_n3A_432 : vector<16xi32> to vector<16x1xi32>
          %gather3A_433 = vector.shape_cast %reshape3A : vector<16x1xi32> to vector<16xi32>
          %gather3A_434 = tpu.dynamic_gather %get3A_421[%gather3A_433] in [0] : vector<16xi32>, vector<16xi32> -> vector<16xi32>
          %lt3A_435 = arith.constant 0 : i32
          %lt3A_436 = vector.broadcast %lt3A_435 : i32 to vector<16xi32>
          %lt3A_437 = arith.cmpi slt, %broadcast_in_dim3A_425, %lt3A_436 : vector<16xi32>
          %add3A_438 = arith.constant 16 : i32
          %add3A_439 = vector.broadcast %add3A_438 : i32 to vector<16xi32>
          %add3A_440 = arith.addi %broadcast_in_dim3A_425, %add3A_439 : vector<16xi32>
          %select_n3A_441 = arith.select %lt3A_437, %add3A_440, %broadcast_in_dim3A_425 : vector<16xi1>, vector<16xi32>
          %reshape3A_442 = vector.shape_cast %select_n3A_441 : vector<16xi32> to vector<16x1xi32>
          %gather3A_443 = vector.shape_cast %reshape3A_442 : vector<16x1xi32> to vector<16xi32>
          %gather3A_444 = tpu.dynamic_gather %get3A_423[%gather3A_443] in [0] : vector<16xf32>, vector<16xi32> -> vector<16xf32>
          %shift_right_arithmetic3A = arith.constant 16 : i32
          %shift_right_arithmetic3A_445 = vector.broadcast %shift_right_arithmetic3A : i32 to vector<16xi32>
          %shift_right_arithmetic3A_446 = arith.shrsi %gather3A_434, %shift_right_arithmetic3A_445 : vector<16xi32>
          %and3A_447 = arith.constant 3 : i32
          %and3A_448 = vector.broadcast %and3A_447 : i32 to vector<16xi32>
          %and3A_449 = arith.andi %shift_right_arithmetic3A_446, %and3A_448 : vector<16xi32>
          %le3A = arith.cmpi sle, %select_n3A_169, %and3A_449 : vector<16xi32>
          %shift_right_arithmetic3A_450 = arith.constant 18 : i32
          %shift_right_arithmetic3A_451 = vector.broadcast %shift_right_arithmetic3A_450 : i32 to vector<16xi32>
          %shift_right_arithmetic3A_452 = arith.shrsi %gather3A_434, %shift_right_arithmetic3A_451 : vector<16xi32>
          %le3A_453 = arith.cmpi sle, %select_n3A_203, %shift_right_arithmetic3A_452 : vector<16xi32>
          %and3A_454 = arith.andi %le3A, %le3A_453 : vector<16xi1>
          %and3A_455 = arith.constant 65535 : i32
          %and3A_456 = vector.broadcast %and3A_455 : i32 to vector<16xi32>
          %and3A_457 = arith.andi %gather3A_434, %and3A_456 : vector<16xi32>
          %add3A_458 = arith.addi %and3A_457, %add3A_207 : vector<16xi32>
          %gather3A_459 = tpu.vector_load_idx %arg13[%add3A_458] masked %and3A_454 : memref<50688xf32, #tpu.memory_space<vmem>>[vector<16xi32>], vector<16xf32>, vector<16xi1>
          %max3A_460 = arith.maximumf %gather3A_459, %gather3A_444 : vector<16xf32>
          tpu.vector_store_idx %arg13[%add3A_458], %max3A_460 masked %and3A_454 : memref<50688xf32, #tpu.memory_space<vmem>>[vector<16xi32>], vector<16xf32>, vector<16xi1>
          %broadcast_in_dim3A_461 = arith.constant 1 : i32
          %broadcast_in_dim3A_462 = vector.broadcast %broadcast_in_dim3A_461 : i32 to vector<16xi32>
          %lt3A_463 = arith.constant 0 : i32
          %lt3A_464 = vector.broadcast %lt3A_463 : i32 to vector<16xi32>
          %lt3A_465 = arith.cmpi slt, %broadcast_in_dim3A_462, %lt3A_464 : vector<16xi32>
          %add3A_466 = arith.constant 16 : i32
          %add3A_467 = vector.broadcast %add3A_466 : i32 to vector<16xi32>
          %add3A_468 = arith.addi %broadcast_in_dim3A_462, %add3A_467 : vector<16xi32>
          %select_n3A_469 = arith.select %lt3A_465, %add3A_468, %broadcast_in_dim3A_462 : vector<16xi1>, vector<16xi32>
          %reshape3A_470 = vector.shape_cast %select_n3A_469 : vector<16xi32> to vector<16x1xi32>
          %gather3A_471 = vector.shape_cast %reshape3A_470 : vector<16x1xi32> to vector<16xi32>
          %gather3A_472 = tpu.dynamic_gather %get3A_421[%gather3A_471] in [0] : vector<16xi32>, vector<16xi32> -> vector<16xi32>
          %lt3A_473 = arith.constant 0 : i32
          %lt3A_474 = vector.broadcast %lt3A_473 : i32 to vector<16xi32>
          %lt3A_475 = arith.cmpi slt, %broadcast_in_dim3A_462, %lt3A_474 : vector<16xi32>
          %add3A_476 = arith.constant 16 : i32
          %add3A_477 = vector.broadcast %add3A_476 : i32 to vector<16xi32>
          %add3A_478 = arith.addi %broadcast_in_dim3A_462, %add3A_477 : vector<16xi32>
          %select_n3A_479 = arith.select %lt3A_475, %add3A_478, %broadcast_in_dim3A_462 : vector<16xi1>, vector<16xi32>
          %reshape3A_480 = vector.shape_cast %select_n3A_479 : vector<16xi32> to vector<16x1xi32>
          %gather3A_481 = vector.shape_cast %reshape3A_480 : vector<16x1xi32> to vector<16xi32>
          %gather3A_482 = tpu.dynamic_gather %get3A_423[%gather3A_481] in [0] : vector<16xf32>, vector<16xi32> -> vector<16xf32>
          %shift_right_arithmetic3A_483 = arith.constant 16 : i32
          %shift_right_arithmetic3A_484 = vector.broadcast %shift_right_arithmetic3A_483 : i32 to vector<16xi32>
          %shift_right_arithmetic3A_485 = arith.shrsi %gather3A_472, %shift_right_arithmetic3A_484 : vector<16xi32>
          %and3A_486 = arith.constant 3 : i32
          %and3A_487 = vector.broadcast %and3A_486 : i32 to vector<16xi32>
          %and3A_488 = arith.andi %shift_right_arithmetic3A_485, %and3A_487 : vector<16xi32>
          %le3A_489 = arith.cmpi sle, %select_n3A_169, %and3A_488 : vector<16xi32>
          %shift_right_arithmetic3A_490 = arith.constant 18 : i32
          %shift_right_arithmetic3A_491 = vector.broadcast %shift_right_arithmetic3A_490 : i32 to vector<16xi32>
          %shift_right_arithmetic3A_492 = arith.shrsi %gather3A_472, %shift_right_arithmetic3A_491 : vector<16xi32>
          %le3A_493 = arith.cmpi sle, %select_n3A_203, %shift_right_arithmetic3A_492 : vector<16xi32>
          %and3A_494 = arith.andi %le3A_489, %le3A_493 : vector<16xi1>
          %and3A_495 = arith.constant 65535 : i32
          %and3A_496 = vector.broadcast %and3A_495 : i32 to vector<16xi32>
          %and3A_497 = arith.andi %gather3A_472, %and3A_496 : vector<16xi32>
          %add3A_498 = arith.addi %and3A_497, %add3A_207 : vector<16xi32>
          %gather3A_499 = tpu.vector_load_idx %arg14[%add3A_498] masked %and3A_494 : memref<50688xf32, #tpu.memory_space<vmem>>[vector<16xi32>], vector<16xf32>, vector<16xi1>
          %max3A_500 = arith.maximumf %gather3A_499, %gather3A_482 : vector<16xf32>
          tpu.vector_store_idx %arg14[%add3A_498], %max3A_500 masked %and3A_494 : memref<50688xf32, #tpu.memory_space<vmem>>[vector<16xi32>], vector<16xf32>, vector<16xi1>
          %broadcast_in_dim3A_501 = arith.constant 2 : i32
          %broadcast_in_dim3A_502 = vector.broadcast %broadcast_in_dim3A_501 : i32 to vector<16xi32>
          %lt3A_503 = arith.constant 0 : i32
          %lt3A_504 = vector.broadcast %lt3A_503 : i32 to vector<16xi32>
          %lt3A_505 = arith.cmpi slt, %broadcast_in_dim3A_502, %lt3A_504 : vector<16xi32>
          %add3A_506 = arith.constant 16 : i32
          %add3A_507 = vector.broadcast %add3A_506 : i32 to vector<16xi32>
          %add3A_508 = arith.addi %broadcast_in_dim3A_502, %add3A_507 : vector<16xi32>
          %select_n3A_509 = arith.select %lt3A_505, %add3A_508, %broadcast_in_dim3A_502 : vector<16xi1>, vector<16xi32>
          %reshape3A_510 = vector.shape_cast %select_n3A_509 : vector<16xi32> to vector<16x1xi32>
          %gather3A_511 = vector.shape_cast %reshape3A_510 : vector<16x1xi32> to vector<16xi32>
          %gather3A_512 = tpu.dynamic_gather %get3A_421[%gather3A_511] in [0] : vector<16xi32>, vector<16xi32> -> vector<16xi32>
          %lt3A_513 = arith.constant 0 : i32
          %lt3A_514 = vector.broadcast %lt3A_513 : i32 to vector<16xi32>
          %lt3A_515 = arith.cmpi slt, %broadcast_in_dim3A_502, %lt3A_514 : vector<16xi32>
          %add3A_516 = arith.constant 16 : i32
          %add3A_517 = vector.broadcast %add3A_516 : i32 to vector<16xi32>
          %add3A_518 = arith.addi %broadcast_in_dim3A_502, %add3A_517 : vector<16xi32>
          %select_n3A_519 = arith.select %lt3A_515, %add3A_518, %broadcast_in_dim3A_502 : vector<16xi1>, vector<16xi32>
          %reshape3A_520 = vector.shape_cast %select_n3A_519 : vector<16xi32> to vector<16x1xi32>
          %gather3A_521 = vector.shape_cast %reshape3A_520 : vector<16x1xi32> to vector<16xi32>
          %gather3A_522 = tpu.dynamic_gather %get3A_423[%gather3A_521] in [0] : vector<16xf32>, vector<16xi32> -> vector<16xf32>
          %shift_right_arithmetic3A_523 = arith.constant 16 : i32
          %shift_right_arithmetic3A_524 = vector.broadcast %shift_right_arithmetic3A_523 : i32 to vector<16xi32>
          %shift_right_arithmetic3A_525 = arith.shrsi %gather3A_512, %shift_right_arithmetic3A_524 : vector<16xi32>
          %and3A_526 = arith.constant 3 : i32
          %and3A_527 = vector.broadcast %and3A_526 : i32 to vector<16xi32>
          %and3A_528 = arith.andi %shift_right_arithmetic3A_525, %and3A_527 : vector<16xi32>
          %le3A_529 = arith.cmpi sle, %select_n3A_169, %and3A_528 : vector<16xi32>
          %shift_right_arithmetic3A_530 = arith.constant 18 : i32
          %shift_right_arithmetic3A_531 = vector.broadcast %shift_right_arithmetic3A_530 : i32 to vector<16xi32>
          %shift_right_arithmetic3A_532 = arith.shrsi %gather3A_512, %shift_right_arithmetic3A_531 : vector<16xi32>
          %le3A_533 = arith.cmpi sle, %select_n3A_203, %shift_right_arithmetic3A_532 : vector<16xi32>
          %and3A_534 = arith.andi %le3A_529, %le3A_533 : vector<16xi1>
          %and3A_535 = arith.constant 65535 : i32
          %and3A_536 = vector.broadcast %and3A_535 : i32 to vector<16xi32>
          %and3A_537 = arith.andi %gather3A_512, %and3A_536 : vector<16xi32>
          %add3A_538 = arith.addi %and3A_537, %add3A_207 : vector<16xi32>
          %gather3A_539 = tpu.vector_load_idx %arg13[%add3A_538] masked %and3A_534 : memref<50688xf32, #tpu.memory_space<vmem>>[vector<16xi32>], vector<16xf32>, vector<16xi1>
          %max3A_540 = arith.maximumf %gather3A_539, %gather3A_522 : vector<16xf32>
          tpu.vector_store_idx %arg13[%add3A_538], %max3A_540 masked %and3A_534 : memref<50688xf32, #tpu.memory_space<vmem>>[vector<16xi32>], vector<16xf32>, vector<16xi1>
          %broadcast_in_dim3A_541 = arith.constant 3 : i32
          %broadcast_in_dim3A_542 = vector.broadcast %broadcast_in_dim3A_541 : i32 to vector<16xi32>
          %lt3A_543 = arith.constant 0 : i32
          %lt3A_544 = vector.broadcast %lt3A_543 : i32 to vector<16xi32>
          %lt3A_545 = arith.cmpi slt, %broadcast_in_dim3A_542, %lt3A_544 : vector<16xi32>
          %add3A_546 = arith.constant 16 : i32
          %add3A_547 = vector.broadcast %add3A_546 : i32 to vector<16xi32>
          %add3A_548 = arith.addi %broadcast_in_dim3A_542, %add3A_547 : vector<16xi32>
          %select_n3A_549 = arith.select %lt3A_545, %add3A_548, %broadcast_in_dim3A_542 : vector<16xi1>, vector<16xi32>
          %reshape3A_550 = vector.shape_cast %select_n3A_549 : vector<16xi32> to vector<16x1xi32>
          %gather3A_551 = vector.shape_cast %reshape3A_550 : vector<16x1xi32> to vector<16xi32>
          %gather3A_552 = tpu.dynamic_gather %get3A_421[%gather3A_551] in [0] : vector<16xi32>, vector<16xi32> -> vector<16xi32>
          %lt3A_553 = arith.constant 0 : i32
          %lt3A_554 = vector.broadcast %lt3A_553 : i32 to vector<16xi32>
          %lt3A_555 = arith.cmpi slt, %broadcast_in_dim3A_542, %lt3A_554 : vector<16xi32>
          %add3A_556 = arith.constant 16 : i32
          %add3A_557 = vector.broadcast %add3A_556 : i32 to vector<16xi32>
          %add3A_558 = arith.addi %broadcast_in_dim3A_542, %add3A_557 : vector<16xi32>
          %select_n3A_559 = arith.select %lt3A_555, %add3A_558, %broadcast_in_dim3A_542 : vector<16xi1>, vector<16xi32>
          %reshape3A_560 = vector.shape_cast %select_n3A_559 : vector<16xi32> to vector<16x1xi32>
          %gather3A_561 = vector.shape_cast %reshape3A_560 : vector<16x1xi32> to vector<16xi32>
          %gather3A_562 = tpu.dynamic_gather %get3A_423[%gather3A_561] in [0] : vector<16xf32>, vector<16xi32> -> vector<16xf32>
          %shift_right_arithmetic3A_563 = arith.constant 16 : i32
          %shift_right_arithmetic3A_564 = vector.broadcast %shift_right_arithmetic3A_563 : i32 to vector<16xi32>
          %shift_right_arithmetic3A_565 = arith.shrsi %gather3A_552, %shift_right_arithmetic3A_564 : vector<16xi32>
          %and3A_566 = arith.constant 3 : i32
          %and3A_567 = vector.broadcast %and3A_566 : i32 to vector<16xi32>
          %and3A_568 = arith.andi %shift_right_arithmetic3A_565, %and3A_567 : vector<16xi32>
          %le3A_569 = arith.cmpi sle, %select_n3A_169, %and3A_568 : vector<16xi32>
          %shift_right_arithmetic3A_570 = arith.constant 18 : i32
          %shift_right_arithmetic3A_571 = vector.broadcast %shift_right_arithmetic3A_570 : i32 to vector<16xi32>
          %shift_right_arithmetic3A_572 = arith.shrsi %gather3A_552, %shift_right_arithmetic3A_571 : vector<16xi32>
          %le3A_573 = arith.cmpi sle, %select_n3A_203, %shift_right_arithmetic3A_572 : vector<16xi32>
          %and3A_574 = arith.andi %le3A_569, %le3A_573 : vector<16xi1>
          %and3A_575 = arith.constant 65535 : i32
          %and3A_576 = vector.broadcast %and3A_575 : i32 to vector<16xi32>
          %and3A_577 = arith.andi %gather3A_552, %and3A_576 : vector<16xi32>
          %add3A_578 = arith.addi %and3A_577, %add3A_207 : vector<16xi32>
          %gather3A_579 = tpu.vector_load_idx %arg14[%add3A_578] masked %and3A_574 : memref<50688xf32, #tpu.memory_space<vmem>>[vector<16xi32>], vector<16xf32>, vector<16xi1>
          %max3A_580 = arith.maximumf %gather3A_579, %gather3A_562 : vector<16xf32>
          tpu.vector_store_idx %arg14[%add3A_578], %max3A_580 masked %and3A_574 : memref<50688xf32, #tpu.memory_space<vmem>>[vector<16xi32>], vector<16xf32>, vector<16xi1>
          %broadcast_in_dim3A_581 = arith.constant 4 : i32
          %broadcast_in_dim3A_582 = vector.broadcast %broadcast_in_dim3A_581 : i32 to vector<16xi32>
          %lt3A_583 = arith.constant 0 : i32
          %lt3A_584 = vector.broadcast %lt3A_583 : i32 to vector<16xi32>
          %lt3A_585 = arith.cmpi slt, %broadcast_in_dim3A_582, %lt3A_584 : vector<16xi32>
          %add3A_586 = arith.constant 16 : i32
          %add3A_587 = vector.broadcast %add3A_586 : i32 to vector<16xi32>
          %add3A_588 = arith.addi %broadcast_in_dim3A_582, %add3A_587 : vector<16xi32>
          %select_n3A_589 = arith.select %lt3A_585, %add3A_588, %broadcast_in_dim3A_582 : vector<16xi1>, vector<16xi32>
          %reshape3A_590 = vector.shape_cast %select_n3A_589 : vector<16xi32> to vector<16x1xi32>
          %gather3A_591 = vector.shape_cast %reshape3A_590 : vector<16x1xi32> to vector<16xi32>
          %gather3A_592 = tpu.dynamic_gather %get3A_421[%gather3A_591] in [0] : vector<16xi32>, vector<16xi32> -> vector<16xi32>
          %lt3A_593 = arith.constant 0 : i32
          %lt3A_594 = vector.broadcast %lt3A_593 : i32 to vector<16xi32>
          %lt3A_595 = arith.cmpi slt, %broadcast_in_dim3A_582, %lt3A_594 : vector<16xi32>
          %add3A_596 = arith.constant 16 : i32
          %add3A_597 = vector.broadcast %add3A_596 : i32 to vector<16xi32>
          %add3A_598 = arith.addi %broadcast_in_dim3A_582, %add3A_597 : vector<16xi32>
          %select_n3A_599 = arith.select %lt3A_595, %add3A_598, %broadcast_in_dim3A_582 : vector<16xi1>, vector<16xi32>
          %reshape3A_600 = vector.shape_cast %select_n3A_599 : vector<16xi32> to vector<16x1xi32>
          %gather3A_601 = vector.shape_cast %reshape3A_600 : vector<16x1xi32> to vector<16xi32>
          %gather3A_602 = tpu.dynamic_gather %get3A_423[%gather3A_601] in [0] : vector<16xf32>, vector<16xi32> -> vector<16xf32>
          %shift_right_arithmetic3A_603 = arith.constant 16 : i32
          %shift_right_arithmetic3A_604 = vector.broadcast %shift_right_arithmetic3A_603 : i32 to vector<16xi32>
          %shift_right_arithmetic3A_605 = arith.shrsi %gather3A_592, %shift_right_arithmetic3A_604 : vector<16xi32>
          %and3A_606 = arith.constant 3 : i32
          %and3A_607 = vector.broadcast %and3A_606 : i32 to vector<16xi32>
          %and3A_608 = arith.andi %shift_right_arithmetic3A_605, %and3A_607 : vector<16xi32>
          %le3A_609 = arith.cmpi sle, %select_n3A_169, %and3A_608 : vector<16xi32>
          %shift_right_arithmetic3A_610 = arith.constant 18 : i32
          %shift_right_arithmetic3A_611 = vector.broadcast %shift_right_arithmetic3A_610 : i32 to vector<16xi32>
          %shift_right_arithmetic3A_612 = arith.shrsi %gather3A_592, %shift_right_arithmetic3A_611 : vector<16xi32>
          %le3A_613 = arith.cmpi sle, %select_n3A_203, %shift_right_arithmetic3A_612 : vector<16xi32>
          %and3A_614 = arith.andi %le3A_609, %le3A_613 : vector<16xi1>
          %and3A_615 = arith.constant 65535 : i32
          %and3A_616 = vector.broadcast %and3A_615 : i32 to vector<16xi32>
          %and3A_617 = arith.andi %gather3A_592, %and3A_616 : vector<16xi32>
          %add3A_618 = arith.addi %and3A_617, %add3A_207 : vector<16xi32>
          %gather3A_619 = tpu.vector_load_idx %arg13[%add3A_618] masked %and3A_614 : memref<50688xf32, #tpu.memory_space<vmem>>[vector<16xi32>], vector<16xf32>, vector<16xi1>
          %max3A_620 = arith.maximumf %gather3A_619, %gather3A_602 : vector<16xf32>
          tpu.vector_store_idx %arg13[%add3A_618], %max3A_620 masked %and3A_614 : memref<50688xf32, #tpu.memory_space<vmem>>[vector<16xi32>], vector<16xf32>, vector<16xi1>
          %broadcast_in_dim3A_621 = arith.constant 5 : i32
          %broadcast_in_dim3A_622 = vector.broadcast %broadcast_in_dim3A_621 : i32 to vector<16xi32>
          %lt3A_623 = arith.constant 0 : i32
          %lt3A_624 = vector.broadcast %lt3A_623 : i32 to vector<16xi32>
          %lt3A_625 = arith.cmpi slt, %broadcast_in_dim3A_622, %lt3A_624 : vector<16xi32>
          %add3A_626 = arith.constant 16 : i32
          %add3A_627 = vector.broadcast %add3A_626 : i32 to vector<16xi32>
          %add3A_628 = arith.addi %broadcast_in_dim3A_622, %add3A_627 : vector<16xi32>
          %select_n3A_629 = arith.select %lt3A_625, %add3A_628, %broadcast_in_dim3A_622 : vector<16xi1>, vector<16xi32>
          %reshape3A_630 = vector.shape_cast %select_n3A_629 : vector<16xi32> to vector<16x1xi32>
          %gather3A_631 = vector.shape_cast %reshape3A_630 : vector<16x1xi32> to vector<16xi32>
          %gather3A_632 = tpu.dynamic_gather %get3A_421[%gather3A_631] in [0] : vector<16xi32>, vector<16xi32> -> vector<16xi32>
          %lt3A_633 = arith.constant 0 : i32
          %lt3A_634 = vector.broadcast %lt3A_633 : i32 to vector<16xi32>
          %lt3A_635 = arith.cmpi slt, %broadcast_in_dim3A_622, %lt3A_634 : vector<16xi32>
          %add3A_636 = arith.constant 16 : i32
          %add3A_637 = vector.broadcast %add3A_636 : i32 to vector<16xi32>
          %add3A_638 = arith.addi %broadcast_in_dim3A_622, %add3A_637 : vector<16xi32>
          %select_n3A_639 = arith.select %lt3A_635, %add3A_638, %broadcast_in_dim3A_622 : vector<16xi1>, vector<16xi32>
          %reshape3A_640 = vector.shape_cast %select_n3A_639 : vector<16xi32> to vector<16x1xi32>
          %gather3A_641 = vector.shape_cast %reshape3A_640 : vector<16x1xi32> to vector<16xi32>
          %gather3A_642 = tpu.dynamic_gather %get3A_423[%gather3A_641] in [0] : vector<16xf32>, vector<16xi32> -> vector<16xf32>
          %shift_right_arithmetic3A_643 = arith.constant 16 : i32
          %shift_right_arithmetic3A_644 = vector.broadcast %shift_right_arithmetic3A_643 : i32 to vector<16xi32>
          %shift_right_arithmetic3A_645 = arith.shrsi %gather3A_632, %shift_right_arithmetic3A_644 : vector<16xi32>
          %and3A_646 = arith.constant 3 : i32
          %and3A_647 = vector.broadcast %and3A_646 : i32 to vector<16xi32>
          %and3A_648 = arith.andi %shift_right_arithmetic3A_645, %and3A_647 : vector<16xi32>
          %le3A_649 = arith.cmpi sle, %select_n3A_169, %and3A_648 : vector<16xi32>
          %shift_right_arithmetic3A_650 = arith.constant 18 : i32
          %shift_right_arithmetic3A_651 = vector.broadcast %shift_right_arithmetic3A_650 : i32 to vector<16xi32>
          %shift_right_arithmetic3A_652 = arith.shrsi %gather3A_632, %shift_right_arithmetic3A_651 : vector<16xi32>
          %le3A_653 = arith.cmpi sle, %select_n3A_203, %shift_right_arithmetic3A_652 : vector<16xi32>
          %and3A_654 = arith.andi %le3A_649, %le3A_653 : vector<16xi1>
          %and3A_655 = arith.constant 65535 : i32
          %and3A_656 = vector.broadcast %and3A_655 : i32 to vector<16xi32>
          %and3A_657 = arith.andi %gather3A_632, %and3A_656 : vector<16xi32>
          %add3A_658 = arith.addi %and3A_657, %add3A_207 : vector<16xi32>
          %gather3A_659 = tpu.vector_load_idx %arg14[%add3A_658] masked %and3A_654 : memref<50688xf32, #tpu.memory_space<vmem>>[vector<16xi32>], vector<16xf32>, vector<16xi1>
          %max3A_660 = arith.maximumf %gather3A_659, %gather3A_642 : vector<16xf32>
          tpu.vector_store_idx %arg14[%add3A_658], %max3A_660 masked %and3A_654 : memref<50688xf32, #tpu.memory_space<vmem>>[vector<16xi32>], vector<16xf32>, vector<16xi1>
          %broadcast_in_dim3A_661 = arith.constant 6 : i32
          %broadcast_in_dim3A_662 = vector.broadcast %broadcast_in_dim3A_661 : i32 to vector<16xi32>
          %lt3A_663 = arith.constant 0 : i32
          %lt3A_664 = vector.broadcast %lt3A_663 : i32 to vector<16xi32>
          %lt3A_665 = arith.cmpi slt, %broadcast_in_dim3A_662, %lt3A_664 : vector<16xi32>
          %add3A_666 = arith.constant 16 : i32
          %add3A_667 = vector.broadcast %add3A_666 : i32 to vector<16xi32>
          %add3A_668 = arith.addi %broadcast_in_dim3A_662, %add3A_667 : vector<16xi32>
          %select_n3A_669 = arith.select %lt3A_665, %add3A_668, %broadcast_in_dim3A_662 : vector<16xi1>, vector<16xi32>
          %reshape3A_670 = vector.shape_cast %select_n3A_669 : vector<16xi32> to vector<16x1xi32>
          %gather3A_671 = vector.shape_cast %reshape3A_670 : vector<16x1xi32> to vector<16xi32>
          %gather3A_672 = tpu.dynamic_gather %get3A_421[%gather3A_671] in [0] : vector<16xi32>, vector<16xi32> -> vector<16xi32>
          %lt3A_673 = arith.constant 0 : i32
          %lt3A_674 = vector.broadcast %lt3A_673 : i32 to vector<16xi32>
          %lt3A_675 = arith.cmpi slt, %broadcast_in_dim3A_662, %lt3A_674 : vector<16xi32>
          %add3A_676 = arith.constant 16 : i32
          %add3A_677 = vector.broadcast %add3A_676 : i32 to vector<16xi32>
          %add3A_678 = arith.addi %broadcast_in_dim3A_662, %add3A_677 : vector<16xi32>
          %select_n3A_679 = arith.select %lt3A_675, %add3A_678, %broadcast_in_dim3A_662 : vector<16xi1>, vector<16xi32>
          %reshape3A_680 = vector.shape_cast %select_n3A_679 : vector<16xi32> to vector<16x1xi32>
          %gather3A_681 = vector.shape_cast %reshape3A_680 : vector<16x1xi32> to vector<16xi32>
          %gather3A_682 = tpu.dynamic_gather %get3A_423[%gather3A_681] in [0] : vector<16xf32>, vector<16xi32> -> vector<16xf32>
          %shift_right_arithmetic3A_683 = arith.constant 16 : i32
          %shift_right_arithmetic3A_684 = vector.broadcast %shift_right_arithmetic3A_683 : i32 to vector<16xi32>
          %shift_right_arithmetic3A_685 = arith.shrsi %gather3A_672, %shift_right_arithmetic3A_684 : vector<16xi32>
          %and3A_686 = arith.constant 3 : i32
          %and3A_687 = vector.broadcast %and3A_686 : i32 to vector<16xi32>
          %and3A_688 = arith.andi %shift_right_arithmetic3A_685, %and3A_687 : vector<16xi32>
          %le3A_689 = arith.cmpi sle, %select_n3A_169, %and3A_688 : vector<16xi32>
          %shift_right_arithmetic3A_690 = arith.constant 18 : i32
          %shift_right_arithmetic3A_691 = vector.broadcast %shift_right_arithmetic3A_690 : i32 to vector<16xi32>
          %shift_right_arithmetic3A_692 = arith.shrsi %gather3A_672, %shift_right_arithmetic3A_691 : vector<16xi32>
          %le3A_693 = arith.cmpi sle, %select_n3A_203, %shift_right_arithmetic3A_692 : vector<16xi32>
          %and3A_694 = arith.andi %le3A_689, %le3A_693 : vector<16xi1>
          %and3A_695 = arith.constant 65535 : i32
          %and3A_696 = vector.broadcast %and3A_695 : i32 to vector<16xi32>
          %and3A_697 = arith.andi %gather3A_672, %and3A_696 : vector<16xi32>
          %add3A_698 = arith.addi %and3A_697, %add3A_207 : vector<16xi32>
          %gather3A_699 = tpu.vector_load_idx %arg13[%add3A_698] masked %and3A_694 : memref<50688xf32, #tpu.memory_space<vmem>>[vector<16xi32>], vector<16xf32>, vector<16xi1>
          %max3A_700 = arith.maximumf %gather3A_699, %gather3A_682 : vector<16xf32>
          tpu.vector_store_idx %arg13[%add3A_698], %max3A_700 masked %and3A_694 : memref<50688xf32, #tpu.memory_space<vmem>>[vector<16xi32>], vector<16xf32>, vector<16xi1>
          %broadcast_in_dim3A_701 = arith.constant 7 : i32
          %broadcast_in_dim3A_702 = vector.broadcast %broadcast_in_dim3A_701 : i32 to vector<16xi32>
          %lt3A_703 = arith.constant 0 : i32
          %lt3A_704 = vector.broadcast %lt3A_703 : i32 to vector<16xi32>
          %lt3A_705 = arith.cmpi slt, %broadcast_in_dim3A_702, %lt3A_704 : vector<16xi32>
          %add3A_706 = arith.constant 16 : i32
          %add3A_707 = vector.broadcast %add3A_706 : i32 to vector<16xi32>
          %add3A_708 = arith.addi %broadcast_in_dim3A_702, %add3A_707 : vector<16xi32>
          %select_n3A_709 = arith.select %lt3A_705, %add3A_708, %broadcast_in_dim3A_702 : vector<16xi1>, vector<16xi32>
          %reshape3A_710 = vector.shape_cast %select_n3A_709 : vector<16xi32> to vector<16x1xi32>
          %gather3A_711 = vector.shape_cast %reshape3A_710 : vector<16x1xi32> to vector<16xi32>
          %gather3A_712 = tpu.dynamic_gather %get3A_421[%gather3A_711] in [0] : vector<16xi32>, vector<16xi32> -> vector<16xi32>
          %lt3A_713 = arith.constant 0 : i32
          %lt3A_714 = vector.broadcast %lt3A_713 : i32 to vector<16xi32>
          %lt3A_715 = arith.cmpi slt, %broadcast_in_dim3A_702, %lt3A_714 : vector<16xi32>
          %add3A_716 = arith.constant 16 : i32
          %add3A_717 = vector.broadcast %add3A_716 : i32 to vector<16xi32>
          %add3A_718 = arith.addi %broadcast_in_dim3A_702, %add3A_717 : vector<16xi32>
          %select_n3A_719 = arith.select %lt3A_715, %add3A_718, %broadcast_in_dim3A_702 : vector<16xi1>, vector<16xi32>
          %reshape3A_720 = vector.shape_cast %select_n3A_719 : vector<16xi32> to vector<16x1xi32>
          %gather3A_721 = vector.shape_cast %reshape3A_720 : vector<16x1xi32> to vector<16xi32>
          %gather3A_722 = tpu.dynamic_gather %get3A_423[%gather3A_721] in [0] : vector<16xf32>, vector<16xi32> -> vector<16xf32>
          %shift_right_arithmetic3A_723 = arith.constant 16 : i32
          %shift_right_arithmetic3A_724 = vector.broadcast %shift_right_arithmetic3A_723 : i32 to vector<16xi32>
          %shift_right_arithmetic3A_725 = arith.shrsi %gather3A_712, %shift_right_arithmetic3A_724 : vector<16xi32>
          %and3A_726 = arith.constant 3 : i32
          %and3A_727 = vector.broadcast %and3A_726 : i32 to vector<16xi32>
          %and3A_728 = arith.andi %shift_right_arithmetic3A_725, %and3A_727 : vector<16xi32>
          %le3A_729 = arith.cmpi sle, %select_n3A_169, %and3A_728 : vector<16xi32>
          %shift_right_arithmetic3A_730 = arith.constant 18 : i32
          %shift_right_arithmetic3A_731 = vector.broadcast %shift_right_arithmetic3A_730 : i32 to vector<16xi32>
          %shift_right_arithmetic3A_732 = arith.shrsi %gather3A_712, %shift_right_arithmetic3A_731 : vector<16xi32>
          %le3A_733 = arith.cmpi sle, %select_n3A_203, %shift_right_arithmetic3A_732 : vector<16xi32>
          %and3A_734 = arith.andi %le3A_729, %le3A_733 : vector<16xi1>
          %and3A_735 = arith.constant 65535 : i32
          %and3A_736 = vector.broadcast %and3A_735 : i32 to vector<16xi32>
          %and3A_737 = arith.andi %gather3A_712, %and3A_736 : vector<16xi32>
          %add3A_738 = arith.addi %and3A_737, %add3A_207 : vector<16xi32>
          %gather3A_739 = tpu.vector_load_idx %arg14[%add3A_738] masked %and3A_734 : memref<50688xf32, #tpu.memory_space<vmem>>[vector<16xi32>], vector<16xf32>, vector<16xi1>
          %max3A_740 = arith.maximumf %gather3A_739, %gather3A_722 : vector<16xf32>
          tpu.vector_store_idx %arg14[%add3A_738], %max3A_740 masked %and3A_734 : memref<50688xf32, #tpu.memory_space<vmem>>[vector<16xi32>], vector<16xf32>, vector<16xi1>
          %broadcast_in_dim3A_741 = arith.constant 8 : i32
          %broadcast_in_dim3A_742 = vector.broadcast %broadcast_in_dim3A_741 : i32 to vector<16xi32>
          %lt3A_743 = arith.constant 0 : i32
          %lt3A_744 = vector.broadcast %lt3A_743 : i32 to vector<16xi32>
          %lt3A_745 = arith.cmpi slt, %broadcast_in_dim3A_742, %lt3A_744 : vector<16xi32>
          %add3A_746 = arith.constant 16 : i32
          %add3A_747 = vector.broadcast %add3A_746 : i32 to vector<16xi32>
          %add3A_748 = arith.addi %broadcast_in_dim3A_742, %add3A_747 : vector<16xi32>
          %select_n3A_749 = arith.select %lt3A_745, %add3A_748, %broadcast_in_dim3A_742 : vector<16xi1>, vector<16xi32>
          %reshape3A_750 = vector.shape_cast %select_n3A_749 : vector<16xi32> to vector<16x1xi32>
          %gather3A_751 = vector.shape_cast %reshape3A_750 : vector<16x1xi32> to vector<16xi32>
          %gather3A_752 = tpu.dynamic_gather %get3A_421[%gather3A_751] in [0] : vector<16xi32>, vector<16xi32> -> vector<16xi32>
          %lt3A_753 = arith.constant 0 : i32
          %lt3A_754 = vector.broadcast %lt3A_753 : i32 to vector<16xi32>
          %lt3A_755 = arith.cmpi slt, %broadcast_in_dim3A_742, %lt3A_754 : vector<16xi32>
          %add3A_756 = arith.constant 16 : i32
          %add3A_757 = vector.broadcast %add3A_756 : i32 to vector<16xi32>
          %add3A_758 = arith.addi %broadcast_in_dim3A_742, %add3A_757 : vector<16xi32>
          %select_n3A_759 = arith.select %lt3A_755, %add3A_758, %broadcast_in_dim3A_742 : vector<16xi1>, vector<16xi32>
          %reshape3A_760 = vector.shape_cast %select_n3A_759 : vector<16xi32> to vector<16x1xi32>
          %gather3A_761 = vector.shape_cast %reshape3A_760 : vector<16x1xi32> to vector<16xi32>
          %gather3A_762 = tpu.dynamic_gather %get3A_423[%gather3A_761] in [0] : vector<16xf32>, vector<16xi32> -> vector<16xf32>
          %shift_right_arithmetic3A_763 = arith.constant 16 : i32
          %shift_right_arithmetic3A_764 = vector.broadcast %shift_right_arithmetic3A_763 : i32 to vector<16xi32>
          %shift_right_arithmetic3A_765 = arith.shrsi %gather3A_752, %shift_right_arithmetic3A_764 : vector<16xi32>
          %and3A_766 = arith.constant 3 : i32
          %and3A_767 = vector.broadcast %and3A_766 : i32 to vector<16xi32>
          %and3A_768 = arith.andi %shift_right_arithmetic3A_765, %and3A_767 : vector<16xi32>
          %le3A_769 = arith.cmpi sle, %select_n3A_169, %and3A_768 : vector<16xi32>
          %shift_right_arithmetic3A_770 = arith.constant 18 : i32
          %shift_right_arithmetic3A_771 = vector.broadcast %shift_right_arithmetic3A_770 : i32 to vector<16xi32>
          %shift_right_arithmetic3A_772 = arith.shrsi %gather3A_752, %shift_right_arithmetic3A_771 : vector<16xi32>
          %le3A_773 = arith.cmpi sle, %select_n3A_203, %shift_right_arithmetic3A_772 : vector<16xi32>
          %and3A_774 = arith.andi %le3A_769, %le3A_773 : vector<16xi1>
          %and3A_775 = arith.constant 65535 : i32
          %and3A_776 = vector.broadcast %and3A_775 : i32 to vector<16xi32>
          %and3A_777 = arith.andi %gather3A_752, %and3A_776 : vector<16xi32>
          %add3A_778 = arith.addi %and3A_777, %add3A_207 : vector<16xi32>
          %gather3A_779 = tpu.vector_load_idx %arg13[%add3A_778] masked %and3A_774 : memref<50688xf32, #tpu.memory_space<vmem>>[vector<16xi32>], vector<16xf32>, vector<16xi1>
          %max3A_780 = arith.maximumf %gather3A_779, %gather3A_762 : vector<16xf32>
          tpu.vector_store_idx %arg13[%add3A_778], %max3A_780 masked %and3A_774 : memref<50688xf32, #tpu.memory_space<vmem>>[vector<16xi32>], vector<16xf32>, vector<16xi1>
          %broadcast_in_dim3A_781 = arith.constant 9 : i32
          %broadcast_in_dim3A_782 = vector.broadcast %broadcast_in_dim3A_781 : i32 to vector<16xi32>
          %lt3A_783 = arith.constant 0 : i32
          %lt3A_784 = vector.broadcast %lt3A_783 : i32 to vector<16xi32>
          %lt3A_785 = arith.cmpi slt, %broadcast_in_dim3A_782, %lt3A_784 : vector<16xi32>
          %add3A_786 = arith.constant 16 : i32
          %add3A_787 = vector.broadcast %add3A_786 : i32 to vector<16xi32>
          %add3A_788 = arith.addi %broadcast_in_dim3A_782, %add3A_787 : vector<16xi32>
          %select_n3A_789 = arith.select %lt3A_785, %add3A_788, %broadcast_in_dim3A_782 : vector<16xi1>, vector<16xi32>
          %reshape3A_790 = vector.shape_cast %select_n3A_789 : vector<16xi32> to vector<16x1xi32>
          %gather3A_791 = vector.shape_cast %reshape3A_790 : vector<16x1xi32> to vector<16xi32>
          %gather3A_792 = tpu.dynamic_gather %get3A_421[%gather3A_791] in [0] : vector<16xi32>, vector<16xi32> -> vector<16xi32>
          %lt3A_793 = arith.constant 0 : i32
          %lt3A_794 = vector.broadcast %lt3A_793 : i32 to vector<16xi32>
          %lt3A_795 = arith.cmpi slt, %broadcast_in_dim3A_782, %lt3A_794 : vector<16xi32>
          %add3A_796 = arith.constant 16 : i32
          %add3A_797 = vector.broadcast %add3A_796 : i32 to vector<16xi32>
          %add3A_798 = arith.addi %broadcast_in_dim3A_782, %add3A_797 : vector<16xi32>
          %select_n3A_799 = arith.select %lt3A_795, %add3A_798, %broadcast_in_dim3A_782 : vector<16xi1>, vector<16xi32>
          %reshape3A_800 = vector.shape_cast %select_n3A_799 : vector<16xi32> to vector<16x1xi32>
          %gather3A_801 = vector.shape_cast %reshape3A_800 : vector<16x1xi32> to vector<16xi32>
          %gather3A_802 = tpu.dynamic_gather %get3A_423[%gather3A_801] in [0] : vector<16xf32>, vector<16xi32> -> vector<16xf32>
          %shift_right_arithmetic3A_803 = arith.constant 16 : i32
          %shift_right_arithmetic3A_804 = vector.broadcast %shift_right_arithmetic3A_803 : i32 to vector<16xi32>
          %shift_right_arithmetic3A_805 = arith.shrsi %gather3A_792, %shift_right_arithmetic3A_804 : vector<16xi32>
          %and3A_806 = arith.constant 3 : i32
          %and3A_807 = vector.broadcast %and3A_806 : i32 to vector<16xi32>
          %and3A_808 = arith.andi %shift_right_arithmetic3A_805, %and3A_807 : vector<16xi32>
          %le3A_809 = arith.cmpi sle, %select_n3A_169, %and3A_808 : vector<16xi32>
          %shift_right_arithmetic3A_810 = arith.constant 18 : i32
          %shift_right_arithmetic3A_811 = vector.broadcast %shift_right_arithmetic3A_810 : i32 to vector<16xi32>
          %shift_right_arithmetic3A_812 = arith.shrsi %gather3A_792, %shift_right_arithmetic3A_811 : vector<16xi32>
          %le3A_813 = arith.cmpi sle, %select_n3A_203, %shift_right_arithmetic3A_812 : vector<16xi32>
          %and3A_814 = arith.andi %le3A_809, %le3A_813 : vector<16xi1>
          %and3A_815 = arith.constant 65535 : i32
          %and3A_816 = vector.broadcast %and3A_815 : i32 to vector<16xi32>
          %and3A_817 = arith.andi %gather3A_792, %and3A_816 : vector<16xi32>
          %add3A_818 = arith.addi %and3A_817, %add3A_207 : vector<16xi32>
          %gather3A_819 = tpu.vector_load_idx %arg14[%add3A_818] masked %and3A_814 : memref<50688xf32, #tpu.memory_space<vmem>>[vector<16xi32>], vector<16xf32>, vector<16xi1>
          %max3A_820 = arith.maximumf %gather3A_819, %gather3A_802 : vector<16xf32>
          tpu.vector_store_idx %arg14[%add3A_818], %max3A_820 masked %and3A_814 : memref<50688xf32, #tpu.memory_space<vmem>>[vector<16xi32>], vector<16xf32>, vector<16xi1>
          %broadcast_in_dim3A_821 = arith.constant 10 : i32
          %broadcast_in_dim3A_822 = vector.broadcast %broadcast_in_dim3A_821 : i32 to vector<16xi32>
          %lt3A_823 = arith.constant 0 : i32
          %lt3A_824 = vector.broadcast %lt3A_823 : i32 to vector<16xi32>
          %lt3A_825 = arith.cmpi slt, %broadcast_in_dim3A_822, %lt3A_824 : vector<16xi32>
          %add3A_826 = arith.constant 16 : i32
          %add3A_827 = vector.broadcast %add3A_826 : i32 to vector<16xi32>
          %add3A_828 = arith.addi %broadcast_in_dim3A_822, %add3A_827 : vector<16xi32>
          %select_n3A_829 = arith.select %lt3A_825, %add3A_828, %broadcast_in_dim3A_822 : vector<16xi1>, vector<16xi32>
          %reshape3A_830 = vector.shape_cast %select_n3A_829 : vector<16xi32> to vector<16x1xi32>
          %gather3A_831 = vector.shape_cast %reshape3A_830 : vector<16x1xi32> to vector<16xi32>
          %gather3A_832 = tpu.dynamic_gather %get3A_421[%gather3A_831] in [0] : vector<16xi32>, vector<16xi32> -> vector<16xi32>
          %lt3A_833 = arith.constant 0 : i32
          %lt3A_834 = vector.broadcast %lt3A_833 : i32 to vector<16xi32>
          %lt3A_835 = arith.cmpi slt, %broadcast_in_dim3A_822, %lt3A_834 : vector<16xi32>
          %add3A_836 = arith.constant 16 : i32
          %add3A_837 = vector.broadcast %add3A_836 : i32 to vector<16xi32>
          %add3A_838 = arith.addi %broadcast_in_dim3A_822, %add3A_837 : vector<16xi32>
          %select_n3A_839 = arith.select %lt3A_835, %add3A_838, %broadcast_in_dim3A_822 : vector<16xi1>, vector<16xi32>
          %reshape3A_840 = vector.shape_cast %select_n3A_839 : vector<16xi32> to vector<16x1xi32>
          %gather3A_841 = vector.shape_cast %reshape3A_840 : vector<16x1xi32> to vector<16xi32>
          %gather3A_842 = tpu.dynamic_gather %get3A_423[%gather3A_841] in [0] : vector<16xf32>, vector<16xi32> -> vector<16xf32>
          %shift_right_arithmetic3A_843 = arith.constant 16 : i32
          %shift_right_arithmetic3A_844 = vector.broadcast %shift_right_arithmetic3A_843 : i32 to vector<16xi32>
          %shift_right_arithmetic3A_845 = arith.shrsi %gather3A_832, %shift_right_arithmetic3A_844 : vector<16xi32>
          %and3A_846 = arith.constant 3 : i32
          %and3A_847 = vector.broadcast %and3A_846 : i32 to vector<16xi32>
          %and3A_848 = arith.andi %shift_right_arithmetic3A_845, %and3A_847 : vector<16xi32>
          %le3A_849 = arith.cmpi sle, %select_n3A_169, %and3A_848 : vector<16xi32>
          %shift_right_arithmetic3A_850 = arith.constant 18 : i32
          %shift_right_arithmetic3A_851 = vector.broadcast %shift_right_arithmetic3A_850 : i32 to vector<16xi32>
          %shift_right_arithmetic3A_852 = arith.shrsi %gather3A_832, %shift_right_arithmetic3A_851 : vector<16xi32>
          %le3A_853 = arith.cmpi sle, %select_n3A_203, %shift_right_arithmetic3A_852 : vector<16xi32>
          %and3A_854 = arith.andi %le3A_849, %le3A_853 : vector<16xi1>
          %and3A_855 = arith.constant 65535 : i32
          %and3A_856 = vector.broadcast %and3A_855 : i32 to vector<16xi32>
          %and3A_857 = arith.andi %gather3A_832, %and3A_856 : vector<16xi32>
          %add3A_858 = arith.addi %and3A_857, %add3A_207 : vector<16xi32>
          %gather3A_859 = tpu.vector_load_idx %arg13[%add3A_858] masked %and3A_854 : memref<50688xf32, #tpu.memory_space<vmem>>[vector<16xi32>], vector<16xf32>, vector<16xi1>
          %max3A_860 = arith.maximumf %gather3A_859, %gather3A_842 : vector<16xf32>
          tpu.vector_store_idx %arg13[%add3A_858], %max3A_860 masked %and3A_854 : memref<50688xf32, #tpu.memory_space<vmem>>[vector<16xi32>], vector<16xf32>, vector<16xi1>
          %broadcast_in_dim3A_861 = arith.constant 11 : i32
          %broadcast_in_dim3A_862 = vector.broadcast %broadcast_in_dim3A_861 : i32 to vector<16xi32>
          %lt3A_863 = arith.constant 0 : i32
          %lt3A_864 = vector.broadcast %lt3A_863 : i32 to vector<16xi32>
          %lt3A_865 = arith.cmpi slt, %broadcast_in_dim3A_862, %lt3A_864 : vector<16xi32>
          %add3A_866 = arith.constant 16 : i32
          %add3A_867 = vector.broadcast %add3A_866 : i32 to vector<16xi32>
          %add3A_868 = arith.addi %broadcast_in_dim3A_862, %add3A_867 : vector<16xi32>
          %select_n3A_869 = arith.select %lt3A_865, %add3A_868, %broadcast_in_dim3A_862 : vector<16xi1>, vector<16xi32>
          %reshape3A_870 = vector.shape_cast %select_n3A_869 : vector<16xi32> to vector<16x1xi32>
          %gather3A_871 = vector.shape_cast %reshape3A_870 : vector<16x1xi32> to vector<16xi32>
          %gather3A_872 = tpu.dynamic_gather %get3A_421[%gather3A_871] in [0] : vector<16xi32>, vector<16xi32> -> vector<16xi32>
          %lt3A_873 = arith.constant 0 : i32
          %lt3A_874 = vector.broadcast %lt3A_873 : i32 to vector<16xi32>
          %lt3A_875 = arith.cmpi slt, %broadcast_in_dim3A_862, %lt3A_874 : vector<16xi32>
          %add3A_876 = arith.constant 16 : i32
          %add3A_877 = vector.broadcast %add3A_876 : i32 to vector<16xi32>
          %add3A_878 = arith.addi %broadcast_in_dim3A_862, %add3A_877 : vector<16xi32>
          %select_n3A_879 = arith.select %lt3A_875, %add3A_878, %broadcast_in_dim3A_862 : vector<16xi1>, vector<16xi32>
          %reshape3A_880 = vector.shape_cast %select_n3A_879 : vector<16xi32> to vector<16x1xi32>
          %gather3A_881 = vector.shape_cast %reshape3A_880 : vector<16x1xi32> to vector<16xi32>
          %gather3A_882 = tpu.dynamic_gather %get3A_423[%gather3A_881] in [0] : vector<16xf32>, vector<16xi32> -> vector<16xf32>
          %shift_right_arithmetic3A_883 = arith.constant 16 : i32
          %shift_right_arithmetic3A_884 = vector.broadcast %shift_right_arithmetic3A_883 : i32 to vector<16xi32>
          %shift_right_arithmetic3A_885 = arith.shrsi %gather3A_872, %shift_right_arithmetic3A_884 : vector<16xi32>
          %and3A_886 = arith.constant 3 : i32
          %and3A_887 = vector.broadcast %and3A_886 : i32 to vector<16xi32>
          %and3A_888 = arith.andi %shift_right_arithmetic3A_885, %and3A_887 : vector<16xi32>
          %le3A_889 = arith.cmpi sle, %select_n3A_169, %and3A_888 : vector<16xi32>
          %shift_right_arithmetic3A_890 = arith.constant 18 : i32
          %shift_right_arithmetic3A_891 = vector.broadcast %shift_right_arithmetic3A_890 : i32 to vector<16xi32>
          %shift_right_arithmetic3A_892 = arith.shrsi %gather3A_872, %shift_right_arithmetic3A_891 : vector<16xi32>
          %le3A_893 = arith.cmpi sle, %select_n3A_203, %shift_right_arithmetic3A_892 : vector<16xi32>
          %and3A_894 = arith.andi %le3A_889, %le3A_893 : vector<16xi1>
          %and3A_895 = arith.constant 65535 : i32
          %and3A_896 = vector.broadcast %and3A_895 : i32 to vector<16xi32>
          %and3A_897 = arith.andi %gather3A_872, %and3A_896 : vector<16xi32>
          %add3A_898 = arith.addi %and3A_897, %add3A_207 : vector<16xi32>
          %gather3A_899 = tpu.vector_load_idx %arg14[%add3A_898] masked %and3A_894 : memref<50688xf32, #tpu.memory_space<vmem>>[vector<16xi32>], vector<16xf32>, vector<16xi1>
          %max3A_900 = arith.maximumf %gather3A_899, %gather3A_882 : vector<16xf32>
          tpu.vector_store_idx %arg14[%add3A_898], %max3A_900 masked %and3A_894 : memref<50688xf32, #tpu.memory_space<vmem>>[vector<16xi32>], vector<16xf32>, vector<16xi1>
          %broadcast_in_dim3A_901 = arith.constant 12 : i32
          %broadcast_in_dim3A_902 = vector.broadcast %broadcast_in_dim3A_901 : i32 to vector<16xi32>
          %lt3A_903 = arith.constant 0 : i32
          %lt3A_904 = vector.broadcast %lt3A_903 : i32 to vector<16xi32>
          %lt3A_905 = arith.cmpi slt, %broadcast_in_dim3A_902, %lt3A_904 : vector<16xi32>
          %add3A_906 = arith.constant 16 : i32
          %add3A_907 = vector.broadcast %add3A_906 : i32 to vector<16xi32>
          %add3A_908 = arith.addi %broadcast_in_dim3A_902, %add3A_907 : vector<16xi32>
          %select_n3A_909 = arith.select %lt3A_905, %add3A_908, %broadcast_in_dim3A_902 : vector<16xi1>, vector<16xi32>
          %reshape3A_910 = vector.shape_cast %select_n3A_909 : vector<16xi32> to vector<16x1xi32>
          %gather3A_911 = vector.shape_cast %reshape3A_910 : vector<16x1xi32> to vector<16xi32>
          %gather3A_912 = tpu.dynamic_gather %get3A_421[%gather3A_911] in [0] : vector<16xi32>, vector<16xi32> -> vector<16xi32>
          %lt3A_913 = arith.constant 0 : i32
          %lt3A_914 = vector.broadcast %lt3A_913 : i32 to vector<16xi32>
          %lt3A_915 = arith.cmpi slt, %broadcast_in_dim3A_902, %lt3A_914 : vector<16xi32>
          %add3A_916 = arith.constant 16 : i32
          %add3A_917 = vector.broadcast %add3A_916 : i32 to vector<16xi32>
          %add3A_918 = arith.addi %broadcast_in_dim3A_902, %add3A_917 : vector<16xi32>
          %select_n3A_919 = arith.select %lt3A_915, %add3A_918, %broadcast_in_dim3A_902 : vector<16xi1>, vector<16xi32>
          %reshape3A_920 = vector.shape_cast %select_n3A_919 : vector<16xi32> to vector<16x1xi32>
          %gather3A_921 = vector.shape_cast %reshape3A_920 : vector<16x1xi32> to vector<16xi32>
          %gather3A_922 = tpu.dynamic_gather %get3A_423[%gather3A_921] in [0] : vector<16xf32>, vector<16xi32> -> vector<16xf32>
          %shift_right_arithmetic3A_923 = arith.constant 16 : i32
          %shift_right_arithmetic3A_924 = vector.broadcast %shift_right_arithmetic3A_923 : i32 to vector<16xi32>
          %shift_right_arithmetic3A_925 = arith.shrsi %gather3A_912, %shift_right_arithmetic3A_924 : vector<16xi32>
          %and3A_926 = arith.constant 3 : i32
          %and3A_927 = vector.broadcast %and3A_926 : i32 to vector<16xi32>
          %and3A_928 = arith.andi %shift_right_arithmetic3A_925, %and3A_927 : vector<16xi32>
          %le3A_929 = arith.cmpi sle, %select_n3A_169, %and3A_928 : vector<16xi32>
          %shift_right_arithmetic3A_930 = arith.constant 18 : i32
          %shift_right_arithmetic3A_931 = vector.broadcast %shift_right_arithmetic3A_930 : i32 to vector<16xi32>
          %shift_right_arithmetic3A_932 = arith.shrsi %gather3A_912, %shift_right_arithmetic3A_931 : vector<16xi32>
          %le3A_933 = arith.cmpi sle, %select_n3A_203, %shift_right_arithmetic3A_932 : vector<16xi32>
          %and3A_934 = arith.andi %le3A_929, %le3A_933 : vector<16xi1>
          %and3A_935 = arith.constant 65535 : i32
          %and3A_936 = vector.broadcast %and3A_935 : i32 to vector<16xi32>
          %and3A_937 = arith.andi %gather3A_912, %and3A_936 : vector<16xi32>
          %add3A_938 = arith.addi %and3A_937, %add3A_207 : vector<16xi32>
          %gather3A_939 = tpu.vector_load_idx %arg13[%add3A_938] masked %and3A_934 : memref<50688xf32, #tpu.memory_space<vmem>>[vector<16xi32>], vector<16xf32>, vector<16xi1>
          %max3A_940 = arith.maximumf %gather3A_939, %gather3A_922 : vector<16xf32>
          tpu.vector_store_idx %arg13[%add3A_938], %max3A_940 masked %and3A_934 : memref<50688xf32, #tpu.memory_space<vmem>>[vector<16xi32>], vector<16xf32>, vector<16xi1>
          %broadcast_in_dim3A_941 = arith.constant 13 : i32
          %broadcast_in_dim3A_942 = vector.broadcast %broadcast_in_dim3A_941 : i32 to vector<16xi32>
          %lt3A_943 = arith.constant 0 : i32
          %lt3A_944 = vector.broadcast %lt3A_943 : i32 to vector<16xi32>
          %lt3A_945 = arith.cmpi slt, %broadcast_in_dim3A_942, %lt3A_944 : vector<16xi32>
          %add3A_946 = arith.constant 16 : i32
          %add3A_947 = vector.broadcast %add3A_946 : i32 to vector<16xi32>
          %add3A_948 = arith.addi %broadcast_in_dim3A_942, %add3A_947 : vector<16xi32>
          %select_n3A_949 = arith.select %lt3A_945, %add3A_948, %broadcast_in_dim3A_942 : vector<16xi1>, vector<16xi32>
          %reshape3A_950 = vector.shape_cast %select_n3A_949 : vector<16xi32> to vector<16x1xi32>
          %gather3A_951 = vector.shape_cast %reshape3A_950 : vector<16x1xi32> to vector<16xi32>
          %gather3A_952 = tpu.dynamic_gather %get3A_421[%gather3A_951] in [0] : vector<16xi32>, vector<16xi32> -> vector<16xi32>
          %lt3A_953 = arith.constant 0 : i32
          %lt3A_954 = vector.broadcast %lt3A_953 : i32 to vector<16xi32>
          %lt3A_955 = arith.cmpi slt, %broadcast_in_dim3A_942, %lt3A_954 : vector<16xi32>
          %add3A_956 = arith.constant 16 : i32
          %add3A_957 = vector.broadcast %add3A_956 : i32 to vector<16xi32>
          %add3A_958 = arith.addi %broadcast_in_dim3A_942, %add3A_957 : vector<16xi32>
          %select_n3A_959 = arith.select %lt3A_955, %add3A_958, %broadcast_in_dim3A_942 : vector<16xi1>, vector<16xi32>
          %reshape3A_960 = vector.shape_cast %select_n3A_959 : vector<16xi32> to vector<16x1xi32>
          %gather3A_961 = vector.shape_cast %reshape3A_960 : vector<16x1xi32> to vector<16xi32>
          %gather3A_962 = tpu.dynamic_gather %get3A_423[%gather3A_961] in [0] : vector<16xf32>, vector<16xi32> -> vector<16xf32>
          %shift_right_arithmetic3A_963 = arith.constant 16 : i32
          %shift_right_arithmetic3A_964 = vector.broadcast %shift_right_arithmetic3A_963 : i32 to vector<16xi32>
          %shift_right_arithmetic3A_965 = arith.shrsi %gather3A_952, %shift_right_arithmetic3A_964 : vector<16xi32>
          %and3A_966 = arith.constant 3 : i32
          %and3A_967 = vector.broadcast %and3A_966 : i32 to vector<16xi32>
          %and3A_968 = arith.andi %shift_right_arithmetic3A_965, %and3A_967 : vector<16xi32>
          %le3A_969 = arith.cmpi sle, %select_n3A_169, %and3A_968 : vector<16xi32>
          %shift_right_arithmetic3A_970 = arith.constant 18 : i32
          %shift_right_arithmetic3A_971 = vector.broadcast %shift_right_arithmetic3A_970 : i32 to vector<16xi32>
          %shift_right_arithmetic3A_972 = arith.shrsi %gather3A_952, %shift_right_arithmetic3A_971 : vector<16xi32>
          %le3A_973 = arith.cmpi sle, %select_n3A_203, %shift_right_arithmetic3A_972 : vector<16xi32>
          %and3A_974 = arith.andi %le3A_969, %le3A_973 : vector<16xi1>
          %and3A_975 = arith.constant 65535 : i32
          %and3A_976 = vector.broadcast %and3A_975 : i32 to vector<16xi32>
          %and3A_977 = arith.andi %gather3A_952, %and3A_976 : vector<16xi32>
          %add3A_978 = arith.addi %and3A_977, %add3A_207 : vector<16xi32>
          %gather3A_979 = tpu.vector_load_idx %arg14[%add3A_978] masked %and3A_974 : memref<50688xf32, #tpu.memory_space<vmem>>[vector<16xi32>], vector<16xf32>, vector<16xi1>
          %max3A_980 = arith.maximumf %gather3A_979, %gather3A_962 : vector<16xf32>
          tpu.vector_store_idx %arg14[%add3A_978], %max3A_980 masked %and3A_974 : memref<50688xf32, #tpu.memory_space<vmem>>[vector<16xi32>], vector<16xf32>, vector<16xi1>
          %broadcast_in_dim3A_981 = arith.constant 14 : i32
          %broadcast_in_dim3A_982 = vector.broadcast %broadcast_in_dim3A_981 : i32 to vector<16xi32>
          %lt3A_983 = arith.constant 0 : i32
          %lt3A_984 = vector.broadcast %lt3A_983 : i32 to vector<16xi32>
          %lt3A_985 = arith.cmpi slt, %broadcast_in_dim3A_982, %lt3A_984 : vector<16xi32>
          %add3A_986 = arith.constant 16 : i32
          %add3A_987 = vector.broadcast %add3A_986 : i32 to vector<16xi32>
          %add3A_988 = arith.addi %broadcast_in_dim3A_982, %add3A_987 : vector<16xi32>
          %select_n3A_989 = arith.select %lt3A_985, %add3A_988, %broadcast_in_dim3A_982 : vector<16xi1>, vector<16xi32>
          %reshape3A_990 = vector.shape_cast %select_n3A_989 : vector<16xi32> to vector<16x1xi32>
          %gather3A_991 = vector.shape_cast %reshape3A_990 : vector<16x1xi32> to vector<16xi32>
          %gather3A_992 = tpu.dynamic_gather %get3A_421[%gather3A_991] in [0] : vector<16xi32>, vector<16xi32> -> vector<16xi32>
          %lt3A_993 = arith.constant 0 : i32
          %lt3A_994 = vector.broadcast %lt3A_993 : i32 to vector<16xi32>
          %lt3A_995 = arith.cmpi slt, %broadcast_in_dim3A_982, %lt3A_994 : vector<16xi32>
          %add3A_996 = arith.constant 16 : i32
          %add3A_997 = vector.broadcast %add3A_996 : i32 to vector<16xi32>
          %add3A_998 = arith.addi %broadcast_in_dim3A_982, %add3A_997 : vector<16xi32>
          %select_n3A_999 = arith.select %lt3A_995, %add3A_998, %broadcast_in_dim3A_982 : vector<16xi1>, vector<16xi32>
          %reshape3A_1000 = vector.shape_cast %select_n3A_999 : vector<16xi32> to vector<16x1xi32>
          %gather3A_1001 = vector.shape_cast %reshape3A_1000 : vector<16x1xi32> to vector<16xi32>
          %gather3A_1002 = tpu.dynamic_gather %get3A_423[%gather3A_1001] in [0] : vector<16xf32>, vector<16xi32> -> vector<16xf32>
          %shift_right_arithmetic3A_1003 = arith.constant 16 : i32
          %shift_right_arithmetic3A_1004 = vector.broadcast %shift_right_arithmetic3A_1003 : i32 to vector<16xi32>
          %shift_right_arithmetic3A_1005 = arith.shrsi %gather3A_992, %shift_right_arithmetic3A_1004 : vector<16xi32>
          %and3A_1006 = arith.constant 3 : i32
          %and3A_1007 = vector.broadcast %and3A_1006 : i32 to vector<16xi32>
          %and3A_1008 = arith.andi %shift_right_arithmetic3A_1005, %and3A_1007 : vector<16xi32>
          %le3A_1009 = arith.cmpi sle, %select_n3A_169, %and3A_1008 : vector<16xi32>
          %shift_right_arithmetic3A_1010 = arith.constant 18 : i32
          %shift_right_arithmetic3A_1011 = vector.broadcast %shift_right_arithmetic3A_1010 : i32 to vector<16xi32>
          %shift_right_arithmetic3A_1012 = arith.shrsi %gather3A_992, %shift_right_arithmetic3A_1011 : vector<16xi32>
          %le3A_1013 = arith.cmpi sle, %select_n3A_203, %shift_right_arithmetic3A_1012 : vector<16xi32>
          %and3A_1014 = arith.andi %le3A_1009, %le3A_1013 : vector<16xi1>
          %and3A_1015 = arith.constant 65535 : i32
          %and3A_1016 = vector.broadcast %and3A_1015 : i32 to vector<16xi32>
          %and3A_1017 = arith.andi %gather3A_992, %and3A_1016 : vector<16xi32>
          %add3A_1018 = arith.addi %and3A_1017, %add3A_207 : vector<16xi32>
          %gather3A_1019 = tpu.vector_load_idx %arg13[%add3A_1018] masked %and3A_1014 : memref<50688xf32, #tpu.memory_space<vmem>>[vector<16xi32>], vector<16xf32>, vector<16xi1>
          %max3A_1020 = arith.maximumf %gather3A_1019, %gather3A_1002 : vector<16xf32>
          tpu.vector_store_idx %arg13[%add3A_1018], %max3A_1020 masked %and3A_1014 : memref<50688xf32, #tpu.memory_space<vmem>>[vector<16xi32>], vector<16xf32>, vector<16xi1>
          %broadcast_in_dim3A_1021 = arith.constant 15 : i32
          %broadcast_in_dim3A_1022 = vector.broadcast %broadcast_in_dim3A_1021 : i32 to vector<16xi32>
          %lt3A_1023 = arith.constant 0 : i32
          %lt3A_1024 = vector.broadcast %lt3A_1023 : i32 to vector<16xi32>
          %lt3A_1025 = arith.cmpi slt, %broadcast_in_dim3A_1022, %lt3A_1024 : vector<16xi32>
          %add3A_1026 = arith.constant 16 : i32
          %add3A_1027 = vector.broadcast %add3A_1026 : i32 to vector<16xi32>
          %add3A_1028 = arith.addi %broadcast_in_dim3A_1022, %add3A_1027 : vector<16xi32>
          %select_n3A_1029 = arith.select %lt3A_1025, %add3A_1028, %broadcast_in_dim3A_1022 : vector<16xi1>, vector<16xi32>
          %reshape3A_1030 = vector.shape_cast %select_n3A_1029 : vector<16xi32> to vector<16x1xi32>
          %gather3A_1031 = vector.shape_cast %reshape3A_1030 : vector<16x1xi32> to vector<16xi32>
          %gather3A_1032 = tpu.dynamic_gather %get3A_421[%gather3A_1031] in [0] : vector<16xi32>, vector<16xi32> -> vector<16xi32>
          %lt3A_1033 = arith.constant 0 : i32
          %lt3A_1034 = vector.broadcast %lt3A_1033 : i32 to vector<16xi32>
          %lt3A_1035 = arith.cmpi slt, %broadcast_in_dim3A_1022, %lt3A_1034 : vector<16xi32>
          %add3A_1036 = arith.constant 16 : i32
          %add3A_1037 = vector.broadcast %add3A_1036 : i32 to vector<16xi32>
          %add3A_1038 = arith.addi %broadcast_in_dim3A_1022, %add3A_1037 : vector<16xi32>
          %select_n3A_1039 = arith.select %lt3A_1035, %add3A_1038, %broadcast_in_dim3A_1022 : vector<16xi1>, vector<16xi32>
          %reshape3A_1040 = vector.shape_cast %select_n3A_1039 : vector<16xi32> to vector<16x1xi32>
          %gather3A_1041 = vector.shape_cast %reshape3A_1040 : vector<16x1xi32> to vector<16xi32>
          %gather3A_1042 = tpu.dynamic_gather %get3A_423[%gather3A_1041] in [0] : vector<16xf32>, vector<16xi32> -> vector<16xf32>
          %shift_right_arithmetic3A_1043 = arith.constant 16 : i32
          %shift_right_arithmetic3A_1044 = vector.broadcast %shift_right_arithmetic3A_1043 : i32 to vector<16xi32>
          %shift_right_arithmetic3A_1045 = arith.shrsi %gather3A_1032, %shift_right_arithmetic3A_1044 : vector<16xi32>
          %and3A_1046 = arith.constant 3 : i32
          %and3A_1047 = vector.broadcast %and3A_1046 : i32 to vector<16xi32>
          %and3A_1048 = arith.andi %shift_right_arithmetic3A_1045, %and3A_1047 : vector<16xi32>
          %le3A_1049 = arith.cmpi sle, %select_n3A_169, %and3A_1048 : vector<16xi32>
          %shift_right_arithmetic3A_1050 = arith.constant 18 : i32
          %shift_right_arithmetic3A_1051 = vector.broadcast %shift_right_arithmetic3A_1050 : i32 to vector<16xi32>
          %shift_right_arithmetic3A_1052 = arith.shrsi %gather3A_1032, %shift_right_arithmetic3A_1051 : vector<16xi32>
          %le3A_1053 = arith.cmpi sle, %select_n3A_203, %shift_right_arithmetic3A_1052 : vector<16xi32>
          %and3A_1054 = arith.andi %le3A_1049, %le3A_1053 : vector<16xi1>
          %and3A_1055 = arith.constant 65535 : i32
          %and3A_1056 = vector.broadcast %and3A_1055 : i32 to vector<16xi32>
          %and3A_1057 = arith.andi %gather3A_1032, %and3A_1056 : vector<16xi32>
          %add3A_1058 = arith.addi %and3A_1057, %add3A_207 : vector<16xi32>
          %gather3A_1059 = tpu.vector_load_idx %arg14[%add3A_1058] masked %and3A_1054 : memref<50688xf32, #tpu.memory_space<vmem>>[vector<16xi32>], vector<16xf32>, vector<16xi1>
          %max3A_1060 = arith.maximumf %gather3A_1059, %gather3A_1042 : vector<16xf32>
          tpu.vector_store_idx %arg14[%add3A_1058], %max3A_1060 masked %and3A_1054 : memref<50688xf32, #tpu.memory_space<vmem>>[vector<16xi32>], vector<16xf32>, vector<16xi1>
          %while3A_1061 = arith.constant 0 : i32
          scf.yield %while3A_1061 : i32
        }
        %while3A_413 = arith.constant 1 : i32
        %while3A_414 = scf.for %while3A_416 = %while3A_410 to %while3A_406 step %while3A_413 iter_args(%while3A_417 = %while3A_412) -> (i32)  : i32 {
          %mul3A_418 = arith.constant 16 : i32
          %mul3A_419 = arith.muli %while3A_416, %mul3A_418 : i32
          %get3A_420 = arith.index_cast %mul3A_419 : i32 to index
          %get3A_421 = tpu.vector_load %arg11[%get3A_420] {strides = array<i32>} : memref<2064xi32, #tpu.memory_space<vmem>>, vector<16xi32>,
          %get3A_422 = arith.index_cast %mul3A_419 : i32 to index
          %get3A_423 = tpu.vector_load %arg12[%get3A_422] {strides = array<i32>} : memref<2064xf32, #tpu.memory_space<vmem>>, vector<16xf32>,
          %broadcast_in_dim3A_424 = arith.constant 0 : i32
          %broadcast_in_dim3A_425 = vector.broadcast %broadcast_in_dim3A_424 : i32 to vector<16xi32>
          %lt3A_426 = arith.constant 0 : i32
          %lt3A_427 = vector.broadcast %lt3A_426 : i32 to vector<16xi32>
          %lt3A_428 = arith.cmpi slt, %broadcast_in_dim3A_425, %lt3A_427 : vector<16xi32>
          %add3A_429 = arith.constant 16 : i32
          %add3A_430 = vector.broadcast %add3A_429 : i32 to vector<16xi32>
          %add3A_431 = arith.addi %broadcast_in_dim3A_425, %add3A_430 : vector<16xi32>
          %select_n3A_432 = arith.select %lt3A_428, %add3A_431, %broadcast_in_dim3A_425 : vector<16xi1>, vector<16xi32>
          %reshape3A = vector.shape_cast %select_n3A_432 : vector<16xi32> to vector<16x1xi32>
          %gather3A_433 = vector.shape_cast %reshape3A : vector<16x1xi32> to vector<16xi32>
          %gather3A_434 = tpu.dynamic_gather %get3A_421[%gather3A_433] in [0] : vector<16xi32>, vector<16xi32> -> vector<16xi32>
          %lt3A_435 = arith.constant 0 : i32
          %lt3A_436 = vector.broadcast %lt3A_435 : i32 to vector<16xi32>
          %lt3A_437 = arith.cmpi slt, %broadcast_in_dim3A_425, %lt3A_436 : vector<16xi32>
          %add3A_438 = arith.constant 16 : i32
          %add3A_439 = vector.broadcast %add3A_438 : i32 to vector<16xi32>
          %add3A_440 = arith.addi %broadcast_in_dim3A_425, %add3A_439 : vector<16xi32>
          %select_n3A_441 = arith.select %lt3A_437, %add3A_440, %broadcast_in_dim3A_425 : vector<16xi1>, vector<16xi32>
          %reshape3A_442 = vector.shape_cast %select_n3A_441 : vector<16xi32> to vector<16x1xi32>
          %gather3A_443 = vector.shape_cast %reshape3A_442 : vector<16x1xi32> to vector<16xi32>
          %gather3A_444 = tpu.dynamic_gather %get3A_423[%gather3A_443] in [0] : vector<16xf32>, vector<16xi32> -> vector<16xf32>
          %shift_right_arithmetic3A = arith.constant 16 : i32
          %shift_right_arithmetic3A_445 = vector.broadcast %shift_right_arithmetic3A : i32 to vector<16xi32>
          %shift_right_arithmetic3A_446 = arith.shrsi %gather3A_434, %shift_right_arithmetic3A_445 : vector<16xi32>
          %and3A_447 = arith.constant 3 : i32
          %and3A_448 = vector.broadcast %and3A_447 : i32 to vector<16xi32>
          %and3A_449 = arith.andi %shift_right_arithmetic3A_446, %and3A_448 : vector<16xi32>
          %le3A = arith.cmpi sle, %select_n3A_169, %and3A_449 : vector<16xi32>
          %shift_right_arithmetic3A_450 = arith.constant 18 : i32
          %shift_right_arithmetic3A_451 = vector.broadcast %shift_right_arithmetic3A_450 : i32 to vector<16xi32>
          %shift_right_arithmetic3A_452 = arith.shrsi %gather3A_434, %shift_right_arithmetic3A_451 : vector<16xi32>
          %le3A_453 = arith.cmpi sle, %select_n3A_203, %shift_right_arithmetic3A_452 : vector<16xi32>
          %and3A_454 = arith.andi %le3A, %le3A_453 : vector<16xi1>
          %and3A_455 = arith.constant 65535 : i32
          %and3A_456 = vector.broadcast %and3A_455 : i32 to vector<16xi32>
          %and3A_457 = arith.andi %gather3A_434, %and3A_456 : vector<16xi32>
          %add3A_458 = arith.addi %and3A_457, %add3A_207 : vector<16xi32>
          %gather3A_459 = tpu.vector_load_idx %arg13[%add3A_458] masked %and3A_454 : memref<50688xf32, #tpu.memory_space<vmem>>[vector<16xi32>], vector<16xf32>, vector<16xi1>
          %max3A_460 = arith.maximumf %gather3A_459, %gather3A_444 : vector<16xf32>
          tpu.vector_store_idx %arg13[%add3A_458], %max3A_460 masked %and3A_454 : memref<50688xf32, #tpu.memory_space<vmem>>[vector<16xi32>], vector<16xf32>, vector<16xi1>
          %broadcast_in_dim3A_461 = arith.constant 1 : i32
          %broadcast_in_dim3A_462 = vector.broadcast %broadcast_in_dim3A_461 : i32 to vector<16xi32>
          %lt3A_463 = arith.constant 0 : i32
          %lt3A_464 = vector.broadcast %lt3A_463 : i32 to vector<16xi32>
          %lt3A_465 = arith.cmpi slt, %broadcast_in_dim3A_462, %lt3A_464 : vector<16xi32>
          %add3A_466 = arith.constant 16 : i32
          %add3A_467 = vector.broadcast %add3A_466 : i32 to vector<16xi32>
          %add3A_468 = arith.addi %broadcast_in_dim3A_462, %add3A_467 : vector<16xi32>
          %select_n3A_469 = arith.select %lt3A_465, %add3A_468, %broadcast_in_dim3A_462 : vector<16xi1>, vector<16xi32>
          %reshape3A_470 = vector.shape_cast %select_n3A_469 : vector<16xi32> to vector<16x1xi32>
          %gather3A_471 = vector.shape_cast %reshape3A_470 : vector<16x1xi32> to vector<16xi32>
          %gather3A_472 = tpu.dynamic_gather %get3A_421[%gather3A_471] in [0] : vector<16xi32>, vector<16xi32> -> vector<16xi32>
          %lt3A_473 = arith.constant 0 : i32
          %lt3A_474 = vector.broadcast %lt3A_473 : i32 to vector<16xi32>
          %lt3A_475 = arith.cmpi slt, %broadcast_in_dim3A_462, %lt3A_474 : vector<16xi32>
          %add3A_476 = arith.constant 16 : i32
          %add3A_477 = vector.broadcast %add3A_476 : i32 to vector<16xi32>
          %add3A_478 = arith.addi %broadcast_in_dim3A_462, %add3A_477 : vector<16xi32>
          %select_n3A_479 = arith.select %lt3A_475, %add3A_478, %broadcast_in_dim3A_462 : vector<16xi1>, vector<16xi32>
          %reshape3A_480 = vector.shape_cast %select_n3A_479 : vector<16xi32> to vector<16x1xi32>
          %gather3A_481 = vector.shape_cast %reshape3A_480 : vector<16x1xi32> to vector<16xi32>
          %gather3A_482 = tpu.dynamic_gather %get3A_423[%gather3A_481] in [0] : vector<16xf32>, vector<16xi32> -> vector<16xf32>
          %shift_right_arithmetic3A_483 = arith.constant 16 : i32
          %shift_right_arithmetic3A_484 = vector.broadcast %shift_right_arithmetic3A_483 : i32 to vector<16xi32>
          %shift_right_arithmetic3A_485 = arith.shrsi %gather3A_472, %shift_right_arithmetic3A_484 : vector<16xi32>
          %and3A_486 = arith.constant 3 : i32
          %and3A_487 = vector.broadcast %and3A_486 : i32 to vector<16xi32>
          %and3A_488 = arith.andi %shift_right_arithmetic3A_485, %and3A_487 : vector<16xi32>
          %le3A_489 = arith.cmpi sle, %select_n3A_169, %and3A_488 : vector<16xi32>
          %shift_right_arithmetic3A_490 = arith.constant 18 : i32
          %shift_right_arithmetic3A_491 = vector.broadcast %shift_right_arithmetic3A_490 : i32 to vector<16xi32>
          %shift_right_arithmetic3A_492 = arith.shrsi %gather3A_472, %shift_right_arithmetic3A_491 : vector<16xi32>
          %le3A_493 = arith.cmpi sle, %select_n3A_203, %shift_right_arithmetic3A_492 : vector<16xi32>
          %and3A_494 = arith.andi %le3A_489, %le3A_493 : vector<16xi1>
          %and3A_495 = arith.constant 65535 : i32
          %and3A_496 = vector.broadcast %and3A_495 : i32 to vector<16xi32>
          %and3A_497 = arith.andi %gather3A_472, %and3A_496 : vector<16xi32>
          %add3A_498 = arith.addi %and3A_497, %add3A_207 : vector<16xi32>
          %gather3A_499 = tpu.vector_load_idx %arg14[%add3A_498] masked %and3A_494 : memref<50688xf32, #tpu.memory_space<vmem>>[vector<16xi32>], vector<16xf32>, vector<16xi1>
          %max3A_500 = arith.maximumf %gather3A_499, %gather3A_482 : vector<16xf32>
          tpu.vector_store_idx %arg14[%add3A_498], %max3A_500 masked %and3A_494 : memref<50688xf32, #tpu.memory_space<vmem>>[vector<16xi32>], vector<16xf32>, vector<16xi1>
          %broadcast_in_dim3A_501 = arith.constant 2 : i32
          %broadcast_in_dim3A_502 = vector.broadcast %broadcast_in_dim3A_501 : i32 to vector<16xi32>
          %lt3A_503 = arith.constant 0 : i32
          %lt3A_504 = vector.broadcast %lt3A_503 : i32 to vector<16xi32>
          %lt3A_505 = arith.cmpi slt, %broadcast_in_dim3A_502, %lt3A_504 : vector<16xi32>
          %add3A_506 = arith.constant 16 : i32
          %add3A_507 = vector.broadcast %add3A_506 : i32 to vector<16xi32>
          %add3A_508 = arith.addi %broadcast_in_dim3A_502, %add3A_507 : vector<16xi32>
          %select_n3A_509 = arith.select %lt3A_505, %add3A_508, %broadcast_in_dim3A_502 : vector<16xi1>, vector<16xi32>
          %reshape3A_510 = vector.shape_cast %select_n3A_509 : vector<16xi32> to vector<16x1xi32>
          %gather3A_511 = vector.shape_cast %reshape3A_510 : vector<16x1xi32> to vector<16xi32>
          %gather3A_512 = tpu.dynamic_gather %get3A_421[%gather3A_511] in [0] : vector<16xi32>, vector<16xi32> -> vector<16xi32>
          %lt3A_513 = arith.constant 0 : i32
          %lt3A_514 = vector.broadcast %lt3A_513 : i32 to vector<16xi32>
          %lt3A_515 = arith.cmpi slt, %broadcast_in_dim3A_502, %lt3A_514 : vector<16xi32>
          %add3A_516 = arith.constant 16 : i32
          %add3A_517 = vector.broadcast %add3A_516 : i32 to vector<16xi32>
          %add3A_518 = arith.addi %broadcast_in_dim3A_502, %add3A_517 : vector<16xi32>
          %select_n3A_519 = arith.select %lt3A_515, %add3A_518, %broadcast_in_dim3A_502 : vector<16xi1>, vector<16xi32>
          %reshape3A_520 = vector.shape_cast %select_n3A_519 : vector<16xi32> to vector<16x1xi32>
          %gather3A_521 = vector.shape_cast %reshape3A_520 : vector<16x1xi32> to vector<16xi32>
          %gather3A_522 = tpu.dynamic_gather %get3A_423[%gather3A_521] in [0] : vector<16xf32>, vector<16xi32> -> vector<16xf32>
          %shift_right_arithmetic3A_523 = arith.constant 16 : i32
          %shift_right_arithmetic3A_524 = vector.broadcast %shift_right_arithmetic3A_523 : i32 to vector<16xi32>
          %shift_right_arithmetic3A_525 = arith.shrsi %gather3A_512, %shift_right_arithmetic3A_524 : vector<16xi32>
          %and3A_526 = arith.constant 3 : i32
          %and3A_527 = vector.broadcast %and3A_526 : i32 to vector<16xi32>
          %and3A_528 = arith.andi %shift_right_arithmetic3A_525, %and3A_527 : vector<16xi32>
          %le3A_529 = arith.cmpi sle, %select_n3A_169, %and3A_528 : vector<16xi32>
          %shift_right_arithmetic3A_530 = arith.constant 18 : i32
          %shift_right_arithmetic3A_531 = vector.broadcast %shift_right_arithmetic3A_530 : i32 to vector<16xi32>
          %shift_right_arithmetic3A_532 = arith.shrsi %gather3A_512, %shift_right_arithmetic3A_531 : vector<16xi32>
          %le3A_533 = arith.cmpi sle, %select_n3A_203, %shift_right_arithmetic3A_532 : vector<16xi32>
          %and3A_534 = arith.andi %le3A_529, %le3A_533 : vector<16xi1>
          %and3A_535 = arith.constant 65535 : i32
          %and3A_536 = vector.broadcast %and3A_535 : i32 to vector<16xi32>
          %and3A_537 = arith.andi %gather3A_512, %and3A_536 : vector<16xi32>
          %add3A_538 = arith.addi %and3A_537, %add3A_207 : vector<16xi32>
          %gather3A_539 = tpu.vector_load_idx %arg13[%add3A_538] masked %and3A_534 : memref<50688xf32, #tpu.memory_space<vmem>>[vector<16xi32>], vector<16xf32>, vector<16xi1>
          %max3A_540 = arith.maximumf %gather3A_539, %gather3A_522 : vector<16xf32>
          tpu.vector_store_idx %arg13[%add3A_538], %max3A_540 masked %and3A_534 : memref<50688xf32, #tpu.memory_space<vmem>>[vector<16xi32>], vector<16xf32>, vector<16xi1>
          %broadcast_in_dim3A_541 = arith.constant 3 : i32
          %broadcast_in_dim3A_542 = vector.broadcast %broadcast_in_dim3A_541 : i32 to vector<16xi32>
          %lt3A_543 = arith.constant 0 : i32
          %lt3A_544 = vector.broadcast %lt3A_543 : i32 to vector<16xi32>
          %lt3A_545 = arith.cmpi slt, %broadcast_in_dim3A_542, %lt3A_544 : vector<16xi32>
          %add3A_546 = arith.constant 16 : i32
          %add3A_547 = vector.broadcast %add3A_546 : i32 to vector<16xi32>
          %add3A_548 = arith.addi %broadcast_in_dim3A_542, %add3A_547 : vector<16xi32>
          %select_n3A_549 = arith.select %lt3A_545, %add3A_548, %broadcast_in_dim3A_542 : vector<16xi1>, vector<16xi32>
          %reshape3A_550 = vector.shape_cast %select_n3A_549 : vector<16xi32> to vector<16x1xi32>
          %gather3A_551 = vector.shape_cast %reshape3A_550 : vector<16x1xi32> to vector<16xi32>
          %gather3A_552 = tpu.dynamic_gather %get3A_421[%gather3A_551] in [0] : vector<16xi32>, vector<16xi32> -> vector<16xi32>
          %lt3A_553 = arith.constant 0 : i32
          %lt3A_554 = vector.broadcast %lt3A_553 : i32 to vector<16xi32>
          %lt3A_555 = arith.cmpi slt, %broadcast_in_dim3A_542, %lt3A_554 : vector<16xi32>
          %add3A_556 = arith.constant 16 : i32
          %add3A_557 = vector.broadcast %add3A_556 : i32 to vector<16xi32>
          %add3A_558 = arith.addi %broadcast_in_dim3A_542, %add3A_557 : vector<16xi32>
          %select_n3A_559 = arith.select %lt3A_555, %add3A_558, %broadcast_in_dim3A_542 : vector<16xi1>, vector<16xi32>
          %reshape3A_560 = vector.shape_cast %select_n3A_559 : vector<16xi32> to vector<16x1xi32>
          %gather3A_561 = vector.shape_cast %reshape3A_560 : vector<16x1xi32> to vector<16xi32>
          %gather3A_562 = tpu.dynamic_gather %get3A_423[%gather3A_561] in [0] : vector<16xf32>, vector<16xi32> -> vector<16xf32>
          %shift_right_arithmetic3A_563 = arith.constant 16 : i32
          %shift_right_arithmetic3A_564 = vector.broadcast %shift_right_arithmetic3A_563 : i32 to vector<16xi32>
          %shift_right_arithmetic3A_565 = arith.shrsi %gather3A_552, %shift_right_arithmetic3A_564 : vector<16xi32>
          %and3A_566 = arith.constant 3 : i32
          %and3A_567 = vector.broadcast %and3A_566 : i32 to vector<16xi32>
          %and3A_568 = arith.andi %shift_right_arithmetic3A_565, %and3A_567 : vector<16xi32>
          %le3A_569 = arith.cmpi sle, %select_n3A_169, %and3A_568 : vector<16xi32>
          %shift_right_arithmetic3A_570 = arith.constant 18 : i32
          %shift_right_arithmetic3A_571 = vector.broadcast %shift_right_arithmetic3A_570 : i32 to vector<16xi32>
          %shift_right_arithmetic3A_572 = arith.shrsi %gather3A_552, %shift_right_arithmetic3A_571 : vector<16xi32>
          %le3A_573 = arith.cmpi sle, %select_n3A_203, %shift_right_arithmetic3A_572 : vector<16xi32>
          %and3A_574 = arith.andi %le3A_569, %le3A_573 : vector<16xi1>
          %and3A_575 = arith.constant 65535 : i32
          %and3A_576 = vector.broadcast %and3A_575 : i32 to vector<16xi32>
          %and3A_577 = arith.andi %gather3A_552, %and3A_576 : vector<16xi32>
          %add3A_578 = arith.addi %and3A_577, %add3A_207 : vector<16xi32>
          %gather3A_579 = tpu.vector_load_idx %arg14[%add3A_578] masked %and3A_574 : memref<50688xf32, #tpu.memory_space<vmem>>[vector<16xi32>], vector<16xf32>, vector<16xi1>
          %max3A_580 = arith.maximumf %gather3A_579, %gather3A_562 : vector<16xf32>
          tpu.vector_store_idx %arg14[%add3A_578], %max3A_580 masked %and3A_574 : memref<50688xf32, #tpu.memory_space<vmem>>[vector<16xi32>], vector<16xf32>, vector<16xi1>
          %broadcast_in_dim3A_581 = arith.constant 4 : i32
          %broadcast_in_dim3A_582 = vector.broadcast %broadcast_in_dim3A_581 : i32 to vector<16xi32>
          %lt3A_583 = arith.constant 0 : i32
          %lt3A_584 = vector.broadcast %lt3A_583 : i32 to vector<16xi32>
          %lt3A_585 = arith.cmpi slt, %broadcast_in_dim3A_582, %lt3A_584 : vector<16xi32>
          %add3A_586 = arith.constant 16 : i32
          %add3A_587 = vector.broadcast %add3A_586 : i32 to vector<16xi32>
          %add3A_588 = arith.addi %broadcast_in_dim3A_582, %add3A_587 : vector<16xi32>
          %select_n3A_589 = arith.select %lt3A_585, %add3A_588, %broadcast_in_dim3A_582 : vector<16xi1>, vector<16xi32>
          %reshape3A_590 = vector.shape_cast %select_n3A_589 : vector<16xi32> to vector<16x1xi32>
          %gather3A_591 = vector.shape_cast %reshape3A_590 : vector<16x1xi32> to vector<16xi32>
          %gather3A_592 = tpu.dynamic_gather %get3A_421[%gather3A_591] in [0] : vector<16xi32>, vector<16xi32> -> vector<16xi32>
          %lt3A_593 = arith.constant 0 : i32
          %lt3A_594 = vector.broadcast %lt3A_593 : i32 to vector<16xi32>
          %lt3A_595 = arith.cmpi slt, %broadcast_in_dim3A_582, %lt3A_594 : vector<16xi32>
          %add3A_596 = arith.constant 16 : i32
          %add3A_597 = vector.broadcast %add3A_596 : i32 to vector<16xi32>
          %add3A_598 = arith.addi %broadcast_in_dim3A_582, %add3A_597 : vector<16xi32>
          %select_n3A_599 = arith.select %lt3A_595, %add3A_598, %broadcast_in_dim3A_582 : vector<16xi1>, vector<16xi32>
          %reshape3A_600 = vector.shape_cast %select_n3A_599 : vector<16xi32> to vector<16x1xi32>
          %gather3A_601 = vector.shape_cast %reshape3A_600 : vector<16x1xi32> to vector<16xi32>
          %gather3A_602 = tpu.dynamic_gather %get3A_423[%gather3A_601] in [0] : vector<16xf32>, vector<16xi32> -> vector<16xf32>
          %shift_right_arithmetic3A_603 = arith.constant 16 : i32
          %shift_right_arithmetic3A_604 = vector.broadcast %shift_right_arithmetic3A_603 : i32 to vector<16xi32>
          %shift_right_arithmetic3A_605 = arith.shrsi %gather3A_592, %shift_right_arithmetic3A_604 : vector<16xi32>
          %and3A_606 = arith.constant 3 : i32
          %and3A_607 = vector.broadcast %and3A_606 : i32 to vector<16xi32>
          %and3A_608 = arith.andi %shift_right_arithmetic3A_605, %and3A_607 : vector<16xi32>
          %le3A_609 = arith.cmpi sle, %select_n3A_169, %and3A_608 : vector<16xi32>
          %shift_right_arithmetic3A_610 = arith.constant 18 : i32
          %shift_right_arithmetic3A_611 = vector.broadcast %shift_right_arithmetic3A_610 : i32 to vector<16xi32>
          %shift_right_arithmetic3A_612 = arith.shrsi %gather3A_592, %shift_right_arithmetic3A_611 : vector<16xi32>
          %le3A_613 = arith.cmpi sle, %select_n3A_203, %shift_right_arithmetic3A_612 : vector<16xi32>
          %and3A_614 = arith.andi %le3A_609, %le3A_613 : vector<16xi1>
          %and3A_615 = arith.constant 65535 : i32
          %and3A_616 = vector.broadcast %and3A_615 : i32 to vector<16xi32>
          %and3A_617 = arith.andi %gather3A_592, %and3A_616 : vector<16xi32>
          %add3A_618 = arith.addi %and3A_617, %add3A_207 : vector<16xi32>
          %gather3A_619 = tpu.vector_load_idx %arg13[%add3A_618] masked %and3A_614 : memref<50688xf32, #tpu.memory_space<vmem>>[vector<16xi32>], vector<16xf32>, vector<16xi1>
          %max3A_620 = arith.maximumf %gather3A_619, %gather3A_602 : vector<16xf32>
          tpu.vector_store_idx %arg13[%add3A_618], %max3A_620 masked %and3A_614 : memref<50688xf32, #tpu.memory_space<vmem>>[vector<16xi32>], vector<16xf32>, vector<16xi1>
          %broadcast_in_dim3A_621 = arith.constant 5 : i32
          %broadcast_in_dim3A_622 = vector.broadcast %broadcast_in_dim3A_621 : i32 to vector<16xi32>
          %lt3A_623 = arith.constant 0 : i32
          %lt3A_624 = vector.broadcast %lt3A_623 : i32 to vector<16xi32>
          %lt3A_625 = arith.cmpi slt, %broadcast_in_dim3A_622, %lt3A_624 : vector<16xi32>
          %add3A_626 = arith.constant 16 : i32
          %add3A_627 = vector.broadcast %add3A_626 : i32 to vector<16xi32>
          %add3A_628 = arith.addi %broadcast_in_dim3A_622, %add3A_627 : vector<16xi32>
          %select_n3A_629 = arith.select %lt3A_625, %add3A_628, %broadcast_in_dim3A_622 : vector<16xi1>, vector<16xi32>
          %reshape3A_630 = vector.shape_cast %select_n3A_629 : vector<16xi32> to vector<16x1xi32>
          %gather3A_631 = vector.shape_cast %reshape3A_630 : vector<16x1xi32> to vector<16xi32>
          %gather3A_632 = tpu.dynamic_gather %get3A_421[%gather3A_631] in [0] : vector<16xi32>, vector<16xi32> -> vector<16xi32>
          %lt3A_633 = arith.constant 0 : i32
          %lt3A_634 = vector.broadcast %lt3A_633 : i32 to vector<16xi32>
          %lt3A_635 = arith.cmpi slt, %broadcast_in_dim3A_622, %lt3A_634 : vector<16xi32>
          %add3A_636 = arith.constant 16 : i32
          %add3A_637 = vector.broadcast %add3A_636 : i32 to vector<16xi32>
          %add3A_638 = arith.addi %broadcast_in_dim3A_622, %add3A_637 : vector<16xi32>
          %select_n3A_639 = arith.select %lt3A_635, %add3A_638, %broadcast_in_dim3A_622 : vector<16xi1>, vector<16xi32>
          %reshape3A_640 = vector.shape_cast %select_n3A_639 : vector<16xi32> to vector<16x1xi32>
          %gather3A_641 = vector.shape_cast %reshape3A_640 : vector<16x1xi32> to vector<16xi32>
          %gather3A_642 = tpu.dynamic_gather %get3A_423[%gather3A_641] in [0] : vector<16xf32>, vector<16xi32> -> vector<16xf32>
          %shift_right_arithmetic3A_643 = arith.constant 16 : i32
          %shift_right_arithmetic3A_644 = vector.broadcast %shift_right_arithmetic3A_643 : i32 to vector<16xi32>
          %shift_right_arithmetic3A_645 = arith.shrsi %gather3A_632, %shift_right_arithmetic3A_644 : vector<16xi32>
          %and3A_646 = arith.constant 3 : i32
          %and3A_647 = vector.broadcast %and3A_646 : i32 to vector<16xi32>
          %and3A_648 = arith.andi %shift_right_arithmetic3A_645, %and3A_647 : vector<16xi32>
          %le3A_649 = arith.cmpi sle, %select_n3A_169, %and3A_648 : vector<16xi32>
          %shift_right_arithmetic3A_650 = arith.constant 18 : i32
          %shift_right_arithmetic3A_651 = vector.broadcast %shift_right_arithmetic3A_650 : i32 to vector<16xi32>
          %shift_right_arithmetic3A_652 = arith.shrsi %gather3A_632, %shift_right_arithmetic3A_651 : vector<16xi32>
          %le3A_653 = arith.cmpi sle, %select_n3A_203, %shift_right_arithmetic3A_652 : vector<16xi32>
          %and3A_654 = arith.andi %le3A_649, %le3A_653 : vector<16xi1>
          %and3A_655 = arith.constant 65535 : i32
          %and3A_656 = vector.broadcast %and3A_655 : i32 to vector<16xi32>
          %and3A_657 = arith.andi %gather3A_632, %and3A_656 : vector<16xi32>
          %add3A_658 = arith.addi %and3A_657, %add3A_207 : vector<16xi32>
          %gather3A_659 = tpu.vector_load_idx %arg14[%add3A_658] masked %and3A_654 : memref<50688xf32, #tpu.memory_space<vmem>>[vector<16xi32>], vector<16xf32>, vector<16xi1>
          %max3A_660 = arith.maximumf %gather3A_659, %gather3A_642 : vector<16xf32>
          tpu.vector_store_idx %arg14[%add3A_658], %max3A_660 masked %and3A_654 : memref<50688xf32, #tpu.memory_space<vmem>>[vector<16xi32>], vector<16xf32>, vector<16xi1>
          %broadcast_in_dim3A_661 = arith.constant 6 : i32
          %broadcast_in_dim3A_662 = vector.broadcast %broadcast_in_dim3A_661 : i32 to vector<16xi32>
          %lt3A_663 = arith.constant 0 : i32
          %lt3A_664 = vector.broadcast %lt3A_663 : i32 to vector<16xi32>
          %lt3A_665 = arith.cmpi slt, %broadcast_in_dim3A_662, %lt3A_664 : vector<16xi32>
          %add3A_666 = arith.constant 16 : i32
          %add3A_667 = vector.broadcast %add3A_666 : i32 to vector<16xi32>
          %add3A_668 = arith.addi %broadcast_in_dim3A_662, %add3A_667 : vector<16xi32>
          %select_n3A_669 = arith.select %lt3A_665, %add3A_668, %broadcast_in_dim3A_662 : vector<16xi1>, vector<16xi32>
          %reshape3A_670 = vector.shape_cast %select_n3A_669 : vector<16xi32> to vector<16x1xi32>
          %gather3A_671 = vector.shape_cast %reshape3A_670 : vector<16x1xi32> to vector<16xi32>
          %gather3A_672 = tpu.dynamic_gather %get3A_421[%gather3A_671] in [0] : vector<16xi32>, vector<16xi32> -> vector<16xi32>
          %lt3A_673 = arith.constant 0 : i32
          %lt3A_674 = vector.broadcast %lt3A_673 : i32 to vector<16xi32>
          %lt3A_675 = arith.cmpi slt, %broadcast_in_dim3A_662, %lt3A_674 : vector<16xi32>
          %add3A_676 = arith.constant 16 : i32
          %add3A_677 = vector.broadcast %add3A_676 : i32 to vector<16xi32>
          %add3A_678 = arith.addi %broadcast_in_dim3A_662, %add3A_677 : vector<16xi32>
          %select_n3A_679 = arith.select %lt3A_675, %add3A_678, %broadcast_in_dim3A_662 : vector<16xi1>, vector<16xi32>
          %reshape3A_680 = vector.shape_cast %select_n3A_679 : vector<16xi32> to vector<16x1xi32>
          %gather3A_681 = vector.shape_cast %reshape3A_680 : vector<16x1xi32> to vector<16xi32>
          %gather3A_682 = tpu.dynamic_gather %get3A_423[%gather3A_681] in [0] : vector<16xf32>, vector<16xi32> -> vector<16xf32>
          %shift_right_arithmetic3A_683 = arith.constant 16 : i32
          %shift_right_arithmetic3A_684 = vector.broadcast %shift_right_arithmetic3A_683 : i32 to vector<16xi32>
          %shift_right_arithmetic3A_685 = arith.shrsi %gather3A_672, %shift_right_arithmetic3A_684 : vector<16xi32>
          %and3A_686 = arith.constant 3 : i32
          %and3A_687 = vector.broadcast %and3A_686 : i32 to vector<16xi32>
          %and3A_688 = arith.andi %shift_right_arithmetic3A_685, %and3A_687 : vector<16xi32>
          %le3A_689 = arith.cmpi sle, %select_n3A_169, %and3A_688 : vector<16xi32>
          %shift_right_arithmetic3A_690 = arith.constant 18 : i32
          %shift_right_arithmetic3A_691 = vector.broadcast %shift_right_arithmetic3A_690 : i32 to vector<16xi32>
          %shift_right_arithmetic3A_692 = arith.shrsi %gather3A_672, %shift_right_arithmetic3A_691 : vector<16xi32>
          %le3A_693 = arith.cmpi sle, %select_n3A_203, %shift_right_arithmetic3A_692 : vector<16xi32>
          %and3A_694 = arith.andi %le3A_689, %le3A_693 : vector<16xi1>
          %and3A_695 = arith.constant 65535 : i32
          %and3A_696 = vector.broadcast %and3A_695 : i32 to vector<16xi32>
          %and3A_697 = arith.andi %gather3A_672, %and3A_696 : vector<16xi32>
          %add3A_698 = arith.addi %and3A_697, %add3A_207 : vector<16xi32>
          %gather3A_699 = tpu.vector_load_idx %arg13[%add3A_698] masked %and3A_694 : memref<50688xf32, #tpu.memory_space<vmem>>[vector<16xi32>], vector<16xf32>, vector<16xi1>
          %max3A_700 = arith.maximumf %gather3A_699, %gather3A_682 : vector<16xf32>
          tpu.vector_store_idx %arg13[%add3A_698], %max3A_700 masked %and3A_694 : memref<50688xf32, #tpu.memory_space<vmem>>[vector<16xi32>], vector<16xf32>, vector<16xi1>
          %broadcast_in_dim3A_701 = arith.constant 7 : i32
          %broadcast_in_dim3A_702 = vector.broadcast %broadcast_in_dim3A_701 : i32 to vector<16xi32>
          %lt3A_703 = arith.constant 0 : i32
          %lt3A_704 = vector.broadcast %lt3A_703 : i32 to vector<16xi32>
          %lt3A_705 = arith.cmpi slt, %broadcast_in_dim3A_702, %lt3A_704 : vector<16xi32>
          %add3A_706 = arith.constant 16 : i32
          %add3A_707 = vector.broadcast %add3A_706 : i32 to vector<16xi32>
          %add3A_708 = arith.addi %broadcast_in_dim3A_702, %add3A_707 : vector<16xi32>
          %select_n3A_709 = arith.select %lt3A_705, %add3A_708, %broadcast_in_dim3A_702 : vector<16xi1>, vector<16xi32>
          %reshape3A_710 = vector.shape_cast %select_n3A_709 : vector<16xi32> to vector<16x1xi32>
          %gather3A_711 = vector.shape_cast %reshape3A_710 : vector<16x1xi32> to vector<16xi32>
          %gather3A_712 = tpu.dynamic_gather %get3A_421[%gather3A_711] in [0] : vector<16xi32>, vector<16xi32> -> vector<16xi32>
          %lt3A_713 = arith.constant 0 : i32
          %lt3A_714 = vector.broadcast %lt3A_713 : i32 to vector<16xi32>
          %lt3A_715 = arith.cmpi slt, %broadcast_in_dim3A_702, %lt3A_714 : vector<16xi32>
          %add3A_716 = arith.constant 16 : i32
          %add3A_717 = vector.broadcast %add3A_716 : i32 to vector<16xi32>
          %add3A_718 = arith.addi %broadcast_in_dim3A_702, %add3A_717 : vector<16xi32>
          %select_n3A_719 = arith.select %lt3A_715, %add3A_718, %broadcast_in_dim3A_702 : vector<16xi1>, vector<16xi32>
          %reshape3A_720 = vector.shape_cast %select_n3A_719 : vector<16xi32> to vector<16x1xi32>
          %gather3A_721 = vector.shape_cast %reshape3A_720 : vector<16x1xi32> to vector<16xi32>
          %gather3A_722 = tpu.dynamic_gather %get3A_423[%gather3A_721] in [0] : vector<16xf32>, vector<16xi32> -> vector<16xf32>
          %shift_right_arithmetic3A_723 = arith.constant 16 : i32
          %shift_right_arithmetic3A_724 = vector.broadcast %shift_right_arithmetic3A_723 : i32 to vector<16xi32>
          %shift_right_arithmetic3A_725 = arith.shrsi %gather3A_712, %shift_right_arithmetic3A_724 : vector<16xi32>
          %and3A_726 = arith.constant 3 : i32
          %and3A_727 = vector.broadcast %and3A_726 : i32 to vector<16xi32>
          %and3A_728 = arith.andi %shift_right_arithmetic3A_725, %and3A_727 : vector<16xi32>
          %le3A_729 = arith.cmpi sle, %select_n3A_169, %and3A_728 : vector<16xi32>
          %shift_right_arithmetic3A_730 = arith.constant 18 : i32
          %shift_right_arithmetic3A_731 = vector.broadcast %shift_right_arithmetic3A_730 : i32 to vector<16xi32>
          %shift_right_arithmetic3A_732 = arith.shrsi %gather3A_712, %shift_right_arithmetic3A_731 : vector<16xi32>
          %le3A_733 = arith.cmpi sle, %select_n3A_203, %shift_right_arithmetic3A_732 : vector<16xi32>
          %and3A_734 = arith.andi %le3A_729, %le3A_733 : vector<16xi1>
          %and3A_735 = arith.constant 65535 : i32
          %and3A_736 = vector.broadcast %and3A_735 : i32 to vector<16xi32>
          %and3A_737 = arith.andi %gather3A_712, %and3A_736 : vector<16xi32>
          %add3A_738 = arith.addi %and3A_737, %add3A_207 : vector<16xi32>
          %gather3A_739 = tpu.vector_load_idx %arg14[%add3A_738] masked %and3A_734 : memref<50688xf32, #tpu.memory_space<vmem>>[vector<16xi32>], vector<16xf32>, vector<16xi1>
          %max3A_740 = arith.maximumf %gather3A_739, %gather3A_722 : vector<16xf32>
          tpu.vector_store_idx %arg14[%add3A_738], %max3A_740 masked %and3A_734 : memref<50688xf32, #tpu.memory_space<vmem>>[vector<16xi32>], vector<16xf32>, vector<16xi1>
          %broadcast_in_dim3A_741 = arith.constant 8 : i32
          %broadcast_in_dim3A_742 = vector.broadcast %broadcast_in_dim3A_741 : i32 to vector<16xi32>
          %lt3A_743 = arith.constant 0 : i32
          %lt3A_744 = vector.broadcast %lt3A_743 : i32 to vector<16xi32>
          %lt3A_745 = arith.cmpi slt, %broadcast_in_dim3A_742, %lt3A_744 : vector<16xi32>
          %add3A_746 = arith.constant 16 : i32
          %add3A_747 = vector.broadcast %add3A_746 : i32 to vector<16xi32>
          %add3A_748 = arith.addi %broadcast_in_dim3A_742, %add3A_747 : vector<16xi32>
          %select_n3A_749 = arith.select %lt3A_745, %add3A_748, %broadcast_in_dim3A_742 : vector<16xi1>, vector<16xi32>
          %reshape3A_750 = vector.shape_cast %select_n3A_749 : vector<16xi32> to vector<16x1xi32>
          %gather3A_751 = vector.shape_cast %reshape3A_750 : vector<16x1xi32> to vector<16xi32>
          %gather3A_752 = tpu.dynamic_gather %get3A_421[%gather3A_751] in [0] : vector<16xi32>, vector<16xi32> -> vector<16xi32>
          %lt3A_753 = arith.constant 0 : i32
          %lt3A_754 = vector.broadcast %lt3A_753 : i32 to vector<16xi32>
          %lt3A_755 = arith.cmpi slt, %broadcast_in_dim3A_742, %lt3A_754 : vector<16xi32>
          %add3A_756 = arith.constant 16 : i32
          %add3A_757 = vector.broadcast %add3A_756 : i32 to vector<16xi32>
          %add3A_758 = arith.addi %broadcast_in_dim3A_742, %add3A_757 : vector<16xi32>
          %select_n3A_759 = arith.select %lt3A_755, %add3A_758, %broadcast_in_dim3A_742 : vector<16xi1>, vector<16xi32>
          %reshape3A_760 = vector.shape_cast %select_n3A_759 : vector<16xi32> to vector<16x1xi32>
          %gather3A_761 = vector.shape_cast %reshape3A_760 : vector<16x1xi32> to vector<16xi32>
          %gather3A_762 = tpu.dynamic_gather %get3A_423[%gather3A_761] in [0] : vector<16xf32>, vector<16xi32> -> vector<16xf32>
          %shift_right_arithmetic3A_763 = arith.constant 16 : i32
          %shift_right_arithmetic3A_764 = vector.broadcast %shift_right_arithmetic3A_763 : i32 to vector<16xi32>
          %shift_right_arithmetic3A_765 = arith.shrsi %gather3A_752, %shift_right_arithmetic3A_764 : vector<16xi32>
          %and3A_766 = arith.constant 3 : i32
          %and3A_767 = vector.broadcast %and3A_766 : i32 to vector<16xi32>
          %and3A_768 = arith.andi %shift_right_arithmetic3A_765, %and3A_767 : vector<16xi32>
          %le3A_769 = arith.cmpi sle, %select_n3A_169, %and3A_768 : vector<16xi32>
          %shift_right_arithmetic3A_770 = arith.constant 18 : i32
          %shift_right_arithmetic3A_771 = vector.broadcast %shift_right_arithmetic3A_770 : i32 to vector<16xi32>
          %shift_right_arithmetic3A_772 = arith.shrsi %gather3A_752, %shift_right_arithmetic3A_771 : vector<16xi32>
          %le3A_773 = arith.cmpi sle, %select_n3A_203, %shift_right_arithmetic3A_772 : vector<16xi32>
          %and3A_774 = arith.andi %le3A_769, %le3A_773 : vector<16xi1>
          %and3A_775 = arith.constant 65535 : i32
          %and3A_776 = vector.broadcast %and3A_775 : i32 to vector<16xi32>
          %and3A_777 = arith.andi %gather3A_752, %and3A_776 : vector<16xi32>
          %add3A_778 = arith.addi %and3A_777, %add3A_207 : vector<16xi32>
          %gather3A_779 = tpu.vector_load_idx %arg13[%add3A_778] masked %and3A_774 : memref<50688xf32, #tpu.memory_space<vmem>>[vector<16xi32>], vector<16xf32>, vector<16xi1>
          %max3A_780 = arith.maximumf %gather3A_779, %gather3A_762 : vector<16xf32>
          tpu.vector_store_idx %arg13[%add3A_778], %max3A_780 masked %and3A_774 : memref<50688xf32, #tpu.memory_space<vmem>>[vector<16xi32>], vector<16xf32>, vector<16xi1>
          %broadcast_in_dim3A_781 = arith.constant 9 : i32
          %broadcast_in_dim3A_782 = vector.broadcast %broadcast_in_dim3A_781 : i32 to vector<16xi32>
          %lt3A_783 = arith.constant 0 : i32
          %lt3A_784 = vector.broadcast %lt3A_783 : i32 to vector<16xi32>
          %lt3A_785 = arith.cmpi slt, %broadcast_in_dim3A_782, %lt3A_784 : vector<16xi32>
          %add3A_786 = arith.constant 16 : i32
          %add3A_787 = vector.broadcast %add3A_786 : i32 to vector<16xi32>
          %add3A_788 = arith.addi %broadcast_in_dim3A_782, %add3A_787 : vector<16xi32>
          %select_n3A_789 = arith.select %lt3A_785, %add3A_788, %broadcast_in_dim3A_782 : vector<16xi1>, vector<16xi32>
          %reshape3A_790 = vector.shape_cast %select_n3A_789 : vector<16xi32> to vector<16x1xi32>
          %gather3A_791 = vector.shape_cast %reshape3A_790 : vector<16x1xi32> to vector<16xi32>
          %gather3A_792 = tpu.dynamic_gather %get3A_421[%gather3A_791] in [0] : vector<16xi32>, vector<16xi32> -> vector<16xi32>
          %lt3A_793 = arith.constant 0 : i32
          %lt3A_794 = vector.broadcast %lt3A_793 : i32 to vector<16xi32>
          %lt3A_795 = arith.cmpi slt, %broadcast_in_dim3A_782, %lt3A_794 : vector<16xi32>
          %add3A_796 = arith.constant 16 : i32
          %add3A_797 = vector.broadcast %add3A_796 : i32 to vector<16xi32>
          %add3A_798 = arith.addi %broadcast_in_dim3A_782, %add3A_797 : vector<16xi32>
          %select_n3A_799 = arith.select %lt3A_795, %add3A_798, %broadcast_in_dim3A_782 : vector<16xi1>, vector<16xi32>
          %reshape3A_800 = vector.shape_cast %select_n3A_799 : vector<16xi32> to vector<16x1xi32>
          %gather3A_801 = vector.shape_cast %reshape3A_800 : vector<16x1xi32> to vector<16xi32>
          %gather3A_802 = tpu.dynamic_gather %get3A_423[%gather3A_801] in [0] : vector<16xf32>, vector<16xi32> -> vector<16xf32>
          %shift_right_arithmetic3A_803 = arith.constant 16 : i32
          %shift_right_arithmetic3A_804 = vector.broadcast %shift_right_arithmetic3A_803 : i32 to vector<16xi32>
          %shift_right_arithmetic3A_805 = arith.shrsi %gather3A_792, %shift_right_arithmetic3A_804 : vector<16xi32>
          %and3A_806 = arith.constant 3 : i32
          %and3A_807 = vector.broadcast %and3A_806 : i32 to vector<16xi32>
          %and3A_808 = arith.andi %shift_right_arithmetic3A_805, %and3A_807 : vector<16xi32>
          %le3A_809 = arith.cmpi sle, %select_n3A_169, %and3A_808 : vector<16xi32>
          %shift_right_arithmetic3A_810 = arith.constant 18 : i32
          %shift_right_arithmetic3A_811 = vector.broadcast %shift_right_arithmetic3A_810 : i32 to vector<16xi32>
          %shift_right_arithmetic3A_812 = arith.shrsi %gather3A_792, %shift_right_arithmetic3A_811 : vector<16xi32>
          %le3A_813 = arith.cmpi sle, %select_n3A_203, %shift_right_arithmetic3A_812 : vector<16xi32>
          %and3A_814 = arith.andi %le3A_809, %le3A_813 : vector<16xi1>
          %and3A_815 = arith.constant 65535 : i32
          %and3A_816 = vector.broadcast %and3A_815 : i32 to vector<16xi32>
          %and3A_817 = arith.andi %gather3A_792, %and3A_816 : vector<16xi32>
          %add3A_818 = arith.addi %and3A_817, %add3A_207 : vector<16xi32>
          %gather3A_819 = tpu.vector_load_idx %arg14[%add3A_818] masked %and3A_814 : memref<50688xf32, #tpu.memory_space<vmem>>[vector<16xi32>], vector<16xf32>, vector<16xi1>
          %max3A_820 = arith.maximumf %gather3A_819, %gather3A_802 : vector<16xf32>
          tpu.vector_store_idx %arg14[%add3A_818], %max3A_820 masked %and3A_814 : memref<50688xf32, #tpu.memory_space<vmem>>[vector<16xi32>], vector<16xf32>, vector<16xi1>
          %broadcast_in_dim3A_821 = arith.constant 10 : i32
          %broadcast_in_dim3A_822 = vector.broadcast %broadcast_in_dim3A_821 : i32 to vector<16xi32>
          %lt3A_823 = arith.constant 0 : i32
          %lt3A_824 = vector.broadcast %lt3A_823 : i32 to vector<16xi32>
          %lt3A_825 = arith.cmpi slt, %broadcast_in_dim3A_822, %lt3A_824 : vector<16xi32>
          %add3A_826 = arith.constant 16 : i32
          %add3A_827 = vector.broadcast %add3A_826 : i32 to vector<16xi32>
          %add3A_828 = arith.addi %broadcast_in_dim3A_822, %add3A_827 : vector<16xi32>
          %select_n3A_829 = arith.select %lt3A_825, %add3A_828, %broadcast_in_dim3A_822 : vector<16xi1>, vector<16xi32>
          %reshape3A_830 = vector.shape_cast %select_n3A_829 : vector<16xi32> to vector<16x1xi32>
          %gather3A_831 = vector.shape_cast %reshape3A_830 : vector<16x1xi32> to vector<16xi32>
          %gather3A_832 = tpu.dynamic_gather %get3A_421[%gather3A_831] in [0] : vector<16xi32>, vector<16xi32> -> vector<16xi32>
          %lt3A_833 = arith.constant 0 : i32
          %lt3A_834 = vector.broadcast %lt3A_833 : i32 to vector<16xi32>
          %lt3A_835 = arith.cmpi slt, %broadcast_in_dim3A_822, %lt3A_834 : vector<16xi32>
          %add3A_836 = arith.constant 16 : i32
          %add3A_837 = vector.broadcast %add3A_836 : i32 to vector<16xi32>
          %add3A_838 = arith.addi %broadcast_in_dim3A_822, %add3A_837 : vector<16xi32>
          %select_n3A_839 = arith.select %lt3A_835, %add3A_838, %broadcast_in_dim3A_822 : vector<16xi1>, vector<16xi32>
          %reshape3A_840 = vector.shape_cast %select_n3A_839 : vector<16xi32> to vector<16x1xi32>
          %gather3A_841 = vector.shape_cast %reshape3A_840 : vector<16x1xi32> to vector<16xi32>
          %gather3A_842 = tpu.dynamic_gather %get3A_423[%gather3A_841] in [0] : vector<16xf32>, vector<16xi32> -> vector<16xf32>
          %shift_right_arithmetic3A_843 = arith.constant 16 : i32
          %shift_right_arithmetic3A_844 = vector.broadcast %shift_right_arithmetic3A_843 : i32 to vector<16xi32>
          %shift_right_arithmetic3A_845 = arith.shrsi %gather3A_832, %shift_right_arithmetic3A_844 : vector<16xi32>
          %and3A_846 = arith.constant 3 : i32
          %and3A_847 = vector.broadcast %and3A_846 : i32 to vector<16xi32>
          %and3A_848 = arith.andi %shift_right_arithmetic3A_845, %and3A_847 : vector<16xi32>
          %le3A_849 = arith.cmpi sle, %select_n3A_169, %and3A_848 : vector<16xi32>
          %shift_right_arithmetic3A_850 = arith.constant 18 : i32
          %shift_right_arithmetic3A_851 = vector.broadcast %shift_right_arithmetic3A_850 : i32 to vector<16xi32>
          %shift_right_arithmetic3A_852 = arith.shrsi %gather3A_832, %shift_right_arithmetic3A_851 : vector<16xi32>
          %le3A_853 = arith.cmpi sle, %select_n3A_203, %shift_right_arithmetic3A_852 : vector<16xi32>
          %and3A_854 = arith.andi %le3A_849, %le3A_853 : vector<16xi1>
          %and3A_855 = arith.constant 65535 : i32
          %and3A_856 = vector.broadcast %and3A_855 : i32 to vector<16xi32>
          %and3A_857 = arith.andi %gather3A_832, %and3A_856 : vector<16xi32>
          %add3A_858 = arith.addi %and3A_857, %add3A_207 : vector<16xi32>
          %gather3A_859 = tpu.vector_load_idx %arg13[%add3A_858] masked %and3A_854 : memref<50688xf32, #tpu.memory_space<vmem>>[vector<16xi32>], vector<16xf32>, vector<16xi1>
          %max3A_860 = arith.maximumf %gather3A_859, %gather3A_842 : vector<16xf32>
          tpu.vector_store_idx %arg13[%add3A_858], %max3A_860 masked %and3A_854 : memref<50688xf32, #tpu.memory_space<vmem>>[vector<16xi32>], vector<16xf32>, vector<16xi1>
          %broadcast_in_dim3A_861 = arith.constant 11 : i32
          %broadcast_in_dim3A_862 = vector.broadcast %broadcast_in_dim3A_861 : i32 to vector<16xi32>
          %lt3A_863 = arith.constant 0 : i32
          %lt3A_864 = vector.broadcast %lt3A_863 : i32 to vector<16xi32>
          %lt3A_865 = arith.cmpi slt, %broadcast_in_dim3A_862, %lt3A_864 : vector<16xi32>
          %add3A_866 = arith.constant 16 : i32
          %add3A_867 = vector.broadcast %add3A_866 : i32 to vector<16xi32>
          %add3A_868 = arith.addi %broadcast_in_dim3A_862, %add3A_867 : vector<16xi32>
          %select_n3A_869 = arith.select %lt3A_865, %add3A_868, %broadcast_in_dim3A_862 : vector<16xi1>, vector<16xi32>
          %reshape3A_870 = vector.shape_cast %select_n3A_869 : vector<16xi32> to vector<16x1xi32>
          %gather3A_871 = vector.shape_cast %reshape3A_870 : vector<16x1xi32> to vector<16xi32>
          %gather3A_872 = tpu.dynamic_gather %get3A_421[%gather3A_871] in [0] : vector<16xi32>, vector<16xi32> -> vector<16xi32>
          %lt3A_873 = arith.constant 0 : i32
          %lt3A_874 = vector.broadcast %lt3A_873 : i32 to vector<16xi32>
          %lt3A_875 = arith.cmpi slt, %broadcast_in_dim3A_862, %lt3A_874 : vector<16xi32>
          %add3A_876 = arith.constant 16 : i32
          %add3A_877 = vector.broadcast %add3A_876 : i32 to vector<16xi32>
          %add3A_878 = arith.addi %broadcast_in_dim3A_862, %add3A_877 : vector<16xi32>
          %select_n3A_879 = arith.select %lt3A_875, %add3A_878, %broadcast_in_dim3A_862 : vector<16xi1>, vector<16xi32>
          %reshape3A_880 = vector.shape_cast %select_n3A_879 : vector<16xi32> to vector<16x1xi32>
          %gather3A_881 = vector.shape_cast %reshape3A_880 : vector<16x1xi32> to vector<16xi32>
          %gather3A_882 = tpu.dynamic_gather %get3A_423[%gather3A_881] in [0] : vector<16xf32>, vector<16xi32> -> vector<16xf32>
          %shift_right_arithmetic3A_883 = arith.constant 16 : i32
          %shift_right_arithmetic3A_884 = vector.broadcast %shift_right_arithmetic3A_883 : i32 to vector<16xi32>
          %shift_right_arithmetic3A_885 = arith.shrsi %gather3A_872, %shift_right_arithmetic3A_884 : vector<16xi32>
          %and3A_886 = arith.constant 3 : i32
          %and3A_887 = vector.broadcast %and3A_886 : i32 to vector<16xi32>
          %and3A_888 = arith.andi %shift_right_arithmetic3A_885, %and3A_887 : vector<16xi32>
          %le3A_889 = arith.cmpi sle, %select_n3A_169, %and3A_888 : vector<16xi32>
          %shift_right_arithmetic3A_890 = arith.constant 18 : i32
          %shift_right_arithmetic3A_891 = vector.broadcast %shift_right_arithmetic3A_890 : i32 to vector<16xi32>
          %shift_right_arithmetic3A_892 = arith.shrsi %gather3A_872, %shift_right_arithmetic3A_891 : vector<16xi32>
          %le3A_893 = arith.cmpi sle, %select_n3A_203, %shift_right_arithmetic3A_892 : vector<16xi32>
          %and3A_894 = arith.andi %le3A_889, %le3A_893 : vector<16xi1>
          %and3A_895 = arith.constant 65535 : i32
          %and3A_896 = vector.broadcast %and3A_895 : i32 to vector<16xi32>
          %and3A_897 = arith.andi %gather3A_872, %and3A_896 : vector<16xi32>
          %add3A_898 = arith.addi %and3A_897, %add3A_207 : vector<16xi32>
          %gather3A_899 = tpu.vector_load_idx %arg14[%add3A_898] masked %and3A_894 : memref<50688xf32, #tpu.memory_space<vmem>>[vector<16xi32>], vector<16xf32>, vector<16xi1>
          %max3A_900 = arith.maximumf %gather3A_899, %gather3A_882 : vector<16xf32>
          tpu.vector_store_idx %arg14[%add3A_898], %max3A_900 masked %and3A_894 : memref<50688xf32, #tpu.memory_space<vmem>>[vector<16xi32>], vector<16xf32>, vector<16xi1>
          %broadcast_in_dim3A_901 = arith.constant 12 : i32
          %broadcast_in_dim3A_902 = vector.broadcast %broadcast_in_dim3A_901 : i32 to vector<16xi32>
          %lt3A_903 = arith.constant 0 : i32
          %lt3A_904 = vector.broadcast %lt3A_903 : i32 to vector<16xi32>
          %lt3A_905 = arith.cmpi slt, %broadcast_in_dim3A_902, %lt3A_904 : vector<16xi32>
          %add3A_906 = arith.constant 16 : i32
          %add3A_907 = vector.broadcast %add3A_906 : i32 to vector<16xi32>
          %add3A_908 = arith.addi %broadcast_in_dim3A_902, %add3A_907 : vector<16xi32>
          %select_n3A_909 = arith.select %lt3A_905, %add3A_908, %broadcast_in_dim3A_902 : vector<16xi1>, vector<16xi32>
          %reshape3A_910 = vector.shape_cast %select_n3A_909 : vector<16xi32> to vector<16x1xi32>
          %gather3A_911 = vector.shape_cast %reshape3A_910 : vector<16x1xi32> to vector<16xi32>
          %gather3A_912 = tpu.dynamic_gather %get3A_421[%gather3A_911] in [0] : vector<16xi32>, vector<16xi32> -> vector<16xi32>
          %lt3A_913 = arith.constant 0 : i32
          %lt3A_914 = vector.broadcast %lt3A_913 : i32 to vector<16xi32>
          %lt3A_915 = arith.cmpi slt, %broadcast_in_dim3A_902, %lt3A_914 : vector<16xi32>
          %add3A_916 = arith.constant 16 : i32
          %add3A_917 = vector.broadcast %add3A_916 : i32 to vector<16xi32>
          %add3A_918 = arith.addi %broadcast_in_dim3A_902, %add3A_917 : vector<16xi32>
          %select_n3A_919 = arith.select %lt3A_915, %add3A_918, %broadcast_in_dim3A_902 : vector<16xi1>, vector<16xi32>
          %reshape3A_920 = vector.shape_cast %select_n3A_919 : vector<16xi32> to vector<16x1xi32>
          %gather3A_921 = vector.shape_cast %reshape3A_920 : vector<16x1xi32> to vector<16xi32>
          %gather3A_922 = tpu.dynamic_gather %get3A_423[%gather3A_921] in [0] : vector<16xf32>, vector<16xi32> -> vector<16xf32>
          %shift_right_arithmetic3A_923 = arith.constant 16 : i32
          %shift_right_arithmetic3A_924 = vector.broadcast %shift_right_arithmetic3A_923 : i32 to vector<16xi32>
          %shift_right_arithmetic3A_925 = arith.shrsi %gather3A_912, %shift_right_arithmetic3A_924 : vector<16xi32>
          %and3A_926 = arith.constant 3 : i32
          %and3A_927 = vector.broadcast %and3A_926 : i32 to vector<16xi32>
          %and3A_928 = arith.andi %shift_right_arithmetic3A_925, %and3A_927 : vector<16xi32>
          %le3A_929 = arith.cmpi sle, %select_n3A_169, %and3A_928 : vector<16xi32>
          %shift_right_arithmetic3A_930 = arith.constant 18 : i32
          %shift_right_arithmetic3A_931 = vector.broadcast %shift_right_arithmetic3A_930 : i32 to vector<16xi32>
          %shift_right_arithmetic3A_932 = arith.shrsi %gather3A_912, %shift_right_arithmetic3A_931 : vector<16xi32>
          %le3A_933 = arith.cmpi sle, %select_n3A_203, %shift_right_arithmetic3A_932 : vector<16xi32>
          %and3A_934 = arith.andi %le3A_929, %le3A_933 : vector<16xi1>
          %and3A_935 = arith.constant 65535 : i32
          %and3A_936 = vector.broadcast %and3A_935 : i32 to vector<16xi32>
          %and3A_937 = arith.andi %gather3A_912, %and3A_936 : vector<16xi32>
          %add3A_938 = arith.addi %and3A_937, %add3A_207 : vector<16xi32>
          %gather3A_939 = tpu.vector_load_idx %arg13[%add3A_938] masked %and3A_934 : memref<50688xf32, #tpu.memory_space<vmem>>[vector<16xi32>], vector<16xf32>, vector<16xi1>
          %max3A_940 = arith.maximumf %gather3A_939, %gather3A_922 : vector<16xf32>
          tpu.vector_store_idx %arg13[%add3A_938], %max3A_940 masked %and3A_934 : memref<50688xf32, #tpu.memory_space<vmem>>[vector<16xi32>], vector<16xf32>, vector<16xi1>
          %broadcast_in_dim3A_941 = arith.constant 13 : i32
          %broadcast_in_dim3A_942 = vector.broadcast %broadcast_in_dim3A_941 : i32 to vector<16xi32>
          %lt3A_943 = arith.constant 0 : i32
          %lt3A_944 = vector.broadcast %lt3A_943 : i32 to vector<16xi32>
          %lt3A_945 = arith.cmpi slt, %broadcast_in_dim3A_942, %lt3A_944 : vector<16xi32>
          %add3A_946 = arith.constant 16 : i32
          %add3A_947 = vector.broadcast %add3A_946 : i32 to vector<16xi32>
          %add3A_948 = arith.addi %broadcast_in_dim3A_942, %add3A_947 : vector<16xi32>
          %select_n3A_949 = arith.select %lt3A_945, %add3A_948, %broadcast_in_dim3A_942 : vector<16xi1>, vector<16xi32>
          %reshape3A_950 = vector.shape_cast %select_n3A_949 : vector<16xi32> to vector<16x1xi32>
          %gather3A_951 = vector.shape_cast %reshape3A_950 : vector<16x1xi32> to vector<16xi32>
          %gather3A_952 = tpu.dynamic_gather %get3A_421[%gather3A_951] in [0] : vector<16xi32>, vector<16xi32> -> vector<16xi32>
          %lt3A_953 = arith.constant 0 : i32
          %lt3A_954 = vector.broadcast %lt3A_953 : i32 to vector<16xi32>
          %lt3A_955 = arith.cmpi slt, %broadcast_in_dim3A_942, %lt3A_954 : vector<16xi32>
          %add3A_956 = arith.constant 16 : i32
          %add3A_957 = vector.broadcast %add3A_956 : i32 to vector<16xi32>
          %add3A_958 = arith.addi %broadcast_in_dim3A_942, %add3A_957 : vector<16xi32>
          %select_n3A_959 = arith.select %lt3A_955, %add3A_958, %broadcast_in_dim3A_942 : vector<16xi1>, vector<16xi32>
          %reshape3A_960 = vector.shape_cast %select_n3A_959 : vector<16xi32> to vector<16x1xi32>
          %gather3A_961 = vector.shape_cast %reshape3A_960 : vector<16x1xi32> to vector<16xi32>
          %gather3A_962 = tpu.dynamic_gather %get3A_423[%gather3A_961] in [0] : vector<16xf32>, vector<16xi32> -> vector<16xf32>
          %shift_right_arithmetic3A_963 = arith.constant 16 : i32
          %shift_right_arithmetic3A_964 = vector.broadcast %shift_right_arithmetic3A_963 : i32 to vector<16xi32>
          %shift_right_arithmetic3A_965 = arith.shrsi %gather3A_952, %shift_right_arithmetic3A_964 : vector<16xi32>
          %and3A_966 = arith.constant 3 : i32
          %and3A_967 = vector.broadcast %and3A_966 : i32 to vector<16xi32>
          %and3A_968 = arith.andi %shift_right_arithmetic3A_965, %and3A_967 : vector<16xi32>
          %le3A_969 = arith.cmpi sle, %select_n3A_169, %and3A_968 : vector<16xi32>
          %shift_right_arithmetic3A_970 = arith.constant 18 : i32
          %shift_right_arithmetic3A_971 = vector.broadcast %shift_right_arithmetic3A_970 : i32 to vector<16xi32>
          %shift_right_arithmetic3A_972 = arith.shrsi %gather3A_952, %shift_right_arithmetic3A_971 : vector<16xi32>
          %le3A_973 = arith.cmpi sle, %select_n3A_203, %shift_right_arithmetic3A_972 : vector<16xi32>
          %and3A_974 = arith.andi %le3A_969, %le3A_973 : vector<16xi1>
          %and3A_975 = arith.constant 65535 : i32
          %and3A_976 = vector.broadcast %and3A_975 : i32 to vector<16xi32>
          %and3A_977 = arith.andi %gather3A_952, %and3A_976 : vector<16xi32>
          %add3A_978 = arith.addi %and3A_977, %add3A_207 : vector<16xi32>
          %gather3A_979 = tpu.vector_load_idx %arg14[%add3A_978] masked %and3A_974 : memref<50688xf32, #tpu.memory_space<vmem>>[vector<16xi32>], vector<16xf32>, vector<16xi1>
          %max3A_980 = arith.maximumf %gather3A_979, %gather3A_962 : vector<16xf32>
          tpu.vector_store_idx %arg14[%add3A_978], %max3A_980 masked %and3A_974 : memref<50688xf32, #tpu.memory_space<vmem>>[vector<16xi32>], vector<16xf32>, vector<16xi1>
          %broadcast_in_dim3A_981 = arith.constant 14 : i32
          %broadcast_in_dim3A_982 = vector.broadcast %broadcast_in_dim3A_981 : i32 to vector<16xi32>
          %lt3A_983 = arith.constant 0 : i32
          %lt3A_984 = vector.broadcast %lt3A_983 : i32 to vector<16xi32>
          %lt3A_985 = arith.cmpi slt, %broadcast_in_dim3A_982, %lt3A_984 : vector<16xi32>
          %add3A_986 = arith.constant 16 : i32
          %add3A_987 = vector.broadcast %add3A_986 : i32 to vector<16xi32>
          %add3A_988 = arith.addi %broadcast_in_dim3A_982, %add3A_987 : vector<16xi32>
          %select_n3A_989 = arith.select %lt3A_985, %add3A_988, %broadcast_in_dim3A_982 : vector<16xi1>, vector<16xi32>
          %reshape3A_990 = vector.shape_cast %select_n3A_989 : vector<16xi32> to vector<16x1xi32>
          %gather3A_991 = vector.shape_cast %reshape3A_990 : vector<16x1xi32> to vector<16xi32>
          %gather3A_992 = tpu.dynamic_gather %get3A_421[%gather3A_991] in [0] : vector<16xi32>, vector<16xi32> -> vector<16xi32>
          %lt3A_993 = arith.constant 0 : i32
          %lt3A_994 = vector.broadcast %lt3A_993 : i32 to vector<16xi32>
          %lt3A_995 = arith.cmpi slt, %broadcast_in_dim3A_982, %lt3A_994 : vector<16xi32>
          %add3A_996 = arith.constant 16 : i32
          %add3A_997 = vector.broadcast %add3A_996 : i32 to vector<16xi32>
          %add3A_998 = arith.addi %broadcast_in_dim3A_982, %add3A_997 : vector<16xi32>
          %select_n3A_999 = arith.select %lt3A_995, %add3A_998, %broadcast_in_dim3A_982 : vector<16xi1>, vector<16xi32>
          %reshape3A_1000 = vector.shape_cast %select_n3A_999 : vector<16xi32> to vector<16x1xi32>
          %gather3A_1001 = vector.shape_cast %reshape3A_1000 : vector<16x1xi32> to vector<16xi32>
          %gather3A_1002 = tpu.dynamic_gather %get3A_423[%gather3A_1001] in [0] : vector<16xf32>, vector<16xi32> -> vector<16xf32>
          %shift_right_arithmetic3A_1003 = arith.constant 16 : i32
          %shift_right_arithmetic3A_1004 = vector.broadcast %shift_right_arithmetic3A_1003 : i32 to vector<16xi32>
          %shift_right_arithmetic3A_1005 = arith.shrsi %gather3A_992, %shift_right_arithmetic3A_1004 : vector<16xi32>
          %and3A_1006 = arith.constant 3 : i32
          %and3A_1007 = vector.broadcast %and3A_1006 : i32 to vector<16xi32>
          %and3A_1008 = arith.andi %shift_right_arithmetic3A_1005, %and3A_1007 : vector<16xi32>
          %le3A_1009 = arith.cmpi sle, %select_n3A_169, %and3A_1008 : vector<16xi32>
          %shift_right_arithmetic3A_1010 = arith.constant 18 : i32
          %shift_right_arithmetic3A_1011 = vector.broadcast %shift_right_arithmetic3A_1010 : i32 to vector<16xi32>
          %shift_right_arithmetic3A_1012 = arith.shrsi %gather3A_992, %shift_right_arithmetic3A_1011 : vector<16xi32>
          %le3A_1013 = arith.cmpi sle, %select_n3A_203, %shift_right_arithmetic3A_1012 : vector<16xi32>
          %and3A_1014 = arith.andi %le3A_1009, %le3A_1013 : vector<16xi1>
          %and3A_1015 = arith.constant 65535 : i32
          %and3A_1016 = vector.broadcast %and3A_1015 : i32 to vector<16xi32>
          %and3A_1017 = arith.andi %gather3A_992, %and3A_1016 : vector<16xi32>
          %add3A_1018 = arith.addi %and3A_1017, %add3A_207 : vector<16xi32>
          %gather3A_1019 = tpu.vector_load_idx %arg13[%add3A_1018] masked %and3A_1014 : memref<50688xf32, #tpu.memory_space<vmem>>[vector<16xi32>], vector<16xf32>, vector<16xi1>
          %max3A_1020 = arith.maximumf %gather3A_1019, %gather3A_1002 : vector<16xf32>
          tpu.vector_store_idx %arg13[%add3A_1018], %max3A_1020 masked %and3A_1014 : memref<50688xf32, #tpu.memory_space<vmem>>[vector<16xi32>], vector<16xf32>, vector<16xi1>
          %broadcast_in_dim3A_1021 = arith.constant 15 : i32
          %broadcast_in_dim3A_1022 = vector.broadcast %broadcast_in_dim3A_1021 : i32 to vector<16xi32>
          %lt3A_1023 = arith.constant 0 : i32
          %lt3A_1024 = vector.broadcast %lt3A_1023 : i32 to vector<16xi32>
          %lt3A_1025 = arith.cmpi slt, %broadcast_in_dim3A_1022, %lt3A_1024 : vector<16xi32>
          %add3A_1026 = arith.constant 16 : i32
          %add3A_1027 = vector.broadcast %add3A_1026 : i32 to vector<16xi32>
          %add3A_1028 = arith.addi %broadcast_in_dim3A_1022, %add3A_1027 : vector<16xi32>
          %select_n3A_1029 = arith.select %lt3A_1025, %add3A_1028, %broadcast_in_dim3A_1022 : vector<16xi1>, vector<16xi32>
          %reshape3A_1030 = vector.shape_cast %select_n3A_1029 : vector<16xi32> to vector<16x1xi32>
          %gather3A_1031 = vector.shape_cast %reshape3A_1030 : vector<16x1xi32> to vector<16xi32>
          %gather3A_1032 = tpu.dynamic_gather %get3A_421[%gather3A_1031] in [0] : vector<16xi32>, vector<16xi32> -> vector<16xi32>
          %lt3A_1033 = arith.constant 0 : i32
          %lt3A_1034 = vector.broadcast %lt3A_1033 : i32 to vector<16xi32>
          %lt3A_1035 = arith.cmpi slt, %broadcast_in_dim3A_1022, %lt3A_1034 : vector<16xi32>
          %add3A_1036 = arith.constant 16 : i32
          %add3A_1037 = vector.broadcast %add3A_1036 : i32 to vector<16xi32>
          %add3A_1038 = arith.addi %broadcast_in_dim3A_1022, %add3A_1037 : vector<16xi32>
          %select_n3A_1039 = arith.select %lt3A_1035, %add3A_1038, %broadcast_in_dim3A_1022 : vector<16xi1>, vector<16xi32>
          %reshape3A_1040 = vector.shape_cast %select_n3A_1039 : vector<16xi32> to vector<16x1xi32>
          %gather3A_1041 = vector.shape_cast %reshape3A_1040 : vector<16x1xi32> to vector<16xi32>
          %gather3A_1042 = tpu.dynamic_gather %get3A_423[%gather3A_1041] in [0] : vector<16xf32>, vector<16xi32> -> vector<16xf32>
          %shift_right_arithmetic3A_1043 = arith.constant 16 : i32
          %shift_right_arithmetic3A_1044 = vector.broadcast %shift_right_arithmetic3A_1043 : i32 to vector<16xi32>
          %shift_right_arithmetic3A_1045 = arith.shrsi %gather3A_1032, %shift_right_arithmetic3A_1044 : vector<16xi32>
          %and3A_1046 = arith.constant 3 : i32
          %and3A_1047 = vector.broadcast %and3A_1046 : i32 to vector<16xi32>
          %and3A_1048 = arith.andi %shift_right_arithmetic3A_1045, %and3A_1047 : vector<16xi32>
          %le3A_1049 = arith.cmpi sle, %select_n3A_169, %and3A_1048 : vector<16xi32>
          %shift_right_arithmetic3A_1050 = arith.constant 18 : i32
          %shift_right_arithmetic3A_1051 = vector.broadcast %shift_right_arithmetic3A_1050 : i32 to vector<16xi32>
          %shift_right_arithmetic3A_1052 = arith.shrsi %gather3A_1032, %shift_right_arithmetic3A_1051 : vector<16xi32>
          %le3A_1053 = arith.cmpi sle, %select_n3A_203, %shift_right_arithmetic3A_1052 : vector<16xi32>
          %and3A_1054 = arith.andi %le3A_1049, %le3A_1053 : vector<16xi1>
          %and3A_1055 = arith.constant 65535 : i32
          %and3A_1056 = vector.broadcast %and3A_1055 : i32 to vector<16xi32>
          %and3A_1057 = arith.andi %gather3A_1032, %and3A_1056 : vector<16xi32>
          %add3A_1058 = arith.addi %and3A_1057, %add3A_207 : vector<16xi32>
          %gather3A_1059 = tpu.vector_load_idx %arg14[%add3A_1058] masked %and3A_1054 : memref<50688xf32, #tpu.memory_space<vmem>>[vector<16xi32>], vector<16xf32>, vector<16xi1>
          %max3A_1060 = arith.maximumf %gather3A_1059, %gather3A_1042 : vector<16xf32>
          tpu.vector_store_idx %arg14[%add3A_1058], %max3A_1060 masked %and3A_1054 : memref<50688xf32, #tpu.memory_space<vmem>>[vector<16xi32>], vector<16xf32>, vector<16xi1>
          %while3A_1061 = arith.constant 0 : i32
          scf.yield %while3A_1061 : i32
        }
        %scan3A_415 = arith.constant 0 : i32
        scf.yield %scan3A_415 : i32
      }
      %scan3A_232 = arith.constant 8 : i32
      %scan3A_233 = arith.constant 0 : i32
      %scan3A_234 = arith.constant 0 : i32
      %scan3A_235 = arith.constant 784 : i32
      %scan3A_236 = arith.addi %scan3A_234, %scan3A_235 : i32
      %scan3A_237 = arith.constant 1 : i32
      %scan3A_238 = scf.for %scan3A_245 = %scan3A_234 to %scan3A_236 step %scan3A_237 iter_args(%scan3A_246 = %scan3A_233) -> (i32)  : i32 {
        %mul3A_247 = arith.constant 64 : i32
        %mul3A_248 = arith.muli %scan3A_245, %mul3A_247 : i32
        %add3A_249 = arith.constant 0 : i32
        %add3A_250 = arith.addi %mul3A_248, %add3A_249 : i32
        %get3A_251 = arith.index_cast %add3A_250 : i32 to index
        %get3A_252 = tpu.vector_load %arg13[%get3A_251] {strides = array<i32>} : memref<50688xf32, #tpu.memory_space<vmem>>, vector<16xf32>,
        %get3A_253 = arith.index_cast %add3A_250 : i32 to index
        %get3A_254 = tpu.vector_load %arg14[%get3A_253] {strides = array<i32>} : memref<50688xf32, #tpu.memory_space<vmem>>, vector<16xf32>,
        %max3A_255 = arith.maximumf %get3A_252, %get3A_254 : vector<16xf32>
        %swap3A_256 = arith.index_cast %add3A_250 : i32 to index
        %swap3A_257 = tpu.vector_load %arg13[%swap3A_256] {strides = array<i32>} : memref<50688xf32, #tpu.memory_space<vmem>>, vector<16xf32>,
        tpu.vector_store %arg13[%swap3A_256], %max3A_255 {strides = array<i32>} : memref<50688xf32, #tpu.memory_space<vmem>>, vector<16xf32>,
        %mul3A_258 = arith.constant 64 : i32
        %mul3A_259 = arith.muli %scan3A_245, %mul3A_258 : i32
        %add3A_260 = arith.constant 16 : i32
        %add3A_261 = arith.addi %mul3A_259, %add3A_260 : i32
        %get3A_262 = arith.index_cast %add3A_261 : i32 to index
        %get3A_263 = tpu.vector_load %arg13[%get3A_262] {strides = array<i32>} : memref<50688xf32, #tpu.memory_space<vmem>>, vector<16xf32>,
        %get3A_264 = arith.index_cast %add3A_261 : i32 to index
        %get3A_265 = tpu.vector_load %arg14[%get3A_264] {strides = array<i32>} : memref<50688xf32, #tpu.memory_space<vmem>>, vector<16xf32>,
        %max3A_266 = arith.maximumf %get3A_263, %get3A_265 : vector<16xf32>
        %swap3A_267 = arith.index_cast %add3A_261 : i32 to index
        %swap3A_268 = tpu.vector_load %arg13[%swap3A_267] {strides = array<i32>} : memref<50688xf32, #tpu.memory_space<vmem>>, vector<16xf32>,
        tpu.vector_store %arg13[%swap3A_267], %max3A_266 {strides = array<i32>} : memref<50688xf32, #tpu.memory_space<vmem>>, vector<16xf32>,
        %mul3A_269 = arith.constant 64 : i32
        %mul3A_270 = arith.muli %scan3A_245, %mul3A_269 : i32
        %add3A_271 = arith.constant 32 : i32
        %add3A_272 = arith.addi %mul3A_270, %add3A_271 : i32
        %get3A_273 = arith.index_cast %add3A_272 : i32 to index
        %get3A_274 = tpu.vector_load %arg13[%get3A_273] {strides = array<i32>} : memref<50688xf32, #tpu.memory_space<vmem>>, vector<16xf32>,
        %get3A_275 = arith.index_cast %add3A_272 : i32 to index
        %get3A_276 = tpu.vector_load %arg14[%get3A_275] {strides = array<i32>} : memref<50688xf32, #tpu.memory_space<vmem>>, vector<16xf32>,
        %max3A_277 = arith.maximumf %get3A_274, %get3A_276 : vector<16xf32>
        %swap3A_278 = arith.index_cast %add3A_272 : i32 to index
        %swap3A_279 = tpu.vector_load %arg13[%swap3A_278] {strides = array<i32>} : memref<50688xf32, #tpu.memory_space<vmem>>, vector<16xf32>,
        tpu.vector_store %arg13[%swap3A_278], %max3A_277 {strides = array<i32>} : memref<50688xf32, #tpu.memory_space<vmem>>, vector<16xf32>,
        %mul3A_280 = arith.constant 64 : i32
        %mul3A_281 = arith.muli %scan3A_245, %mul3A_280 : i32
        %add3A_282 = arith.constant 48 : i32
        %add3A_283 = arith.addi %mul3A_281, %add3A_282 : i32
        %get3A_284 = arith.index_cast %add3A_283 : i32 to index
        %get3A_285 = tpu.vector_load %arg13[%get3A_284] {strides = array<i32>} : memref<50688xf32, #tpu.memory_space<vmem>>, vector<16xf32>,
        %get3A_286 = arith.index_cast %add3A_283 : i32 to index
        %get3A_287 = tpu.vector_load %arg14[%get3A_286] {strides = array<i32>} : memref<50688xf32, #tpu.memory_space<vmem>>, vector<16xf32>,
        %max3A_288 = arith.maximumf %get3A_285, %get3A_287 : vector<16xf32>
        %swap3A_289 = arith.index_cast %add3A_283 : i32 to index
        %swap3A_290 = tpu.vector_load %arg13[%swap3A_289] {strides = array<i32>} : memref<50688xf32, #tpu.memory_space<vmem>>, vector<16xf32>,
        tpu.vector_store %arg13[%swap3A_289], %max3A_288 {strides = array<i32>} : memref<50688xf32, #tpu.memory_space<vmem>>, vector<16xf32>,
        %scan3A_291 = arith.constant 0 : i32
        scf.yield %scan3A_291 : i32
      }
      %scan3A_239 = arith.constant 784 : i32
      %mul3A_240 = arith.constant 6 : i32
      %mul3A_241 = arith.muli %select_n3A, %mul3A_240 : i32
      %add3A_242 = arith.addi %mul3A_241, %sub3A_21 : i32
      %mul3A_243 = arith.constant 50176 : i32
      %mul3A_244 = arith.muli %add3A_242, %mul3A_243 : i32
      "tpu.region"() ({
        %run_scoped3A = tpu.sem_alloc : memref<!tpu.dma_semaphore, #tpu.memory_space<semaphore_mem>>
        %dma_start3A_245 = arith.constant 0 : i32
        %dma_start3A_246 = tpu.memref_slice %arg13[%dma_start3A_245] : memref<50688xf32, #tpu.memory_space<vmem>> -> memref<50176xf32, #tpu.memory_space<vmem>>
        %dma_start3A_247 = tpu.memref_slice %arg4[%mul3A_244] : memref<1204224xf32, #tpu.memory_space<hbm>> -> memref<50176xf32, #tpu.memory_space<hbm>>
        %dma_start3A_248 = tpu.memref_slice %arg4[%mul3A_244] : memref<1204224xf32, #tpu.memory_space<hbm>> -> memref<50176xf32, #tpu.memory_space<hbm>>
        %dma_start3A_249 = arith.constant 0 : i32
        %dma_start3A_250 = tpu.memref_slice %arg13[%dma_start3A_249] : memref<50688xf32, #tpu.memory_space<vmem>> -> memref<50176xf32, #tpu.memory_space<vmem>>
        tpu.enqueue_dma source(%dma_start3A_250 : memref<50176xf32, #tpu.memory_space<vmem>>) target(%dma_start3A_248 : memref<50176xf32, #tpu.memory_space<hbm>>) target_semaphore(%run_scoped3A : memref<!tpu.dma_semaphore, #tpu.memory_space<semaphore_mem>>)
        %dma_wait3A = arith.constant 0 : i32
        %dma_wait3A_251 = tpu.memref_slice %arg13[%dma_wait3A] : memref<50688xf32, #tpu.memory_space<vmem>> -> memref<50176xf32, #tpu.memory_space<vmem>>
        %dma_wait3A_252 = tpu.memref_slice %arg4[%mul3A_244] : memref<1204224xf32, #tpu.memory_space<hbm>> -> memref<50176xf32, #tpu.memory_space<hbm>>
        %dma_wait3A_253 = tpu.memref_slice %arg4[%mul3A_244] : memref<1204224xf32, #tpu.memory_space<hbm>> -> memref<50176xf32, #tpu.memory_space<hbm>>
        %dma_wait3A_254 = arith.constant 0 : i32
        %dma_wait3A_255 = tpu.memref_slice %arg13[%dma_wait3A_254] : memref<50688xf32, #tpu.memory_space<vmem>> -> memref<50176xf32, #tpu.memory_space<vmem>>
        tpu.wait_dma2 semaphore(%run_scoped3A : memref<!tpu.dma_semaphore, #tpu.memory_space<semaphore_mem>>) src(%dma_wait3A_255 : memref<50176xf32, #tpu.memory_space<vmem>>) dst(%dma_wait3A_253 : memref<50176xf32, #tpu.memory_space<hbm>>)
        tpu.yield
      }) : () -> ()
    } else {
    }
    return
  }
}

</mosaic_0001>

<sc_bundles>
// kernel: kernel.3.cloned.1.call-start
scs
__scs_entry_jumppad:
0x0: {  	(pc) =	sbr.rel $0x88, $3  }
0x1: {  	(tag) =	ssettag $0x0;
	lr =	simm.s32 $0x1  }
0x2: {  	[smem:$0x3FA0] =	sst lr;
	_ =	strace $0xD0000000  }
0x3: {  	_ = 	snop  }
0x4: {  	_ = 	snop  }
0x5: {  	_ = 	snop  }
0x6: {  	_ = 	snop  }
0x7: {  	_ = 	snop  }
__scs_overlays_trampoline_lowered:
0x8: {  	[smem:$0x3FAF] =	sst s0  }
0x9: {  	[smem:$0x3FB0] =	sst s1  }
0xa: {  	[smem:$0x3FB1] =	sst s2  }
0xb: {  	[smem:$0x3FB2] =	sst s3  }
0xc: {  	[smem:$0x3FB3] =	sst s4  }
0xd: {  	[smem:$0x3FB4] =	sst s5  }
0xe: {  	[smem:$0x3FB5] =	sst s6  }
0xf: {  	[smem:$0x3FB6] =	sst s7  }
0x10: {  	[smem:$0x3FB7] =	sst s8  }
0x11: {  	[smem:$0x3FB8] =	sst s9;
	s0 =	simm.s32 @!p0 $0x0  }
0x12: {  	s1 =	sld [smem:$0x3F9E];
	s0 =	simm.s32 @p0 $0x1  }
0x13: {  	[smem:$0x3FB9] =	sst s0;
	s0 =	simm.s32 @!p1 $0x0  }
0x14: {  	s2 =	sld [smem:$0x3F9D];
	s0 =	simm.s32 @p1 $0x1  }
0x15: {  	[smem:$0x3FBA] =	sst s0;
	s0 =	simm.s32 @!p2 $0x0  }
0x16: {  	s3 =	sld [smem:$0x3FDB];
	s0 =	simm.s32 @p2 $0x1  }
0x17: {  	s4 =	simm.s32 $0x1BF5;
	[smem:$0x3FBC] =	sst s0  }
0x18: {  	s0 =	sld [smem:$0x3F9F];
	_ =	swait.ge [sflag:s4], $0x0  }
0x19: {  	s7 =	sld [smem:$0x3FA0]  }
0x1a: {  	s8 =	sadd.s32 $0xFFFFE003, lr  }
0x1b: {  	s9 =	sadd.s32 $0xFFFFFEF7, lr;
	s5 =	simm.s32 $0xFFFFFFFF;
	p2 =	slt.u32 s8, $0xFFFFF086  }
0x1c: {  	p1 =	slt.u32 s9, $0xF7A;
	s5 =	simm.s32 @!p2 $0x0  }
0x1d: {  	s5 =	simm.s32 @p1 $0x1;
	p0 =	seq.s32 s7, s2  }
0x1e: {  	s7 =	smul.u32 @!p0 $0xF7A, s2;
	p2 =	seq.s32 @!p0 s5, $0x0  }
0x1f: {  	s9 =	smul.u32 $0xF7A, s1;
	s8 =	simm.s32 @!p0 $0x1BF5;
	p2 =	por !p2, p0  }
0x20: {  	[sflag:s8] =	ssyncset.s32 @!p0 $0xFFFFF086;
	s6 =	sadd.s32 @!p0 s3, s7;
	s7 =	simm.s32 @!p0 $0x108  }
0x21: {  	s3 =	sadd.s32 s3, s9;
	s6 =	sadd.s32 @!p0 $0x88, s6;
	s7 =	simm.s32 @p2 $0x1082  }
0x22: {  	[simem:s7], [sflag:s8] =	dma.local @!p0 [hbm:s6], $0xF7A  }
0x23: {  	s9 =	sor.u32 $0xD0000000, s2;
	s6 =	simm.s32 $0x108;
	_ =	swait.ge @!p0 [sflag:s8], $0x0  }
0x24: {  	s3 =	sadd.s32 $0x88, s3;
	s6 =	simm.s32 @!p1 $0x1082;
	[sflag:s4] =	ssyncset.s32 $0xFFFFF086  }
0x25: {  	[simem:s6], [sflag:s4] =	dma.local [hbm:s3], $0xF7A  }
0x26: {  	[smem:$0x3FA0] =	sst s1;
	(tag) =	ssettag s2;
	_ =	strace s9  }
0x27: {  	s1 =	sld [smem:$0x3FB0]  }
0x28: {  	s2 =	sld [smem:$0x3FB1]  }
0x29: {  	s4 =	sld [smem:$0x3FB3]  }
0x2a: {  	p0 =	seq.s32 s5, $0x0;
	s5 =	sld [smem:$0x3FB4]  }
0x2b: {  	s6 =	sld [smem:$0x3FB5]  }
0x2c: {  	s7 =	sld [smem:$0x3FB6]  }
0x2d: {  	s3 =	simm.s32 $0x108;
	s8 =	sld [smem:$0x3FB7]  }
0x2e: {  	s3 =	simm.s32 @!p0 $0x1082;
	s9 =	sld [smem:$0x3FB8]  }
0x2f: {  	lr =	sadd.s32 s0, s3;
	s0 =	sld [smem:$0x3FAF]  }
0x30: {  	s3 =	sld [smem:$0x3FB2]  }
0x31: {  	[smem:$0x3FBB] =	sst s10  }
0x32: {  	s10 =	sld [smem:$0x3FB9];
	_ =	sdelay $0x3  }
0x33: {  	p0 =	seq.s32 s10, $0x1;
	s10 =	sld [smem:$0x3FBB];
	_ =	sdelay $0x3  }
0x34: {  	[smem:$0x3FBB] =	sst s10  }
0x35: {  	s10 =	sld [smem:$0x3FBA];
	_ =	sdelay $0x3  }
0x36: {  	p1 =	seq.s32 s10, $0x1;
	s10 =	sld [smem:$0x3FBB];
	_ =	sdelay $0x3  }
0x37: {  	[smem:$0x3FBB] =	sst s10  }
0x38: {  	s10 =	sld [smem:$0x3FBC]  }
0x39: {  	_ = 	snop;
	(pc) =	sbr.ind lr, $3  }
0x3a: {  	_ = 	snop  }
0x3b: {  	_ = 	snop  }
0x3c: {  	p2 =	seq.s32 s10, $0x1;
	s10 =	sld [smem:$0x3FBB]  }
0x3d: {  	_ =	shalt  }
0x3e: {  	_ =	shalt  }
0x3f: {  	_ =	shalt  }
0x40: {  	_ =	shalt  }
0x41: {  	_ =	shalt  }
0x42: {  	_ =	shalt  }
0x43: {  	_ =	shalt  }
0x44: {  	_ =	shalt  }
0x45: {  	_ =	shalt  }
0x46: {  	_ =	shalt  }
0x47: {  	_ =	shalt  }
0x48: {  	_ =	shalt  }
0x49: {  	_ =	shalt  }
0x4a: {  	_ =	shalt  }
0x4b: {  	_ =	shalt  }
0x4c: {  	_ =	shalt  }
0x4d: {  	_ =	shalt  }
0x4e: {  	_ =	shalt  }
0x4f: {  	_ =	shalt  }
0x50: {  	_ =	shalt  }
0x51: {  	_ =	shalt  }
0x52: {  	_ =	shalt  }
0x53: {  	_ =	shalt  }
0x54: {  	_ =	shalt  }
0x55: {  	_ =	shalt  }
0x56: {  	_ =	shalt  }
0x57: {  	_ =	shalt  }
0x58: {  	_ =	shalt  }
0x59: {  	_ =	shalt  }
0x5a: {  	_ =	shalt  }
0x5b: {  	_ =	shalt  }
0x5c: {  	_ =	shalt  }
0x5d: {  	_ =	shalt  }
0x5e: {  	_ =	shalt  }
0x5f: {  	_ =	shalt  }
0x60: {  	_ =	shalt  }
0x61: {  	_ =	shalt  }
0x62: {  	_ =	shalt  }
0x63: {  	_ =	shalt  }
0x64: {  	_ =	shalt  }
0x65: {  	_ =	shalt  }
0x66: {  	_ =	shalt  }
0x67: {  	_ =	shalt  }
0x68: {  	_ =	shalt  }
0x69: {  	_ =	shalt  }
0x6a: {  	_ =	shalt  }
0x6b: {  	_ =	shalt  }
0x6c: {  	_ =	shalt  }
0x6d: {  	_ =	shalt  }
0x6e: {  	_ =	shalt  }
0x6f: {  	_ =	shalt  }
0x70: {  	_ =	shalt  }
0x71: {  	_ =	shalt  }
0x72: {  	_ =	shalt  }
0x73: {  	_ =	shalt  }
0x74: {  	_ =	shalt  }
0x75: {  	_ =	shalt  }
0x76: {  	_ =	shalt  }
0x77: {  	_ =	shalt  }
0x78: {  	_ =	shalt  }
0x79: {  	_ =	shalt  }
0x7a: {  	_ =	shalt  }
0x7b: {  	_ =	shalt  }
0x7c: {  	_ =	shalt  }
0x7d: {  	_ =	shalt  }
0x7e: {  	_ =	shalt  }
0x7f: {  	_ =	shalt  }
0x80: {  	_ =	shalt  }
0x81: {  	_ =	shalt  }
0x82: {  	_ =	shalt  }
0x83: {  	_ =	shalt  }
0x84: {  	_ =	shalt  }
0x85: {  	_ =	shalt  }
0x86: {  	_ =	shalt  }
0x87: {  	_ =	shalt  }
.Lfunc_end0:
.L_simem_size_0:
called_computation_lowered:
.L_overlay_start_0:
0x88: {  	s2 =	sld [smem:$0x3FD9]  }
0x89: {  	s3 =	sld [smem:$0x3FFE];
	_ =	sdelay $0x1  }
0x8a: {  	s1 =	srdreg.scid  }
0x8b: {  	s0 =	sand.u32 $0x1, s1  }
0x8c: {  	s17 =	sshll.u32 s0, $0xA;
	s2 =	sadd.s32 s3, s2  }
0x8d: {  	s2 =	sadd.s32 s2, s17  }
0x8e: {  	[smem:$0x3FC7] =	sst s2  }
0x8f: {  	_ = 	snop  }
0x90: {  	s2 =	sld [smem:$0x3FD0];
	(tm) =	ssettm $0x1  }
0x91: {  	s18 =	sld [smem:$0x3FFB];
	_ =	sdelay $0x3  }
0x92: {  	_ =	strace s18  }
0x93: {  	s3 =	sld [smem:$0x3FFC];
	_ =	sdelay $0x3  }
0x94: {  	_ =	strace s3  }
0x95: {  	s3 =	sld [smem:$0x3FFD];
	_ =	sdelay $0x3  }
0x96: {  	_ =	strace s3  }
0x97: {  	_ =	strace $0x8FFFFFFF  }
0x98: {  	s19 =	sld [smem:$0x3FDB];
	_ =	sdelay $0x1  }
0x99: {  	s4 =	simm.s32 $_scs_section_size  }
0x9a: {  	s5 =	simm.s32 $_size__tile_overlayer_lowered;
	s6 =	simm.s32 $_tile_overlayer_lowered  }
0x9b: {  	s22 =	simm.s32 $0x1BFF;
	s21 =	sshll.u32 s6, $0x1;
	s3 =	sadd.s32 s4, s19  }
0x9c: {  	s7 =	simm.s32 $0x0;
	s20 =	sshll.u32 s5, $0x1;
	s5 =	sadd.s32 s21, s3  }
0x9d: {  	[timem:s7], [sflag:s22] =	dma.local [hbm:s5], s20  }
0x9e: {  	_ =	swait.ge [sflag:s22], s20  }
0x9f: {  	s4 =	ssub.s32 $0x0, s20;
	[sflag:s22] =	ssyncset.done $0x0  }
0xa0: {  	[sflag:s22] =	ssyncadd.s32 s4;
	_ =	sdelay $0x1  }
0xa1: {  	s23 =	simm.s32 $0x1B8B  }
0xa2: {  	_ =	swait.ge [sflag:s23], $0x1  }
0xa3: {  	[sflag:s23] =	ssyncset.done $0x0  }
0xa4: {  	s25 =	simm.s32 $0x1B8E;
	s24 =	sld [smem:$0x3FFE];
	[sflag:s23] =	ssyncadd.s32 $0xFFFFFFFF  }
0xa5: {  	s26 =	simm.s32 $execute0_lowered;
	[smem:$0x3FD2] =	sst s25  }
0xa6: {  	s5 =	sshll.u32 s26, $0x1;
	_ =	strace $0x80000046;
	[dreg:$0x1] =	wrdreg $0xFFFFFFFF  }
0xa7: {  	s28 =	simm.s32 $_size_execute0_lowered;
	s3 =	sadd.s32 s3, s5;
	[dreg:$0x0] =	wrdreg $0x0  }
0xa8: {  	s5 =	sshll.u32 s28, $0x1;
	[dreg:$0x2] =	wrdreg s3  }
0xa9: {  	[dreg:$0x3] =	wrdreg s5  }
0xaa: {  	[dreg:$0x4] =	wrdreg $0xC0  }
0xab: {  	_ =	task [dreg:s7], $0x5FFFF  }
0xac: {  	[dreg:$0x1] =	wrdreg $0xFFFFFFFF  }
0xad: {  	[dreg:$0x0] =	wrdreg $0x60  }
0xae: {  	[dreg:$0x2] =	wrdreg s24  }
0xaf: {  	[dreg:$0x3] =	wrdreg s2  }
0xb0: {  	[dreg:$0x4] =	wrdreg $0x9  }
0xb1: {  	_ =	task.clear_ibuf [dreg:s7], $0x5FFFF;
	_ =	strace $0x90000046  }
0xb2: {  	s29 =	simm.s32 $0x9;
	_ =	strace $0x80000048  }
0xb3: {  	_ =	swait.ge [sflag:s29], $0x1  }
0xb4: {  	[sflag:s29] =	ssyncadd.s32 $0xFFFFFFFF  }
0xb5: {  	_ =	strace $0x90000048  }
0xb6: {  	_ =	sfence  }
0xb7: {  	s30 =	sld [smem:$0x0];
	_ =	sdelay $0x2  }
0xb8: {  	s31 =	sshll.u32 s1, $0xD;
	s1 =	sshrl.u32 s1, $0x2  }
0xb9: {  	s3 =	sand.u32 $0x4000, s31;
	s1 =	sadd.s32 s1, s30  }
0xba: {  	s0 =	sor.u32 s3, s0;
	s1 =	sshll.u32 s1, $0x11  }
0xbb: {  	s0 =	sor.u32 s1, s0  }
0xbc: {  	s0 =	sadd.s32 $0x8F2B, s0  }
0xbd: {  	[sflag:s0] =	ssyncadd.remote.s32 $0x1  }
0xbe: {  	_ =	sfence.sel $0xFFFF  }
0xbf: {  	[dreg:$0x0] =	wrdreg $0xFFFFFFFF;
	(pc) =	sbr.abs _section_cstart, $3  }
0xc0: {  	[dreg:$0x1] =	wrdreg $0xFFFFFFFF  }
0xc1: {  	_ =	task.clear_ibuf [dreg:s7], $0x2FFFF;
	_ =	strace $0x9FFFFFFF  }
0xc2: {  	(tm) =	ssettm $0x7FFFFFFF  }
0xc3: {  	_ =	shalt  }
tec
execute0_lowered:
.L_overlay_start_1:
0x0: {  	(tag) =	ssettag $0x1  }
0x1: {  	s2 =	stileid.u32  }
0x2: {  	p0 =	sgt.u32 s2, $0xB  }
.Ltmp0:
0x3: {  	_ = 	snop;
	(pc) =	sbr.rel @p0 .LBB2_27-.Ltmp0, $4  }
0x4: {  	_ = 	snop  }
0x5: {  	s1 =	rddreg [dreg:$0x0];
	s3 =	simm.s32 $0x0  }
0x6: {  	[smem:$0x7FF] =	sst s3  }
0x7: {  	s0 =	rddreg [dreg:$0x1];
	_ =	strace $0x80000047  }
0x8: {  	v0 =	vimm.s32 $0xEFCDAB89;
	v1 =	vimm.s32 $0x67452301  }
0x9: {  	v2 =	vimm.s32 $0xDCFE98BA;
	v3 =	vimm.s32 $0x54761032;
	v4 =	vimm.s32 $0xBA98FEDC  }
0xa: {  	v5 =	vimm.s32 $0x32107654;
	v6 =	vimm.s32 $0x134D3;
	v7 =	vimm.s32 $0x10000  }
0xb: {  	vm0 =	vcmask $0x2300;
	v8 =	vimm.s32 $0xE0020100;
	vm8 =	vcmask $0x1B0C  }
0xc: {  	vm9 =	vcmask $0x231C;
	vm10 =	vcmask $0xF00;
	vm11 =	vcmask $0x1310  }
0xd: {  	vm12 =	vcmask $0x1714;
	vm13 =	vcmask $0x1B18;
	vm14 =	vcmask $0x1F1C  }
0xe: {  	vm15 =	vcmask $0x2320;
	v10 =	vimm.s32 $0x3;
	v11 =	vimm.s32 $0x1  }
0xf: {  	v12 =	vimm.s32 $0x2;
	v13 =	vimm.s32 $0x4;
	v14 =	vimm.s32 $0x5  }
0x10: {  	v15 =	vimm.s32 $0x6;
	v16 =	vimm.s32 $0x7;
	v17 =	vimm.s32 $0x8  }
0x11: {  	v18 =	vimm.s32 $0x9;
	v19 =	vimm.s32 $0xA;
	v20 =	vimm.s32 $0xB  }
0x12: {  	v21 =	vimm.s32 $0xC;
	v22 =	vimm.s32 $0xD;
	v23 =	vimm.s32 $0xE  }
0x13: {  	s7 =	stileid.u32;
	s4 =	sadd.s32 $0x800, s1;
	v24 =	vimm.s32 $0xF;
	v0 =	vunpack.c.l.s4.s8 v0;
	v1 =	vunpack.c.l.s4.s8 v1  }
0x14: {  	s5 =	srdreg.scid;
	s26 =	sadd.s32 $0x600, s1;
	s17 =	simm.s32 $0x3;
	v2 =	vunpack.c.l.s4.s8 v2;
	v3 =	vunpack.c.l.s4.s8 v3;
	v4 =	vunpack.c.l.s4.s8 v4  }
0x15: {  	s18 =	simm.s32 $0x800;
	s19 =	simm.s32 $0x1000;
	s20 =	simm.s32 $0x1800;
	v5 =	vunpack.c.l.s4.s8 v5;
	v6 =	vunpack.c.l.s2.s4 v6;
	v0 =	vunpack.c.0.s8.s32 v0  }
0x16: {  	s21 =	simm.s32 $0x2000;
	s22 =	simm.s32 $0x2800;
	s23 =	simm.s32 $0x1;
	v1 =	vunpack.c.0.s8.s32 v1;
	v2 =	vunpack.c.0.s8.s32 v2;
	v3 =	vunpack.c.0.s8.s32 v3  }
0x17: {  	s2 =	smul.u32 $0x56, s7;
	v7 =	vunpack.c.0.s8.s32 v7;
	s8 =	sand.u32 $0x1, s5;
	s7 =	sshll.u32 s7, $0x1;
	v4 =	vunpack.c.0.s8.s32 v4;
	v5 =	vunpack.c.0.s8.s32 v5  }
0x18: {  	s24 =	simm.s32 $0x2;
	s25 =	simm.s32 $0x1CD80;
	v8 =	vunpack.c.0.s8.s32 v8;
	s12 =	sor.u32 s8, s7;
	v1 =	vcombine.low v1, v0;
	v2 =	vcombine.low v3, v2  }
0x19: {  	s8 =	ssub.s32 $0x2, s8;
	s2 =	sshrl.u32 s2, $0x8;
	s13 =	smul.u32 $0x1880, s12;
	v3 =	vcombine.low v5, v4;
	v0 =	vimm.f32 $0.0e+00;
	v5 =	vimm.s32 $0xFEDCBA98  }
0x1a: {  	s28 =	simm.s32 $0x10700;
	s14 =	sshrl.u32 s8, $0x1;
	s3 =	smul.u32 $0x18000, s2;
	v4 =	vunpack.c.l.s4.s8 v6;
	v6 =	vimm.s32 $0x76543210;
	v9 =	vunpack.c.l.s4.s8 v5  }
0x1b: {  	s29 =	simm.s32 $0x0;
	s2 =	smul.u32 $0x1FFFFFA, s2;
	s31 =	ssub.s32 s8, s14;
	v5 =	vnsel vm8, $0xFFFFFFFF, v7;
	v7 =	vand.u32 $0xFF, v8;
	v6 =	vunpack.c.l.s4.s8 v6  }
0x1c: {  	s30 =	simm.s32 $0x0;
	s13 =	sadd.s32 s0, s13;
	s15 =	smax.u32 s31, $0x1;
	v1 =	vand.u32 $0xF, v1;
	v2 =	vand.u32 $0xF, v2;
	v7 =	vnsel vm10, $0x3, v7  }
0x1d: {  	s6 =	sshrl.u32 s3, $0x3;
	s11 =	sor.u32 $0x800, s3;
	s2 =	sadd.s32 s12, s2;
	v3 =	vand.u32 $0xF, v3;
	v8 =	vunpack.c.0.s8.s32 v9;
	v7 =	vsel vm11, $0xE1, v7  }
0x1e: {  	s12 =	sor.u32 $0x1000, s3;
	v4 =	vunpack.c.0.s8.s32 v4;
	s5 =	sadd.s32 s4, s6;
	s2 =	sshll.u32 s2, $0x4;
	v6 =	vunpack.c.0.s8.s32 v6;
	v7 =	vsel vm12, $0xE2, v7  }
0x1f: {  	v5 =	vsel vm9, $0x1, v5;
	s6 =	sadd.s32 $0x1000, s5;
	s7 =	sadd.s32 $0x2000, s5;
	s9 =	sadd.s32 $0x100, s5;
	v8 =	vand.u32 $0xF, v8;
	v7 =	vsel vm13, $0x1C0, v7  }
0x20: {  	s10 =	sadd.s32 $0x2100, s5;
	s2 =	sand.u32 $0x1FFFFFF0, s2;
	v4 =	vnsel vm0, $0x2, v4;
	[dreg:$0x3] =	wrdreg s9;
	v6 =	vcombine.low v8, v6;
	v9 =	vsel vm14, $0x1C1, v7  }
0x21: {  	s9 =	sadd.s32 $0x1100, s5;
	s14 =	sadd.s32 s26, s2;
	s26 =	simm.s32 $0x4100;
	v7 =	vimm.s32 $0xFC420;
	v8 =	vimm.s32 $0x0;
	v9 =	vsel vm15, $0x1C2, v9  }
.LBB2_2:
0x22: {  	s0 =	simm.s32 $0x0;
	s1 =	simm.s32 $0x1CD00  }
0x23: {  	[tilespmem:s1], [sflag:$0x3] =	stream.linear.gather [hbm4b:s14+s0], $0x80, $0x38;
	[tilespmem:$0x1CE00] =	vst v63  }
0x24: {  	_ =	swait.ge [sflag:s17], $0x80  }
0x25: {  	[sflag:s17] =	ssyncset.done $0x0  }
0x26: {  	[sflag:s17] =	ssyncadd.s32 $0xFFFFFF80  }
0x27: {  	v25 =	vld [tilespmem:$0x1CD00]  }
0x28: {  	v26 =	vld [tilespmem:$0x1CD10]  }
0x29: {  	v27 =	vld [tilespmem:$0x1CD20]  }
0x2a: {  	v28 =	vld [tilespmem:$0x1CD30]  }
0x2b: {  	v29 =	vld [tilespmem:$0x1CD40]  }
0x2c: {  	v30 =	vld [tilespmem:$0x1CD50];
	[tilespmem:s0], [sflag:$0x1] =	stream.linear.gather [hbm4b:s5+s0], $0x800, $0x38  }
0x2d: {  	_ = 	snop  }
0x2e: {  	[tilespmem:s18], [sflag:$0x1] =	stream.linear.gather [hbm4b:s6+s0], $0x800, $0x38;
	[tilespmem:$0x1CE00] =	vst v63  }
0x2f: {  	_ = 	snop  }
0x30: {  	[tilespmem:s19], [sflag:$0x1] =	stream.linear.gather [hbm4b:s7+s0], $0x800, $0x38;
	[tilespmem:$0x1CE00] =	vst v63  }
0x31: {  	s31 =	rddreg [dreg:$0x3]  }
0x32: {  	[tilespmem:s20], [sflag:$0x2] =	stream.linear.gather [hbm4b:s31+s0], $0x800, $0x38;
	[tilespmem:$0x1CE00] =	vst v63  }
0x33: {  	_ = 	snop  }
0x34: {  	[tilespmem:s21], [sflag:$0x2] =	stream.linear.gather [hbm4b:s9+s0], $0x800, $0x38;
	[tilespmem:$0x1CE00] =	vst v63  }
0x35: {  	s2 =	simm.s32 $0x100;
	s1 =	simm.s32 $0x0  }
0x36: {  	[tilespmem:s22], [sflag:$0x2] =	stream.linear.gather [hbm4b:s10+s0], $0x800, $0x38;
	[tilespmem:$0x1CE00] =	vst v63  }
.LBB2_3:
0x37: {  	p0 =	sne.s32 s2, $0x30F00;
	[tilespmem:s1+$0x10730] =	vst v0  }
0x38: {  	[tilespmem:s1+$0x4100] =	vst v0  }
0x39: {  	[tilespmem:s1+$0x10700] =	vst v0  }
.Ltmp1:
0x3a: {  	[tilespmem:s1+$0x4110] =	vst v0;
	(pc) =	sbr.rel @p0 .LBB2_3-.Ltmp1, $4  }
0x3b: {  	[tilespmem:s1+$0x10710] =	vst v0  }
0x3c: {  	[tilespmem:s1+$0x4120] =	vst v0  }
0x3d: {  	[tilespmem:s1+$0x10720] =	vst v0  }
0x3e: {  	[tilespmem:s1+$0x4130] =	vst v0;
	s1 =	sshra.s32 s2, $0x2;
	s2 =	sadd.s32 $0x100, s2  }
0x3f: {  	[tilespmem:s1+$0x10730] =	vst v0  }
0x40: {  	[tilespmem:s1+$0x4100] =	vst v0  }
0x41: {  	[tilespmem:s1+$0x10700] =	vst v0  }
0x42: {  	[tilespmem:s1+$0x4110] =	vst v0  }
0x43: {  	[tilespmem:s1+$0x10710] =	vst v0  }
0x44: {  	[tilespmem:s1+$0x4120] =	vst v0  }
0x45: {  	[tilespmem:s1+$0x10720] =	vst v0  }
0x46: {  	[tilespmem:s1+$0x4130] =	vst v0;
	v32 =	vimm.f32 $+Inf;
	v31 =	vimm.f32 $-Inf  }
.LBB2_5:
0x47: {  	p0 =	seq.s32 s0, $0x0  }
0x48: {  	s1 =	sshll.u32 @!p0 s0, $0xC  }
0x49: {  	s1 =	sadd.s32 @!p0 s11, s1  }
0x4a: {  	s1 =	sshrl.u32 @!p0 s1, $0x3  }
0x4b: {  	s2 =	simm.s32 @!p0 $0x0;
	s8 =	simm.s32 @!p0 $0x1800;
	s1 =	sadd.s32 @!p0 s4, s1  }
0x4c: {  	[tilespmem:s8], [sflag:$0x2] =	stream.linear.gather @!p0 [hbm4b:s1+s2], $0x800, $0x38;
	[tilespmem:$0x1CE00] =	vst v63  }
0x4d: {  	s16 =	simm.s32 @!p0 $0x2000;
	s8 =	sadd.s32 @!p0 $0x1000, s1  }
0x4e: {  	[tilespmem:s16], [sflag:$0x2] =	stream.linear.gather @!p0 [hbm4b:s8+s2], $0x800, $0x38;
	[tilespmem:$0x1CE00] =	vst v63  }
0x4f: {  	s1 =	sadd.s32 @!p0 $0x2000, s1;
	s8 =	simm.s32 @!p0 $0x2800  }
0x50: {  	[tilespmem:s8], [sflag:$0x2] =	stream.linear.gather @!p0 [hbm4b:s1+s2], $0x800, $0x38;
	[tilespmem:$0x1CE00] =	vst v63  }
0x51: {  	_ =	swait.ge [sflag:s23], $0x800  }
0x52: {  	[sflag:s23] =	ssyncset.done $0x0  }
0x53: {  	[sflag:s23] =	ssyncadd.s32 $0xFFFFF800  }
0x54: {  	_ =	swait.ge [sflag:s23], $0x800  }
0x55: {  	[sflag:s23] =	ssyncset.done $0x0  }
0x56: {  	[sflag:s23] =	ssyncadd.s32 $0xFFFFF800  }
0x57: {  	_ =	swait.ge [sflag:s23], $0x800  }
0x58: {  	[sflag:s23] =	ssyncset.done $0x0  }
0x59: {  	s31 =	simm.s32 $0x0;
	[sflag:s23] =	ssyncadd.s32 $0xFFFFF800  }
0x5a: {  	v33 =	vld [tilespmem:s31+$0x0]  }
0x5b: {  	v34 =	vld [tilespmem:s31+$0x1000];
	_ =	sdelay $0x4  }
0x5c: {  	v33 =	vmul.f32 v33, v26;
	v34 =	vmul.f32 v34, v25  }
0x5d: {  	s1 =	simm.s32 $0x10;
	v35 =	vld [tilespmem:s31+$0x800]  }
0x5e: {  	v36 =	vadd.f32 v34, v33;
	v33 =	vld [tilespmem:s1+$0x0]  }
0x5f: {  	v34 =	vld [tilespmem:s1+$0x1000];
	_ =	sdelay $0x2  }
0x60: {  	s2 =	simm.s32 $0x80;
	v35 =	vmul.f32 v35, v28;
	v36 =	vmul.f32 v36, v27  }
.LBB2_6:
0x61: {  	v37 =	vld [tilespmem:s1+$0x800];
	s1 =	sshra.s32 s2, $0x2;
	p0 =	sne.s32 s2, $0x1FC0  }
.Ltmp2:
0x62: {  	s2 =	sadd.s32 $0x40, s2;
	v38 =	vmul.f32 v33, v26;
	v33 =	vld [tilespmem:s1+$0x0];
	v39 =	vmul.f32 v34, v25;
	v35 =	vadd.f32 v36, v35;
	(pc) =	sbr.rel @p0 .LBB2_6-.Ltmp2, $3  }
0x63: {  	v34 =	vld [tilespmem:s1+$0x1000]  }
0x64: {  	v36 =	vadd.f32 v39, v38;
	v32 =	vmin.f32 v32, v35;
	v31 =	vmax.f32 v31, v35;
	_ =	sdelay $0x1  }
0x65: {  	v35 =	vmul.f32 v37, v28;
	v36 =	vmul.f32 v36, v27  }
0x66: {  	p0 =	seq.s32 s0, $0x7  }
0x67: {  	s2 =	sshll.u32 @!p0 s0, $0xC  }
0x68: {  	s2 =	sadd.s32 @!p0 s2, s12  }
0x69: {  	s2 =	sshrl.u32 @!p0 s2, $0x3  }
0x6a: {  	v37 =	vld [tilespmem:s1+$0x800];
	s1 =	sadd.s32 @!p0 s4, s2;
	s2 =	simm.s32 @!p0 $0x0  }
0x6b: {  	[tilespmem:s2], [sflag:$0x1] =	stream.linear.gather @!p0 [hbm4b:s1+s2], $0x800, $0x38;
	[tilespmem:$0x1CE00] =	vst v63  }
0x6c: {  	s16 =	simm.s32 @!p0 $0x800;
	s8 =	sadd.s32 @!p0 $0x1000, s1  }
0x6d: {  	[tilespmem:s16], [sflag:$0x1] =	stream.linear.gather @!p0 [hbm4b:s8+s2], $0x800, $0x38;
	[tilespmem:$0x1CE00] =	vst v63  }
0x6e: {  	s1 =	sadd.s32 @!p0 $0x2000, s1;
	s8 =	simm.s32 @!p0 $0x1000  }
0x6f: {  	[tilespmem:s8], [sflag:$0x1] =	stream.linear.gather @!p0 [hbm4b:s1+s2], $0x800, $0x38;
	[tilespmem:$0x1CE00] =	vst v63  }
0x70: {  	_ =	swait.ge [sflag:s24], $0x800  }
0x71: {  	[sflag:s24] =	ssyncset.done $0x0  }
0x72: {  	[sflag:s24] =	ssyncadd.s32 $0xFFFFF800  }
0x73: {  	_ =	swait.ge [sflag:s24], $0x800  }
0x74: {  	[sflag:s24] =	ssyncset.done $0x0  }
0x75: {  	[sflag:s24] =	ssyncadd.s32 $0xFFFFF800  }
0x76: {  	_ =	swait.ge [sflag:s24], $0x800  }
0x77: {  	[sflag:s24] =	ssyncset.done $0x0  }
0x78: {  	s31 =	simm.s32 $0x0;
	v33 =	vmul.f32 v33, v26;
	v34 =	vmul.f32 v34, v25;
	[sflag:s24] =	ssyncadd.s32 $0xFFFFF800  }
0x79: {  	v38 =	vld [tilespmem:s31+$0x1800]  }
0x7a: {  	v33 =	vadd.f32 v34, v33;
	v39 =	vld [tilespmem:s31+$0x2800];
	_ =	sdelay $0x1  }
0x7b: {  	v35 =	vadd.f32 v36, v35;
	v60 =	vmul.f32 v37, v28;
	v33 =	vmul.f32 v33, v27;
	_ =	sdelay $0x1  }
0x7c: {  	v32 =	vmin.f32 v32, v35;
	v34 =	vadd.f32 v33, v60;
	s1 =	simm.s32 $0x10;
	v61 =	vld [tilespmem:s31+$0x2000]  }
0x7d: {  	v35 =	vmax.f32 v31, v35;
	v33 =	vld [tilespmem:s1+$0x1800];
	v62 =	vmul.f32 v38, v26;
	v63 =	vmul.f32 v39, v25  }
0x7e: {  	v31 =	vmin.f32 v32, v34;
	v32 =	vmax.f32 v35, v34;
	v34 =	vld [tilespmem:s1+$0x2800]  }
0x7f: {  	v36 =	vadd.f32 v63, v62;
	_ =	sdelay $0x1  }
0x80: {  	s2 =	simm.s32 $0x80;
	v35 =	vmul.f32 v61, v28;
	v36 =	vmul.f32 v36, v27  }
.LBB2_8:
0x81: {  	v37 =	vld [tilespmem:s1+$0x2000];
	s1 =	sshra.s32 s2, $0x2;
	p0 =	sne.s32 s2, $0x1FC0  }
.Ltmp3:
0x82: {  	s2 =	sadd.s32 $0x40, s2;
	v38 =	vmul.f32 v33, v26;
	v33 =	vld [tilespmem:s1+$0x1800];
	v39 =	vmul.f32 v34, v25;
	v35 =	vadd.f32 v36, v35;
	(pc) =	sbr.rel @p0 .LBB2_8-.Ltmp3, $3  }
0x83: {  	v34 =	vld [tilespmem:s1+$0x2800]  }
0x84: {  	v36 =	vadd.f32 v39, v38;
	v31 =	vmin.f32 v31, v35;
	v32 =	vmax.f32 v32, v35;
	_ =	sdelay $0x1  }
0x85: {  	v35 =	vmul.f32 v37, v28;
	v36 =	vmul.f32 v36, v27  }
0x86: {  	v37 =	vld [tilespmem:s1+$0x2000]  }
0x87: {  	v33 =	vmul.f32 v33, v26;
	v34 =	vmul.f32 v34, v25;
	_ =	sdelay $0x1  }
0x88: {  	s0 =	sadd.s32 $0x1, s0;
	v33 =	vadd.f32 v34, v33  }
0x89: {  	p0 =	sne.s32 s0, $0x8  }
.Ltmp4:
0x8a: {  	v62 =	vmul.f32 v37, v28;
	v33 =	vmul.f32 v33, v27;
	(pc) =	sbr.rel @p0 .LBB2_5-.Ltmp4, $4  }
0x8b: {  	v35 =	vadd.f32 v36, v35  }
0x8c: {  	v33 =	vadd.f32 v33, v62  }
0x8d: {  	v31 =	vmin.f32 v31, v35;
	v63 =	vmax.f32 v32, v35  }
0x8e: {  	v32 =	vmin.f32 v31, v33;
	v31 =	vmax.f32 v63, v33  }
0x8f: {  	_ =	sdelay $0x2  }
0x90: {  	[tilespmem:$0x1CD80] =	vst v32  }
0x91: {  	v33 =	vld.idx.msk [tilespmem:v1+s25+$0x0], $0xffff;
	_ =	sdelay $0x4  }
0x92: {  	v57 =	vmin.f32 v32, v33  }
0x93: {  	[tilespmem:$0x1CD80] =	vst v57  }
0x94: {  	v58 =	vld.idx.msk [tilespmem:v2+s25+$0x0], $0xffff;
	_ =	sdelay $0x4  }
0x95: {  	v32 =	vmin.f32 v57, v58  }
0x96: {  	[tilespmem:$0x1CD80] =	vst v32  }
0x97: {  	v59 =	vld.idx.msk [tilespmem:v3+s25+$0x0], $0xffff;
	_ =	sdelay $0x4  }
0x98: {  	v32 =	vmin.f32 v32, v59  }
0x99: {  	[tilespmem:$0x1CD80] =	vst v32  }
0x9a: {  	v60 =	vld.idx.msk [tilespmem:v6+s25+$0x0], $0xffff;
	[tilespmem:$0x1CD80] =	vst v31  }
0x9b: {  	v34 =	vld.idx.msk [tilespmem:v1+s25+$0x0], $0xffff;
	_ =	sdelay $0x4  }
0x9c: {  	v31 =	vmax.f32 v31, v34  }
0x9d: {  	[tilespmem:$0x1CD80] =	vst v31  }
0x9e: {  	v61 =	vld.idx.msk [tilespmem:v2+s25+$0x0], $0xffff;
	_ =	sdelay $0x4  }
0x9f: {  	v31 =	vmax.f32 v31, v61  }
0xa0: {  	[tilespmem:$0x1CD80] =	vst v31  }
0xa1: {  	v62 =	vld.idx.msk [tilespmem:v3+s25+$0x0], $0xffff;
	_ =	sdelay $0x4  }
0xa2: {  	v34 =	vmax.f32 v31, v62  }
0xa3: {  	[tilespmem:$0x1CD80] =	vst v34  }
0xa4: {  	v35 =	vld.idx.msk [tilespmem:v6+s25+$0x0], $0xffff;
	_ =	sdelay $0x4  }
0xa5: {  	v31 =	vmin.f32 v32, v60;
	v63 =	vmax.f32 v34, v35  }
0xa6: {  	v32 =	vsub.f32 v63, v31;
	_ =	sdelay $0x1  }
0xa7: {  	v32 =	vadd.f32 $9.999999970e-07, v32;
	_ =	sdelay $0x1  }
0xa8: {  	(erf) = vrcp.f32 v32;
	_ =	sdelay $0x3  }
0xa9: {  	[tilespmem:s30], [sflag:$0x1] =	stream.linear.gather [hbm4b:s5+s30], $0x800, $0x38;
	[tilespmem:$0x1CE00] =	vst v63  }
.Ltmp5:
0xaa: {  	_ = 	snop;
	(pc) =	sbr.rel .LBB2_11-.Ltmp5, $4  }
0xab: {  	_ = 	snop  }
0xac: {  	[tilespmem:s18], [sflag:$0x1] =	stream.linear.gather [hbm4b:s6+s30], $0x800, $0x38;
	[tilespmem:$0x1CE00] =	vst v63  }
0xad: {  	s31 =	simm.s32 $0x0  }
0xae: {  	[tilespmem:s19], [sflag:$0x1] =	stream.linear.gather [hbm4b:s7+s30], $0x800, $0x38;
	v32 =	vpop (erf);
	[tilespmem:$0x1CE00] =	vst v63  }
.LBB2_22:
0xaf: {  	_ =	sdelay $0x4  }
0xb0: {  	[tilespmem:v34+s28+$0x0] =	vst.idx.msk vm0, v33  }
.LBB2_23:
0xb1: {  	s31 =	sadd.s32 $0x1, s31  }
0xb2: {  	p0 =	sne.s32 s31, $0x8  }
.Ltmp6:
0xb3: {  	_ = 	snop;
	(pc) =	sbr.rel @!p0 .LBB2_24-.Ltmp6, $1  }
0xb4: {  	_ =	sdelay $0x3  }
.LBB2_11:
0xb5: {  	s0 =	sshll.u32 s31, $0xC  }
0xb6: {  	s1 =	sor.u32 s0, s3  }
0xb7: {  	s1 =	sshrl.u32 s1, $0x3  }
0xb8: {  	s1 =	sadd.s32 s4, s1  }
0xb9: {  	s2 =	sadd.s32 $0x100, s1  }
0xba: {  	[tilespmem:s20], [sflag:$0x2] =	stream.linear.gather [hbm4b:s2+s30], $0x800, $0x38;
	[tilespmem:$0x1CE00] =	vst v63  }
0xbb: {  	s8 =	sadd.s32 $0x1100, s1  }
0xbc: {  	[tilespmem:s21], [sflag:$0x2] =	stream.linear.gather [hbm4b:s8+s30], $0x800, $0x38;
	[tilespmem:$0x1CE00] =	vst v63  }
0xbd: {  	s1 =	sadd.s32 $0x2100, s1  }
0xbe: {  	[tilespmem:s22], [sflag:$0x2] =	stream.linear.gather [hbm4b:s1+s30], $0x800, $0x38;
	[tilespmem:$0x1CE00] =	vst v63  }
0xbf: {  	_ =	swait.ge [sflag:s23], $0x800  }
0xc0: {  	[sflag:s23] =	ssyncset.done $0x0  }
0xc1: {  	[sflag:s23] =	ssyncadd.s32 $0xFFFFF800  }
0xc2: {  	_ =	swait.ge [sflag:s23], $0x800  }
0xc3: {  	[sflag:s23] =	ssyncset.done $0x0  }
0xc4: {  	[sflag:s23] =	ssyncadd.s32 $0xFFFFF800  }
0xc5: {  	_ =	swait.ge [sflag:s23], $0x800  }
0xc6: {  	[sflag:s23] =	ssyncset.done $0x0  }
0xc7: {  	s16 =	simm.s32 $0x0;
	[sflag:s23] =	ssyncadd.s32 $0xFFFFF800  }
0xc8: {  	v33 =	vld [tilespmem:s16+$0x0]  }
0xc9: {  	v34 =	vld [tilespmem:s16+$0x1000];
	_ =	sdelay $0x3  }
0xca: {  	v35 =	vld [tilespmem:s16+$0x800];
	v36 =	vmul.f32 v33, v25;
	v33 =	vmul.f32 v33, v26  }
0xcb: {  	v37 =	vmul.f32 v34, v26;
	v34 =	vmul.f32 v34, v25;
	_ =	sdelay $0x1  }
0xcc: {  	v36 =	vsub.f32 v36, v37;
	v33 =	vadd.f32 v34, v33;
	_ =	sdelay $0x1  }
0xcd: {  	v52 =	vmul.f32 v35, v27;
	v53 =	vmul.f32 v33, v28;
	v38 =	vadd.f32 v36, v29  }
0xce: {  	v35 =	vmul.f32 v35, v28;
	v33 =	vmul.f32 v33, v27;
	v36 =	vadd.f32 v36, v30  }
0xcf: {  	v34 =	vsub.f32 v52, v53;
	v54 =	vadd.f32 $1.000000000e+00, v38  }
0xd0: {  	v33 =	vadd.f32 v33, v35;
	v55 =	vadd.f32 $1.000000000e+00, v36  }
0xd1: {  	v56 =	vmul.f32 $5.000000000e-01, v54;
	v57 =	vadd.f32 v34, v29;
	v34 =	vadd.f32 v34, v30  }
0xd2: {  	v33 =	vsub.f32 v33, v31;
	v35 =	vmul.f32 $5.000000000e-01, v55  }
0xd3: {  	v36 =	vmul.f32 $2.230000000e+02, v56;
	v37 =	vadd.f32 $1.000000000e+00, v57;
	v34 =	vadd.f32 $1.000000000e+00, v34  }
0xd4: {  	v33 =	vmul.f32 v33, v32;
	v35 =	vmul.f32 $2.230000000e+02, v35  }
0xd5: {  	v37 =	vmul.f32 $5.000000000e-01, v37;
	v58 =	vmul.f32 $5.000000000e-01, v34;
	v59 =	vmax.f32 v36, $0.0e+00  }
0xd6: {  	vm0 =	vlt.f32 v36, $2.240000000e+02;
	v39 =	vmax.f32 v35, $0.0e+00;
	v60 =	vmin.f32 v59, $2.230000000e+02  }
0xd7: {  	v62 =	vmin.f32 v39, $2.230000000e+02;
	v34 =	vmul.f32 $2.230000000e+02, v37;
	v61 =	vmul.f32 $2.230000000e+02, v58  }
0xd8: {  	vm1 =	vgt.f32 v35, $-1.000000000e+00;
	v35 =	vtrunc.f32 v60;
	v36 =	vtrunc.f32 v62  }
0xd9: {  	vm2 =	vgt.f32 v61, $-1.000000000e+00;
	v63 =	vmax.f32 v34, $0.0e+00;
	v37 =	vmax.f32 v61, $0.0e+00  }
0xda: {  	s2 =	simm.s32 $0x80;
	s1 =	simm.s32 $0x0;
	s16 =	simm.s32 $0x10;
	vm1 =	vmand vm1, vm2;
	v38 =	vmin.f32 v63, $2.230000000e+02;
	v37 =	vmin.f32 v37, $2.230000000e+02  }
.LBB2_12:
0xdb: {  	p0 =	sne.s32 s2, $0x1FC0;
	v36 =	vcvt.f32.s32 v36;
	v38 =	vtrunc.f32 v38;
	s8 =	smov.u32 s2;
	s2 =	sadd.s32 $0x40, s2  }
0xdc: {  	vm0 =	vmand vm1, vm0;
	vm1 =	vlt.f32 v34, $2.240000000e+02;
	v34 =	vcvt.f32.s32 v38  }
0xdd: {  	v35 =	vcvt.f32.s32 v35;
	v37 =	vtrunc.f32 v37;
	vm0 =	vmand vm1, vm0  }
0xde: {  	v37 =	vcvt.f32.s32 v37;
	v39 =	vmpcnt.ones.xlane vm0;
	v38 =	vmul.u32 $0xE0, v34  }
0xdf: {  	v33 =	vmul.f32 $6.999999880e-01, v33;
	v36 =	vsub.s32 v36, v35  }
0xe0: {  	v36 =	vshll.u32 v36, $0x10;
	v34 =	vsub.s32 v37, v34;
	v35 =	vadd.s32 v35, v38  }
0xe1: {  	v34 =	vshll.u32 v34, $0x12;
	v35 =	vor.u32 v36, v35;
	(v2sf) =	vpush v39, $0x0  }
0xe2: {  	v33 =	vadd.f32 $3.000000120e-01, v33;
	v34 =	vor.u32 v34, v35  }
0xe3: {  	[tilespmem:s1+$0x3000] =	vst.msk vm0, v34  }
0xe4: {  	[tilespmem:s1+$0x3880] =	vst.msk vm0, v33  }
0xe5: {  	v33 =	vld [tilespmem:s16+$0x0]  }
0xe6: {  	v34 =	vld [tilespmem:s16+$0x1000];
	_ =	sdelay $0x1  }
0xe7: {  	v35 =	vld [tilespmem:s16+$0x800];
	_ =	sdelay $0x1  }
0xe8: {  	v36 =	vmul.f32 v33, v25;
	v33 =	vmul.f32 v33, v26  }
0xe9: {  	v37 =	vmul.f32 v34, v26;
	v34 =	vmul.f32 v34, v25;
	_ =	sdelay $0x1  }
0xea: {  	v36 =	vsub.f32 v36, v37;
	v33 =	vadd.f32 v34, v33;
	_ =	sdelay $0x1  }
0xeb: {  	v34 =	vmul.f32 v35, v27;
	v37 =	vmul.f32 v33, v28;
	v38 =	vadd.f32 v36, v29  }
0xec: {  	v35 =	vmul.f32 v35, v28;
	v33 =	vmul.f32 v33, v27;
	v36 =	vadd.f32 v36, v30;
	s16 =	spop (v2sf)  }
0xed: {  	v34 =	vsub.f32 v34, v37;
	v37 =	vadd.f32 $1.000000000e+00, v38;
	s1 =	sadd.s32 s1, s16  }
0xee: {  	v33 =	vadd.f32 v33, v35;
	v35 =	vadd.f32 $1.000000000e+00, v36  }
0xef: {  	s16 =	sshra.s32 s8, $0x2;
	v36 =	vmul.f32 $5.000000000e-01, v37;
	v37 =	vadd.f32 v34, v29;
	v34 =	vadd.f32 v34, v30  }
0xf0: {  	v33 =	vsub.f32 v33, v31;
	v35 =	vmul.f32 $5.000000000e-01, v35  }
0xf1: {  	v36 =	vmul.f32 $2.230000000e+02, v36;
	v37 =	vadd.f32 $1.000000000e+00, v37;
	v34 =	vadd.f32 $1.000000000e+00, v34  }
0xf2: {  	v33 =	vmul.f32 v33, v32;
	v35 =	vmul.f32 $2.230000000e+02, v35  }
0xf3: {  	v37 =	vmul.f32 $5.000000000e-01, v37;
	v38 =	vmul.f32 $5.000000000e-01, v34;
	v34 =	vmax.f32 v36, $0.0e+00  }
.Ltmp7:
0xf4: {  	vm0 =	vlt.f32 v36, $2.240000000e+02;
	v39 =	vmax.f32 v35, $0.0e+00;
	v36 =	vmin.f32 v34, $2.230000000e+02;
	(pc) =	sbr.rel @p0 .LBB2_12-.Ltmp7, $4  }
0xf5: {  	v34 =	vmul.f32 $2.230000000e+02, v37;
	v37 =	vmul.f32 $2.230000000e+02, v38;
	v38 =	vmin.f32 v39, $2.230000000e+02  }
0xf6: {  	vm1 =	vgt.f32 v35, $-1.000000000e+00;
	v35 =	vtrunc.f32 v36;
	v36 =	vtrunc.f32 v38  }
0xf7: {  	vm2 =	vgt.f32 v37, $-1.000000000e+00;
	v38 =	vmax.f32 v34, $0.0e+00;
	v37 =	vmax.f32 v37, $0.0e+00  }
0xf8: {  	vm1 =	vmand vm1, vm2;
	v38 =	vmin.f32 v38, $2.230000000e+02;
	v37 =	vmin.f32 v37, $2.230000000e+02  }
0xf9: {  	v38 =	vtrunc.f32 v38  }
0xfa: {  	v36 =	vcvt.f32.s32 v36;
	v38 =	vcvt.f32.s32 v38  }
0xfb: {  	v35 =	vcvt.f32.s32 v35;
	v37 =	vtrunc.f32 v37  }
0xfc: {  	v37 =	vcvt.f32.s32 v37;
	v39 =	vmul.u32 $0xE0, v38  }
0xfd: {  	vm0 =	vmand vm1, vm0;
	v33 =	vmul.f32 $6.999999880e-01, v33;
	v36 =	vsub.s32 v36, v35  }
0xfe: {  	v36 =	vshll.u32 v36, $0x10;
	v37 =	vsub.s32 v37, v38;
	v35 =	vadd.s32 v35, v39  }
0xff: {  	vm11 =	vlt.f32 v34, $2.240000000e+02;
	v52 =	vshll.u32 v37, $0x12;
	v51 =	vor.u32 v36, v35  }
0x100: {  	vm0 =	vmand vm11, vm0;
	v33 =	vadd.f32 $3.000000120e-01, v33;
	v34 =	vor.u32 v52, v51  }
0x101: {  	[tilespmem:s1+$0x3000] =	vst.msk vm0, v34  }
0x102: {  	[tilespmem:s1+$0x3880] =	vst.msk vm0, v33  }
0x103: {  	v33 =	vld [tilespmem:s16+$0x0]  }
0x104: {  	v34 =	vld [tilespmem:s16+$0x1000];
	_ =	sdelay $0x3  }
0x105: {  	v53 =	vld [tilespmem:s16+$0x800]  }
0x106: {  	v54 =	vmul.f32 v33, v26;
	v55 =	vmul.f32 v34, v25;
	_ =	sdelay $0x1  }
0x107: {  	v36 =	vadd.f32 v55, v54  }
0x108: {  	v33 =	vmul.f32 v33, v25;
	v34 =	vmul.f32 v34, v26  }
0x109: {  	v56 =	vmul.f32 v53, v27;
	v57 =	vmul.f32 v36, v28  }
0x10a: {  	v33 =	vsub.f32 v33, v34  }
0x10b: {  	v58 =	vsub.f32 v56, v57  }
0x10c: {  	v59 =	vadd.f32 v33, v30  }
0x10d: {  	v38 =	vadd.f32 v58, v30  }
0x10e: {  	v33 =	vadd.f32 v33, v29;
	v37 =	vadd.f32 $1.000000000e+00, v59  }
0x10f: {  	v34 =	vadd.f32 v58, v29;
	v38 =	vadd.f32 $1.000000000e+00, v38  }
0x110: {  	v33 =	vadd.f32 $1.000000000e+00, v33;
	v37 =	vmul.f32 $5.000000000e-01, v37  }
0x111: {  	v34 =	vadd.f32 $1.000000000e+00, v34;
	v38 =	vmul.f32 $5.000000000e-01, v38  }
0x112: {  	v33 =	vmul.f32 $5.000000000e-01, v33;
	v37 =	vmul.f32 $2.230000000e+02, v37  }
0x113: {  	v34 =	vmul.f32 $5.000000000e-01, v34;
	v38 =	vmul.f32 $2.230000000e+02, v38  }
0x114: {  	v33 =	vmul.f32 $2.230000000e+02, v33  }
0x115: {  	vm12 =	vgt.f32 v37, $-1.000000000e+00;
	v34 =	vmul.f32 $2.230000000e+02, v34;
	vm2 =	vgt.f32 v38, $-1.000000000e+00  }
0x116: {  	vm13 =	vlt.f32 v33, $2.240000000e+02;
	vm1 =	vmand vm12, vm2  }
0x117: {  	vm14 =	vlt.f32 v34, $2.240000000e+02;
	vm1 =	vmand vm1, vm13  }
0x118: {  	v60 =	vmpcnt.ones.xlane vm0;
	vm15 =	vmand vm14, vm1  }
0x119: {  	v40 =	vmpcnt.ones.xlane vm15  }
0x11a: {  	(v2sf) =	vpush v60, $0x0  }
0x11b: {  	(v2sf) =	vpush v40, $0x0;
	_ =	sdelay $0x9  }
0x11c: {  	v35 =	vmul.f32 v53, v28;
	v36 =	vmul.f32 v36, v27;
	_ =	sdelay $0x1  }
0x11d: {  	v35 =	vadd.f32 v36, v35;
	_ =	sdelay $0x1  }
0x11e: {  	s2 =	spop (v2sf);
	v35 =	vsub.f32 v35, v31  }
0x11f: {  	s1 =	sadd.s32 s1, s2;
	s16 =	spop (v2sf)  }
0x120: {  	v35 =	vmul.f32 v35, v32;
	v33 =	vmax.f32 v33, $0.0e+00;
	s8 =	sadd.s32 s1, s16  }
0x121: {  	v61 =	vmax.f32 v37, $0.0e+00;
	v33 =	vmin.f32 v33, $2.230000000e+02;
	v34 =	vmax.f32 v34, $0.0e+00;
	s2 =	sadd.s32 $0xF, s8  }
0x122: {  	v36 =	vmin.f32 v61, $2.230000000e+02;
	v33 =	vtrunc.f32 v33;
	v34 =	vmin.f32 v34, $2.230000000e+02;
	s16 =	sand.u32 $0xF, s2  }
0x123: {  	v36 =	vtrunc.f32 v36;
	v62 =	vmax.f32 v38, $0.0e+00;
	v34 =	vtrunc.f32 v34;
	p1 =	slt.s32 s2, $0x1;
	p0 =	sne.s32 s16, $0x0;
	s16 =	sshra.s32 s2, $0x1F  }
0x124: {  	v36 =	vcvt.f32.s32 v36;
	v37 =	vmin.f32 v62, $2.230000000e+02;
	v34 =	vcvt.f32.s32 v34;
	s16 =	sshrl.u32 s16, $0x1C;
	p0 =	por !p1, !p0  }
0x125: {  	v33 =	vcvt.f32.s32 v33;
	v37 =	vtrunc.f32 v37;
	s2 =	sadd.s32 s16, s2;
	p0 =	por !p0, !p0;
	s16 =	simm.s32 $0x1  }
0x126: {  	v37 =	vcvt.f32.s32 v37;
	v63 =	vmul.u32 $0xE0, v34;
	s2 =	sshra.s32 s2, $0x4;
	s16 =	simm.s32 @!p0 $0x0  }
0x127: {  	v35 =	vmul.f32 $6.999999880e-01, v35;
	v36 =	vsub.s32 v36, v33;
	s2 =	ssub.s32 s2, s16  }
0x128: {  	v36 =	vshll.u32 v36, $0x10;
	v34 =	vsub.s32 v37, v34;
	v33 =	vadd.s32 v33, v63;
	p0 =	slt.s32 s2, $0x1  }
.Ltmp8:
0x129: {  	v34 =	vshll.u32 v34, $0x12;
	v33 =	vor.u32 v36, v33;
	(pc) =	sbr.rel @p0 .LBB2_17-.Ltmp8, $4  }
0x12a: {  	v35 =	vadd.f32 $3.000000120e-01, v35;
	v33 =	vor.u32 v34, v33  }
0x12b: {  	[tilespmem:s1+$0x3000] =	vst.msk vm15, v33  }
0x12c: {  	[tilespmem:s1+$0x3880] =	vst.msk vm15, v35  }
0x12d: {  	[tilespmem:s8+$0x3000] =	vst v7  }
0x12e: {  	s1 =	simm.s32 $0x3000  }
0x12f: {  	v34 =	vld [tilespmem:s1+$0x0];
	_ =	sdelay $0x4  }
0x130: {  	v33 =	vperm.xlane v34, v8;
	_ =	sdelay $0x1  }
0x131: {  	v35 =	vshrl.u32 v33, $0x10  }
0x132: {  	v36 =	vshra.s32 v33, $0x12;
	v35 =	vand.u32 $0x3, v35  }
0x133: {  	vm1 =	vgt.s32 v36, v5;
	vm0 =	vgt.s32 v35, v4  }
0x134: {  	v33 =	vand.u32 $0xFFFF, v33;
	vm0 =	vmand vm1, vm0  }
0x135: {  	v45 =	vadd.s32 v9, v33  }
0x136: {  	v46 =	vperm.xlane v34, v11  }
0x137: {  	s16 =	simm.s32 $0x3880  }
0x138: {  	v37 =	vshrl.u32 v46, $0x10;
	v33 =	vld [tilespmem:s16+$0x0]  }
0x139: {  	v38 =	vshra.s32 v46, $0x12;
	v37 =	vand.u32 $0x3, v37  }
0x13a: {  	vm2 =	vgt.s32 v38, v5;
	vm1 =	vgt.s32 v37, v4;
	v47 =	vld.idx.msk [tilespmem:v45+s26+$0x0], vm0  }
0x13b: {  	v36 =	vand.u32 $0xFFFF, v46;
	vm1 =	vmand vm2, vm1  }
0x13c: {  	v36 =	vadd.s32 v9, v36  }
0x13d: {  	v48 =	vperm.xlane v34, v12;
	v39 =	vperm.xlane v33, v8;
	_ =	sdelay $0x1  }
0x13e: {  	v40 =	vshrl.u32 v48, $0x10;
	v37 =	vmax.f32 v47, v39  }
0x13f: {  	v49 =	vshra.s32 v48, $0x12;
	v40 =	vand.u32 $0x3, v40;
	[tilespmem:v45+s26+$0x0] =	vst.idx.msk vm0, v37  }
0x140: {  	vm2 =	vgt.s32 v49, v5;
	vm0 =	vgt.s32 v40, v4;
	v35 =	vld.idx.msk [tilespmem:v36+s28+$0x0], vm1  }
0x141: {  	v50 =	vand.u32 $0xFFFF, v48;
	vm0 =	vmand vm2, vm0  }
0x142: {  	v37 =	vadd.s32 v9, v50  }
0x143: {  	v51 =	vperm.xlane v34, v10;
	v52 =	vperm.xlane v33, v11;
	_ =	sdelay $0x1  }
0x144: {  	v53 =	vshrl.u32 v51, $0x10;
	v35 =	vmax.f32 v35, v52  }
0x145: {  	v55 =	vshra.s32 v51, $0x12;
	v54 =	vand.u32 $0x3, v53;
	[tilespmem:v36+s28+$0x0] =	vst.idx.msk vm1, v35  }
0x146: {  	vm2 =	vgt.s32 v55, v5;
	vm1 =	vgt.s32 v54, v4;
	v35 =	vld.idx.msk [tilespmem:v37+s26+$0x0], vm0  }
0x147: {  	v56 =	vand.u32 $0xFFFF, v51;
	vm1 =	vmand vm2, vm1  }
0x148: {  	v36 =	vadd.s32 v9, v56  }
0x149: {  	v57 =	vperm.xlane v34, v13;
	v58 =	vperm.xlane v33, v12;
	_ =	sdelay $0x1  }
0x14a: {  	v59 =	vshrl.u32 v57, $0x10;
	v35 =	vmax.f32 v35, v58  }
0x14b: {  	v60 =	vshra.s32 v57, $0x12;
	v40 =	vand.u32 $0x3, v59;
	[tilespmem:v37+s26+$0x0] =	vst.idx.msk vm0, v35  }
0x14c: {  	vm2 =	vgt.s32 v60, v5;
	vm0 =	vgt.s32 v40, v4;
	v35 =	vld.idx.msk [tilespmem:v36+s28+$0x0], vm1  }
0x14d: {  	v61 =	vand.u32 $0xFFFF, v57;
	vm0 =	vmand vm2, vm0  }
0x14e: {  	v37 =	vadd.s32 v9, v61  }
0x14f: {  	v62 =	vperm.xlane v34, v14;
	v63 =	vperm.xlane v33, v10;
	_ =	sdelay $0x1  }
0x150: {  	v44 =	vshrl.u32 v62, $0x10;
	v35 =	vmax.f32 v35, v63  }
0x151: {  	v46 =	vshra.s32 v62, $0x12;
	v45 =	vand.u32 $0x3, v44;
	[tilespmem:v36+s28+$0x0] =	vst.idx.msk vm1, v35  }
0x152: {  	vm2 =	vgt.s32 v46, v5;
	vm1 =	vgt.s32 v45, v4;
	v35 =	vld.idx.msk [tilespmem:v37+s26+$0x0], vm0  }
0x153: {  	v47 =	vand.u32 $0xFFFF, v62;
	vm1 =	vmand vm2, vm1  }
0x154: {  	v36 =	vadd.s32 v9, v47  }
0x155: {  	v48 =	vperm.xlane v34, v15;
	v49 =	vperm.xlane v33, v13;
	_ =	sdelay $0x1  }
0x156: {  	v50 =	vshrl.u32 v48, $0x10;
	v35 =	vmax.f32 v35, v49  }
0x157: {  	v51 =	vand.u32 $0x3, v50;
	v52 =	vshra.s32 v48, $0x12;
	[tilespmem:v37+s26+$0x0] =	vst.idx.msk vm0, v35  }
0x158: {  	vm2 =	vgt.s32 v52, v5;
	vm0 =	vgt.s32 v51, v4;
	v35 =	vld.idx.msk [tilespmem:v36+s28+$0x0], vm1  }
0x159: {  	v53 =	vand.u32 $0xFFFF, v48;
	vm0 =	vmand vm2, vm0  }
0x15a: {  	v37 =	vadd.s32 v9, v53  }
0x15b: {  	v55 =	vperm.xlane v33, v14;
	v54 =	vperm.xlane v34, v16;
	_ =	sdelay $0x1  }
0x15c: {  	v56 =	vshrl.u32 v54, $0x10;
	v35 =	vmax.f32 v35, v55  }
0x15d: {  	v57 =	vshra.s32 v54, $0x12;
	v40 =	vand.u32 $0x3, v56;
	[tilespmem:v36+s28+$0x0] =	vst.idx.msk vm1, v35  }
0x15e: {  	vm2 =	vgt.s32 v57, v5;
	vm1 =	vgt.s32 v40, v4;
	v35 =	vld.idx.msk [tilespmem:v37+s26+$0x0], vm0  }
0x15f: {  	v58 =	vand.u32 $0xFFFF, v54;
	vm1 =	vmand vm2, vm1  }
0x160: {  	v36 =	vadd.s32 v9, v58  }
0x161: {  	v59 =	vperm.xlane v34, v17;
	v60 =	vperm.xlane v33, v15;
	_ =	sdelay $0x1  }
0x162: {  	v61 =	vshrl.u32 v59, $0x10;
	v35 =	vmax.f32 v35, v60  }
0x163: {  	v62 =	vand.u32 $0x3, v61;
	v63 =	vshra.s32 v59, $0x12;
	[tilespmem:v37+s26+$0x0] =	vst.idx.msk vm0, v35  }
0x164: {  	vm2 =	vgt.s32 v63, v5;
	vm0 =	vgt.s32 v62, v4;
	v35 =	vld.idx.msk [tilespmem:v36+s28+$0x0], vm1  }
0x165: {  	v43 =	vand.u32 $0xFFFF, v59;
	vm0 =	vmand vm2, vm0  }
0x166: {  	v37 =	vadd.s32 v9, v43  }
0x167: {  	v44 =	vperm.xlane v34, v18;
	v45 =	vperm.xlane v33, v16;
	_ =	sdelay $0x1  }
0x168: {  	v46 =	vshrl.u32 v44, $0x10;
	v35 =	vmax.f32 v35, v45  }
0x169: {  	v48 =	vshra.s32 v44, $0x12;
	v47 =	vand.u32 $0x3, v46;
	[tilespmem:v36+s28+$0x0] =	vst.idx.msk vm1, v35  }
0x16a: {  	vm2 =	vgt.s32 v48, v5;
	vm1 =	vgt.s32 v47, v4;
	v35 =	vld.idx.msk [tilespmem:v37+s26+$0x0], vm0  }
0x16b: {  	v49 =	vand.u32 $0xFFFF, v44;
	vm1 =	vmand vm2, vm1  }
0x16c: {  	v36 =	vadd.s32 v9, v49  }
0x16d: {  	v50 =	vperm.xlane v34, v19;
	v51 =	vperm.xlane v33, v17;
	_ =	sdelay $0x1  }
0x16e: {  	v52 =	vshrl.u32 v50, $0x10;
	v35 =	vmax.f32 v35, v51  }
0x16f: {  	v53 =	vshra.s32 v50, $0x12;
	v40 =	vand.u32 $0x3, v52;
	[tilespmem:v37+s26+$0x0] =	vst.idx.msk vm0, v35  }
0x170: {  	vm2 =	vgt.s32 v53, v5;
	vm0 =	vgt.s32 v40, v4;
	v35 =	vld.idx.msk [tilespmem:v36+s28+$0x0], vm1  }
0x171: {  	v54 =	vand.u32 $0xFFFF, v50;
	vm0 =	vmand vm2, vm0  }
0x172: {  	v37 =	vadd.s32 v9, v54  }
0x173: {  	v56 =	vperm.xlane v33, v18;
	v55 =	vperm.xlane v34, v20;
	_ =	sdelay $0x1  }
0x174: {  	v57 =	vshrl.u32 v55, $0x10;
	v35 =	vmax.f32 v35, v56  }
0x175: {  	v59 =	vshra.s32 v55, $0x12;
	v58 =	vand.u32 $0x3, v57;
	[tilespmem:v36+s28+$0x0] =	vst.idx.msk vm1, v35  }
0x176: {  	vm2 =	vgt.s32 v59, v5;
	vm1 =	vgt.s32 v58, v4;
	v35 =	vld.idx.msk [tilespmem:v37+s26+$0x0], vm0  }
0x177: {  	v60 =	vand.u32 $0xFFFF, v55;
	vm1 =	vmand vm2, vm1  }
0x178: {  	v36 =	vadd.s32 v9, v60  }
0x179: {  	v61 =	vperm.xlane v34, v21;
	v62 =	vperm.xlane v33, v19;
	_ =	sdelay $0x1  }
0x17a: {  	v63 =	vshrl.u32 v61, $0x10;
	v35 =	vmax.f32 v35, v62  }
0x17b: {  	v44 =	vand.u32 $0x3, v63;
	v45 =	vshra.s32 v61, $0x12;
	[tilespmem:v37+s26+$0x0] =	vst.idx.msk vm0, v35  }
0x17c: {  	vm2 =	vgt.s32 v45, v5;
	vm0 =	vgt.s32 v44, v4;
	v35 =	vld.idx.msk [tilespmem:v36+s28+$0x0], vm1  }
0x17d: {  	v46 =	vand.u32 $0xFFFF, v61;
	vm0 =	vmand vm2, vm0  }
0x17e: {  	v37 =	vadd.s32 v9, v46  }
0x17f: {  	v48 =	vperm.xlane v33, v20;
	v47 =	vperm.xlane v34, v22;
	_ =	sdelay $0x1  }
0x180: {  	v49 =	vshrl.u32 v47, $0x10;
	v35 =	vmax.f32 v35, v48  }
0x181: {  	v50 =	vand.u32 $0x3, v49;
	v51 =	vshra.s32 v47, $0x12;
	[tilespmem:v36+s28+$0x0] =	vst.idx.msk vm1, v35  }
0x182: {  	vm2 =	vgt.s32 v51, v5;
	vm1 =	vgt.s32 v50, v4;
	v36 =	vld.idx.msk [tilespmem:v37+s26+$0x0], vm0  }
0x183: {  	v52 =	vand.u32 $0xFFFF, v47;
	vm1 =	vmand vm2, vm1  }
0x184: {  	v35 =	vadd.s32 v9, v52  }
0x185: {  	v53 =	vperm.xlane v34, v23;
	v54 =	vperm.xlane v33, v21;
	_ =	sdelay $0x1  }
0x186: {  	v55 =	vshrl.u32 v53, $0x10;
	v36 =	vmax.f32 v36, v54  }
0x187: {  	v57 =	vshra.s32 v53, $0x12;
	v56 =	vand.u32 $0x3, v55;
	[tilespmem:v37+s26+$0x0] =	vst.idx.msk vm0, v36  }
0x188: {  	vm2 =	vgt.s32 v57, v5;
	vm0 =	vgt.s32 v56, v4;
	v36 =	vld.idx.msk [tilespmem:v35+s28+$0x0], vm1  }
0x189: {  	v58 =	vand.u32 $0xFFFF, v53;
	vm2 =	vmand vm2, vm0  }
0x18a: {  	v37 =	vadd.s32 v9, v58  }
0x18b: {  	v34 =	vperm.xlane v34, v24;
	v59 =	vperm.xlane v33, v22;
	_ =	sdelay $0x1  }
0x18c: {  	v60 =	vshrl.u32 v34, $0x10;
	v36 =	vmax.f32 v36, v59  }
0x18d: {  	v61 =	vand.u32 $0x3, v60;
	v62 =	vshra.s32 v34, $0x12;
	[tilespmem:v35+s28+$0x0] =	vst.idx.msk vm1, v36  }
0x18e: {  	vm0 =	vgt.s32 v61, v4;
	vm1 =	vgt.s32 v62, v5;
	v36 =	vld.idx.msk [tilespmem:v37+s26+$0x0], vm2  }
0x18f: {  	v34 =	vand.u32 $0xFFFF, v34;
	vm0 =	vmand vm1, vm0  }
0x190: {  	v34 =	vadd.s32 v9, v34  }
0x191: {  	v63 =	vperm.xlane v33, v23;
	_ =	sdelay $0x1  }
0x192: {  	v35 =	vmax.f32 v36, v63  }
0x193: {  	[tilespmem:v37+s26+$0x0] =	vst.idx.msk vm2, v35  }
0x194: {  	p0 =	sne.s32 s2, $0x1;
	v35 =	vld.idx.msk [tilespmem:v34+s28+$0x0], vm0  }
.Ltmp9:
0x195: {  	_ = 	snop;
	(pc) =	sbr.rel @!p0 .LBB2_16-.Ltmp9, $3  }
0x196: {  	_ = 	snop  }
0x197: {  	v33 =	vperm.xlane v33, v24;
	_ =	sdelay $0x1  }
0x198: {  	s2 =	sadd.s32 $0xFFFFFFFF, s2;
	v33 =	vmax.f32 v35, v33  }
.LBB2_15:
0x199: {  	p0 =	sne.s32 s2, $0x1;
	[tilespmem:v34+s28+$0x0] =	vst.idx.msk vm0, v33;
	s1 =	sadd.s32 $0x10, s1;
	s16 =	sadd.s32 $0x10, s16  }
0x19a: {  	s2 =	sadd.s32 $0xFFFFFFFF, s2;
	v34 =	vld [tilespmem:s1+$0x0];
	_ =	sdelay $0x4  }
0x19b: {  	v33 =	vperm.xlane v34, v8;
	v35 =	vperm.xlane v34, v11  }
0x19c: {  	v36 =	vperm.xlane v34, v12;
	v37 =	vperm.xlane v34, v10  }
0x19d: {  	v38 =	vshrl.u32 v33, $0x10;
	v39 =	vshra.s32 v33, $0x12;
	v33 =	vand.u32 $0xFFFF, v33  }
0x19e: {  	v40 =	vshrl.u32 v35, $0x10;
	v41 =	vshra.s32 v35, $0x12;
	v38 =	vand.u32 $0x3, v38  }
0x19f: {  	vm1 =	vgt.s32 v39, v5;
	vm0 =	vgt.s32 v38, v4;
	v38 =	vand.u32 $0x3, v40  }
0x1a0: {  	v35 =	vand.u32 $0xFFFF, v35;
	vm3 =	vmand vm1, vm0;
	vm0 =	vgt.s32 v38, v4  }
0x1a1: {  	v39 =	vshra.s32 v36, $0x12;
	v38 =	vadd.s32 v9, v33;
	v33 =	vshrl.u32 v36, $0x10  }
0x1a2: {  	v40 =	vshrl.u32 v37, $0x10;
	v36 =	vand.u32 $0xFFFF, v36;
	v33 =	vand.u32 $0x3, v33  }
0x1a3: {  	vm2 =	vgt.s32 v33, v4;
	v33 =	vand.u32 $0x3, v40;
	v40 =	vshra.s32 v37, $0x12  }
0x1a4: {  	v42 =	vperm.xlane v34, v13;
	v37 =	vand.u32 $0xFFFF, v37;
	vm1 =	vgt.s32 v33, v4  }
0x1a5: {  	v43 =	vperm.xlane v34, v14;
	v44 =	vperm.xlane v34, v15;
	v33 =	vld [tilespmem:s16+$0x0]  }
0x1a6: {  	v46 =	vshrl.u32 v42, $0x10;
	v48 =	vshra.s32 v42, $0x12;
	v49 =	vand.u32 $0xFFFF, v42;
	v45 =	vld.idx.msk [tilespmem:v38+s26+$0x0], vm3  }
0x1a7: {  	v42 =	vshrl.u32 v43, $0x10;
	vm4 =	vgt.s32 v41, v5;
	v41 =	vand.u32 $0x3, v46  }
0x1a8: {  	vm4 =	vmand vm4, vm0;
	vm0 =	vgt.s32 v41, v4;
	v41 =	vand.u32 $0x3, v42  }
0x1a9: {  	v50 =	vshra.s32 v43, $0x12;
	v35 =	vadd.s32 v9, v35;
	vm10 =	vgt.s32 v41, v4  }
0x1aa: {  	v51 =	vand.u32 $0xFFFF, v43;
	v42 =	vshrl.u32 v44, $0x10;
	v41 =	vperm.xlane v33, v8  }
0x1ab: {  	v52 =	vshra.s32 v44, $0x12;
	v53 =	vand.u32 $0xFFFF, v44;
	v42 =	vand.u32 $0x3, v42  }
0x1ac: {  	vm8 =	vgt.s32 v42, v4;
	v42 =	vperm.xlane v34, v16;
	v41 =	vmax.f32 v45, v41  }
0x1ad: {  	[tilespmem:v38+s26+$0x0] =	vst.idx.msk vm3, v41;
	v38 =	vperm.xlane v34, v17;
	v41 =	vperm.xlane v34, v18  }
0x1ae: {  	v44 =	vshrl.u32 v42, $0x10;
	v54 =	vshra.s32 v42, $0x12;
	v55 =	vand.u32 $0xFFFF, v42;
	v43 =	vld.idx.msk [tilespmem:v35+s28+$0x0], vm4  }
0x1af: {  	vm3 =	vgt.s32 v39, v5;
	v39 =	vand.u32 $0x3, v44;
	v42 =	vshrl.u32 v38, $0x10  }
0x1b0: {  	vm3 =	vmand vm3, vm2;
	vm9 =	vgt.s32 v39, v4;
	v39 =	vand.u32 $0x3, v42  }
0x1b1: {  	v36 =	vadd.s32 v9, v36;
	v56 =	vshra.s32 v38, $0x12;
	vm7 =	vgt.s32 v39, v4  }
0x1b2: {  	v57 =	vand.u32 $0xFFFF, v38;
	v38 =	vshrl.u32 v41, $0x10;
	v39 =	vperm.xlane v33, v11  }
0x1b3: {  	v47 =	vshra.s32 v41, $0x12;
	v45 =	vand.u32 $0xFFFF, v41;
	v38 =	vand.u32 $0x3, v38  }
0x1b4: {  	vm5 =	vgt.s32 v38, v4;
	v38 =	vperm.xlane v34, v19;
	v39 =	vmax.f32 v43, v39  }
0x1b5: {  	[tilespmem:v35+s28+$0x0] =	vst.idx.msk vm4, v39;
	v35 =	vperm.xlane v34, v20;
	v39 =	vperm.xlane v34, v21  }
0x1b6: {  	v41 =	vshrl.u32 v38, $0x10;
	v46 =	vshra.s32 v38, $0x12;
	v42 =	vand.u32 $0xFFFF, v38;
	v58 =	vld.idx.msk [tilespmem:v36+s26+$0x0], vm3  }
0x1b7: {  	vm2 =	vgt.s32 v40, v5;
	v38 =	vand.u32 $0x3, v41;
	v40 =	vshrl.u32 v35, $0x10  }
0x1b8: {  	vm11 =	vmand vm2, vm1;
	vm6 =	vgt.s32 v38, v4;
	v38 =	vand.u32 $0x3, v40  }
0x1b9: {  	v59 =	vadd.s32 v9, v37;
	v44 =	vshra.s32 v35, $0x12;
	vm4 =	vgt.s32 v38, v4  }
0x1ba: {  	v37 =	vperm.xlane v33, v12;
	v43 =	vand.u32 $0xFFFF, v35;
	v35 =	vshrl.u32 v39, $0x10  }
0x1bb: {  	v41 =	vshra.s32 v39, $0x12;
	v35 =	vand.u32 $0x3, v35;
	v40 =	vand.u32 $0xFFFF, v39  }
0x1bc: {  	vm2 =	vgt.s32 v35, v4;
	v38 =	vmax.f32 v58, v37;
	v37 =	vperm.xlane v34, v22  }
0x1bd: {  	v35 =	vperm.xlane v34, v23;
	v34 =	vperm.xlane v34, v24;
	[tilespmem:v36+s26+$0x0] =	vst.idx.msk vm3, v38  }
0x1be: {  	v36 =	vshrl.u32 v37, $0x10;
	v38 =	vand.u32 $0xFFFF, v37;
	v58 =	vld.idx.msk [tilespmem:v59+s28+$0x0], vm11  }
0x1bf: {  	vm1 =	vgt.s32 v48, v5;
	v39 =	vshrl.u32 v35, $0x10;
	v36 =	vand.u32 $0x3, v36  }
0x1c0: {  	vm12 =	vmand vm1, vm0;
	vm3 =	vgt.s32 v36, v4;
	v36 =	vand.u32 $0x3, v39  }
0x1c1: {  	v48 =	vadd.s32 v9, v49;
	v39 =	vshra.s32 v35, $0x12;
	vm1 =	vgt.s32 v36, v4  }
0x1c2: {  	v49 =	vperm.xlane v33, v10;
	v60 =	vshrl.u32 v34, $0x10;
	v36 =	vand.u32 $0xFFFF, v34  }
0x1c3: {  	v60 =	vand.u32 $0x3, v60  }
0x1c4: {  	vm0 =	vgt.s32 v60, v4;
	v49 =	vmax.f32 v58, v49  }
0x1c5: {  	[tilespmem:v59+s28+$0x0] =	vst.idx.msk vm11, v49  }
0x1c6: {  	v49 =	vld.idx.msk [tilespmem:v48+s26+$0x0], vm12  }
0x1c7: {  	vm11 =	vgt.s32 v50, v5  }
0x1c8: {  	vm10 =	vmand vm11, vm10  }
0x1c9: {  	v50 =	vadd.s32 v9, v51  }
0x1ca: {  	v51 =	vperm.xlane v33, v13;
	_ =	sdelay $0x1  }
0x1cb: {  	v49 =	vmax.f32 v49, v51  }
0x1cc: {  	[tilespmem:v48+s26+$0x0] =	vst.idx.msk vm12, v49  }
0x1cd: {  	v48 =	vld.idx.msk [tilespmem:v50+s28+$0x0], vm10  }
0x1ce: {  	vm11 =	vgt.s32 v52, v5  }
0x1cf: {  	vm8 =	vmand vm11, vm8  }
0x1d0: {  	v49 =	vadd.s32 v9, v53  }
0x1d1: {  	v51 =	vperm.xlane v33, v14;
	_ =	sdelay $0x1  }
0x1d2: {  	v48 =	vmax.f32 v48, v51  }
0x1d3: {  	[tilespmem:v50+s28+$0x0] =	vst.idx.msk vm10, v48  }
0x1d4: {  	v48 =	vld.idx.msk [tilespmem:v49+s26+$0x0], vm8  }
0x1d5: {  	vm10 =	vgt.s32 v54, v5  }
0x1d6: {  	vm9 =	vmand vm10, vm9  }
0x1d7: {  	v50 =	vadd.s32 v9, v55  }
0x1d8: {  	v51 =	vperm.xlane v33, v15;
	_ =	sdelay $0x1  }
0x1d9: {  	v48 =	vmax.f32 v48, v51  }
0x1da: {  	[tilespmem:v49+s26+$0x0] =	vst.idx.msk vm8, v48  }
0x1db: {  	v48 =	vld.idx.msk [tilespmem:v50+s28+$0x0], vm9  }
0x1dc: {  	vm8 =	vgt.s32 v56, v5  }
0x1dd: {  	vm7 =	vmand vm8, vm7  }
0x1de: {  	v49 =	vadd.s32 v9, v57  }
0x1df: {  	v51 =	vperm.xlane v33, v16;
	_ =	sdelay $0x1  }
0x1e0: {  	v48 =	vmax.f32 v48, v51  }
0x1e1: {  	[tilespmem:v50+s28+$0x0] =	vst.idx.msk vm9, v48  }
0x1e2: {  	v48 =	vld.idx.msk [tilespmem:v49+s26+$0x0], vm7  }
0x1e3: {  	vm8 =	vgt.s32 v47, v5  }
0x1e4: {  	vm5 =	vmand vm8, vm5  }
0x1e5: {  	v45 =	vadd.s32 v9, v45  }
0x1e6: {  	v47 =	vperm.xlane v33, v17;
	_ =	sdelay $0x1  }
0x1e7: {  	v47 =	vmax.f32 v48, v47  }
0x1e8: {  	[tilespmem:v49+s26+$0x0] =	vst.idx.msk vm7, v47  }
0x1e9: {  	v47 =	vld.idx.msk [tilespmem:v45+s28+$0x0], vm5  }
0x1ea: {  	vm7 =	vgt.s32 v46, v5  }
0x1eb: {  	vm6 =	vmand vm7, vm6  }
0x1ec: {  	v42 =	vadd.s32 v9, v42  }
0x1ed: {  	v46 =	vperm.xlane v33, v18;
	_ =	sdelay $0x1  }
0x1ee: {  	v46 =	vmax.f32 v47, v46  }
0x1ef: {  	[tilespmem:v45+s28+$0x0] =	vst.idx.msk vm5, v46  }
0x1f0: {  	v45 =	vld.idx.msk [tilespmem:v42+s26+$0x0], vm6  }
0x1f1: {  	vm5 =	vgt.s32 v44, v5  }
0x1f2: {  	vm4 =	vmand vm5, vm4  }
0x1f3: {  	v43 =	vadd.s32 v9, v43  }
0x1f4: {  	v44 =	vperm.xlane v33, v19;
	_ =	sdelay $0x1  }
0x1f5: {  	v44 =	vmax.f32 v45, v44  }
0x1f6: {  	[tilespmem:v42+s26+$0x0] =	vst.idx.msk vm6, v44  }
0x1f7: {  	v42 =	vld.idx.msk [tilespmem:v43+s28+$0x0], vm4  }
0x1f8: {  	vm5 =	vgt.s32 v41, v5  }
0x1f9: {  	vm2 =	vmand vm5, vm2  }
0x1fa: {  	v40 =	vadd.s32 v9, v40  }
0x1fb: {  	v41 =	vperm.xlane v33, v20;
	_ =	sdelay $0x1  }
0x1fc: {  	v41 =	vmax.f32 v42, v41  }
0x1fd: {  	[tilespmem:v43+s28+$0x0] =	vst.idx.msk vm4, v41  }
0x1fe: {  	v37 =	vshra.s32 v37, $0x12;
	v41 =	vld.idx.msk [tilespmem:v40+s26+$0x0], vm2  }
0x1ff: {  	vm4 =	vgt.s32 v37, v5  }
0x200: {  	vm3 =	vmand vm4, vm3  }
0x201: {  	v37 =	vadd.s32 v9, v38  }
0x202: {  	v38 =	vperm.xlane v33, v21;
	_ =	sdelay $0x1  }
0x203: {  	v38 =	vmax.f32 v41, v38  }
0x204: {  	[tilespmem:v40+s26+$0x0] =	vst.idx.msk vm2, v38  }
0x205: {  	v38 =	vld.idx.msk [tilespmem:v37+s28+$0x0], vm3  }
0x206: {  	vm2 =	vgt.s32 v39, v5  }
0x207: {  	v35 =	vand.u32 $0xFFFF, v35;
	vm1 =	vmand vm2, vm1  }
0x208: {  	v35 =	vadd.s32 v9, v35  }
0x209: {  	v39 =	vperm.xlane v33, v22;
	_ =	sdelay $0x1  }
0x20a: {  	v38 =	vmax.f32 v38, v39  }
0x20b: {  	[tilespmem:v37+s28+$0x0] =	vst.idx.msk vm3, v38  }
0x20c: {  	v34 =	vshra.s32 v34, $0x12;
	v37 =	vld.idx.msk [tilespmem:v35+s26+$0x0], vm1  }
0x20d: {  	vm2 =	vgt.s32 v34, v5  }
0x20e: {  	vm0 =	vmand vm2, vm0  }
0x20f: {  	v34 =	vadd.s32 v9, v36  }
0x210: {  	v36 =	vperm.xlane v33, v23;
	_ =	sdelay $0x1  }
0x211: {  	v36 =	vmax.f32 v37, v36  }
0x212: {  	[tilespmem:v35+s26+$0x0] =	vst.idx.msk vm1, v36  }
0x213: {  	v35 =	vld.idx.msk [tilespmem:v34+s28+$0x0], vm0;
	_ =	sdelay $0x1  }
.Ltmp10:
0x214: {  	(pc) =	sbr.rel @p0 .LBB2_15-.Ltmp10, $3  }
0x215: {  	_ = 	snop  }
0x216: {  	v33 =	vperm.xlane v33, v24;
	_ =	sdelay $0x1  }
0x217: {  	v33 =	vmax.f32 v35, v33  }
.LBB2_16:
0x218: {  	_ =	sdelay $0x4  }
0x219: {  	[tilespmem:v34+s28+$0x0] =	vst.idx.msk vm0, v33  }
.LBB2_17:
0x21a: {  	p0 =	seq.s32 s31, $0x7  }
0x21b: {  	s0 =	sadd.s32 @!p0 s0, s12  }
0x21c: {  	s0 =	sshrl.u32 @!p0 s0, $0x3  }
0x21d: {  	s1 =	simm.s32 @!p0 $0x0;
	s0 =	sadd.s32 @!p0 s4, s0  }
0x21e: {  	[tilespmem:s1], [sflag:$0x1] =	stream.linear.gather @!p0 [hbm4b:s0+s1], $0x800, $0x38;
	[tilespmem:$0x1CE00] =	vst v63  }
0x21f: {  	s8 =	simm.s32 @!p0 $0x800;
	s2 =	sadd.s32 @!p0 $0x1000, s0  }
0x220: {  	[tilespmem:s8], [sflag:$0x1] =	stream.linear.gather @!p0 [hbm4b:s2+s1], $0x800, $0x38;
	[tilespmem:$0x1CE00] =	vst v63  }
0x221: {  	s0 =	sadd.s32 @!p0 $0x2000, s0;
	s2 =	simm.s32 @!p0 $0x1000  }
0x222: {  	[tilespmem:s2], [sflag:$0x1] =	stream.linear.gather @!p0 [hbm4b:s0+s1], $0x800, $0x38;
	[tilespmem:$0x1CE00] =	vst v63  }
0x223: {  	_ =	swait.ge [sflag:s24], $0x800  }
0x224: {  	[sflag:s24] =	ssyncset.done $0x0  }
0x225: {  	[sflag:s24] =	ssyncadd.s32 $0xFFFFF800  }
0x226: {  	_ =	swait.ge [sflag:s24], $0x800  }
0x227: {  	[sflag:s24] =	ssyncset.done $0x0  }
0x228: {  	[sflag:s24] =	ssyncadd.s32 $0xFFFFF800  }
0x229: {  	_ =	swait.ge [sflag:s24], $0x800  }
0x22a: {  	[sflag:s24] =	ssyncset.done $0x0  }
0x22b: {  	s16 =	simm.s32 $0x0;
	[sflag:s24] =	ssyncadd.s32 $0xFFFFF800  }
0x22c: {  	v33 =	vld [tilespmem:s16+$0x1800]  }
0x22d: {  	v34 =	vld [tilespmem:s16+$0x2800];
	_ =	sdelay $0x3  }
0x22e: {  	v35 =	vld [tilespmem:s16+$0x2000];
	v36 =	vmul.f32 v33, v25;
	v33 =	vmul.f32 v33, v26  }
0x22f: {  	v37 =	vmul.f32 v34, v26;
	v34 =	vmul.f32 v34, v25;
	_ =	sdelay $0x1  }
0x230: {  	v36 =	vsub.f32 v36, v37;
	v33 =	vadd.f32 v34, v33;
	_ =	sdelay $0x1  }
0x231: {  	v52 =	vmul.f32 v35, v27;
	v53 =	vmul.f32 v33, v28;
	v38 =	vadd.f32 v36, v29  }
0x232: {  	v35 =	vmul.f32 v35, v28;
	v33 =	vmul.f32 v33, v27;
	v36 =	vadd.f32 v36, v30  }
0x233: {  	v34 =	vsub.f32 v52, v53;
	v54 =	vadd.f32 $1.000000000e+00, v38  }
0x234: {  	v33 =	vadd.f32 v33, v35;
	v55 =	vadd.f32 $1.000000000e+00, v36  }
0x235: {  	v56 =	vmul.f32 $5.000000000e-01, v54;
	v57 =	vadd.f32 v34, v29;
	v34 =	vadd.f32 v34, v30  }
0x236: {  	v33 =	vsub.f32 v33, v31;
	v35 =	vmul.f32 $5.000000000e-01, v55  }
0x237: {  	v36 =	vmul.f32 $2.230000000e+02, v56;
	v37 =	vadd.f32 $1.000000000e+00, v57;
	v34 =	vadd.f32 $1.000000000e+00, v34  }
0x238: {  	v33 =	vmul.f32 v33, v32;
	v35 =	vmul.f32 $2.230000000e+02, v35  }
0x239: {  	v37 =	vmul.f32 $5.000000000e-01, v37;
	v58 =	vmul.f32 $5.000000000e-01, v34;
	v59 =	vmax.f32 v36, $0.0e+00  }
0x23a: {  	vm0 =	vlt.f32 v36, $2.240000000e+02;
	v39 =	vmax.f32 v35, $0.0e+00;
	v60 =	vmin.f32 v59, $2.230000000e+02  }
0x23b: {  	v62 =	vmin.f32 v39, $2.230000000e+02;
	v34 =	vmul.f32 $2.230000000e+02, v37;
	v61 =	vmul.f32 $2.230000000e+02, v58  }
0x23c: {  	vm1 =	vgt.f32 v35, $-1.000000000e+00;
	v35 =	vtrunc.f32 v60;
	v36 =	vtrunc.f32 v62  }
0x23d: {  	vm2 =	vgt.f32 v61, $-1.000000000e+00;
	v63 =	vmax.f32 v34, $0.0e+00;
	v37 =	vmax.f32 v61, $0.0e+00  }
0x23e: {  	s0 =	simm.s32 $0x0;
	s1 =	simm.s32 $0x80;
	s2 =	simm.s32 $0x10;
	vm1 =	vmand vm1, vm2;
	v38 =	vmin.f32 v63, $2.230000000e+02;
	v37 =	vmin.f32 v37, $2.230000000e+02  }
.LBB2_18:
0x23f: {  	p0 =	sne.s32 s1, $0x1FC0;
	v36 =	vcvt.f32.s32 v36;
	v38 =	vtrunc.f32 v38;
	s8 =	smov.u32 s1;
	s1 =	sadd.s32 $0x40, s1  }
0x240: {  	vm0 =	vmand vm1, vm0;
	vm1 =	vlt.f32 v34, $2.240000000e+02;
	v34 =	vcvt.f32.s32 v38  }
0x241: {  	v35 =	vcvt.f32.s32 v35;
	v37 =	vtrunc.f32 v37;
	vm0 =	vmand vm1, vm0  }
0x242: {  	v37 =	vcvt.f32.s32 v37;
	v39 =	vmpcnt.ones.xlane vm0;
	v38 =	vmul.u32 $0xE0, v34  }
0x243: {  	v33 =	vmul.f32 $6.999999880e-01, v33;
	v36 =	vsub.s32 v36, v35  }
0x244: {  	v36 =	vshll.u32 v36, $0x10;
	v34 =	vsub.s32 v37, v34;
	v35 =	vadd.s32 v35, v38  }
0x245: {  	v34 =	vshll.u32 v34, $0x12;
	v35 =	vor.u32 v36, v35;
	(v2sf) =	vpush v39, $0x0  }
0x246: {  	v33 =	vadd.f32 $3.000000120e-01, v33;
	v34 =	vor.u32 v34, v35  }
0x247: {  	[tilespmem:s0+$0x3000] =	vst.msk vm0, v34  }
0x248: {  	[tilespmem:s0+$0x3880] =	vst.msk vm0, v33  }
0x249: {  	v33 =	vld [tilespmem:s2+$0x1800]  }
0x24a: {  	v34 =	vld [tilespmem:s2+$0x2800];
	_ =	sdelay $0x1  }
0x24b: {  	v35 =	vld [tilespmem:s2+$0x2000];
	_ =	sdelay $0x1  }
0x24c: {  	v36 =	vmul.f32 v33, v25;
	v33 =	vmul.f32 v33, v26  }
0x24d: {  	v37 =	vmul.f32 v34, v26;
	v34 =	vmul.f32 v34, v25;
	_ =	sdelay $0x1  }
0x24e: {  	v36 =	vsub.f32 v36, v37;
	v33 =	vadd.f32 v34, v33;
	_ =	sdelay $0x1  }
0x24f: {  	v34 =	vmul.f32 v35, v27;
	v37 =	vmul.f32 v33, v28;
	v38 =	vadd.f32 v36, v29  }
0x250: {  	v35 =	vmul.f32 v35, v28;
	v33 =	vmul.f32 v33, v27;
	v36 =	vadd.f32 v36, v30;
	s2 =	spop (v2sf)  }
0x251: {  	v34 =	vsub.f32 v34, v37;
	v37 =	vadd.f32 $1.000000000e+00, v38;
	s0 =	sadd.s32 s0, s2  }
0x252: {  	v33 =	vadd.f32 v33, v35;
	v35 =	vadd.f32 $1.000000000e+00, v36  }
0x253: {  	s2 =	sshra.s32 s8, $0x2;
	v36 =	vmul.f32 $5.000000000e-01, v37;
	v37 =	vadd.f32 v34, v29;
	v34 =	vadd.f32 v34, v30  }
0x254: {  	v33 =	vsub.f32 v33, v31;
	v35 =	vmul.f32 $5.000000000e-01, v35  }
0x255: {  	v36 =	vmul.f32 $2.230000000e+02, v36;
	v37 =	vadd.f32 $1.000000000e+00, v37;
	v34 =	vadd.f32 $1.000000000e+00, v34  }
0x256: {  	v33 =	vmul.f32 v33, v32;
	v35 =	vmul.f32 $2.230000000e+02, v35  }
0x257: {  	v37 =	vmul.f32 $5.000000000e-01, v37;
	v38 =	vmul.f32 $5.000000000e-01, v34;
	v34 =	vmax.f32 v36, $0.0e+00  }
.Ltmp11:
0x258: {  	vm0 =	vlt.f32 v36, $2.240000000e+02;
	v39 =	vmax.f32 v35, $0.0e+00;
	v36 =	vmin.f32 v34, $2.230000000e+02;
	(pc) =	sbr.rel @p0 .LBB2_18-.Ltmp11, $4  }
0x259: {  	v34 =	vmul.f32 $2.230000000e+02, v37;
	v37 =	vmul.f32 $2.230000000e+02, v38;
	v38 =	vmin.f32 v39, $2.230000000e+02  }
0x25a: {  	vm1 =	vgt.f32 v35, $-1.000000000e+00;
	v35 =	vtrunc.f32 v36;
	v36 =	vtrunc.f32 v38  }
0x25b: {  	vm2 =	vgt.f32 v37, $-1.000000000e+00;
	v38 =	vmax.f32 v34, $0.0e+00;
	v37 =	vmax.f32 v37, $0.0e+00  }
0x25c: {  	vm1 =	vmand vm1, vm2;
	v38 =	vmin.f32 v38, $2.230000000e+02;
	v37 =	vmin.f32 v37, $2.230000000e+02  }
0x25d: {  	v38 =	vtrunc.f32 v38  }
0x25e: {  	v36 =	vcvt.f32.s32 v36;
	v38 =	vcvt.f32.s32 v38  }
0x25f: {  	v35 =	vcvt.f32.s32 v35;
	v37 =	vtrunc.f32 v37  }
0x260: {  	v37 =	vcvt.f32.s32 v37;
	v39 =	vmul.u32 $0xE0, v38  }
0x261: {  	vm0 =	vmand vm1, vm0;
	v33 =	vmul.f32 $6.999999880e-01, v33;
	v36 =	vsub.s32 v36, v35  }
0x262: {  	v36 =	vshll.u32 v36, $0x10;
	v37 =	vsub.s32 v37, v38;
	v35 =	vadd.s32 v35, v39  }
0x263: {  	vm11 =	vlt.f32 v34, $2.240000000e+02;
	v52 =	vshll.u32 v37, $0x12;
	v51 =	vor.u32 v36, v35  }
0x264: {  	vm0 =	vmand vm11, vm0;
	v33 =	vadd.f32 $3.000000120e-01, v33;
	v34 =	vor.u32 v52, v51  }
0x265: {  	[tilespmem:s0+$0x3000] =	vst.msk vm0, v34  }
0x266: {  	[tilespmem:s0+$0x3880] =	vst.msk vm0, v33  }
0x267: {  	v33 =	vld [tilespmem:s2+$0x1800]  }
0x268: {  	v34 =	vld [tilespmem:s2+$0x2800];
	_ =	sdelay $0x3  }
0x269: {  	v53 =	vld [tilespmem:s2+$0x2000]  }
0x26a: {  	v54 =	vmul.f32 v33, v26;
	v55 =	vmul.f32 v34, v25;
	_ =	sdelay $0x1  }
0x26b: {  	v36 =	vadd.f32 v55, v54  }
0x26c: {  	v33 =	vmul.f32 v33, v25;
	v34 =	vmul.f32 v34, v26  }
0x26d: {  	v56 =	vmul.f32 v53, v27;
	v57 =	vmul.f32 v36, v28  }
0x26e: {  	v33 =	vsub.f32 v33, v34  }
0x26f: {  	v58 =	vsub.f32 v56, v57  }
0x270: {  	v59 =	vadd.f32 v33, v30  }
0x271: {  	v38 =	vadd.f32 v58, v30  }
0x272: {  	v33 =	vadd.f32 v33, v29;
	v37 =	vadd.f32 $1.000000000e+00, v59  }
0x273: {  	v34 =	vadd.f32 v58, v29;
	v38 =	vadd.f32 $1.000000000e+00, v38  }
0x274: {  	v33 =	vadd.f32 $1.000000000e+00, v33;
	v37 =	vmul.f32 $5.000000000e-01, v37  }
0x275: {  	v34 =	vadd.f32 $1.000000000e+00, v34;
	v38 =	vmul.f32 $5.000000000e-01, v38  }
0x276: {  	v33 =	vmul.f32 $5.000000000e-01, v33;
	v37 =	vmul.f32 $2.230000000e+02, v37  }
0x277: {  	v34 =	vmul.f32 $5.000000000e-01, v34;
	v38 =	vmul.f32 $2.230000000e+02, v38  }
0x278: {  	v33 =	vmul.f32 $2.230000000e+02, v33  }
0x279: {  	vm12 =	vgt.f32 v37, $-1.000000000e+00;
	v34 =	vmul.f32 $2.230000000e+02, v34;
	vm2 =	vgt.f32 v38, $-1.000000000e+00  }
0x27a: {  	vm13 =	vlt.f32 v33, $2.240000000e+02;
	vm1 =	vmand vm12, vm2  }
0x27b: {  	vm14 =	vlt.f32 v34, $2.240000000e+02;
	vm1 =	vmand vm1, vm13  }
0x27c: {  	v60 =	vmpcnt.ones.xlane vm0;
	vm15 =	vmand vm14, vm1  }
0x27d: {  	v40 =	vmpcnt.ones.xlane vm15  }
0x27e: {  	(v2sf) =	vpush v60, $0x0  }
0x27f: {  	(v2sf) =	vpush v40, $0x0;
	_ =	sdelay $0x9  }
0x280: {  	v35 =	vmul.f32 v53, v28;
	v36 =	vmul.f32 v36, v27;
	_ =	sdelay $0x1  }
0x281: {  	v35 =	vadd.f32 v36, v35;
	_ =	sdelay $0x1  }
0x282: {  	s1 =	spop (v2sf);
	v35 =	vsub.f32 v35, v31  }
0x283: {  	s0 =	sadd.s32 s0, s1;
	s8 =	spop (v2sf)  }
0x284: {  	v35 =	vmul.f32 v35, v32;
	v33 =	vmax.f32 v33, $0.0e+00;
	s1 =	sadd.s32 s0, s8  }
0x285: {  	v61 =	vmax.f32 v37, $0.0e+00;
	v33 =	vmin.f32 v33, $2.230000000e+02;
	v34 =	vmax.f32 v34, $0.0e+00;
	s2 =	sadd.s32 $0xF, s1  }
0x286: {  	v36 =	vmin.f32 v61, $2.230000000e+02;
	v33 =	vtrunc.f32 v33;
	v34 =	vmin.f32 v34, $2.230000000e+02;
	s8 =	sand.u32 $0xF, s2  }
0x287: {  	v36 =	vtrunc.f32 v36;
	v62 =	vmax.f32 v38, $0.0e+00;
	v34 =	vtrunc.f32 v34;
	s16 =	sshra.s32 s2, $0x1F;
	p1 =	slt.s32 s2, $0x1;
	p0 =	sne.s32 s8, $0x0  }
0x288: {  	v36 =	vcvt.f32.s32 v36;
	v37 =	vmin.f32 v62, $2.230000000e+02;
	v34 =	vcvt.f32.s32 v34;
	s8 =	sshrl.u32 s16, $0x1C;
	p0 =	por !p1, !p0  }
0x289: {  	v33 =	vcvt.f32.s32 v33;
	v37 =	vtrunc.f32 v37;
	s2 =	sadd.s32 s8, s2;
	s8 =	simm.s32 $0x1;
	p0 =	por !p0, !p0  }
0x28a: {  	v37 =	vcvt.f32.s32 v37;
	v63 =	vmul.u32 $0xE0, v34;
	s2 =	sshra.s32 s2, $0x4;
	s8 =	simm.s32 @!p0 $0x0  }
0x28b: {  	v35 =	vmul.f32 $6.999999880e-01, v35;
	v36 =	vsub.s32 v36, v33;
	s2 =	ssub.s32 s2, s8  }
0x28c: {  	v36 =	vshll.u32 v36, $0x10;
	v34 =	vsub.s32 v37, v34;
	v33 =	vadd.s32 v33, v63;
	p0 =	slt.s32 s2, $0x1  }
.Ltmp12:
0x28d: {  	v34 =	vshll.u32 v34, $0x12;
	v33 =	vor.u32 v36, v33;
	(pc) =	sbr.rel @p0 .LBB2_23-.Ltmp12, $4  }
0x28e: {  	v35 =	vadd.f32 $3.000000120e-01, v35;
	v33 =	vor.u32 v34, v33  }
0x28f: {  	[tilespmem:s0+$0x3000] =	vst.msk vm15, v33  }
0x290: {  	[tilespmem:s0+$0x3880] =	vst.msk vm15, v35  }
0x291: {  	[tilespmem:s1+$0x3000] =	vst v7  }
0x292: {  	s0 =	simm.s32 $0x3000  }
0x293: {  	v34 =	vld [tilespmem:s0+$0x0];
	_ =	sdelay $0x4  }
0x294: {  	v33 =	vperm.xlane v34, v8;
	_ =	sdelay $0x1  }
0x295: {  	v35 =	vshrl.u32 v33, $0x10  }
0x296: {  	v36 =	vshra.s32 v33, $0x12;
	v35 =	vand.u32 $0x3, v35  }
0x297: {  	vm1 =	vgt.s32 v36, v5;
	vm0 =	vgt.s32 v35, v4  }
0x298: {  	v33 =	vand.u32 $0xFFFF, v33;
	vm0 =	vmand vm1, vm0  }
0x299: {  	v45 =	vadd.s32 v9, v33  }
0x29a: {  	v46 =	vperm.xlane v34, v11  }
0x29b: {  	s1 =	simm.s32 $0x3880  }
0x29c: {  	v37 =	vshrl.u32 v46, $0x10;
	v33 =	vld [tilespmem:s1+$0x0]  }
0x29d: {  	v38 =	vshra.s32 v46, $0x12;
	v37 =	vand.u32 $0x3, v37  }
0x29e: {  	vm2 =	vgt.s32 v38, v5;
	vm1 =	vgt.s32 v37, v4;
	v47 =	vld.idx.msk [tilespmem:v45+s26+$0x0], vm0  }
0x29f: {  	v36 =	vand.u32 $0xFFFF, v46;
	vm1 =	vmand vm2, vm1  }
0x2a0: {  	v36 =	vadd.s32 v9, v36  }
0x2a1: {  	v48 =	vperm.xlane v34, v12;
	v39 =	vperm.xlane v33, v8;
	_ =	sdelay $0x1  }
0x2a2: {  	v40 =	vshrl.u32 v48, $0x10;
	v37 =	vmax.f32 v47, v39  }
0x2a3: {  	v49 =	vshra.s32 v48, $0x12;
	v40 =	vand.u32 $0x3, v40;
	[tilespmem:v45+s26+$0x0] =	vst.idx.msk vm0, v37  }
0x2a4: {  	vm2 =	vgt.s32 v49, v5;
	vm0 =	vgt.s32 v40, v4;
	v35 =	vld.idx.msk [tilespmem:v36+s28+$0x0], vm1  }
0x2a5: {  	v50 =	vand.u32 $0xFFFF, v48;
	vm0 =	vmand vm2, vm0  }
0x2a6: {  	v37 =	vadd.s32 v9, v50  }
0x2a7: {  	v51 =	vperm.xlane v34, v10;
	v52 =	vperm.xlane v33, v11;
	_ =	sdelay $0x1  }
0x2a8: {  	v53 =	vshrl.u32 v51, $0x10;
	v35 =	vmax.f32 v35, v52  }
0x2a9: {  	v55 =	vshra.s32 v51, $0x12;
	v54 =	vand.u32 $0x3, v53;
	[tilespmem:v36+s28+$0x0] =	vst.idx.msk vm1, v35  }
0x2aa: {  	vm2 =	vgt.s32 v55, v5;
	vm1 =	vgt.s32 v54, v4;
	v35 =	vld.idx.msk [tilespmem:v37+s26+$0x0], vm0  }
0x2ab: {  	v56 =	vand.u32 $0xFFFF, v51;
	vm1 =	vmand vm2, vm1  }
0x2ac: {  	v36 =	vadd.s32 v9, v56  }
0x2ad: {  	v57 =	vperm.xlane v34, v13;
	v58 =	vperm.xlane v33, v12;
	_ =	sdelay $0x1  }
0x2ae: {  	v59 =	vshrl.u32 v57, $0x10;
	v35 =	vmax.f32 v35, v58  }
0x2af: {  	v60 =	vshra.s32 v57, $0x12;
	v40 =	vand.u32 $0x3, v59;
	[tilespmem:v37+s26+$0x0] =	vst.idx.msk vm0, v35  }
0x2b0: {  	vm2 =	vgt.s32 v60, v5;
	vm0 =	vgt.s32 v40, v4;
	v35 =	vld.idx.msk [tilespmem:v36+s28+$0x0], vm1  }
0x2b1: {  	v61 =	vand.u32 $0xFFFF, v57;
	vm0 =	vmand vm2, vm0  }
0x2b2: {  	v37 =	vadd.s32 v9, v61  }
0x2b3: {  	v62 =	vperm.xlane v34, v14;
	v63 =	vperm.xlane v33, v10;
	_ =	sdelay $0x1  }
0x2b4: {  	v44 =	vshrl.u32 v62, $0x10;
	v35 =	vmax.f32 v35, v63  }
0x2b5: {  	v46 =	vshra.s32 v62, $0x12;
	v45 =	vand.u32 $0x3, v44;
	[tilespmem:v36+s28+$0x0] =	vst.idx.msk vm1, v35  }
0x2b6: {  	vm2 =	vgt.s32 v46, v5;
	vm1 =	vgt.s32 v45, v4;
	v35 =	vld.idx.msk [tilespmem:v37+s26+$0x0], vm0  }
0x2b7: {  	v47 =	vand.u32 $0xFFFF, v62;
	vm1 =	vmand vm2, vm1  }
0x2b8: {  	v36 =	vadd.s32 v9, v47  }
0x2b9: {  	v48 =	vperm.xlane v34, v15;
	v49 =	vperm.xlane v33, v13;
	_ =	sdelay $0x1  }
0x2ba: {  	v50 =	vshrl.u32 v48, $0x10;
	v35 =	vmax.f32 v35, v49  }
0x2bb: {  	v51 =	vand.u32 $0x3, v50;
	v52 =	vshra.s32 v48, $0x12;
	[tilespmem:v37+s26+$0x0] =	vst.idx.msk vm0, v35  }
0x2bc: {  	vm2 =	vgt.s32 v52, v5;
	vm0 =	vgt.s32 v51, v4;
	v35 =	vld.idx.msk [tilespmem:v36+s28+$0x0], vm1  }
0x2bd: {  	v53 =	vand.u32 $0xFFFF, v48;
	vm0 =	vmand vm2, vm0  }
0x2be: {  	v37 =	vadd.s32 v9, v53  }
0x2bf: {  	v55 =	vperm.xlane v33, v14;
	v54 =	vperm.xlane v34, v16;
	_ =	sdelay $0x1  }
0x2c0: {  	v56 =	vshrl.u32 v54, $0x10;
	v35 =	vmax.f32 v35, v55  }
0x2c1: {  	v57 =	vshra.s32 v54, $0x12;
	v40 =	vand.u32 $0x3, v56;
	[tilespmem:v36+s28+$0x0] =	vst.idx.msk vm1, v35  }
0x2c2: {  	vm2 =	vgt.s32 v57, v5;
	vm1 =	vgt.s32 v40, v4;
	v35 =	vld.idx.msk [tilespmem:v37+s26+$0x0], vm0  }
0x2c3: {  	v58 =	vand.u32 $0xFFFF, v54;
	vm1 =	vmand vm2, vm1  }
0x2c4: {  	v36 =	vadd.s32 v9, v58  }
0x2c5: {  	v59 =	vperm.xlane v34, v17;
	v60 =	vperm.xlane v33, v15;
	_ =	sdelay $0x1  }
0x2c6: {  	v61 =	vshrl.u32 v59, $0x10;
	v35 =	vmax.f32 v35, v60  }
0x2c7: {  	v62 =	vand.u32 $0x3, v61;
	v63 =	vshra.s32 v59, $0x12;
	[tilespmem:v37+s26+$0x0] =	vst.idx.msk vm0, v35  }
0x2c8: {  	vm2 =	vgt.s32 v63, v5;
	vm0 =	vgt.s32 v62, v4;
	v35 =	vld.idx.msk [tilespmem:v36+s28+$0x0], vm1  }
0x2c9: {  	v43 =	vand.u32 $0xFFFF, v59;
	vm0 =	vmand vm2, vm0  }
0x2ca: {  	v37 =	vadd.s32 v9, v43  }
0x2cb: {  	v44 =	vperm.xlane v34, v18;
	v45 =	vperm.xlane v33, v16;
	_ =	sdelay $0x1  }
0x2cc: {  	v46 =	vshrl.u32 v44, $0x10;
	v35 =	vmax.f32 v35, v45  }
0x2cd: {  	v48 =	vshra.s32 v44, $0x12;
	v47 =	vand.u32 $0x3, v46;
	[tilespmem:v36+s28+$0x0] =	vst.idx.msk vm1, v35  }
0x2ce: {  	vm2 =	vgt.s32 v48, v5;
	vm1 =	vgt.s32 v47, v4;
	v35 =	vld.idx.msk [tilespmem:v37+s26+$0x0], vm0  }
0x2cf: {  	v49 =	vand.u32 $0xFFFF, v44;
	vm1 =	vmand vm2, vm1  }
0x2d0: {  	v36 =	vadd.s32 v9, v49  }
0x2d1: {  	v50 =	vperm.xlane v34, v19;
	v51 =	vperm.xlane v33, v17;
	_ =	sdelay $0x1  }
0x2d2: {  	v52 =	vshrl.u32 v50, $0x10;
	v35 =	vmax.f32 v35, v51  }
0x2d3: {  	v53 =	vshra.s32 v50, $0x12;
	v40 =	vand.u32 $0x3, v52;
	[tilespmem:v37+s26+$0x0] =	vst.idx.msk vm0, v35  }
0x2d4: {  	vm2 =	vgt.s32 v53, v5;
	vm0 =	vgt.s32 v40, v4;
	v35 =	vld.idx.msk [tilespmem:v36+s28+$0x0], vm1  }
0x2d5: {  	v54 =	vand.u32 $0xFFFF, v50;
	vm0 =	vmand vm2, vm0  }
0x2d6: {  	v37 =	vadd.s32 v9, v54  }
0x2d7: {  	v56 =	vperm.xlane v33, v18;
	v55 =	vperm.xlane v34, v20;
	_ =	sdelay $0x1  }
0x2d8: {  	v57 =	vshrl.u32 v55, $0x10;
	v35 =	vmax.f32 v35, v56  }
0x2d9: {  	v59 =	vshra.s32 v55, $0x12;
	v58 =	vand.u32 $0x3, v57;
	[tilespmem:v36+s28+$0x0] =	vst.idx.msk vm1, v35  }
0x2da: {  	vm2 =	vgt.s32 v59, v5;
	vm1 =	vgt.s32 v58, v4;
	v35 =	vld.idx.msk [tilespmem:v37+s26+$0x0], vm0  }
0x2db: {  	v60 =	vand.u32 $0xFFFF, v55;
	vm1 =	vmand vm2, vm1  }
0x2dc: {  	v36 =	vadd.s32 v9, v60  }
0x2dd: {  	v61 =	vperm.xlane v34, v21;
	v62 =	vperm.xlane v33, v19;
	_ =	sdelay $0x1  }
0x2de: {  	v63 =	vshrl.u32 v61, $0x10;
	v35 =	vmax.f32 v35, v62  }
0x2df: {  	v44 =	vand.u32 $0x3, v63;
	v45 =	vshra.s32 v61, $0x12;
	[tilespmem:v37+s26+$0x0] =	vst.idx.msk vm0, v35  }
0x2e0: {  	vm2 =	vgt.s32 v45, v5;
	vm0 =	vgt.s32 v44, v4;
	v35 =	vld.idx.msk [tilespmem:v36+s28+$0x0], vm1  }
0x2e1: {  	v46 =	vand.u32 $0xFFFF, v61;
	vm0 =	vmand vm2, vm0  }
0x2e2: {  	v37 =	vadd.s32 v9, v46  }
0x2e3: {  	v48 =	vperm.xlane v33, v20;
	v47 =	vperm.xlane v34, v22;
	_ =	sdelay $0x1  }
0x2e4: {  	v49 =	vshrl.u32 v47, $0x10;
	v35 =	vmax.f32 v35, v48  }
0x2e5: {  	v50 =	vand.u32 $0x3, v49;
	v51 =	vshra.s32 v47, $0x12;
	[tilespmem:v36+s28+$0x0] =	vst.idx.msk vm1, v35  }
0x2e6: {  	vm2 =	vgt.s32 v51, v5;
	vm1 =	vgt.s32 v50, v4;
	v36 =	vld.idx.msk [tilespmem:v37+s26+$0x0], vm0  }
0x2e7: {  	v52 =	vand.u32 $0xFFFF, v47;
	vm1 =	vmand vm2, vm1  }
0x2e8: {  	v35 =	vadd.s32 v9, v52  }
0x2e9: {  	v53 =	vperm.xlane v34, v23;
	v54 =	vperm.xlane v33, v21;
	_ =	sdelay $0x1  }
0x2ea: {  	v55 =	vshrl.u32 v53, $0x10;
	v36 =	vmax.f32 v36, v54  }
0x2eb: {  	v57 =	vshra.s32 v53, $0x12;
	v56 =	vand.u32 $0x3, v55;
	[tilespmem:v37+s26+$0x0] =	vst.idx.msk vm0, v36  }
0x2ec: {  	vm2 =	vgt.s32 v57, v5;
	vm0 =	vgt.s32 v56, v4;
	v36 =	vld.idx.msk [tilespmem:v35+s28+$0x0], vm1  }
0x2ed: {  	v58 =	vand.u32 $0xFFFF, v53;
	vm2 =	vmand vm2, vm0  }
0x2ee: {  	v37 =	vadd.s32 v9, v58  }
0x2ef: {  	v34 =	vperm.xlane v34, v24;
	v59 =	vperm.xlane v33, v22;
	_ =	sdelay $0x1  }
0x2f0: {  	v60 =	vshrl.u32 v34, $0x10;
	v36 =	vmax.f32 v36, v59  }
0x2f1: {  	v61 =	vand.u32 $0x3, v60;
	v62 =	vshra.s32 v34, $0x12;
	[tilespmem:v35+s28+$0x0] =	vst.idx.msk vm1, v36  }
0x2f2: {  	vm0 =	vgt.s32 v61, v4;
	vm1 =	vgt.s32 v62, v5;
	v36 =	vld.idx.msk [tilespmem:v37+s26+$0x0], vm2  }
0x2f3: {  	v34 =	vand.u32 $0xFFFF, v34;
	vm0 =	vmand vm1, vm0  }
0x2f4: {  	v34 =	vadd.s32 v9, v34  }
0x2f5: {  	v63 =	vperm.xlane v33, v23;
	_ =	sdelay $0x1  }
0x2f6: {  	v35 =	vmax.f32 v36, v63  }
0x2f7: {  	[tilespmem:v37+s26+$0x0] =	vst.idx.msk vm2, v35  }
0x2f8: {  	p0 =	sne.s32 s2, $0x1;
	v35 =	vld.idx.msk [tilespmem:v34+s28+$0x0], vm0  }
.Ltmp13:
0x2f9: {  	_ = 	snop;
	(pc) =	sbr.rel @!p0 .LBB2_22-.Ltmp13, $3  }
0x2fa: {  	_ = 	snop  }
0x2fb: {  	v33 =	vperm.xlane v33, v24;
	_ =	sdelay $0x1  }
0x2fc: {  	s2 =	sadd.s32 $0xFFFFFFFF, s2;
	v33 =	vmax.f32 v35, v33  }
.LBB2_21:
0x2fd: {  	p0 =	sne.s32 s2, $0x1;
	[tilespmem:v34+s28+$0x0] =	vst.idx.msk vm0, v33;
	s0 =	sadd.s32 $0x10, s0;
	s1 =	sadd.s32 $0x10, s1  }
0x2fe: {  	s2 =	sadd.s32 $0xFFFFFFFF, s2;
	v34 =	vld [tilespmem:s0+$0x0];
	_ =	sdelay $0x4  }
0x2ff: {  	v33 =	vperm.xlane v34, v8;
	v35 =	vperm.xlane v34, v11  }
0x300: {  	v36 =	vperm.xlane v34, v12;
	v37 =	vperm.xlane v34, v10  }
0x301: {  	v38 =	vshrl.u32 v33, $0x10;
	v39 =	vshra.s32 v33, $0x12;
	v33 =	vand.u32 $0xFFFF, v33  }
0x302: {  	v40 =	vshrl.u32 v35, $0x10;
	v41 =	vshra.s32 v35, $0x12;
	v38 =	vand.u32 $0x3, v38  }
0x303: {  	vm1 =	vgt.s32 v39, v5;
	vm0 =	vgt.s32 v38, v4;
	v38 =	vand.u32 $0x3, v40  }
0x304: {  	v35 =	vand.u32 $0xFFFF, v35;
	vm3 =	vmand vm1, vm0;
	vm0 =	vgt.s32 v38, v4  }
0x305: {  	v39 =	vshra.s32 v36, $0x12;
	v38 =	vadd.s32 v9, v33;
	v33 =	vshrl.u32 v36, $0x10  }
0x306: {  	v40 =	vshrl.u32 v37, $0x10;
	v36 =	vand.u32 $0xFFFF, v36;
	v33 =	vand.u32 $0x3, v33  }
0x307: {  	vm2 =	vgt.s32 v33, v4;
	v33 =	vand.u32 $0x3, v40;
	v40 =	vshra.s32 v37, $0x12  }
0x308: {  	v42 =	vperm.xlane v34, v13;
	v37 =	vand.u32 $0xFFFF, v37;
	vm1 =	vgt.s32 v33, v4  }
0x309: {  	v43 =	vperm.xlane v34, v14;
	v44 =	vperm.xlane v34, v15;
	v33 =	vld [tilespmem:s1+$0x0]  }
0x30a: {  	v46 =	vshrl.u32 v42, $0x10;
	v48 =	vshra.s32 v42, $0x12;
	v49 =	vand.u32 $0xFFFF, v42;
	v45 =	vld.idx.msk [tilespmem:v38+s26+$0x0], vm3  }
0x30b: {  	v42 =	vshrl.u32 v43, $0x10;
	vm4 =	vgt.s32 v41, v5;
	v41 =	vand.u32 $0x3, v46  }
0x30c: {  	vm4 =	vmand vm4, vm0;
	vm0 =	vgt.s32 v41, v4;
	v41 =	vand.u32 $0x3, v42  }
0x30d: {  	v50 =	vshra.s32 v43, $0x12;
	v35 =	vadd.s32 v9, v35;
	vm10 =	vgt.s32 v41, v4  }
0x30e: {  	v51 =	vand.u32 $0xFFFF, v43;
	v42 =	vshrl.u32 v44, $0x10;
	v41 =	vperm.xlane v33, v8  }
0x30f: {  	v52 =	vshra.s32 v44, $0x12;
	v53 =	vand.u32 $0xFFFF, v44;
	v42 =	vand.u32 $0x3, v42  }
0x310: {  	vm8 =	vgt.s32 v42, v4;
	v42 =	vperm.xlane v34, v16;
	v41 =	vmax.f32 v45, v41  }
0x311: {  	[tilespmem:v38+s26+$0x0] =	vst.idx.msk vm3, v41;
	v38 =	vperm.xlane v34, v17;
	v41 =	vperm.xlane v34, v18  }
0x312: {  	v44 =	vshrl.u32 v42, $0x10;
	v54 =	vshra.s32 v42, $0x12;
	v55 =	vand.u32 $0xFFFF, v42;
	v43 =	vld.idx.msk [tilespmem:v35+s28+$0x0], vm4  }
0x313: {  	vm3 =	vgt.s32 v39, v5;
	v39 =	vand.u32 $0x3, v44;
	v42 =	vshrl.u32 v38, $0x10  }
0x314: {  	vm3 =	vmand vm3, vm2;
	vm9 =	vgt.s32 v39, v4;
	v39 =	vand.u32 $0x3, v42  }
0x315: {  	v36 =	vadd.s32 v9, v36;
	v56 =	vshra.s32 v38, $0x12;
	vm7 =	vgt.s32 v39, v4  }
0x316: {  	v57 =	vand.u32 $0xFFFF, v38;
	v38 =	vshrl.u32 v41, $0x10;
	v39 =	vperm.xlane v33, v11  }
0x317: {  	v47 =	vshra.s32 v41, $0x12;
	v45 =	vand.u32 $0xFFFF, v41;
	v38 =	vand.u32 $0x3, v38  }
0x318: {  	vm5 =	vgt.s32 v38, v4;
	v38 =	vperm.xlane v34, v19;
	v39 =	vmax.f32 v43, v39  }
0x319: {  	[tilespmem:v35+s28+$0x0] =	vst.idx.msk vm4, v39;
	v35 =	vperm.xlane v34, v20;
	v39 =	vperm.xlane v34, v21  }
0x31a: {  	v41 =	vshrl.u32 v38, $0x10;
	v46 =	vshra.s32 v38, $0x12;
	v42 =	vand.u32 $0xFFFF, v38;
	v58 =	vld.idx.msk [tilespmem:v36+s26+$0x0], vm3  }
0x31b: {  	vm2 =	vgt.s32 v40, v5;
	v38 =	vand.u32 $0x3, v41;
	v40 =	vshrl.u32 v35, $0x10  }
0x31c: {  	vm11 =	vmand vm2, vm1;
	vm6 =	vgt.s32 v38, v4;
	v38 =	vand.u32 $0x3, v40  }
0x31d: {  	v59 =	vadd.s32 v9, v37;
	v44 =	vshra.s32 v35, $0x12;
	vm4 =	vgt.s32 v38, v4  }
0x31e: {  	v37 =	vperm.xlane v33, v12;
	v43 =	vand.u32 $0xFFFF, v35;
	v35 =	vshrl.u32 v39, $0x10  }
0x31f: {  	v41 =	vshra.s32 v39, $0x12;
	v35 =	vand.u32 $0x3, v35;
	v40 =	vand.u32 $0xFFFF, v39  }
0x320: {  	vm2 =	vgt.s32 v35, v4;
	v38 =	vmax.f32 v58, v37;
	v37 =	vperm.xlane v34, v22  }
0x321: {  	v35 =	vperm.xlane v34, v23;
	v34 =	vperm.xlane v34, v24;
	[tilespmem:v36+s26+$0x0] =	vst.idx.msk vm3, v38  }
0x322: {  	v36 =	vshrl.u32 v37, $0x10;
	v38 =	vand.u32 $0xFFFF, v37;
	v58 =	vld.idx.msk [tilespmem:v59+s28+$0x0], vm11  }
0x323: {  	vm1 =	vgt.s32 v48, v5;
	v39 =	vshrl.u32 v35, $0x10;
	v36 =	vand.u32 $0x3, v36  }
0x324: {  	vm12 =	vmand vm1, vm0;
	vm3 =	vgt.s32 v36, v4;
	v36 =	vand.u32 $0x3, v39  }
0x325: {  	v48 =	vadd.s32 v9, v49;
	v39 =	vshra.s32 v35, $0x12;
	vm1 =	vgt.s32 v36, v4  }
0x326: {  	v49 =	vperm.xlane v33, v10;
	v60 =	vshrl.u32 v34, $0x10;
	v36 =	vand.u32 $0xFFFF, v34  }
0x327: {  	v60 =	vand.u32 $0x3, v60  }
0x328: {  	vm0 =	vgt.s32 v60, v4;
	v49 =	vmax.f32 v58, v49  }
0x329: {  	[tilespmem:v59+s28+$0x0] =	vst.idx.msk vm11, v49  }
0x32a: {  	v49 =	vld.idx.msk [tilespmem:v48+s26+$0x0], vm12  }
0x32b: {  	vm11 =	vgt.s32 v50, v5  }
0x32c: {  	vm10 =	vmand vm11, vm10  }
0x32d: {  	v50 =	vadd.s32 v9, v51  }
0x32e: {  	v51 =	vperm.xlane v33, v13;
	_ =	sdelay $0x1  }
0x32f: {  	v49 =	vmax.f32 v49, v51  }
0x330: {  	[tilespmem:v48+s26+$0x0] =	vst.idx.msk vm12, v49  }
0x331: {  	v48 =	vld.idx.msk [tilespmem:v50+s28+$0x0], vm10  }
0x332: {  	vm11 =	vgt.s32 v52, v5  }
0x333: {  	vm8 =	vmand vm11, vm8  }
0x334: {  	v49 =	vadd.s32 v9, v53  }
0x335: {  	v51 =	vperm.xlane v33, v14;
	_ =	sdelay $0x1  }
0x336: {  	v48 =	vmax.f32 v48, v51  }
0x337: {  	[tilespmem:v50+s28+$0x0] =	vst.idx.msk vm10, v48  }
0x338: {  	v48 =	vld.idx.msk [tilespmem:v49+s26+$0x0], vm8  }
0x339: {  	vm10 =	vgt.s32 v54, v5  }
0x33a: {  	vm9 =	vmand vm10, vm9  }
0x33b: {  	v50 =	vadd.s32 v9, v55  }
0x33c: {  	v51 =	vperm.xlane v33, v15;
	_ =	sdelay $0x1  }
0x33d: {  	v48 =	vmax.f32 v48, v51  }
0x33e: {  	[tilespmem:v49+s26+$0x0] =	vst.idx.msk vm8, v48  }
0x33f: {  	v48 =	vld.idx.msk [tilespmem:v50+s28+$0x0], vm9  }
0x340: {  	vm8 =	vgt.s32 v56, v5  }
0x341: {  	vm7 =	vmand vm8, vm7  }
0x342: {  	v49 =	vadd.s32 v9, v57  }
0x343: {  	v51 =	vperm.xlane v33, v16;
	_ =	sdelay $0x1  }
0x344: {  	v48 =	vmax.f32 v48, v51  }
0x345: {  	[tilespmem:v50+s28+$0x0] =	vst.idx.msk vm9, v48  }
0x346: {  	v48 =	vld.idx.msk [tilespmem:v49+s26+$0x0], vm7  }
0x347: {  	vm8 =	vgt.s32 v47, v5  }
0x348: {  	vm5 =	vmand vm8, vm5  }
0x349: {  	v45 =	vadd.s32 v9, v45  }
0x34a: {  	v47 =	vperm.xlane v33, v17;
	_ =	sdelay $0x1  }
0x34b: {  	v47 =	vmax.f32 v48, v47  }
0x34c: {  	[tilespmem:v49+s26+$0x0] =	vst.idx.msk vm7, v47  }
0x34d: {  	v47 =	vld.idx.msk [tilespmem:v45+s28+$0x0], vm5  }
0x34e: {  	vm7 =	vgt.s32 v46, v5  }
0x34f: {  	vm6 =	vmand vm7, vm6  }
0x350: {  	v42 =	vadd.s32 v9, v42  }
0x351: {  	v46 =	vperm.xlane v33, v18;
	_ =	sdelay $0x1  }
0x352: {  	v46 =	vmax.f32 v47, v46  }
0x353: {  	[tilespmem:v45+s28+$0x0] =	vst.idx.msk vm5, v46  }
0x354: {  	v45 =	vld.idx.msk [tilespmem:v42+s26+$0x0], vm6  }
0x355: {  	vm5 =	vgt.s32 v44, v5  }
0x356: {  	vm4 =	vmand vm5, vm4  }
0x357: {  	v43 =	vadd.s32 v9, v43  }
0x358: {  	v44 =	vperm.xlane v33, v19;
	_ =	sdelay $0x1  }
0x359: {  	v44 =	vmax.f32 v45, v44  }
0x35a: {  	[tilespmem:v42+s26+$0x0] =	vst.idx.msk vm6, v44  }
0x35b: {  	v42 =	vld.idx.msk [tilespmem:v43+s28+$0x0], vm4  }
0x35c: {  	vm5 =	vgt.s32 v41, v5  }
0x35d: {  	vm2 =	vmand vm5, vm2  }
0x35e: {  	v40 =	vadd.s32 v9, v40  }
0x35f: {  	v41 =	vperm.xlane v33, v20;
	_ =	sdelay $0x1  }
0x360: {  	v41 =	vmax.f32 v42, v41  }
0x361: {  	[tilespmem:v43+s28+$0x0] =	vst.idx.msk vm4, v41  }
0x362: {  	v37 =	vshra.s32 v37, $0x12;
	v41 =	vld.idx.msk [tilespmem:v40+s26+$0x0], vm2  }
0x363: {  	vm4 =	vgt.s32 v37, v5  }
0x364: {  	vm3 =	vmand vm4, vm3  }
0x365: {  	v37 =	vadd.s32 v9, v38  }
0x366: {  	v38 =	vperm.xlane v33, v21;
	_ =	sdelay $0x1  }
0x367: {  	v38 =	vmax.f32 v41, v38  }
0x368: {  	[tilespmem:v40+s26+$0x0] =	vst.idx.msk vm2, v38  }
0x369: {  	v38 =	vld.idx.msk [tilespmem:v37+s28+$0x0], vm3  }
0x36a: {  	vm2 =	vgt.s32 v39, v5  }
0x36b: {  	v35 =	vand.u32 $0xFFFF, v35;
	vm1 =	vmand vm2, vm1  }
0x36c: {  	v35 =	vadd.s32 v9, v35  }
0x36d: {  	v39 =	vperm.xlane v33, v22;
	_ =	sdelay $0x1  }
0x36e: {  	v38 =	vmax.f32 v38, v39  }
0x36f: {  	[tilespmem:v37+s28+$0x0] =	vst.idx.msk vm3, v38  }
0x370: {  	v34 =	vshra.s32 v34, $0x12;
	v37 =	vld.idx.msk [tilespmem:v35+s26+$0x0], vm1  }
0x371: {  	vm2 =	vgt.s32 v34, v5  }
0x372: {  	vm0 =	vmand vm2, vm0  }
0x373: {  	v34 =	vadd.s32 v9, v36  }
0x374: {  	v36 =	vperm.xlane v33, v23;
	_ =	sdelay $0x1  }
0x375: {  	v36 =	vmax.f32 v37, v36  }
0x376: {  	[tilespmem:v35+s26+$0x0] =	vst.idx.msk vm1, v36  }
0x377: {  	v35 =	vld.idx.msk [tilespmem:v34+s28+$0x0], vm0;
	_ =	sdelay $0x1  }
.Ltmp14:
0x378: {  	(pc) =	sbr.rel @p0 .LBB2_21-.Ltmp14, $3  }
0x379: {  	_ = 	snop  }
0x37a: {  	v33 =	vperm.xlane v33, v24;
	_ =	sdelay $0x1  }
0x37b: {  	v33 =	vmax.f32 v35, v33  }
.Ltmp15:
0x37c: {  	_ = 	snop;
	(pc) =	sbr.rel .LBB2_22-.Ltmp15, $1  }
0x37d: {  	_ =	sdelay $0x3  }
.LBB2_24:
0x37e: {  	s0 =	simm.s32 $0x0  }
0x37f: {  	v30 =	vld [tilespmem:s0+$0x10700]  }
0x380: {  	v31 =	vld [tilespmem:s0+$0x10710]  }
0x381: {  	v25 =	vld [tilespmem:s0+$0x10720]  }
0x382: {  	v26 =	vld [tilespmem:s0+$0x10730]  }
0x383: {  	v29 =	vld [tilespmem:s0+$0x4100]  }
0x384: {  	v27 =	vld [tilespmem:s0+$0x4110]  }
0x385: {  	s1 =	simm.s32 $0x100;
	v28 =	vld [tilespmem:s0+$0x4120]  }
.LBB2_25:
0x386: {  	s2 =	sshra.s32 s1, $0x2;
	p0 =	sne.s32 s1, $0x30F00;
	v32 =	vld [tilespmem:s0+$0x4130];
	v33 =	vmov v25  }
0x387: {  	v34 =	vld [tilespmem:s2+$0x10700];
	v35 =	vmov v26  }
0x388: {  	v36 =	vld [tilespmem:s2+$0x10710];
	v26 =	vmax.f32 v29, v30  }
.Ltmp16:
0x389: {  	v25 =	vld [tilespmem:s2+$0x10720];
	[tilespmem:s0+$0x4100] =	vst v26;
	v27 =	vmax.f32 v27, v31;
	(pc) =	sbr.rel @p0 .LBB2_25-.Ltmp16, $4  }
0x38a: {  	v26 =	vld [tilespmem:s2+$0x10730];
	[tilespmem:s0+$0x4110] =	vst v27;
	v27 =	vmax.f32 v28, v33  }
0x38b: {  	v29 =	vld [tilespmem:s2+$0x4100];
	[tilespmem:s0+$0x4120] =	vst v27;
	v28 =	vmax.f32 v32, v35  }
0x38c: {  	v27 =	vld [tilespmem:s2+$0x4110];
	[tilespmem:s0+$0x4130] =	vst v28;
	v30 =	vmov v34;
	s0 =	smov.u32 s2  }
0x38d: {  	s1 =	sadd.s32 $0x100, s1;
	v28 =	vld [tilespmem:s0+$0x4120];
	v31 =	vmov v36  }
0x38e: {  	v32 =	vld [tilespmem:s0+$0x4130];
	_ =	sdelay $0x1  }
0x38f: {  	v29 =	vmax.f32 v29, v30  }
0x390: {  	[tilespmem:s0+$0x4100] =	vst v29;
	v27 =	vmax.f32 v27, v31  }
0x391: {  	s29 =	sadd.s32 $0x1, s29;
	[tilespmem:s0+$0x4110] =	vst v27;
	v25 =	vmax.f32 v28, v25  }
0x392: {  	p0 =	sne.s32 s29, s15;
	[tilespmem:s0+$0x4120] =	vst v25;
	v25 =	vmax.f32 v32, v26  }
.Ltmp17:
0x393: {  	s31 =	simm.s32 $0x0;
	[tilespmem:s0+$0x4130] =	vst v25;
	(pc) =	sbr.rel @p0 .LBB2_2-.Ltmp17, $4  }
0x394: {  	[hbm4b:s13+s31] =	stream.linear.scatter [tilespmem:s26], [sflag:$0x3], $0xC400, $0x38;
	[tilespmem:$0x1CE00] =	vst v63  }
0x395: {  	_ =	swait.ge [sflag:s17], $0xC400  }
0x396: {  	[sflag:s17] =	ssyncset.done $0x0  }
0x397: {  	[sflag:s17] =	ssyncadd.s32 $0xFFFF3C00  }
.LBB2_27:
0x398: {  	_ =	sfence.sel $0x180000  }
0x399: {  	[bflag:$0x0] =	sbarrier.arrive $0xFFFF  }
0x39a: {  	_ =	strace $0x90000047  }
0x39b: {  	s0 =	stileid.u32;
	[bflag:$0x2] =	sbarrier.arrive $0xFFFF  }
0x39c: {  	p0 =	sne.s32 s0, $0x0;
	s0 =	rddreg [dreg:$0x2]  }
0x39d: {  	s0 =	sadd.s32 @!p0 $0x100000, s0  }
0x39e: {  	[sflag:s0] =	ssyncadd.tile.s32 @!p0 $0x1;
	_ =	shalt  }
.Lfunc_end2:
_tile_overlayer_lowered:
.L_overlay_start_2:
0x39f: {  	(tag) =	ssettag $0x2  }
0x3a0: {  	s0 =	rddreg [dreg:$0x0];
	s2 =	stileid.u32  }
0x3a1: {  	s1 =	rddreg [dreg:$0x1];
	p0 =	sne.s32 s2, $0x0  }
0x3a2: {  	s3 =	rddreg [dreg:$0x2];
	[bflag:$0x3] =	sbarrier.arrive $0xFFFF;
	s2 =	simm.s32 @!p0 $0x1C03  }
0x3a3: {  	[timem:s3], [sflag:s2] =	dma.local @!p0 [hbm:s0], s1  }
0x3a4: {  	s0 =	simm.s32 @!p0 $0x3  }
0x3a5: {  	_ =	swait.ge @!p0 [sflag:s0], s1  }
0x3a6: {  	s1 =	ssub.s32 @!p0 $0x0, s1;
	[sflag:s0] =	ssyncset.done @!p0 $0x0  }
0x3a7: {  	[sflag:s0] =	ssyncadd.s32 @!p0 s1  }
0x3a8: {  	[bflag:$0x3] =	sbarrier.arrive $0xFFFF  }
0x3a9: {  	_ =	shalt  }

</sc_bundles>
